<compile_context>
chip_gen: v7x
topology: tpu7x:2x2x1
jax: 0.10.2.dev20260603
libtpu: 0.0.44.dev20260713+nightly
codegen_flags: <defaults>
</compile_context>

<pallas_src>
import functools

import jax
import jax.numpy as jnp
from jax import lax
from jax.experimental import pallas as pl
from jax.experimental.pallas import tpu as pltpu
from jax.experimental.pallas import tpu_sc as plsc

N = 10000
E = 160000
F = 256
HF = 128
BLK = 1000
CH = 128
NCH = E // CH
NSUB = 16
RPS = 624
TAIL = N - RPS * NSUB

_f32 = jnp.float32
_mesh = plsc.VectorSubcoreMesh(core_axis_name="c", subcore_axis_name="s")



DSLAB = E // (2 * NSUB)
DNCH = DSLAB // CH
DREM = DSLAB - DNCH * CH


@functools.partial(
    pl.kernel,
    out_type=(jax.ShapeDtypeStruct((N, 16), _f32),
              jax.ShapeDtypeStruct((N, 16), _f32)),
    mesh=_mesh,
    scratch_types=[
        pltpu.VMEM((2, CH), jnp.int32),
        pltpu.VMEM((1, DREM), jnp.int32),
        pltpu.VMEM((CH, 16), _f32),
        pltpu.VMEM_SHARED((N, 16), _f32),
        pltpu.SemaphoreType.DMA,
        pltpu.SemaphoreType.DMA,
        pltpu.SemaphoreType.DMA,
        pltpu.SemaphoreType.DMA,
    ],
)
def _sc_degree(dst_hbm, ones_hbm, degA_hbm, degB_hbm, dstbuf, dstbuf8,
               onesbuf, acc, semd0, semd1, sems0, sems1):
    c = lax.axis_index("c")
    s = lax.axis_index("s")
    semd = (semd0, semd1)
    sems = (sems0, sems1)

    def rowcopy(from_ref, to_ref):
        sl = pl.ds(s * RPS, RPS)
        pltpu.sync_copy(from_ref.at[sl], to_ref.at[sl])

        @pl.when(s == NSUB - 1)
        def _():
            tl = pl.ds(RPS * NSUB, TAIL)
            pltpu.sync_copy(from_ref.at[tl], to_ref.at[tl])

    rowcopy(ones_hbm, acc)
    pltpu.sync_copy(ones_hbm.at[pl.ds(0, CH)], onesbuf)
    base = (c * NSUB + s) * DSLAB

    def dst_dma(j, b):
        return pltpu.make_async_copy(
            dst_hbm.at[pl.ds(base + j * CH, CH)], dstbuf.at[b], semd[b])

    def sct_dma(b):
        return pltpu.make_async_copy(onesbuf, acc.at[dstbuf.at[b]], sems[b])

    dst_dma(0, 0).start()
    plsc.subcore_barrier()

    def pair(k, carry):
        for b in (0, 1):
            j = 2 * k + b
            dst_dma(j, b).wait()
            sct_dma(b).start(add=True)

            @pl.when(j >= 1)
            def _():
                sct_dma(1 - b).wait()

            @pl.when(j + 1 < DNCH)
            def _():
                dst_dma(j + 1, 1 - b).start()

        return carry

    lax.fori_loop(0, DNCH // 2, pair, 0)
    dst_dma(DNCH - 1, 0).wait()
    sct_dma(0).start(add=True)
    sct_dma(1).wait()
    sct_dma(0).wait()
    pltpu.sync_copy(dst_hbm.at[pl.ds(base + DNCH * CH, DREM)], dstbuf8.at[0])
    pltpu.sync_copy(onesbuf.at[pl.ds(0, DREM)], acc.at[dstbuf8.at[0]],
                    add=True)
    plsc.subcore_barrier()

    @pl.when(c == 0)
    def _():
        rowcopy(acc, degA_hbm)

    @pl.when(c == 1)
    def _():
        rowcopy(acc, degB_hbm)


EPS = E // NSUB
NCHS = EPS // CH
REM = EPS - NCHS * CH


@functools.partial(
    pl.kernel,
    out_type=(jax.ShapeDtypeStruct((N, HF), _f32),
              jax.ShapeDtypeStruct((N, HF), _f32)),
    mesh=_mesh,
    scratch_types=[
        pltpu.VMEM((EPS,), jnp.int32),
        pltpu.VMEM((2, CH), jnp.int32),
        pltpu.VMEM((1, REM), jnp.int32),
        pltpu.VMEM((2, CH, HF), _f32),
        pltpu.VMEM((REM, HF), _f32),
        pltpu.VMEM_SHARED((N, HF), _f32),
        pltpu.SemaphoreType.DMA,
        pltpu.SemaphoreType.DMA,
        pltpu.SemaphoreType.DMA,
        pltpu.SemaphoreType.DMA,
        pltpu.SemaphoreType.DMA,
        pltpu.SemaphoreType.DMA,
    ],
)
def _sc_agg(src_hbm, dst_hbm, hL_hbm, hR_hbm, aggL_hbm, aggR_hbm,
            srcslab, dstbuf, dstbuf16, rowbuf, rowbuf16, acc,
            semd0, semd1, semg0, semg1, sems0, sems1):
    c = lax.axis_index("c")
    s = lax.axis_index("s")
    semd = (semd0, semd1)
    semg = (semg0, semg1)
    sems = (sems0, sems1)

    def rowcopy(from_ref, to_ref):
        sl = pl.ds(s * RPS, RPS)
        pltpu.sync_copy(from_ref.at[sl], to_ref.at[sl])

        @pl.when(s == NSUB - 1)
        def _():
            tl = pl.ds(RPS * NSUB, TAIL)
            pltpu.sync_copy(from_ref.at[tl], to_ref.at[tl])

    def run(h_hbm, out_hbm):
        pltpu.sync_copy(src_hbm.at[pl.ds(s * EPS, EPS)], srcslab)
        rowcopy(h_hbm, acc)

        def dst_dma(j, b):
            return pltpu.make_async_copy(
                dst_hbm.at[pl.ds(s * EPS + j * CH, CH)], dstbuf.at[b], semd[b])

        def gat_dma(j, b):
            return pltpu.make_async_copy(
                h_hbm.at[srcslab.at[pl.ds(j * CH, CH)]], rowbuf.at[b], semg[b])

        def sct_dma(b):
            return pltpu.make_async_copy(rowbuf.at[b], acc.at[dstbuf.at[b]],
                                         sems[b])

        gat_dma(0, 0).start()
        dst_dma(0, 0).start()
        plsc.subcore_barrier()

        def pair(k, carry):
            for b in (0, 1):
                j = 2 * k + b
                gat_dma(j, b).wait()
                dst_dma(j, b).wait()
                sct_dma(b).start(add=True)

                @pl.when(j >= 1)
                def _():
                    sct_dma(1 - b).wait()

                @pl.when(j + 1 < NCHS)
                def _():
                    gat_dma(j + 1, 1 - b).start()
                    dst_dma(j + 1, 1 - b).start()

            return carry

        lax.fori_loop(0, NCHS // 2, pair, 0)
        sct_dma((NCHS - 1) % 2).wait()
        pltpu.sync_copy(dst_hbm.at[pl.ds(s * EPS + NCHS * CH, REM)],
                        dstbuf16.at[0])
        pltpu.async_copy(h_hbm.at[srcslab.at[pl.ds(NCHS * CH, REM)]],
                         rowbuf16, semg0).wait()
        pltpu.sync_copy(rowbuf16, acc.at[dstbuf16.at[0]], add=True)
        plsc.subcore_barrier()
        rowcopy(acc, out_hbm)

    @pl.when(c == 0)
    def _():
        run(hL_hbm, aggL_hbm)

    @pl.when(c == 1)
    def _():
        run(hR_hbm, aggR_hbm)



def _dot(a, b):
    return jnp.dot(a, b, preferred_element_type=_f32,
                   precision=lax.Precision.HIGHEST)


def _tcm_body(x_ref, w_ref, u_ref):
    u_ref[...] = _dot(x_ref[...], w_ref[...])


def _tcm(x, W1):
    return pl.pallas_call(
        _tcm_body,
        grid=(N // BLK,),
        in_specs=[
            pl.BlockSpec((BLK, F), lambda i: (i, 0)),
            pl.BlockSpec((F, F), lambda i: (0, 0)),
        ],
        out_specs=pl.BlockSpec((BLK, F), lambda i: (i, 0)),
        out_shape=jax.ShapeDtypeStruct((N, F), _f32),
    )(x, W1)


def _tc1_body(u_ref, dA_ref, dB_ref, hL_ref, hR_ref, dinv_ref):
    deg = dA_ref[:, 0:1] + dB_ref[:, 0:1] - 1.0
    dinv = lax.rsqrt(deg)
    h = u_ref[...] * dinv
    hL_ref[...] = h[:, :HF]
    hR_ref[...] = h[:, HF:]
    dinv_ref[...] = dinv


def _tc1(u, degA, degB):
    return pl.pallas_call(
        _tc1_body,
        grid=(N // BLK,),
        in_specs=[
            pl.BlockSpec((BLK, F), lambda i: (i, 0)),
            pl.BlockSpec((BLK, 16), lambda i: (i, 0)),
            pl.BlockSpec((BLK, 16), lambda i: (i, 0)),
        ],
        out_specs=[
            pl.BlockSpec((BLK, HF), lambda i: (i, 0)),
            pl.BlockSpec((BLK, HF), lambda i: (i, 0)),
            pl.BlockSpec((BLK, 1), lambda i: (i, 0)),
        ],
        out_shape=[
            jax.ShapeDtypeStruct((N, HF), _f32),
            jax.ShapeDtypeStruct((N, HF), _f32),
            jax.ShapeDtypeStruct((N, 1), _f32),
        ],
    )(u, degA, degB)


def _tcl_body(aL_ref, aR_ref, dinv_ref, b_ref, w_ref, hL_ref, hR_ref):
    dinv = dinv_ref[...]
    agg = jnp.concatenate([aL_ref[...], aR_ref[...]], axis=1)
    t = jnp.maximum(agg * dinv + b_ref[...], 0.0)
    h = _dot(t, w_ref[...]) * dinv
    hL_ref[...] = h[:, :HF]
    hR_ref[...] = h[:, HF:]


def _tcl(aL, aR, dinv, b, W):
    return pl.pallas_call(
        _tcl_body,
        grid=(N // BLK,),
        in_specs=[
            pl.BlockSpec((BLK, HF), lambda i: (i, 0)),
            pl.BlockSpec((BLK, HF), lambda i: (i, 0)),
            pl.BlockSpec((BLK, 1), lambda i: (i, 0)),
            pl.BlockSpec((1, F), lambda i: (0, 0)),
            pl.BlockSpec((F, F), lambda i: (0, 0)),
        ],
        out_specs=[
            pl.BlockSpec((BLK, HF), lambda i: (i, 0)),
            pl.BlockSpec((BLK, HF), lambda i: (i, 0)),
        ],
        out_shape=[
            jax.ShapeDtypeStruct((N, HF), _f32),
            jax.ShapeDtypeStruct((N, HF), _f32),
        ],
    )(aL, aR, dinv, b, W)


def _tcf_body(aL_ref, aR_ref, dinv_ref, b_ref, wl_ref, bl_ref, y_ref):
    dinv = dinv_ref[...]
    agg = jnp.concatenate([aL_ref[...], aR_ref[...]], axis=1)
    t = jnp.maximum(agg * dinv + b_ref[...], 0.0)
    y = _dot(t, wl_ref[...]) + bl_ref[...]
    y_ref[...] = jax.nn.sigmoid(y)


def _tcf(aL, aR, dinv, b3, Wl, bl):
    return pl.pallas_call(
        _tcf_body,
        grid=(N // BLK,),
        in_specs=[
            pl.BlockSpec((BLK, HF), lambda i: (i, 0)),
            pl.BlockSpec((BLK, HF), lambda i: (i, 0)),
            pl.BlockSpec((BLK, 1), lambda i: (i, 0)),
            pl.BlockSpec((1, F), lambda i: (0, 0)),
            pl.BlockSpec((F, 1), lambda i: (0, 0)),
            pl.BlockSpec((1, 1), lambda i: (0, 0)),
        ],
        out_specs=[pl.BlockSpec((BLK, 1), lambda i: (i, 0))],
        out_shape=[jax.ShapeDtypeStruct((N, 1), _f32)],
    )(aL, aR, dinv, b3, Wl, bl)


def kernel(x, edge_index, W1, b1, W2, b2, W3, b3, Wl, bl):
    ones16 = jnp.ones((N, 16), _f32)
    src, dst = edge_index[0], edge_index[1]
    u = _tcm(x, W1)
    degA, degB = _sc_degree(dst, ones16)
    hL, hR, dinv = _tc1(u, degA, degB)
    aL, aR = _sc_agg(src, dst, hL, hR)
    hL, hR = _tcl(aL, aR, dinv, b1.reshape(1, F), W2)
    aL, aR = _sc_agg(src, dst, hL, hR)
    hL, hR = _tcl(aL, aR, dinv, b2.reshape(1, F), W3)
    aL, aR = _sc_agg(src, dst, hL, hR)
    (y,) = _tcf(aL, aR, dinv, b3.reshape(1, F), Wl, bl.reshape(1, 1))
    return y.reshape(-1)

# --- scband reference (transcript-rebuilt; emitter-appended) ---
"""Pipeline reference for scband-gcnprivacy-predictor-25366076850494 (READ-ONLY COPY).

The authoritative reference and input builder live on the scoring server;
editing this copy changes nothing except your own understanding.
"""

import jax, jax.numpy as jnp
import numpy as np

N = 10000
E = 160000
F_IN = 256
H = 256


def gcn_conv(x, src, dst, W, b, num_nodes):
    # x: [N, F_in], src/dst: [E'] (self-loops already appended)
    h = x @ W
    deg = jnp.zeros((num_nodes,), dtype=h.dtype).at[dst].add(1.0)
    dinv = jnp.where(deg > 0, jax.lax.rsqrt(jnp.maximum(deg, 1e-12)), 0.0)
    norm = dinv[src] * dinv[dst]
    msgs = h[src] * norm[:, None]
    out = jnp.zeros((num_nodes, h.shape[1]), dtype=h.dtype).at[dst].add(msgs)
    return out + b


def setup_inputs(seed: int = 0) -> dict:
    key = jax.random.key(seed)
    ks = jax.random.split(key, 10)
    x = jax.random.normal(ks[0], (N, F_IN), dtype=jnp.float32)
    edge_index = jax.random.randint(ks[1], (2, E), 0, N, dtype=jnp.int32)
    def glorot(k, shape):
        fan_in, fan_out = shape[0], shape[1]
        s = float(np.sqrt(6.0 / (fan_in + fan_out)))
        return jax.random.uniform(k, shape, dtype=jnp.float32, minval=-s, maxval=s)
    W1 = glorot(ks[2], (F_IN, H)); b1 = jnp.zeros((H,), dtype=jnp.float32)
    W2 = glorot(ks[3], (H, H));    b2 = jnp.zeros((H,), dtype=jnp.float32)
    W3 = glorot(ks[4], (H, H));    b3 = jnp.zeros((H,), dtype=jnp.float32)
    Wl = glorot(ks[5], (H, 1));    bl = jnp.zeros((1,), dtype=jnp.float32)
    return {"x": x, "edge_index": edge_index, "W1": W1, "b1": b1,
            "W2": W2, "b2": b2, "W3": W3, "b3": b3, "Wl": Wl, "bl": bl}


def reference(x, edge_index, W1, b1, W2, b2, W3, b3, Wl, bl):
    # eval mode: dropout is identity
    loop = jnp.arange(N, dtype=edge_index.dtype)
    src = jnp.concatenate([edge_index[0], loop])
    dst = jnp.concatenate([edge_index[1], loop])
    h = jax.nn.relu(gcn_conv(x, src, dst, W1, b1, N))
    h = jax.nn.relu(gcn_conv(h, src, dst, W2, b2, N))
    h = jax.nn.relu(gcn_conv(h, src, dst, W3, b3, N))
    out = h @ Wl + bl
    return jax.nn.sigmoid(out).reshape(-1)

if __name__ == "__main__":
    import jax
    _d = setup_inputs()
    print(jax.jit(kernel)(*tuple(_d.values())))

</pallas_src>

<mosaic_0001>
#map = affine_map<(d0, d1) -> (0)>
#map1 = affine_map<(d0, d1) -> (0, 0)>
module attributes {stable_mosaic.version = 14 : i64} {
  func.func @_sc_degree(%arg0: i32, %arg1: i32, %arg2: memref<160000xi32, #tpu.memory_space<hbm>>, %arg3: memref<10000x16xf32, #tpu.memory_space<hbm>>, %arg4: memref<10000x16xf32, #tpu.memory_space<hbm>>, %arg5: memref<10000x16xf32, #tpu.memory_space<hbm>>, %arg6: memref<2x128xi32, #tpu.memory_space<vmem>>, %arg7: memref<1x8xi32, #tpu.memory_space<vmem>>, %arg8: memref<128x16xf32, #tpu.memory_space<vmem>>, %arg9: memref<10000x16xf32, #tpu.memory_space<vmem_shared>>, %arg10: memref<!tpu.dma_semaphore, #tpu.memory_space<semaphore_mem>>, %arg11: memref<!tpu.dma_semaphore, #tpu.memory_space<semaphore_mem>>, %arg12: memref<!tpu.dma_semaphore, #tpu.memory_space<semaphore_mem>>, %arg13: memref<!tpu.dma_semaphore, #tpu.memory_space<semaphore_mem>>) attributes {dimension_semantics = [#tpu.dimension_semantics<core_parallel>, #tpu.dimension_semantics<subcore_parallel>], iteration_bounds = array<i64: 2, 16>, scalar_prefetch = 0 : i64, scratch_operands = 8 : i64, tpu.core_type = #tpu.core_type<sc_vector_subcore>, window_params = [{transform_indices = #map}, {transform_indices = #map1}, {transform_indices = #map1}, {transform_indices = #map1}]} {
    %mul3A = arith.constant 624 : i32
    %mul3A_0 = arith.muli %arg1, %mul3A : i32
    "tpu.region"() ({
      %run_scoped3A_67 = tpu.sem_alloc : memref<!tpu.dma_semaphore, #tpu.memory_space<semaphore_mem>>
      %dma_start3A_68 = arith.constant 0 : i32
      %dma_start3A_69 = tpu.memref_slice %arg9[%mul3A_0, %dma_start3A_68] : memref<10000x16xf32, #tpu.memory_space<vmem_shared>> -> memref<624x16xf32, #tpu.memory_space<vmem_shared>>
      %dma_start3A_70 = arith.constant 0 : i32
      %dma_start3A_71 = tpu.memref_slice %arg3[%mul3A_0, %dma_start3A_70] : memref<10000x16xf32, #tpu.memory_space<hbm>> -> memref<624x16xf32, #tpu.memory_space<hbm>>
      tpu.enqueue_dma source(%dma_start3A_71 : memref<624x16xf32, #tpu.memory_space<hbm>>) target(%dma_start3A_69 : memref<624x16xf32, #tpu.memory_space<vmem_shared>>) target_semaphore(%run_scoped3A_67 : memref<!tpu.dma_semaphore, #tpu.memory_space<semaphore_mem>>)
      %dma_wait3A_72 = arith.constant 0 : i32
      %dma_wait3A_73 = tpu.memref_slice %arg9[%mul3A_0, %dma_wait3A_72] : memref<10000x16xf32, #tpu.memory_space<vmem_shared>> -> memref<624x16xf32, #tpu.memory_space<vmem_shared>>
      %dma_wait3A_74 = arith.constant 0 : i32
      %dma_wait3A_75 = tpu.memref_slice %arg3[%mul3A_0, %dma_wait3A_74] : memref<10000x16xf32, #tpu.memory_space<hbm>> -> memref<624x16xf32, #tpu.memory_space<hbm>>
      tpu.wait_dma2 semaphore(%run_scoped3A_67 : memref<!tpu.dma_semaphore, #tpu.memory_space<semaphore_mem>>) src(%dma_wait3A_75 : memref<624x16xf32, #tpu.memory_space<hbm>>) dst(%dma_wait3A_73 : memref<624x16xf32, #tpu.memory_space<vmem_shared>>)
      tpu.yield
    }) : () -> ()
    %eq3A = arith.constant 15 : i32
    %eq3A_1 = arith.cmpi eq, %arg1, %eq3A : i32
    %convert_element_type3A = arith.extui %eq3A_1 : i1 to i32
    %cond3A = arith.constant 0 : i32
    %cond3A_2 = arith.cmpi ne, %convert_element_type3A, %cond3A : i32
    scf.if %cond3A_2 {
      "tpu.region"() ({
        %run_scoped3A_67 = tpu.sem_alloc : memref<!tpu.dma_semaphore, #tpu.memory_space<semaphore_mem>>
        %dma_start3A_68 = arith.constant 9984 : i32
        %dma_start3A_69 = arith.constant 0 : i32
        %dma_start3A_70 = tpu.memref_slice %arg9[%dma_start3A_68, %dma_start3A_69] : memref<10000x16xf32, #tpu.memory_space<vmem_shared>> -> memref<16x16xf32, #tpu.memory_space<vmem_shared>>
        %dma_start3A_71 = arith.constant 9984 : i32
        %dma_start3A_72 = arith.constant 0 : i32
        %dma_start3A_73 = tpu.memref_slice %arg3[%dma_start3A_71, %dma_start3A_72] : memref<10000x16xf32, #tpu.memory_space<hbm>> -> memref<16x16xf32, #tpu.memory_space<hbm>>
        tpu.enqueue_dma source(%dma_start3A_73 : memref<16x16xf32, #tpu.memory_space<hbm>>) target(%dma_start3A_70 : memref<16x16xf32, #tpu.memory_space<vmem_shared>>) target_semaphore(%run_scoped3A_67 : memref<!tpu.dma_semaphore, #tpu.memory_space<semaphore_mem>>)
        %dma_wait3A_74 = arith.constant 9984 : i32
        %dma_wait3A_75 = arith.constant 0 : i32
        %dma_wait3A_76 = tpu.memref_slice %arg9[%dma_wait3A_74, %dma_wait3A_75] : memref<10000x16xf32, #tpu.memory_space<vmem_shared>> -> memref<16x16xf32, #tpu.memory_space<vmem_shared>>
        %dma_wait3A_77 = arith.constant 9984 : i32
        %dma_wait3A_78 = arith.constant 0 : i32
        %dma_wait3A_79 = tpu.memref_slice %arg3[%dma_wait3A_77, %dma_wait3A_78] : memref<10000x16xf32, #tpu.memory_space<hbm>> -> memref<16x16xf32, #tpu.memory_space<hbm>>
        tpu.wait_dma2 semaphore(%run_scoped3A_67 : memref<!tpu.dma_semaphore, #tpu.memory_space<semaphore_mem>>) src(%dma_wait3A_79 : memref<16x16xf32, #tpu.memory_space<hbm>>) dst(%dma_wait3A_76 : memref<16x16xf32, #tpu.memory_space<vmem_shared>>)
        tpu.yield
      }) : () -> ()
    } else {
    }
    "tpu.region"() ({
      %run_scoped3A_67 = tpu.sem_alloc : memref<!tpu.dma_semaphore, #tpu.memory_space<semaphore_mem>>
      %dma_start3A_68 = arith.constant 0 : i32
      %dma_start3A_69 = arith.constant 0 : i32
      %dma_start3A_70 = tpu.memref_slice %arg3[%dma_start3A_68, %dma_start3A_69] : memref<10000x16xf32, #tpu.memory_space<hbm>> -> memref<128x16xf32, #tpu.memory_space<hbm>>
      %dma_start3A_71 = arith.constant 0 : i32
      %dma_start3A_72 = arith.constant 0 : i32
      %dma_start3A_73 = tpu.memref_slice %arg3[%dma_start3A_71, %dma_start3A_72] : memref<10000x16xf32, #tpu.memory_space<hbm>> -> memref<128x16xf32, #tpu.memory_space<hbm>>
      tpu.enqueue_dma source(%dma_start3A_73 : memref<128x16xf32, #tpu.memory_space<hbm>>) target(%arg8 : memref<128x16xf32, #tpu.memory_space<vmem>>) target_semaphore(%run_scoped3A_67 : memref<!tpu.dma_semaphore, #tpu.memory_space<semaphore_mem>>)
      %dma_wait3A_74 = arith.constant 0 : i32
      %dma_wait3A_75 = arith.constant 0 : i32
      %dma_wait3A_76 = tpu.memref_slice %arg3[%dma_wait3A_74, %dma_wait3A_75] : memref<10000x16xf32, #tpu.memory_space<hbm>> -> memref<128x16xf32, #tpu.memory_space<hbm>>
      %dma_wait3A_77 = arith.constant 0 : i32
      %dma_wait3A_78 = arith.constant 0 : i32
      %dma_wait3A_79 = tpu.memref_slice %arg3[%dma_wait3A_77, %dma_wait3A_78] : memref<10000x16xf32, #tpu.memory_space<hbm>> -> memref<128x16xf32, #tpu.memory_space<hbm>>
      tpu.wait_dma2 semaphore(%run_scoped3A_67 : memref<!tpu.dma_semaphore, #tpu.memory_space<semaphore_mem>>) src(%dma_wait3A_79 : memref<128x16xf32, #tpu.memory_space<hbm>>) dst(%arg8 : memref<128x16xf32, #tpu.memory_space<vmem>>)
      tpu.yield
    }) : () -> ()
    %mul3A_3 = arith.constant 16 : i32
    %mul3A_4 = arith.muli %arg0, %mul3A_3 : i32
    %add3A = arith.addi %mul3A_4, %arg1 : i32
    %mul3A_5 = arith.constant 5000 : i32
    %mul3A_6 = arith.muli %add3A, %mul3A_5 : i32
    %add3A_7 = arith.constant 0 : i32
    %add3A_8 = arith.addi %mul3A_6, %add3A_7 : i32
    %dma_start3A = arith.constant 0 : i32
    %dma_start3A_9 = arith.constant 0 : i32
    %dma_start3A_10 = tpu.memref_slice %arg6[%dma_start3A, %dma_start3A_9] : memref<2x128xi32, #tpu.memory_space<vmem>> -> memref<1x128xi32, #tpu.memory_space<vmem>>
    %dma_start3A_11 = tpu.memref_squeeze %dma_start3A_10 : memref<1x128xi32, #tpu.memory_space<vmem>> -> memref<128xi32, #tpu.memory_space<vmem>>
    %dma_start3A_12 = tpu.memref_slice %arg2[%add3A_8] : memref<160000xi32, #tpu.memory_space<hbm>> -> memref<128xi32, #tpu.memory_space<hbm>>
    %dma_start3A_13 = arith.constant 0 : i32
    %dma_start3A_14 = tpu.memref_slice %arg6[%dma_start3A, %dma_start3A_13] : memref<2x128xi32, #tpu.memory_space<vmem>> -> memref<1x128xi32, #tpu.memory_space<vmem>>
    %dma_start3A_15 = tpu.memref_squeeze %dma_start3A_14 : memref<1x128xi32, #tpu.memory_space<vmem>> -> memref<128xi32, #tpu.memory_space<vmem>>
    %dma_start3A_16 = tpu.memref_slice %arg2[%add3A_8] : memref<160000xi32, #tpu.memory_space<hbm>> -> memref<128xi32, #tpu.memory_space<hbm>>
    tpu.enqueue_dma source(%dma_start3A_16 : memref<128xi32, #tpu.memory_space<hbm>>) target(%dma_start3A_15 : memref<128xi32, #tpu.memory_space<vmem>>) target_semaphore(%arg10 : memref<!tpu.dma_semaphore, #tpu.memory_space<semaphore_mem>>)
    %barrier3A = arith.constant 0 : index
    tpu.barrier barrier_id(%barrier3A)
    %scan3A = arith.constant 0 : i32
    %scan3A_17 = arith.constant 0 : i32
    %scan3A_18 = arith.constant 19 : i32
    %scan3A_19 = arith.addi %scan3A_17, %scan3A_18 : i32
    %scan3A_20 = arith.constant 1 : i32
    scf.for %scan3A_67 = %scan3A_17 to %scan3A_19 step %scan3A_20  : i32 {
      %mul3A_68 = arith.constant 2 : i32
      %mul3A_69 = arith.muli %mul3A_68, %scan3A_67 : i32
      %add3A_70 = arith.constant 0 : i32
      %add3A_71 = arith.addi %mul3A_69, %add3A_70 : i32
      %mul3A_72 = arith.constant 128 : i32
      %mul3A_73 = arith.muli %add3A_71, %mul3A_72 : i32
      %add3A_74 = arith.addi %mul3A_6, %mul3A_73 : i32
      %dma_wait3A_75 = arith.constant 0 : i32
      %dma_wait3A_76 = arith.constant 0 : i32
      %dma_wait3A_77 = tpu.memref_slice %arg6[%dma_wait3A_75, %dma_wait3A_76] : memref<2x128xi32, #tpu.memory_space<vmem>> -> memref<1x128xi32, #tpu.memory_space<vmem>>
      %dma_wait3A_78 = tpu.memref_squeeze %dma_wait3A_77 : memref<1x128xi32, #tpu.memory_space<vmem>> -> memref<128xi32, #tpu.memory_space<vmem>>
      %dma_wait3A_79 = tpu.memref_slice %arg2[%add3A_74] : memref<160000xi32, #tpu.memory_space<hbm>> -> memref<128xi32, #tpu.memory_space<hbm>>
      %dma_wait3A_80 = arith.constant 0 : i32
      %dma_wait3A_81 = tpu.memref_slice %arg6[%dma_wait3A_75, %dma_wait3A_80] : memref<2x128xi32, #tpu.memory_space<vmem>> -> memref<1x128xi32, #tpu.memory_space<vmem>>
      %dma_wait3A_82 = tpu.memref_squeeze %dma_wait3A_81 : memref<1x128xi32, #tpu.memory_space<vmem>> -> memref<128xi32, #tpu.memory_space<vmem>>
      %dma_wait3A_83 = tpu.memref_slice %arg2[%add3A_74] : memref<160000xi32, #tpu.memory_space<hbm>> -> memref<128xi32, #tpu.memory_space<hbm>>
      tpu.wait_dma2 semaphore(%arg10 : memref<!tpu.dma_semaphore, #tpu.memory_space<semaphore_mem>>) src(%dma_wait3A_83 : memref<128xi32, #tpu.memory_space<hbm>>) dst(%dma_wait3A_82 : memref<128xi32, #tpu.memory_space<vmem>>)
      %dma_start3A_84 = arith.constant 0 : i32
      %dma_start3A_85 = arith.constant 0 : i32
      %dma_start3A_86 = tpu.memref_slice %arg6[%dma_start3A_84, %dma_start3A_85] : memref<2x128xi32, #tpu.memory_space<vmem>> -> memref<1x128xi32, #tpu.memory_space<vmem>>
      %dma_start3A_87 = tpu.memref_squeeze %dma_start3A_86 : memref<1x128xi32, #tpu.memory_space<vmem>> -> memref<128xi32, #tpu.memory_space<vmem>>
      %dma_start3A_88 = arith.constant 0 : i32
      %dma_start3A_89 = arith.constant 0 : i32
      %dma_start3A_90 = tpu.memref_slice %arg9[%dma_start3A_88, %dma_start3A_89] : memref<10000x16xf32, #tpu.memory_space<vmem_shared>> -> memref<10000x16xf32, #tpu.memory_space<vmem_shared>>
      tpu.enqueue_indirect_dma source(%arg8 : memref<128x16xf32, #tpu.memory_space<vmem>>) target(%dma_start3A_90 : memref<10000x16xf32, #tpu.memory_space<vmem_shared>>) offsets(%dma_start3A_87 : memref<128xi32, #tpu.memory_space<vmem>>) semaphore(%arg12 : memref<!tpu.dma_semaphore, #tpu.memory_space<semaphore_mem>>) {add = true}
      %ge3A = arith.constant 1 : i32
      %ge3A_91 = arith.cmpi sge, %add3A_71, %ge3A : i32
      %convert_element_type3A_92 = arith.extui %ge3A_91 : i1 to i32
      %cond3A_93 = arith.constant 0 : i32
      %cond3A_94 = arith.cmpi ne, %convert_element_type3A_92, %cond3A_93 : i32
      scf.if %cond3A_94 {
        %dma_wait3A_136 = arith.constant 1 : i32
        %dma_wait3A_137 = arith.constant 0 : i32
        %dma_wait3A_138 = tpu.memref_slice %arg6[%dma_wait3A_136, %dma_wait3A_137] : memref<2x128xi32, #tpu.memory_space<vmem>> -> memref<1x128xi32, #tpu.memory_space<vmem>>
        %dma_wait3A_139 = tpu.memref_squeeze %dma_wait3A_138 : memref<1x128xi32, #tpu.memory_space<vmem>> -> memref<128xi32, #tpu.memory_space<vmem>>
        %dma_wait3A_140 = arith.constant 0 : i32
        %dma_wait3A_141 = arith.constant 0 : i32
        %dma_wait3A_142 = tpu.memref_slice %arg9[%dma_wait3A_140, %dma_wait3A_141] : memref<10000x16xf32, #tpu.memory_space<vmem_shared>> -> memref<10000x16xf32, #tpu.memory_space<vmem_shared>>
        tpu.wait_indirect_dma semaphore(%arg13 : memref<!tpu.dma_semaphore, #tpu.memory_space<semaphore_mem>>) src(%arg8 : memref<128x16xf32, #tpu.memory_space<vmem>>) dst(%dma_wait3A_142 : memref<10000x16xf32, #tpu.memory_space<vmem_shared>>)
      } else {
      }
      %add3A_95 = arith.constant 1 : i32
      %add3A_96 = arith.addi %add3A_71, %add3A_95 : i32
      %lt3A = arith.constant 39 : i32
      %lt3A_97 = arith.cmpi slt, %add3A_96, %lt3A : i32
      %convert_element_type3A_98 = arith.extui %lt3A_97 : i1 to i32
      %cond3A_99 = arith.constant 0 : i32
      %cond3A_100 = arith.cmpi ne, %convert_element_type3A_98, %cond3A_99 : i32
      scf.if %cond3A_100 {
        %add3A_136 = arith.constant 1 : i32
        %add3A_137 = arith.addi %add3A_71, %add3A_136 : i32
        %mul3A_138 = arith.constant 128 : i32
        %mul3A_139 = arith.muli %add3A_137, %mul3A_138 : i32
        %add3A_140 = arith.addi %mul3A_6, %mul3A_139 : i32
        %dma_start3A_141 = arith.constant 1 : i32
        %dma_start3A_142 = arith.constant 0 : i32
        %dma_start3A_143 = tpu.memref_slice %arg6[%dma_start3A_141, %dma_start3A_142] : memref<2x128xi32, #tpu.memory_space<vmem>> -> memref<1x128xi32, #tpu.memory_space<vmem>>
        %dma_start3A_144 = tpu.memref_squeeze %dma_start3A_143 : memref<1x128xi32, #tpu.memory_space<vmem>> -> memref<128xi32, #tpu.memory_space<vmem>>
        %dma_start3A_145 = tpu.memref_slice %arg2[%add3A_140] : memref<160000xi32, #tpu.memory_space<hbm>> -> memref<128xi32, #tpu.memory_space<hbm>>
        %dma_start3A_146 = arith.constant 0 : i32
        %dma_start3A_147 = tpu.memref_slice %arg6[%dma_start3A_141, %dma_start3A_146] : memref<2x128xi32, #tpu.memory_space<vmem>> -> memref<1x128xi32, #tpu.memory_space<vmem>>
        %dma_start3A_148 = tpu.memref_squeeze %dma_start3A_147 : memref<1x128xi32, #tpu.memory_space<vmem>> -> memref<128xi32, #tpu.memory_space<vmem>>
        %dma_start3A_149 = tpu.memref_slice %arg2[%add3A_140] : memref<160000xi32, #tpu.memory_space<hbm>> -> memref<128xi32, #tpu.memory_space<hbm>>
        tpu.enqueue_dma source(%dma_start3A_149 : memref<128xi32, #tpu.memory_space<hbm>>) target(%dma_start3A_148 : memref<128xi32, #tpu.memory_space<vmem>>) target_semaphore(%arg11 : memref<!tpu.dma_semaphore, #tpu.memory_space<semaphore_mem>>)
      } else {
      }
      %mul3A_101 = arith.constant 2 : i32
      %mul3A_102 = arith.muli %mul3A_101, %scan3A_67 : i32
      %add3A_103 = arith.constant 1 : i32
      %add3A_104 = arith.addi %mul3A_102, %add3A_103 : i32
      %mul3A_105 = arith.constant 128 : i32
      %mul3A_106 = arith.muli %add3A_104, %mul3A_105 : i32
      %add3A_107 = arith.addi %mul3A_6, %mul3A_106 : i32
      %dma_wait3A_108 = arith.constant 1 : i32
      %dma_wait3A_109 = arith.constant 0 : i32
      %dma_wait3A_110 = tpu.memref_slice %arg6[%dma_wait3A_108, %dma_wait3A_109] : memref<2x128xi32, #tpu.memory_space<vmem>> -> memref<1x128xi32, #tpu.memory_space<vmem>>
      %dma_wait3A_111 = tpu.memref_squeeze %dma_wait3A_110 : memref<1x128xi32, #tpu.memory_space<vmem>> -> memref<128xi32, #tpu.memory_space<vmem>>
      %dma_wait3A_112 = tpu.memref_slice %arg2[%add3A_107] : memref<160000xi32, #tpu.memory_space<hbm>> -> memref<128xi32, #tpu.memory_space<hbm>>
      %dma_wait3A_113 = arith.constant 0 : i32
      %dma_wait3A_114 = tpu.memref_slice %arg6[%dma_wait3A_108, %dma_wait3A_113] : memref<2x128xi32, #tpu.memory_space<vmem>> -> memref<1x128xi32, #tpu.memory_space<vmem>>
      %dma_wait3A_115 = tpu.memref_squeeze %dma_wait3A_114 : memref<1x128xi32, #tpu.memory_space<vmem>> -> memref<128xi32, #tpu.memory_space<vmem>>
      %dma_wait3A_116 = tpu.memref_slice %arg2[%add3A_107] : memref<160000xi32, #tpu.memory_space<hbm>> -> memref<128xi32, #tpu.memory_space<hbm>>
      tpu.wait_dma2 semaphore(%arg11 : memref<!tpu.dma_semaphore, #tpu.memory_space<semaphore_mem>>) src(%dma_wait3A_116 : memref<128xi32, #tpu.memory_space<hbm>>) dst(%dma_wait3A_115 : memref<128xi32, #tpu.memory_space<vmem>>)
      %dma_start3A_117 = arith.constant 1 : i32
      %dma_start3A_118 = arith.constant 0 : i32
      %dma_start3A_119 = tpu.memref_slice %arg6[%dma_start3A_117, %dma_start3A_118] : memref<2x128xi32, #tpu.memory_space<vmem>> -> memref<1x128xi32, #tpu.memory_space<vmem>>
      %dma_start3A_120 = tpu.memref_squeeze %dma_start3A_119 : memref<1x128xi32, #tpu.memory_space<vmem>> -> memref<128xi32, #tpu.memory_space<vmem>>
      %dma_start3A_121 = arith.constant 0 : i32
      %dma_start3A_122 = arith.constant 0 : i32
      %dma_start3A_123 = tpu.memref_slice %arg9[%dma_start3A_121, %dma_start3A_122] : memref<10000x16xf32, #tpu.memory_space<vmem_shared>> -> memref<10000x16xf32, #tpu.memory_space<vmem_shared>>
      tpu.enqueue_indirect_dma source(%arg8 : memref<128x16xf32, #tpu.memory_space<vmem>>) target(%dma_start3A_123 : memref<10000x16xf32, #tpu.memory_space<vmem_shared>>) offsets(%dma_start3A_120 : memref<128xi32, #tpu.memory_space<vmem>>) semaphore(%arg13 : memref<!tpu.dma_semaphore, #tpu.memory_space<semaphore_mem>>) {add = true}
      %ge3A_124 = arith.constant 1 : i32
      %ge3A_125 = arith.cmpi sge, %add3A_104, %ge3A_124 : i32
      %convert_element_type3A_126 = arith.extui %ge3A_125 : i1 to i32
      %cond3A_127 = arith.constant 0 : i32
      %cond3A_128 = arith.cmpi ne, %convert_element_type3A_126, %cond3A_127 : i32
      scf.if %cond3A_128 {
        %dma_wait3A_136 = arith.constant 0 : i32
        %dma_wait3A_137 = arith.constant 0 : i32
        %dma_wait3A_138 = tpu.memref_slice %arg6[%dma_wait3A_136, %dma_wait3A_137] : memref<2x128xi32, #tpu.memory_space<vmem>> -> memref<1x128xi32, #tpu.memory_space<vmem>>
        %dma_wait3A_139 = tpu.memref_squeeze %dma_wait3A_138 : memref<1x128xi32, #tpu.memory_space<vmem>> -> memref<128xi32, #tpu.memory_space<vmem>>
        %dma_wait3A_140 = arith.constant 0 : i32
        %dma_wait3A_141 = arith.constant 0 : i32
        %dma_wait3A_142 = tpu.memref_slice %arg9[%dma_wait3A_140, %dma_wait3A_141] : memref<10000x16xf32, #tpu.memory_space<vmem_shared>> -> memref<10000x16xf32, #tpu.memory_space<vmem_shared>>
        tpu.wait_indirect_dma semaphore(%arg12 : memref<!tpu.dma_semaphore, #tpu.memory_space<semaphore_mem>>) src(%arg8 : memref<128x16xf32, #tpu.memory_space<vmem>>) dst(%dma_wait3A_142 : memref<10000x16xf32, #tpu.memory_space<vmem_shared>>)
      } else {
      }
      %add3A_129 = arith.constant 1 : i32
      %add3A_130 = arith.addi %add3A_104, %add3A_129 : i32
      %lt3A_131 = arith.constant 39 : i32
      %lt3A_132 = arith.cmpi slt, %add3A_130, %lt3A_131 : i32
      %convert_element_type3A_133 = arith.extui %lt3A_132 : i1 to i32
      %cond3A_134 = arith.constant 0 : i32
      %cond3A_135 = arith.cmpi ne, %convert_element_type3A_133, %cond3A_134 : i32
      scf.if %cond3A_135 {
        %add3A_136 = arith.constant 1 : i32
        %add3A_137 = arith.addi %add3A_104, %add3A_136 : i32
        %mul3A_138 = arith.constant 128 : i32
        %mul3A_139 = arith.muli %add3A_137, %mul3A_138 : i32
        %add3A_140 = arith.addi %mul3A_6, %mul3A_139 : i32
        %dma_start3A_141 = arith.constant 0 : i32
        %dma_start3A_142 = arith.constant 0 : i32
        %dma_start3A_143 = tpu.memref_slice %arg6[%dma_start3A_141, %dma_start3A_142] : memref<2x128xi32, #tpu.memory_space<vmem>> -> memref<1x128xi32, #tpu.memory_space<vmem>>
        %dma_start3A_144 = tpu.memref_squeeze %dma_start3A_143 : memref<1x128xi32, #tpu.memory_space<vmem>> -> memref<128xi32, #tpu.memory_space<vmem>>
        %dma_start3A_145 = tpu.memref_slice %arg2[%add3A_140] : memref<160000xi32, #tpu.memory_space<hbm>> -> memref<128xi32, #tpu.memory_space<hbm>>
        %dma_start3A_146 = arith.constant 0 : i32
        %dma_start3A_147 = tpu.memref_slice %arg6[%dma_start3A_141, %dma_start3A_146] : memref<2x128xi32, #tpu.memory_space<vmem>> -> memref<1x128xi32, #tpu.memory_space<vmem>>
        %dma_start3A_148 = tpu.memref_squeeze %dma_start3A_147 : memref<1x128xi32, #tpu.memory_space<vmem>> -> memref<128xi32, #tpu.memory_space<vmem>>
        %dma_start3A_149 = tpu.memref_slice %arg2[%add3A_140] : memref<160000xi32, #tpu.memory_space<hbm>> -> memref<128xi32, #tpu.memory_space<hbm>>
        tpu.enqueue_dma source(%dma_start3A_149 : memref<128xi32, #tpu.memory_space<hbm>>) target(%dma_start3A_148 : memref<128xi32, #tpu.memory_space<vmem>>) target_semaphore(%arg10 : memref<!tpu.dma_semaphore, #tpu.memory_space<semaphore_mem>>)
      } else {
      }
    }
    %scan3A_21 = arith.constant 19 : i32
    %add3A_22 = arith.constant 4864 : i32
    %add3A_23 = arith.addi %mul3A_6, %add3A_22 : i32
    %dma_wait3A = arith.constant 0 : i32
    %dma_wait3A_24 = arith.constant 0 : i32
    %dma_wait3A_25 = tpu.memref_slice %arg6[%dma_wait3A, %dma_wait3A_24] : memref<2x128xi32, #tpu.memory_space<vmem>> -> memref<1x128xi32, #tpu.memory_space<vmem>>
    %dma_wait3A_26 = tpu.memref_squeeze %dma_wait3A_25 : memref<1x128xi32, #tpu.memory_space<vmem>> -> memref<128xi32, #tpu.memory_space<vmem>>
    %dma_wait3A_27 = tpu.memref_slice %arg2[%add3A_23] : memref<160000xi32, #tpu.memory_space<hbm>> -> memref<128xi32, #tpu.memory_space<hbm>>
    %dma_wait3A_28 = arith.constant 0 : i32
    %dma_wait3A_29 = tpu.memref_slice %arg6[%dma_wait3A, %dma_wait3A_28] : memref<2x128xi32, #tpu.memory_space<vmem>> -> memref<1x128xi32, #tpu.memory_space<vmem>>
    %dma_wait3A_30 = tpu.memref_squeeze %dma_wait3A_29 : memref<1x128xi32, #tpu.memory_space<vmem>> -> memref<128xi32, #tpu.memory_space<vmem>>
    %dma_wait3A_31 = tpu.memref_slice %arg2[%add3A_23] : memref<160000xi32, #tpu.memory_space<hbm>> -> memref<128xi32, #tpu.memory_space<hbm>>
    tpu.wait_dma2 semaphore(%arg10 : memref<!tpu.dma_semaphore, #tpu.memory_space<semaphore_mem>>) src(%dma_wait3A_31 : memref<128xi32, #tpu.memory_space<hbm>>) dst(%dma_wait3A_30 : memref<128xi32, #tpu.memory_space<vmem>>)
    %dma_start3A_32 = arith.constant 0 : i32
    %dma_start3A_33 = arith.constant 0 : i32
    %dma_start3A_34 = tpu.memref_slice %arg6[%dma_start3A_32, %dma_start3A_33] : memref<2x128xi32, #tpu.memory_space<vmem>> -> memref<1x128xi32, #tpu.memory_space<vmem>>
    %dma_start3A_35 = tpu.memref_squeeze %dma_start3A_34 : memref<1x128xi32, #tpu.memory_space<vmem>> -> memref<128xi32, #tpu.memory_space<vmem>>
    %dma_start3A_36 = arith.constant 0 : i32
    %dma_start3A_37 = arith.constant 0 : i32
    %dma_start3A_38 = tpu.memref_slice %arg9[%dma_start3A_36, %dma_start3A_37] : memref<10000x16xf32, #tpu.memory_space<vmem_shared>> -> memref<10000x16xf32, #tpu.memory_space<vmem_shared>>
    tpu.enqueue_indirect_dma source(%arg8 : memref<128x16xf32, #tpu.memory_space<vmem>>) target(%dma_start3A_38 : memref<10000x16xf32, #tpu.memory_space<vmem_shared>>) offsets(%dma_start3A_35 : memref<128xi32, #tpu.memory_space<vmem>>) semaphore(%arg12 : memref<!tpu.dma_semaphore, #tpu.memory_space<semaphore_mem>>) {add = true}
    %dma_wait3A_39 = arith.constant 1 : i32
    %dma_wait3A_40 = arith.constant 0 : i32
    %dma_wait3A_41 = tpu.memref_slice %arg6[%dma_wait3A_39, %dma_wait3A_40] : memref<2x128xi32, #tpu.memory_space<vmem>> -> memref<1x128xi32, #tpu.memory_space<vmem>>
    %dma_wait3A_42 = tpu.memref_squeeze %dma_wait3A_41 : memref<1x128xi32, #tpu.memory_space<vmem>> -> memref<128xi32, #tpu.memory_space<vmem>>
    %dma_wait3A_43 = arith.constant 0 : i32
    %dma_wait3A_44 = arith.constant 0 : i32
    %dma_wait3A_45 = tpu.memref_slice %arg9[%dma_wait3A_43, %dma_wait3A_44] : memref<10000x16xf32, #tpu.memory_space<vmem_shared>> -> memref<10000x16xf32, #tpu.memory_space<vmem_shared>>
    tpu.wait_indirect_dma semaphore(%arg13 : memref<!tpu.dma_semaphore, #tpu.memory_space<semaphore_mem>>) src(%arg8 : memref<128x16xf32, #tpu.memory_space<vmem>>) dst(%dma_wait3A_45 : memref<10000x16xf32, #tpu.memory_space<vmem_shared>>)
    %dma_wait3A_46 = arith.constant 0 : i32
    %dma_wait3A_47 = arith.constant 0 : i32
    %dma_wait3A_48 = tpu.memref_slice %arg6[%dma_wait3A_46, %dma_wait3A_47] : memref<2x128xi32, #tpu.memory_space<vmem>> -> memref<1x128xi32, #tpu.memory_space<vmem>>
    %dma_wait3A_49 = tpu.memref_squeeze %dma_wait3A_48 : memref<1x128xi32, #tpu.memory_space<vmem>> -> memref<128xi32, #tpu.memory_space<vmem>>
    %dma_wait3A_50 = arith.constant 0 : i32
    %dma_wait3A_51 = arith.constant 0 : i32
    %dma_wait3A_52 = tpu.memref_slice %arg9[%dma_wait3A_50, %dma_wait3A_51] : memref<10000x16xf32, #tpu.memory_space<vmem_shared>> -> memref<10000x16xf32, #tpu.memory_space<vmem_shared>>
    tpu.wait_indirect_dma semaphore(%arg12 : memref<!tpu.dma_semaphore, #tpu.memory_space<semaphore_mem>>) src(%arg8 : memref<128x16xf32, #tpu.memory_space<vmem>>) dst(%dma_wait3A_52 : memref<10000x16xf32, #tpu.memory_space<vmem_shared>>)
    %add3A_53 = arith.constant 4992 : i32
    %add3A_54 = arith.addi %mul3A_6, %add3A_53 : i32
    %run_scoped3A = arith.constant 0 : i32
    "tpu.region"() ({
      %run_scoped3A_67 = tpu.sem_alloc : memref<!tpu.dma_semaphore, #tpu.memory_space<semaphore_mem>>
      %dma_start3A_68 = arith.constant 0 : i32
      %dma_start3A_69 = tpu.memref_slice %arg7[%run_scoped3A, %dma_start3A_68] : memref<1x8xi32, #tpu.memory_space<vmem>> -> memref<1x8xi32, #tpu.memory_space<vmem>>
      %dma_start3A_70 = tpu.memref_squeeze %dma_start3A_69 : memref<1x8xi32, #tpu.memory_space<vmem>> -> memref<8xi32, #tpu.memory_space<vmem>>
      %dma_start3A_71 = tpu.memref_slice %arg2[%add3A_54] : memref<160000xi32, #tpu.memory_space<hbm>> -> memref<8xi32, #tpu.memory_space<hbm>>
      %dma_start3A_72 = arith.constant 0 : i32
      %dma_start3A_73 = tpu.memref_slice %arg7[%run_scoped3A, %dma_start3A_72] : memref<1x8xi32, #tpu.memory_space<vmem>> -> memref<1x8xi32, #tpu.memory_space<vmem>>
      %dma_start3A_74 = tpu.memref_squeeze %dma_start3A_73 : memref<1x8xi32, #tpu.memory_space<vmem>> -> memref<8xi32, #tpu.memory_space<vmem>>
      %dma_start3A_75 = tpu.memref_slice %arg2[%add3A_54] : memref<160000xi32, #tpu.memory_space<hbm>> -> memref<8xi32, #tpu.memory_space<hbm>>
      tpu.enqueue_dma source(%dma_start3A_75 : memref<8xi32, #tpu.memory_space<hbm>>) target(%dma_start3A_74 : memref<8xi32, #tpu.memory_space<vmem>>) target_semaphore(%run_scoped3A_67 : memref<!tpu.dma_semaphore, #tpu.memory_space<semaphore_mem>>)
      %dma_wait3A_76 = arith.constant 0 : i32
      %dma_wait3A_77 = tpu.memref_slice %arg7[%run_scoped3A, %dma_wait3A_76] : memref<1x8xi32, #tpu.memory_space<vmem>> -> memref<1x8xi32, #tpu.memory_space<vmem>>
      %dma_wait3A_78 = tpu.memref_squeeze %dma_wait3A_77 : memref<1x8xi32, #tpu.memory_space<vmem>> -> memref<8xi32, #tpu.memory_space<vmem>>
      %dma_wait3A_79 = tpu.memref_slice %arg2[%add3A_54] : memref<160000xi32, #tpu.memory_space<hbm>> -> memref<8xi32, #tpu.memory_space<hbm>>
      %dma_wait3A_80 = arith.constant 0 : i32
      %dma_wait3A_81 = tpu.memref_slice %arg7[%run_scoped3A, %dma_wait3A_80] : memref<1x8xi32, #tpu.memory_space<vmem>> -> memref<1x8xi32, #tpu.memory_space<vmem>>
      %dma_wait3A_82 = tpu.memref_squeeze %dma_wait3A_81 : memref<1x8xi32, #tpu.memory_space<vmem>> -> memref<8xi32, #tpu.memory_space<vmem>>
      %dma_wait3A_83 = tpu.memref_slice %arg2[%add3A_54] : memref<160000xi32, #tpu.memory_space<hbm>> -> memref<8xi32, #tpu.memory_space<hbm>>
      tpu.wait_dma2 semaphore(%run_scoped3A_67 : memref<!tpu.dma_semaphore, #tpu.memory_space<semaphore_mem>>) src(%dma_wait3A_83 : memref<8xi32, #tpu.memory_space<hbm>>) dst(%dma_wait3A_82 : memref<8xi32, #tpu.memory_space<vmem>>)
      tpu.yield
    }) : () -> ()
    %run_scoped3A_55 = arith.constant 0 : i32
    "tpu.region"() ({
      %run_scoped3A_67 = tpu.sem_alloc : memref<!tpu.dma_semaphore, #tpu.memory_space<semaphore_mem>>
      %dma_start3A_68 = arith.constant 0 : i32
      %dma_start3A_69 = arith.constant 0 : i32
      %dma_start3A_70 = tpu.memref_slice %arg8[%dma_start3A_68, %dma_start3A_69] : memref<128x16xf32, #tpu.memory_space<vmem>> -> memref<8x16xf32, #tpu.memory_space<vmem>>
      %dma_start3A_71 = arith.constant 0 : i32
      %dma_start3A_72 = tpu.memref_slice %arg7[%run_scoped3A_55, %dma_start3A_71] : memref<1x8xi32, #tpu.memory_space<vmem>> -> memref<1x8xi32, #tpu.memory_space<vmem>>
      %dma_start3A_73 = tpu.memref_squeeze %dma_start3A_72 : memref<1x8xi32, #tpu.memory_space<vmem>> -> memref<8xi32, #tpu.memory_space<vmem>>
      %dma_start3A_74 = arith.constant 0 : i32
      %dma_start3A_75 = arith.constant 0 : i32
      %dma_start3A_76 = tpu.memref_slice %arg9[%dma_start3A_74, %dma_start3A_75] : memref<10000x16xf32, #tpu.memory_space<vmem_shared>> -> memref<10000x16xf32, #tpu.memory_space<vmem_shared>>
      tpu.enqueue_indirect_dma source(%dma_start3A_70 : memref<8x16xf32, #tpu.memory_space<vmem>>) target(%dma_start3A_76 : memref<10000x16xf32, #tpu.memory_space<vmem_shared>>) offsets(%dma_start3A_73 : memref<8xi32, #tpu.memory_space<vmem>>) semaphore(%run_scoped3A_67 : memref<!tpu.dma_semaphore, #tpu.memory_space<semaphore_mem>>) {add = true}
      %dma_wait3A_77 = arith.constant 0 : i32
      %dma_wait3A_78 = arith.constant 0 : i32
      %dma_wait3A_79 = tpu.memref_slice %arg8[%dma_wait3A_77, %dma_wait3A_78] : memref<128x16xf32, #tpu.memory_space<vmem>> -> memref<8x16xf32, #tpu.memory_space<vmem>>
      %dma_wait3A_80 = arith.constant 0 : i32
      %dma_wait3A_81 = tpu.memref_slice %arg7[%run_scoped3A_55, %dma_wait3A_80] : memref<1x8xi32, #tpu.memory_space<vmem>> -> memref<1x8xi32, #tpu.memory_space<vmem>>
      %dma_wait3A_82 = tpu.memref_squeeze %dma_wait3A_81 : memref<1x8xi32, #tpu.memory_space<vmem>> -> memref<8xi32, #tpu.memory_space<vmem>>
      %dma_wait3A_83 = arith.constant 0 : i32
      %dma_wait3A_84 = arith.constant 0 : i32
      %dma_wait3A_85 = tpu.memref_slice %arg9[%dma_wait3A_83, %dma_wait3A_84] : memref<10000x16xf32, #tpu.memory_space<vmem_shared>> -> memref<10000x16xf32, #tpu.memory_space<vmem_shared>>
      tpu.wait_indirect_dma semaphore(%run_scoped3A_67 : memref<!tpu.dma_semaphore, #tpu.memory_space<semaphore_mem>>) src(%dma_wait3A_79 : memref<8x16xf32, #tpu.memory_space<vmem>>) dst(%dma_wait3A_85 : memref<10000x16xf32, #tpu.memory_space<vmem_shared>>)
      tpu.yield
    }) : () -> ()
    %barrier3A_56 = arith.constant 0 : index
    tpu.barrier barrier_id(%barrier3A_56)
    %eq3A_57 = arith.constant 0 : i32
    %eq3A_58 = arith.cmpi eq, %arg0, %eq3A_57 : i32
    %convert_element_type3A_59 = arith.extui %eq3A_58 : i1 to i32
    %cond3A_60 = arith.constant 0 : i32
    %cond3A_61 = arith.cmpi ne, %convert_element_type3A_59, %cond3A_60 : i32
    scf.if %cond3A_61 {
      %mul3A_67 = arith.constant 624 : i32
      %mul3A_68 = arith.muli %arg1, %mul3A_67 : i32
      "tpu.region"() ({
        %run_scoped3A_74 = tpu.sem_alloc : memref<!tpu.dma_semaphore, #tpu.memory_space<semaphore_mem>>
        %dma_start3A_75 = arith.constant 0 : i32
        %dma_start3A_76 = tpu.memref_slice %arg4[%mul3A_68, %dma_start3A_75] : memref<10000x16xf32, #tpu.memory_space<hbm>> -> memref<624x16xf32, #tpu.memory_space<hbm>>
        %dma_start3A_77 = arith.constant 0 : i32
        %dma_start3A_78 = tpu.memref_slice %arg9[%mul3A_68, %dma_start3A_77] : memref<10000x16xf32, #tpu.memory_space<vmem_shared>> -> memref<624x16xf32, #tpu.memory_space<vmem_shared>>
        tpu.enqueue_dma source(%dma_start3A_78 : memref<624x16xf32, #tpu.memory_space<vmem_shared>>) target(%dma_start3A_76 : memref<624x16xf32, #tpu.memory_space<hbm>>) target_semaphore(%run_scoped3A_74 : memref<!tpu.dma_semaphore, #tpu.memory_space<semaphore_mem>>)
        %dma_wait3A_79 = arith.constant 0 : i32
        %dma_wait3A_80 = tpu.memref_slice %arg4[%mul3A_68, %dma_wait3A_79] : memref<10000x16xf32, #tpu.memory_space<hbm>> -> memref<624x16xf32, #tpu.memory_space<hbm>>
        %dma_wait3A_81 = arith.constant 0 : i32
        %dma_wait3A_82 = tpu.memref_slice %arg9[%mul3A_68, %dma_wait3A_81] : memref<10000x16xf32, #tpu.memory_space<vmem_shared>> -> memref<624x16xf32, #tpu.memory_space<vmem_shared>>
        tpu.wait_dma2 semaphore(%run_scoped3A_74 : memref<!tpu.dma_semaphore, #tpu.memory_space<semaphore_mem>>) src(%dma_wait3A_82 : memref<624x16xf32, #tpu.memory_space<vmem_shared>>) dst(%dma_wait3A_80 : memref<624x16xf32, #tpu.memory_space<hbm>>)
        tpu.yield
      }) : () -> ()
      %eq3A_69 = arith.constant 15 : i32
      %eq3A_70 = arith.cmpi eq, %arg1, %eq3A_69 : i32
      %convert_element_type3A_71 = arith.extui %eq3A_70 : i1 to i32
      %cond3A_72 = arith.constant 0 : i32
      %cond3A_73 = arith.cmpi ne, %convert_element_type3A_71, %cond3A_72 : i32
      scf.if %cond3A_73 {
        "tpu.region"() ({
          %run_scoped3A_74 = tpu.sem_alloc : memref<!tpu.dma_semaphore, #tpu.memory_space<semaphore_mem>>
          %dma_start3A_75 = arith.constant 9984 : i32
          %dma_start3A_76 = arith.constant 0 : i32
          %dma_start3A_77 = tpu.memref_slice %arg4[%dma_start3A_75, %dma_start3A_76] : memref<10000x16xf32, #tpu.memory_space<hbm>> -> memref<16x16xf32, #tpu.memory_space<hbm>>
          %dma_start3A_78 = arith.constant 9984 : i32
          %dma_start3A_79 = arith.constant 0 : i32
          %dma_start3A_80 = tpu.memref_slice %arg9[%dma_start3A_78, %dma_start3A_79] : memref<10000x16xf32, #tpu.memory_space<vmem_shared>> -> memref<16x16xf32, #tpu.memory_space<vmem_shared>>
          tpu.enqueue_dma source(%dma_start3A_80 : memref<16x16xf32, #tpu.memory_space<vmem_shared>>) target(%dma_start3A_77 : memref<16x16xf32, #tpu.memory_space<hbm>>) target_semaphore(%run_scoped3A_74 : memref<!tpu.dma_semaphore, #tpu.memory_space<semaphore_mem>>)
          %dma_wait3A_81 = arith.constant 9984 : i32
          %dma_wait3A_82 = arith.constant 0 : i32
          %dma_wait3A_83 = tpu.memref_slice %arg4[%dma_wait3A_81, %dma_wait3A_82] : memref<10000x16xf32, #tpu.memory_space<hbm>> -> memref<16x16xf32, #tpu.memory_space<hbm>>
          %dma_wait3A_84 = arith.constant 9984 : i32
          %dma_wait3A_85 = arith.constant 0 : i32
          %dma_wait3A_86 = tpu.memref_slice %arg9[%dma_wait3A_84, %dma_wait3A_85] : memref<10000x16xf32, #tpu.memory_space<vmem_shared>> -> memref<16x16xf32, #tpu.memory_space<vmem_shared>>
          tpu.wait_dma2 semaphore(%run_scoped3A_74 : memref<!tpu.dma_semaphore, #tpu.memory_space<semaphore_mem>>) src(%dma_wait3A_86 : memref<16x16xf32, #tpu.memory_space<vmem_shared>>) dst(%dma_wait3A_83 : memref<16x16xf32, #tpu.memory_space<hbm>>)
          tpu.yield
        }) : () -> ()
      } else {
      }
    } else {
    }
    %eq3A_62 = arith.constant 1 : i32
    %eq3A_63 = arith.cmpi eq, %arg0, %eq3A_62 : i32
    %convert_element_type3A_64 = arith.extui %eq3A_63 : i1 to i32
    %cond3A_65 = arith.constant 0 : i32
    %cond3A_66 = arith.cmpi ne, %convert_element_type3A_64, %cond3A_65 : i32
    scf.if %cond3A_66 {
      %mul3A_67 = arith.constant 624 : i32
      %mul3A_68 = arith.muli %arg1, %mul3A_67 : i32
      "tpu.region"() ({
        %run_scoped3A_74 = tpu.sem_alloc : memref<!tpu.dma_semaphore, #tpu.memory_space<semaphore_mem>>
        %dma_start3A_75 = arith.constant 0 : i32
        %dma_start3A_76 = tpu.memref_slice %arg5[%mul3A_68, %dma_start3A_75] : memref<10000x16xf32, #tpu.memory_space<hbm>> -> memref<624x16xf32, #tpu.memory_space<hbm>>
        %dma_start3A_77 = arith.constant 0 : i32
        %dma_start3A_78 = tpu.memref_slice %arg9[%mul3A_68, %dma_start3A_77] : memref<10000x16xf32, #tpu.memory_space<vmem_shared>> -> memref<624x16xf32, #tpu.memory_space<vmem_shared>>
        tpu.enqueue_dma source(%dma_start3A_78 : memref<624x16xf32, #tpu.memory_space<vmem_shared>>) target(%dma_start3A_76 : memref<624x16xf32, #tpu.memory_space<hbm>>) target_semaphore(%run_scoped3A_74 : memref<!tpu.dma_semaphore, #tpu.memory_space<semaphore_mem>>)
        %dma_wait3A_79 = arith.constant 0 : i32
        %dma_wait3A_80 = tpu.memref_slice %arg5[%mul3A_68, %dma_wait3A_79] : memref<10000x16xf32, #tpu.memory_space<hbm>> -> memref<624x16xf32, #tpu.memory_space<hbm>>
        %dma_wait3A_81 = arith.constant 0 : i32
        %dma_wait3A_82 = tpu.memref_slice %arg9[%mul3A_68, %dma_wait3A_81] : memref<10000x16xf32, #tpu.memory_space<vmem_shared>> -> memref<624x16xf32, #tpu.memory_space<vmem_shared>>
        tpu.wait_dma2 semaphore(%run_scoped3A_74 : memref<!tpu.dma_semaphore, #tpu.memory_space<semaphore_mem>>) src(%dma_wait3A_82 : memref<624x16xf32, #tpu.memory_space<vmem_shared>>) dst(%dma_wait3A_80 : memref<624x16xf32, #tpu.memory_space<hbm>>)
        tpu.yield
      }) : () -> ()
      %eq3A_69 = arith.constant 15 : i32
      %eq3A_70 = arith.cmpi eq, %arg1, %eq3A_69 : i32
      %convert_element_type3A_71 = arith.extui %eq3A_70 : i1 to i32
      %cond3A_72 = arith.constant 0 : i32
      %cond3A_73 = arith.cmpi ne, %convert_element_type3A_71, %cond3A_72 : i32
      scf.if %cond3A_73 {
        "tpu.region"() ({
          %run_scoped3A_74 = tpu.sem_alloc : memref<!tpu.dma_semaphore, #tpu.memory_space<semaphore_mem>>
          %dma_start3A_75 = arith.constant 9984 : i32
          %dma_start3A_76 = arith.constant 0 : i32
          %dma_start3A_77 = tpu.memref_slice %arg5[%dma_start3A_75, %dma_start3A_76] : memref<10000x16xf32, #tpu.memory_space<hbm>> -> memref<16x16xf32, #tpu.memory_space<hbm>>
          %dma_start3A_78 = arith.constant 9984 : i32
          %dma_start3A_79 = arith.constant 0 : i32
          %dma_start3A_80 = tpu.memref_slice %arg9[%dma_start3A_78, %dma_start3A_79] : memref<10000x16xf32, #tpu.memory_space<vmem_shared>> -> memref<16x16xf32, #tpu.memory_space<vmem_shared>>
          tpu.enqueue_dma source(%dma_start3A_80 : memref<16x16xf32, #tpu.memory_space<vmem_shared>>) target(%dma_start3A_77 : memref<16x16xf32, #tpu.memory_space<hbm>>) target_semaphore(%run_scoped3A_74 : memref<!tpu.dma_semaphore, #tpu.memory_space<semaphore_mem>>)
          %dma_wait3A_81 = arith.constant 9984 : i32
          %dma_wait3A_82 = arith.constant 0 : i32
          %dma_wait3A_83 = tpu.memref_slice %arg5[%dma_wait3A_81, %dma_wait3A_82] : memref<10000x16xf32, #tpu.memory_space<hbm>> -> memref<16x16xf32, #tpu.memory_space<hbm>>
          %dma_wait3A_84 = arith.constant 9984 : i32
          %dma_wait3A_85 = arith.constant 0 : i32
          %dma_wait3A_86 = tpu.memref_slice %arg9[%dma_wait3A_84, %dma_wait3A_85] : memref<10000x16xf32, #tpu.memory_space<vmem_shared>> -> memref<16x16xf32, #tpu.memory_space<vmem_shared>>
          tpu.wait_dma2 semaphore(%run_scoped3A_74 : memref<!tpu.dma_semaphore, #tpu.memory_space<semaphore_mem>>) src(%dma_wait3A_86 : memref<16x16xf32, #tpu.memory_space<vmem_shared>>) dst(%dma_wait3A_83 : memref<16x16xf32, #tpu.memory_space<hbm>>)
          tpu.yield
        }) : () -> ()
      } else {
      }
    } else {
    }
    return
  }
}

#map = affine_map<(d0, d1) -> (0)>
#map1 = affine_map<(d0, d1) -> (0, 0)>
module attributes {stable_mosaic.version = 14 : i64} {
  func.func @_sc_agg(%arg0: i32, %arg1: i32, %arg2: memref<160000xi32, #tpu.memory_space<hbm>>, %arg3: memref<160000xi32, #tpu.memory_space<hbm>>, %arg4: memref<10000x128xf32, #tpu.memory_space<hbm>>, %arg5: memref<10000x128xf32, #tpu.memory_space<hbm>>, %arg6: memref<10000x128xf32, #tpu.memory_space<hbm>>, %arg7: memref<10000x128xf32, #tpu.memory_space<hbm>>, %arg8: memref<10000xi32, #tpu.memory_space<vmem>>, %arg9: memref<2x128xi32, #tpu.memory_space<vmem>>, %arg10: memref<1x16xi32, #tpu.memory_space<vmem>>, %arg11: memref<2x128x128xf32, #tpu.memory_space<vmem>>, %arg12: memref<16x128xf32, #tpu.memory_space<vmem>>, %arg13: memref<10000x128xf32, #tpu.memory_space<vmem_shared>>, %arg14: memref<!tpu.dma_semaphore, #tpu.memory_space<semaphore_mem>>, %arg15: memref<!tpu.dma_semaphore, #tpu.memory_space<semaphore_mem>>, %arg16: memref<!tpu.dma_semaphore, #tpu.memory_space<semaphore_mem>>, %arg17: memref<!tpu.dma_semaphore, #tpu.memory_space<semaphore_mem>>, %arg18: memref<!tpu.dma_semaphore, #tpu.memory_space<semaphore_mem>>, %arg19: memref<!tpu.dma_semaphore, #tpu.memory_space<semaphore_mem>>) attributes {dimension_semantics = [#tpu.dimension_semantics<core_parallel>, #tpu.dimension_semantics<subcore_parallel>], iteration_bounds = array<i64: 2, 16>, scalar_prefetch = 0 : i64, scratch_operands = 12 : i64, tpu.core_type = #tpu.core_type<sc_vector_subcore>, window_params = [{transform_indices = #map}, {transform_indices = #map}, {transform_indices = #map1}, {transform_indices = #map1}, {transform_indices = #map1}, {transform_indices = #map1}]} {
    %eq3A = arith.constant 0 : i32
    %eq3A_0 = arith.cmpi eq, %arg0, %eq3A : i32
    %convert_element_type3A = arith.extui %eq3A_0 : i1 to i32
    %cond3A = arith.constant 0 : i32
    %cond3A_1 = arith.cmpi ne, %convert_element_type3A, %cond3A : i32
    scf.if %cond3A_1 {
      %mul3A = arith.constant 10000 : i32
      %mul3A_7 = arith.muli %arg1, %mul3A : i32
      "tpu.region"() ({
        %run_scoped3A_75 = tpu.sem_alloc : memref<!tpu.dma_semaphore, #tpu.memory_space<semaphore_mem>>
        %dma_start3A_76 = tpu.memref_slice %arg2[%mul3A_7] : memref<160000xi32, #tpu.memory_space<hbm>> -> memref<10000xi32, #tpu.memory_space<hbm>>
        %dma_start3A_77 = tpu.memref_slice %arg2[%mul3A_7] : memref<160000xi32, #tpu.memory_space<hbm>> -> memref<10000xi32, #tpu.memory_space<hbm>>
        tpu.enqueue_dma source(%dma_start3A_77 : memref<10000xi32, #tpu.memory_space<hbm>>) target(%arg8 : memref<10000xi32, #tpu.memory_space<vmem>>) target_semaphore(%run_scoped3A_75 : memref<!tpu.dma_semaphore, #tpu.memory_space<semaphore_mem>>)
        %dma_wait3A_78 = tpu.memref_slice %arg2[%mul3A_7] : memref<160000xi32, #tpu.memory_space<hbm>> -> memref<10000xi32, #tpu.memory_space<hbm>>
        %dma_wait3A_79 = tpu.memref_slice %arg2[%mul3A_7] : memref<160000xi32, #tpu.memory_space<hbm>> -> memref<10000xi32, #tpu.memory_space<hbm>>
        tpu.wait_dma2 semaphore(%run_scoped3A_75 : memref<!tpu.dma_semaphore, #tpu.memory_space<semaphore_mem>>) src(%dma_wait3A_79 : memref<10000xi32, #tpu.memory_space<hbm>>) dst(%arg8 : memref<10000xi32, #tpu.memory_space<vmem>>)
        tpu.yield
      }) : () -> ()
      %mul3A_8 = arith.constant 624 : i32
      %mul3A_9 = arith.muli %arg1, %mul3A_8 : i32
      "tpu.region"() ({
        %run_scoped3A_75 = tpu.sem_alloc : memref<!tpu.dma_semaphore, #tpu.memory_space<semaphore_mem>>
        %dma_start3A_76 = arith.constant 0 : i32
        %dma_start3A_77 = tpu.memref_slice %arg13[%mul3A_9, %dma_start3A_76] : memref<10000x128xf32, #tpu.memory_space<vmem_shared>> -> memref<624x128xf32, #tpu.memory_space<vmem_shared>>
        %dma_start3A_78 = arith.constant 0 : i32
        %dma_start3A_79 = tpu.memref_slice %arg4[%mul3A_9, %dma_start3A_78] : memref<10000x128xf32, #tpu.memory_space<hbm>> -> memref<624x128xf32, #tpu.memory_space<hbm>>
        tpu.enqueue_dma source(%dma_start3A_79 : memref<624x128xf32, #tpu.memory_space<hbm>>) target(%dma_start3A_77 : memref<624x128xf32, #tpu.memory_space<vmem_shared>>) target_semaphore(%run_scoped3A_75 : memref<!tpu.dma_semaphore, #tpu.memory_space<semaphore_mem>>)
        %dma_wait3A_80 = arith.constant 0 : i32
        %dma_wait3A_81 = tpu.memref_slice %arg13[%mul3A_9, %dma_wait3A_80] : memref<10000x128xf32, #tpu.memory_space<vmem_shared>> -> memref<624x128xf32, #tpu.memory_space<vmem_shared>>
        %dma_wait3A_82 = arith.constant 0 : i32
        %dma_wait3A_83 = tpu.memref_slice %arg4[%mul3A_9, %dma_wait3A_82] : memref<10000x128xf32, #tpu.memory_space<hbm>> -> memref<624x128xf32, #tpu.memory_space<hbm>>
        tpu.wait_dma2 semaphore(%run_scoped3A_75 : memref<!tpu.dma_semaphore, #tpu.memory_space<semaphore_mem>>) src(%dma_wait3A_83 : memref<624x128xf32, #tpu.memory_space<hbm>>) dst(%dma_wait3A_81 : memref<624x128xf32, #tpu.memory_space<vmem_shared>>)
        tpu.yield
      }) : () -> ()
      %eq3A_10 = arith.constant 15 : i32
      %eq3A_11 = arith.cmpi eq, %arg1, %eq3A_10 : i32
      %convert_element_type3A_12 = arith.extui %eq3A_11 : i1 to i32
      %cond3A_13 = arith.constant 0 : i32
      %cond3A_14 = arith.cmpi ne, %convert_element_type3A_12, %cond3A_13 : i32
      scf.if %cond3A_14 {
        "tpu.region"() ({
          %run_scoped3A_75 = tpu.sem_alloc : memref<!tpu.dma_semaphore, #tpu.memory_space<semaphore_mem>>
          %dma_start3A_76 = arith.constant 9984 : i32
          %dma_start3A_77 = arith.constant 0 : i32
          %dma_start3A_78 = tpu.memref_slice %arg13[%dma_start3A_76, %dma_start3A_77] : memref<10000x128xf32, #tpu.memory_space<vmem_shared>> -> memref<16x128xf32, #tpu.memory_space<vmem_shared>>
          %dma_start3A_79 = arith.constant 9984 : i32
          %dma_start3A_80 = arith.constant 0 : i32
          %dma_start3A_81 = tpu.memref_slice %arg4[%dma_start3A_79, %dma_start3A_80] : memref<10000x128xf32, #tpu.memory_space<hbm>> -> memref<16x128xf32, #tpu.memory_space<hbm>>
          tpu.enqueue_dma source(%dma_start3A_81 : memref<16x128xf32, #tpu.memory_space<hbm>>) target(%dma_start3A_78 : memref<16x128xf32, #tpu.memory_space<vmem_shared>>) target_semaphore(%run_scoped3A_75 : memref<!tpu.dma_semaphore, #tpu.memory_space<semaphore_mem>>)
          %dma_wait3A_82 = arith.constant 9984 : i32
          %dma_wait3A_83 = arith.constant 0 : i32
          %dma_wait3A_84 = tpu.memref_slice %arg13[%dma_wait3A_82, %dma_wait3A_83] : memref<10000x128xf32, #tpu.memory_space<vmem_shared>> -> memref<16x128xf32, #tpu.memory_space<vmem_shared>>
          %dma_wait3A_85 = arith.constant 9984 : i32
          %dma_wait3A_86 = arith.constant 0 : i32
          %dma_wait3A_87 = tpu.memref_slice %arg4[%dma_wait3A_85, %dma_wait3A_86] : memref<10000x128xf32, #tpu.memory_space<hbm>> -> memref<16x128xf32, #tpu.memory_space<hbm>>
          tpu.wait_dma2 semaphore(%run_scoped3A_75 : memref<!tpu.dma_semaphore, #tpu.memory_space<semaphore_mem>>) src(%dma_wait3A_87 : memref<16x128xf32, #tpu.memory_space<hbm>>) dst(%dma_wait3A_84 : memref<16x128xf32, #tpu.memory_space<vmem_shared>>)
          tpu.yield
        }) : () -> ()
      } else {
      }
      %dma_start3A = arith.constant 0 : i32
      %dma_start3A_15 = arith.constant 0 : i32
      %dma_start3A_16 = arith.constant 0 : i32
      %dma_start3A_17 = tpu.memref_slice %arg11[%dma_start3A, %dma_start3A_15, %dma_start3A_16] : memref<2x128x128xf32, #tpu.memory_space<vmem>> -> memref<1x128x128xf32, #tpu.memory_space<vmem>>
      %dma_start3A_18 = tpu.memref_squeeze %dma_start3A_17 : memref<1x128x128xf32, #tpu.memory_space<vmem>> -> memref<128x128xf32, #tpu.memory_space<vmem>>
      %dma_start3A_19 = arith.constant 0 : i32
      %dma_start3A_20 = tpu.memref_slice %arg8[%dma_start3A_19] : memref<10000xi32, #tpu.memory_space<vmem>> -> memref<128xi32, #tpu.memory_space<vmem>>
      %dma_start3A_21 = arith.constant 0 : i32
      %dma_start3A_22 = arith.constant 0 : i32
      %dma_start3A_23 = tpu.memref_slice %arg4[%dma_start3A_21, %dma_start3A_22] : memref<10000x128xf32, #tpu.memory_space<hbm>> -> memref<10000x128xf32, #tpu.memory_space<hbm>>
      tpu.enqueue_indirect_dma source(%dma_start3A_23 : memref<10000x128xf32, #tpu.memory_space<hbm>>) target(%dma_start3A_18 : memref<128x128xf32, #tpu.memory_space<vmem>>) offsets(%dma_start3A_20 : memref<128xi32, #tpu.memory_space<vmem>>) semaphore(%arg16 : memref<!tpu.dma_semaphore, #tpu.memory_space<semaphore_mem>>)
      %mul3A_24 = arith.constant 10000 : i32
      %mul3A_25 = arith.muli %arg1, %mul3A_24 : i32
      %add3A = arith.constant 0 : i32
      %add3A_26 = arith.addi %mul3A_25, %add3A : i32
      %dma_start3A_27 = arith.constant 0 : i32
      %dma_start3A_28 = arith.constant 0 : i32
      %dma_start3A_29 = tpu.memref_slice %arg9[%dma_start3A_27, %dma_start3A_28] : memref<2x128xi32, #tpu.memory_space<vmem>> -> memref<1x128xi32, #tpu.memory_space<vmem>>
      %dma_start3A_30 = tpu.memref_squeeze %dma_start3A_29 : memref<1x128xi32, #tpu.memory_space<vmem>> -> memref<128xi32, #tpu.memory_space<vmem>>
      %dma_start3A_31 = tpu.memref_slice %arg3[%add3A_26] : memref<160000xi32, #tpu.memory_space<hbm>> -> memref<128xi32, #tpu.memory_space<hbm>>
      %dma_start3A_32 = arith.constant 0 : i32
      %dma_start3A_33 = tpu.memref_slice %arg9[%dma_start3A_27, %dma_start3A_32] : memref<2x128xi32, #tpu.memory_space<vmem>> -> memref<1x128xi32, #tpu.memory_space<vmem>>
      %dma_start3A_34 = tpu.memref_squeeze %dma_start3A_33 : memref<1x128xi32, #tpu.memory_space<vmem>> -> memref<128xi32, #tpu.memory_space<vmem>>
      %dma_start3A_35 = tpu.memref_slice %arg3[%add3A_26] : memref<160000xi32, #tpu.memory_space<hbm>> -> memref<128xi32, #tpu.memory_space<hbm>>
      tpu.enqueue_dma source(%dma_start3A_35 : memref<128xi32, #tpu.memory_space<hbm>>) target(%dma_start3A_34 : memref<128xi32, #tpu.memory_space<vmem>>) target_semaphore(%arg14 : memref<!tpu.dma_semaphore, #tpu.memory_space<semaphore_mem>>)
      %barrier3A = arith.constant 0 : index
      tpu.barrier barrier_id(%barrier3A)
      %scan3A = arith.constant 0 : i32
      %scan3A_36 = arith.constant 0 : i32
      %scan3A_37 = arith.constant 39 : i32
      %scan3A_38 = arith.addi %scan3A_36, %scan3A_37 : i32
      %scan3A_39 = arith.constant 1 : i32
      scf.for %scan3A_75 = %scan3A_36 to %scan3A_38 step %scan3A_39  : i32 {
        %mul3A_76 = arith.constant 2 : i32
        %mul3A_77 = arith.muli %mul3A_76, %scan3A_75 : i32
        %add3A_78 = arith.constant 0 : i32
        %add3A_79 = arith.addi %mul3A_77, %add3A_78 : i32
        %mul3A_80 = arith.constant 128 : i32
        %mul3A_81 = arith.muli %add3A_79, %mul3A_80 : i32
        %dma_wait3A_82 = arith.constant 0 : i32
        %dma_wait3A_83 = arith.constant 0 : i32
        %dma_wait3A_84 = arith.constant 0 : i32
        %dma_wait3A_85 = tpu.memref_slice %arg11[%dma_wait3A_82, %dma_wait3A_83, %dma_wait3A_84] : memref<2x128x128xf32, #tpu.memory_space<vmem>> -> memref<1x128x128xf32, #tpu.memory_space<vmem>>
        %dma_wait3A_86 = tpu.memref_squeeze %dma_wait3A_85 : memref<1x128x128xf32, #tpu.memory_space<vmem>> -> memref<128x128xf32, #tpu.memory_space<vmem>>
        %dma_wait3A_87 = tpu.memref_slice %arg8[%mul3A_81] : memref<10000xi32, #tpu.memory_space<vmem>> -> memref<128xi32, #tpu.memory_space<vmem>>
        %dma_wait3A_88 = arith.constant 0 : i32
        %dma_wait3A_89 = arith.constant 0 : i32
        %dma_wait3A_90 = tpu.memref_slice %arg4[%dma_wait3A_88, %dma_wait3A_89] : memref<10000x128xf32, #tpu.memory_space<hbm>> -> memref<10000x128xf32, #tpu.memory_space<hbm>>
        tpu.wait_indirect_dma semaphore(%arg16 : memref<!tpu.dma_semaphore, #tpu.memory_space<semaphore_mem>>) src(%dma_wait3A_90 : memref<10000x128xf32, #tpu.memory_space<hbm>>) dst(%dma_wait3A_86 : memref<128x128xf32, #tpu.memory_space<vmem>>)
        %mul3A_91 = arith.constant 10000 : i32
        %mul3A_92 = arith.muli %arg1, %mul3A_91 : i32
        %mul3A_93 = arith.constant 128 : i32
        %mul3A_94 = arith.muli %add3A_79, %mul3A_93 : i32
        %add3A_95 = arith.addi %mul3A_92, %mul3A_94 : i32
        %dma_wait3A_96 = arith.constant 0 : i32
        %dma_wait3A_97 = arith.constant 0 : i32
        %dma_wait3A_98 = tpu.memref_slice %arg9[%dma_wait3A_96, %dma_wait3A_97] : memref<2x128xi32, #tpu.memory_space<vmem>> -> memref<1x128xi32, #tpu.memory_space<vmem>>
        %dma_wait3A_99 = tpu.memref_squeeze %dma_wait3A_98 : memref<1x128xi32, #tpu.memory_space<vmem>> -> memref<128xi32, #tpu.memory_space<vmem>>
        %dma_wait3A_100 = tpu.memref_slice %arg3[%add3A_95] : memref<160000xi32, #tpu.memory_space<hbm>> -> memref<128xi32, #tpu.memory_space<hbm>>
        %dma_wait3A_101 = arith.constant 0 : i32
        %dma_wait3A_102 = tpu.memref_slice %arg9[%dma_wait3A_96, %dma_wait3A_101] : memref<2x128xi32, #tpu.memory_space<vmem>> -> memref<1x128xi32, #tpu.memory_space<vmem>>
        %dma_wait3A_103 = tpu.memref_squeeze %dma_wait3A_102 : memref<1x128xi32, #tpu.memory_space<vmem>> -> memref<128xi32, #tpu.memory_space<vmem>>
        %dma_wait3A_104 = tpu.memref_slice %arg3[%add3A_95] : memref<160000xi32, #tpu.memory_space<hbm>> -> memref<128xi32, #tpu.memory_space<hbm>>
        tpu.wait_dma2 semaphore(%arg14 : memref<!tpu.dma_semaphore, #tpu.memory_space<semaphore_mem>>) src(%dma_wait3A_104 : memref<128xi32, #tpu.memory_space<hbm>>) dst(%dma_wait3A_103 : memref<128xi32, #tpu.memory_space<vmem>>)
        %dma_start3A_105 = arith.constant 0 : i32
        %dma_start3A_106 = arith.constant 0 : i32
        %dma_start3A_107 = arith.constant 0 : i32
        %dma_start3A_108 = arith.constant 0 : i32
        %dma_start3A_109 = tpu.memref_slice %arg11[%dma_start3A_105, %dma_start3A_107, %dma_start3A_108] : memref<2x128x128xf32, #tpu.memory_space<vmem>> -> memref<1x128x128xf32, #tpu.memory_space<vmem>>
        %dma_start3A_110 = tpu.memref_squeeze %dma_start3A_109 : memref<1x128x128xf32, #tpu.memory_space<vmem>> -> memref<128x128xf32, #tpu.memory_space<vmem>>
        %dma_start3A_111 = arith.constant 0 : i32
        %dma_start3A_112 = tpu.memref_slice %arg9[%dma_start3A_106, %dma_start3A_111] : memref<2x128xi32, #tpu.memory_space<vmem>> -> memref<1x128xi32, #tpu.memory_space<vmem>>
        %dma_start3A_113 = tpu.memref_squeeze %dma_start3A_112 : memref<1x128xi32, #tpu.memory_space<vmem>> -> memref<128xi32, #tpu.memory_space<vmem>>
        %dma_start3A_114 = arith.constant 0 : i32
        %dma_start3A_115 = arith.constant 0 : i32
        %dma_start3A_116 = tpu.memref_slice %arg13[%dma_start3A_114, %dma_start3A_115] : memref<10000x128xf32, #tpu.memory_space<vmem_shared>> -> memref<10000x128xf32, #tpu.memory_space<vmem_shared>>
        tpu.enqueue_indirect_dma source(%dma_start3A_110 : memref<128x128xf32, #tpu.memory_space<vmem>>) target(%dma_start3A_116 : memref<10000x128xf32, #tpu.memory_space<vmem_shared>>) offsets(%dma_start3A_113 : memref<128xi32, #tpu.memory_space<vmem>>) semaphore(%arg18 : memref<!tpu.dma_semaphore, #tpu.memory_space<semaphore_mem>>) {add = true}
        %ge3A = arith.constant 1 : i32
        %ge3A_117 = arith.cmpi sge, %add3A_79, %ge3A : i32
        %convert_element_type3A_118 = arith.extui %ge3A_117 : i1 to i32
        %cond3A_119 = arith.constant 0 : i32
        %cond3A_120 = arith.cmpi ne, %convert_element_type3A_118, %cond3A_119 : i32
        scf.if %cond3A_120 {
          %dma_wait3A_180 = arith.constant 1 : i32
          %dma_wait3A_181 = arith.constant 1 : i32
          %dma_wait3A_182 = arith.constant 0 : i32
          %dma_wait3A_183 = arith.constant 0 : i32
          %dma_wait3A_184 = tpu.memref_slice %arg11[%dma_wait3A_180, %dma_wait3A_182, %dma_wait3A_183] : memref<2x128x128xf32, #tpu.memory_space<vmem>> -> memref<1x128x128xf32, #tpu.memory_space<vmem>>
          %dma_wait3A_185 = tpu.memref_squeeze %dma_wait3A_184 : memref<1x128x128xf32, #tpu.memory_space<vmem>> -> memref<128x128xf32, #tpu.memory_space<vmem>>
          %dma_wait3A_186 = arith.constant 0 : i32
          %dma_wait3A_187 = tpu.memref_slice %arg9[%dma_wait3A_181, %dma_wait3A_186] : memref<2x128xi32, #tpu.memory_space<vmem>> -> memref<1x128xi32, #tpu.memory_space<vmem>>
          %dma_wait3A_188 = tpu.memref_squeeze %dma_wait3A_187 : memref<1x128xi32, #tpu.memory_space<vmem>> -> memref<128xi32, #tpu.memory_space<vmem>>
          %dma_wait3A_189 = arith.constant 0 : i32
          %dma_wait3A_190 = arith.constant 0 : i32
          %dma_wait3A_191 = tpu.memref_slice %arg13[%dma_wait3A_189, %dma_wait3A_190] : memref<10000x128xf32, #tpu.memory_space<vmem_shared>> -> memref<10000x128xf32, #tpu.memory_space<vmem_shared>>
          tpu.wait_indirect_dma semaphore(%arg19 : memref<!tpu.dma_semaphore, #tpu.memory_space<semaphore_mem>>) src(%dma_wait3A_185 : memref<128x128xf32, #tpu.memory_space<vmem>>) dst(%dma_wait3A_191 : memref<10000x128xf32, #tpu.memory_space<vmem_shared>>)
        } else {
        }
        %add3A_121 = arith.constant 1 : i32
        %add3A_122 = arith.addi %add3A_79, %add3A_121 : i32
        %lt3A = arith.constant 78 : i32
        %lt3A_123 = arith.cmpi slt, %add3A_122, %lt3A : i32
        %convert_element_type3A_124 = arith.extui %lt3A_123 : i1 to i32
        %cond3A_125 = arith.constant 0 : i32
        %cond3A_126 = arith.cmpi ne, %convert_element_type3A_124, %cond3A_125 : i32
        scf.if %cond3A_126 {
          %add3A_180 = arith.constant 1 : i32
          %add3A_181 = arith.addi %add3A_79, %add3A_180 : i32
          %mul3A_182 = arith.constant 128 : i32
          %mul3A_183 = arith.muli %add3A_181, %mul3A_182 : i32
          %dma_start3A_184 = arith.constant 1 : i32
          %dma_start3A_185 = arith.constant 0 : i32
          %dma_start3A_186 = arith.constant 0 : i32
          %dma_start3A_187 = tpu.memref_slice %arg11[%dma_start3A_184, %dma_start3A_185, %dma_start3A_186] : memref<2x128x128xf32, #tpu.memory_space<vmem>> -> memref<1x128x128xf32, #tpu.memory_space<vmem>>
          %dma_start3A_188 = tpu.memref_squeeze %dma_start3A_187 : memref<1x128x128xf32, #tpu.memory_space<vmem>> -> memref<128x128xf32, #tpu.memory_space<vmem>>
          %dma_start3A_189 = tpu.memref_slice %arg8[%mul3A_183] : memref<10000xi32, #tpu.memory_space<vmem>> -> memref<128xi32, #tpu.memory_space<vmem>>
          %dma_start3A_190 = arith.constant 0 : i32
          %dma_start3A_191 = arith.constant 0 : i32
          %dma_start3A_192 = tpu.memref_slice %arg4[%dma_start3A_190, %dma_start3A_191] : memref<10000x128xf32, #tpu.memory_space<hbm>> -> memref<10000x128xf32, #tpu.memory_space<hbm>>
          tpu.enqueue_indirect_dma source(%dma_start3A_192 : memref<10000x128xf32, #tpu.memory_space<hbm>>) target(%dma_start3A_188 : memref<128x128xf32, #tpu.memory_space<vmem>>) offsets(%dma_start3A_189 : memref<128xi32, #tpu.memory_space<vmem>>) semaphore(%arg17 : memref<!tpu.dma_semaphore, #tpu.memory_space<semaphore_mem>>)
          %add3A_193 = arith.constant 1 : i32
          %add3A_194 = arith.addi %add3A_79, %add3A_193 : i32
          %mul3A_195 = arith.constant 10000 : i32
          %mul3A_196 = arith.muli %arg1, %mul3A_195 : i32
          %mul3A_197 = arith.constant 128 : i32
          %mul3A_198 = arith.muli %add3A_194, %mul3A_197 : i32
          %add3A_199 = arith.addi %mul3A_196, %mul3A_198 : i32
          %dma_start3A_200 = arith.constant 1 : i32
          %dma_start3A_201 = arith.constant 0 : i32
          %dma_start3A_202 = tpu.memref_slice %arg9[%dma_start3A_200, %dma_start3A_201] : memref<2x128xi32, #tpu.memory_space<vmem>> -> memref<1x128xi32, #tpu.memory_space<vmem>>
          %dma_start3A_203 = tpu.memref_squeeze %dma_start3A_202 : memref<1x128xi32, #tpu.memory_space<vmem>> -> memref<128xi32, #tpu.memory_space<vmem>>
          %dma_start3A_204 = tpu.memref_slice %arg3[%add3A_199] : memref<160000xi32, #tpu.memory_space<hbm>> -> memref<128xi32, #tpu.memory_space<hbm>>
          %dma_start3A_205 = arith.constant 0 : i32
          %dma_start3A_206 = tpu.memref_slice %arg9[%dma_start3A_200, %dma_start3A_205] : memref<2x128xi32, #tpu.memory_space<vmem>> -> memref<1x128xi32, #tpu.memory_space<vmem>>
          %dma_start3A_207 = tpu.memref_squeeze %dma_start3A_206 : memref<1x128xi32, #tpu.memory_space<vmem>> -> memref<128xi32, #tpu.memory_space<vmem>>
          %dma_start3A_208 = tpu.memref_slice %arg3[%add3A_199] : memref<160000xi32, #tpu.memory_space<hbm>> -> memref<128xi32, #tpu.memory_space<hbm>>
          tpu.enqueue_dma source(%dma_start3A_208 : memref<128xi32, #tpu.memory_space<hbm>>) target(%dma_start3A_207 : memref<128xi32, #tpu.memory_space<vmem>>) target_semaphore(%arg15 : memref<!tpu.dma_semaphore, #tpu.memory_space<semaphore_mem>>)
        } else {
        }
        %mul3A_127 = arith.constant 2 : i32
        %mul3A_128 = arith.muli %mul3A_127, %scan3A_75 : i32
        %add3A_129 = arith.constant 1 : i32
        %add3A_130 = arith.addi %mul3A_128, %add3A_129 : i32
        %mul3A_131 = arith.constant 128 : i32
        %mul3A_132 = arith.muli %add3A_130, %mul3A_131 : i32
        %dma_wait3A_133 = arith.constant 1 : i32
        %dma_wait3A_134 = arith.constant 0 : i32
        %dma_wait3A_135 = arith.constant 0 : i32
        %dma_wait3A_136 = tpu.memref_slice %arg11[%dma_wait3A_133, %dma_wait3A_134, %dma_wait3A_135] : memref<2x128x128xf32, #tpu.memory_space<vmem>> -> memref<1x128x128xf32, #tpu.memory_space<vmem>>
        %dma_wait3A_137 = tpu.memref_squeeze %dma_wait3A_136 : memref<1x128x128xf32, #tpu.memory_space<vmem>> -> memref<128x128xf32, #tpu.memory_space<vmem>>
        %dma_wait3A_138 = tpu.memref_slice %arg8[%mul3A_132] : memref<10000xi32, #tpu.memory_space<vmem>> -> memref<128xi32, #tpu.memory_space<vmem>>
        %dma_wait3A_139 = arith.constant 0 : i32
        %dma_wait3A_140 = arith.constant 0 : i32
        %dma_wait3A_141 = tpu.memref_slice %arg4[%dma_wait3A_139, %dma_wait3A_140] : memref<10000x128xf32, #tpu.memory_space<hbm>> -> memref<10000x128xf32, #tpu.memory_space<hbm>>
        tpu.wait_indirect_dma semaphore(%arg17 : memref<!tpu.dma_semaphore, #tpu.memory_space<semaphore_mem>>) src(%dma_wait3A_141 : memref<10000x128xf32, #tpu.memory_space<hbm>>) dst(%dma_wait3A_137 : memref<128x128xf32, #tpu.memory_space<vmem>>)
        %mul3A_142 = arith.constant 10000 : i32
        %mul3A_143 = arith.muli %arg1, %mul3A_142 : i32
        %mul3A_144 = arith.constant 128 : i32
        %mul3A_145 = arith.muli %add3A_130, %mul3A_144 : i32
        %add3A_146 = arith.addi %mul3A_143, %mul3A_145 : i32
        %dma_wait3A_147 = arith.constant 1 : i32
        %dma_wait3A_148 = arith.constant 0 : i32
        %dma_wait3A_149 = tpu.memref_slice %arg9[%dma_wait3A_147, %dma_wait3A_148] : memref<2x128xi32, #tpu.memory_space<vmem>> -> memref<1x128xi32, #tpu.memory_space<vmem>>
        %dma_wait3A_150 = tpu.memref_squeeze %dma_wait3A_149 : memref<1x128xi32, #tpu.memory_space<vmem>> -> memref<128xi32, #tpu.memory_space<vmem>>
        %dma_wait3A_151 = tpu.memref_slice %arg3[%add3A_146] : memref<160000xi32, #tpu.memory_space<hbm>> -> memref<128xi32, #tpu.memory_space<hbm>>
        %dma_wait3A_152 = arith.constant 0 : i32
        %dma_wait3A_153 = tpu.memref_slice %arg9[%dma_wait3A_147, %dma_wait3A_152] : memref<2x128xi32, #tpu.memory_space<vmem>> -> memref<1x128xi32, #tpu.memory_space<vmem>>
        %dma_wait3A_154 = tpu.memref_squeeze %dma_wait3A_153 : memref<1x128xi32, #tpu.memory_space<vmem>> -> memref<128xi32, #tpu.memory_space<vmem>>
        %dma_wait3A_155 = tpu.memref_slice %arg3[%add3A_146] : memref<160000xi32, #tpu.memory_space<hbm>> -> memref<128xi32, #tpu.memory_space<hbm>>
        tpu.wait_dma2 semaphore(%arg15 : memref<!tpu.dma_semaphore, #tpu.memory_space<semaphore_mem>>) src(%dma_wait3A_155 : memref<128xi32, #tpu.memory_space<hbm>>) dst(%dma_wait3A_154 : memref<128xi32, #tpu.memory_space<vmem>>)
        %dma_start3A_156 = arith.constant 1 : i32
        %dma_start3A_157 = arith.constant 1 : i32
        %dma_start3A_158 = arith.constant 0 : i32
        %dma_start3A_159 = arith.constant 0 : i32
        %dma_start3A_160 = tpu.memref_slice %arg11[%dma_start3A_156, %dma_start3A_158, %dma_start3A_159] : memref<2x128x128xf32, #tpu.memory_space<vmem>> -> memref<1x128x128xf32, #tpu.memory_space<vmem>>
        %dma_start3A_161 = tpu.memref_squeeze %dma_start3A_160 : memref<1x128x128xf32, #tpu.memory_space<vmem>> -> memref<128x128xf32, #tpu.memory_space<vmem>>
        %dma_start3A_162 = arith.constant 0 : i32
        %dma_start3A_163 = tpu.memref_slice %arg9[%dma_start3A_157, %dma_start3A_162] : memref<2x128xi32, #tpu.memory_space<vmem>> -> memref<1x128xi32, #tpu.memory_space<vmem>>
        %dma_start3A_164 = tpu.memref_squeeze %dma_start3A_163 : memref<1x128xi32, #tpu.memory_space<vmem>> -> memref<128xi32, #tpu.memory_space<vmem>>
        %dma_start3A_165 = arith.constant 0 : i32
        %dma_start3A_166 = arith.constant 0 : i32
        %dma_start3A_167 = tpu.memref_slice %arg13[%dma_start3A_165, %dma_start3A_166] : memref<10000x128xf32, #tpu.memory_space<vmem_shared>> -> memref<10000x128xf32, #tpu.memory_space<vmem_shared>>
        tpu.enqueue_indirect_dma source(%dma_start3A_161 : memref<128x128xf32, #tpu.memory_space<vmem>>) target(%dma_start3A_167 : memref<10000x128xf32, #tpu.memory_space<vmem_shared>>) offsets(%dma_start3A_164 : memref<128xi32, #tpu.memory_space<vmem>>) semaphore(%arg19 : memref<!tpu.dma_semaphore, #tpu.memory_space<semaphore_mem>>) {add = true}
        %ge3A_168 = arith.constant 1 : i32
        %ge3A_169 = arith.cmpi sge, %add3A_130, %ge3A_168 : i32
        %convert_element_type3A_170 = arith.extui %ge3A_169 : i1 to i32
        %cond3A_171 = arith.constant 0 : i32
        %cond3A_172 = arith.cmpi ne, %convert_element_type3A_170, %cond3A_171 : i32
        scf.if %cond3A_172 {
          %dma_wait3A_180 = arith.constant 0 : i32
          %dma_wait3A_181 = arith.constant 0 : i32
          %dma_wait3A_182 = arith.constant 0 : i32
          %dma_wait3A_183 = arith.constant 0 : i32
          %dma_wait3A_184 = tpu.memref_slice %arg11[%dma_wait3A_180, %dma_wait3A_182, %dma_wait3A_183] : memref<2x128x128xf32, #tpu.memory_space<vmem>> -> memref<1x128x128xf32, #tpu.memory_space<vmem>>
          %dma_wait3A_185 = tpu.memref_squeeze %dma_wait3A_184 : memref<1x128x128xf32, #tpu.memory_space<vmem>> -> memref<128x128xf32, #tpu.memory_space<vmem>>
          %dma_wait3A_186 = arith.constant 0 : i32
          %dma_wait3A_187 = tpu.memref_slice %arg9[%dma_wait3A_181, %dma_wait3A_186] : memref<2x128xi32, #tpu.memory_space<vmem>> -> memref<1x128xi32, #tpu.memory_space<vmem>>
          %dma_wait3A_188 = tpu.memref_squeeze %dma_wait3A_187 : memref<1x128xi32, #tpu.memory_space<vmem>> -> memref<128xi32, #tpu.memory_space<vmem>>
          %dma_wait3A_189 = arith.constant 0 : i32
          %dma_wait3A_190 = arith.constant 0 : i32
          %dma_wait3A_191 = tpu.memref_slice %arg13[%dma_wait3A_189, %dma_wait3A_190] : memref<10000x128xf32, #tpu.memory_space<vmem_shared>> -> memref<10000x128xf32, #tpu.memory_space<vmem_shared>>
          tpu.wait_indirect_dma semaphore(%arg18 : memref<!tpu.dma_semaphore, #tpu.memory_space<semaphore_mem>>) src(%dma_wait3A_185 : memref<128x128xf32, #tpu.memory_space<vmem>>) dst(%dma_wait3A_191 : memref<10000x128xf32, #tpu.memory_space<vmem_shared>>)
        } else {
        }
        %add3A_173 = arith.constant 1 : i32
        %add3A_174 = arith.addi %add3A_130, %add3A_173 : i32
        %lt3A_175 = arith.constant 78 : i32
        %lt3A_176 = arith.cmpi slt, %add3A_174, %lt3A_175 : i32
        %convert_element_type3A_177 = arith.extui %lt3A_176 : i1 to i32
        %cond3A_178 = arith.constant 0 : i32
        %cond3A_179 = arith.cmpi ne, %convert_element_type3A_177, %cond3A_178 : i32
        scf.if %cond3A_179 {
          %add3A_180 = arith.constant 1 : i32
          %add3A_181 = arith.addi %add3A_130, %add3A_180 : i32
          %mul3A_182 = arith.constant 128 : i32
          %mul3A_183 = arith.muli %add3A_181, %mul3A_182 : i32
          %dma_start3A_184 = arith.constant 0 : i32
          %dma_start3A_185 = arith.constant 0 : i32
          %dma_start3A_186 = arith.constant 0 : i32
          %dma_start3A_187 = tpu.memref_slice %arg11[%dma_start3A_184, %dma_start3A_185, %dma_start3A_186] : memref<2x128x128xf32, #tpu.memory_space<vmem>> -> memref<1x128x128xf32, #tpu.memory_space<vmem>>
          %dma_start3A_188 = tpu.memref_squeeze %dma_start3A_187 : memref<1x128x128xf32, #tpu.memory_space<vmem>> -> memref<128x128xf32, #tpu.memory_space<vmem>>
          %dma_start3A_189 = tpu.memref_slice %arg8[%mul3A_183] : memref<10000xi32, #tpu.memory_space<vmem>> -> memref<128xi32, #tpu.memory_space<vmem>>
          %dma_start3A_190 = arith.constant 0 : i32
          %dma_start3A_191 = arith.constant 0 : i32
          %dma_start3A_192 = tpu.memref_slice %arg4[%dma_start3A_190, %dma_start3A_191] : memref<10000x128xf32, #tpu.memory_space<hbm>> -> memref<10000x128xf32, #tpu.memory_space<hbm>>
          tpu.enqueue_indirect_dma source(%dma_start3A_192 : memref<10000x128xf32, #tpu.memory_space<hbm>>) target(%dma_start3A_188 : memref<128x128xf32, #tpu.memory_space<vmem>>) offsets(%dma_start3A_189 : memref<128xi32, #tpu.memory_space<vmem>>) semaphore(%arg16 : memref<!tpu.dma_semaphore, #tpu.memory_space<semaphore_mem>>)
          %add3A_193 = arith.constant 1 : i32
          %add3A_194 = arith.addi %add3A_130, %add3A_193 : i32
          %mul3A_195 = arith.constant 10000 : i32
          %mul3A_196 = arith.muli %arg1, %mul3A_195 : i32
          %mul3A_197 = arith.constant 128 : i32
          %mul3A_198 = arith.muli %add3A_194, %mul3A_197 : i32
          %add3A_199 = arith.addi %mul3A_196, %mul3A_198 : i32
          %dma_start3A_200 = arith.constant 0 : i32
          %dma_start3A_201 = arith.constant 0 : i32
          %dma_start3A_202 = tpu.memref_slice %arg9[%dma_start3A_200, %dma_start3A_201] : memref<2x128xi32, #tpu.memory_space<vmem>> -> memref<1x128xi32, #tpu.memory_space<vmem>>
          %dma_start3A_203 = tpu.memref_squeeze %dma_start3A_202 : memref<1x128xi32, #tpu.memory_space<vmem>> -> memref<128xi32, #tpu.memory_space<vmem>>
          %dma_start3A_204 = tpu.memref_slice %arg3[%add3A_199] : memref<160000xi32, #tpu.memory_space<hbm>> -> memref<128xi32, #tpu.memory_space<hbm>>
          %dma_start3A_205 = arith.constant 0 : i32
          %dma_start3A_206 = tpu.memref_slice %arg9[%dma_start3A_200, %dma_start3A_205] : memref<2x128xi32, #tpu.memory_space<vmem>> -> memref<1x128xi32, #tpu.memory_space<vmem>>
          %dma_start3A_207 = tpu.memref_squeeze %dma_start3A_206 : memref<1x128xi32, #tpu.memory_space<vmem>> -> memref<128xi32, #tpu.memory_space<vmem>>
          %dma_start3A_208 = tpu.memref_slice %arg3[%add3A_199] : memref<160000xi32, #tpu.memory_space<hbm>> -> memref<128xi32, #tpu.memory_space<hbm>>
          tpu.enqueue_dma source(%dma_start3A_208 : memref<128xi32, #tpu.memory_space<hbm>>) target(%dma_start3A_207 : memref<128xi32, #tpu.memory_space<vmem>>) target_semaphore(%arg14 : memref<!tpu.dma_semaphore, #tpu.memory_space<semaphore_mem>>)
        } else {
        }
      }
      %scan3A_40 = arith.constant 39 : i32
      %dma_wait3A = arith.constant 1 : i32
      %dma_wait3A_41 = arith.constant 1 : i32
      %dma_wait3A_42 = arith.constant 0 : i32
      %dma_wait3A_43 = arith.constant 0 : i32
      %dma_wait3A_44 = tpu.memref_slice %arg11[%dma_wait3A, %dma_wait3A_42, %dma_wait3A_43] : memref<2x128x128xf32, #tpu.memory_space<vmem>> -> memref<1x128x128xf32, #tpu.memory_space<vmem>>
      %dma_wait3A_45 = tpu.memref_squeeze %dma_wait3A_44 : memref<1x128x128xf32, #tpu.memory_space<vmem>> -> memref<128x128xf32, #tpu.memory_space<vmem>>
      %dma_wait3A_46 = arith.constant 0 : i32
      %dma_wait3A_47 = tpu.memref_slice %arg9[%dma_wait3A_41, %dma_wait3A_46] : memref<2x128xi32, #tpu.memory_space<vmem>> -> memref<1x128xi32, #tpu.memory_space<vmem>>
      %dma_wait3A_48 = tpu.memref_squeeze %dma_wait3A_47 : memref<1x128xi32, #tpu.memory_space<vmem>> -> memref<128xi32, #tpu.memory_space<vmem>>
      %dma_wait3A_49 = arith.constant 0 : i32
      %dma_wait3A_50 = arith.constant 0 : i32
      %dma_wait3A_51 = tpu.memref_slice %arg13[%dma_wait3A_49, %dma_wait3A_50] : memref<10000x128xf32, #tpu.memory_space<vmem_shared>> -> memref<10000x128xf32, #tpu.memory_space<vmem_shared>>
      tpu.wait_indirect_dma semaphore(%arg19 : memref<!tpu.dma_semaphore, #tpu.memory_space<semaphore_mem>>) src(%dma_wait3A_45 : memref<128x128xf32, #tpu.memory_space<vmem>>) dst(%dma_wait3A_51 : memref<10000x128xf32, #tpu.memory_space<vmem_shared>>)
      %mul3A_52 = arith.constant 10000 : i32
      %mul3A_53 = arith.muli %arg1, %mul3A_52 : i32
      %add3A_54 = arith.constant 9984 : i32
      %add3A_55 = arith.addi %mul3A_53, %add3A_54 : i32
      %run_scoped3A = arith.constant 0 : i32
      "tpu.region"() ({
        %run_scoped3A_75 = tpu.sem_alloc : memref<!tpu.dma_semaphore, #tpu.memory_space<semaphore_mem>>
        %dma_start3A_76 = arith.constant 0 : i32
        %dma_start3A_77 = tpu.memref_slice %arg10[%run_scoped3A, %dma_start3A_76] : memref<1x16xi32, #tpu.memory_space<vmem>> -> memref<1x16xi32, #tpu.memory_space<vmem>>
        %dma_start3A_78 = tpu.memref_squeeze %dma_start3A_77 : memref<1x16xi32, #tpu.memory_space<vmem>> -> memref<16xi32, #tpu.memory_space<vmem>>
        %dma_start3A_79 = tpu.memref_slice %arg3[%add3A_55] : memref<160000xi32, #tpu.memory_space<hbm>> -> memref<16xi32, #tpu.memory_space<hbm>>
        %dma_start3A_80 = arith.constant 0 : i32
        %dma_start3A_81 = tpu.memref_slice %arg10[%run_scoped3A, %dma_start3A_80] : memref<1x16xi32, #tpu.memory_space<vmem>> -> memref<1x16xi32, #tpu.memory_space<vmem>>
        %dma_start3A_82 = tpu.memref_squeeze %dma_start3A_81 : memref<1x16xi32, #tpu.memory_space<vmem>> -> memref<16xi32, #tpu.memory_space<vmem>>
        %dma_start3A_83 = tpu.memref_slice %arg3[%add3A_55] : memref<160000xi32, #tpu.memory_space<hbm>> -> memref<16xi32, #tpu.memory_space<hbm>>
        tpu.enqueue_dma source(%dma_start3A_83 : memref<16xi32, #tpu.memory_space<hbm>>) target(%dma_start3A_82 : memref<16xi32, #tpu.memory_space<vmem>>) target_semaphore(%run_scoped3A_75 : memref<!tpu.dma_semaphore, #tpu.memory_space<semaphore_mem>>)
        %dma_wait3A_84 = arith.constant 0 : i32
        %dma_wait3A_85 = tpu.memref_slice %arg10[%run_scoped3A, %dma_wait3A_84] : memref<1x16xi32, #tpu.memory_space<vmem>> -> memref<1x16xi32, #tpu.memory_space<vmem>>
        %dma_wait3A_86 = tpu.memref_squeeze %dma_wait3A_85 : memref<1x16xi32, #tpu.memory_space<vmem>> -> memref<16xi32, #tpu.memory_space<vmem>>
        %dma_wait3A_87 = tpu.memref_slice %arg3[%add3A_55] : memref<160000xi32, #tpu.memory_space<hbm>> -> memref<16xi32, #tpu.memory_space<hbm>>
        %dma_wait3A_88 = arith.constant 0 : i32
        %dma_wait3A_89 = tpu.memref_slice %arg10[%run_scoped3A, %dma_wait3A_88] : memref<1x16xi32, #tpu.memory_space<vmem>> -> memref<1x16xi32, #tpu.memory_space<vmem>>
        %dma_wait3A_90 = tpu.memref_squeeze %dma_wait3A_89 : memref<1x16xi32, #tpu.memory_space<vmem>> -> memref<16xi32, #tpu.memory_space<vmem>>
        %dma_wait3A_91 = tpu.memref_slice %arg3[%add3A_55] : memref<160000xi32, #tpu.memory_space<hbm>> -> memref<16xi32, #tpu.memory_space<hbm>>
        tpu.wait_dma2 semaphore(%run_scoped3A_75 : memref<!tpu.dma_semaphore, #tpu.memory_space<semaphore_mem>>) src(%dma_wait3A_91 : memref<16xi32, #tpu.memory_space<hbm>>) dst(%dma_wait3A_90 : memref<16xi32, #tpu.memory_space<vmem>>)
        tpu.yield
      }) : () -> ()
      %dma_start3A_56 = arith.constant 9984 : i32
      %dma_start3A_57 = tpu.memref_slice %arg8[%dma_start3A_56] : memref<10000xi32, #tpu.memory_space<vmem>> -> memref<16xi32, #tpu.memory_space<vmem>>
      %dma_start3A_58 = arith.constant 0 : i32
      %dma_start3A_59 = arith.constant 0 : i32
      %dma_start3A_60 = tpu.memref_slice %arg4[%dma_start3A_58, %dma_start3A_59] : memref<10000x128xf32, #tpu.memory_space<hbm>> -> memref<10000x128xf32, #tpu.memory_space<hbm>>
      tpu.enqueue_indirect_dma source(%dma_start3A_60 : memref<10000x128xf32, #tpu.memory_space<hbm>>) target(%arg12 : memref<16x128xf32, #tpu.memory_space<vmem>>) offsets(%dma_start3A_57 : memref<16xi32, #tpu.memory_space<vmem>>) semaphore(%arg16 : memref<!tpu.dma_semaphore, #tpu.memory_space<semaphore_mem>>)
      %dma_wait3A_61 = arith.constant 9984 : i32
      %dma_wait3A_62 = tpu.memref_slice %arg8[%dma_wait3A_61] : memref<10000xi32, #tpu.memory_space<vmem>> -> memref<16xi32, #tpu.memory_space<vmem>>
      %dma_wait3A_63 = arith.constant 0 : i32
      %dma_wait3A_64 = arith.constant 0 : i32
      %dma_wait3A_65 = tpu.memref_slice %arg4[%dma_wait3A_63, %dma_wait3A_64] : memref<10000x128xf32, #tpu.memory_space<hbm>> -> memref<10000x128xf32, #tpu.memory_space<hbm>>
      tpu.wait_indirect_dma semaphore(%arg16 : memref<!tpu.dma_semaphore, #tpu.memory_space<semaphore_mem>>) src(%dma_wait3A_65 : memref<10000x128xf32, #tpu.memory_space<hbm>>) dst(%arg12 : memref<16x128xf32, #tpu.memory_space<vmem>>)
      %run_scoped3A_66 = arith.constant 0 : i32
      "tpu.region"() ({
        %run_scoped3A_75 = tpu.sem_alloc : memref<!tpu.dma_semaphore, #tpu.memory_space<semaphore_mem>>
        %dma_start3A_76 = arith.constant 0 : i32
        %dma_start3A_77 = tpu.memref_slice %arg10[%run_scoped3A_66, %dma_start3A_76] : memref<1x16xi32, #tpu.memory_space<vmem>> -> memref<1x16xi32, #tpu.memory_space<vmem>>
        %dma_start3A_78 = tpu.memref_squeeze %dma_start3A_77 : memref<1x16xi32, #tpu.memory_space<vmem>> -> memref<16xi32, #tpu.memory_space<vmem>>
        %dma_start3A_79 = arith.constant 0 : i32
        %dma_start3A_80 = arith.constant 0 : i32
        %dma_start3A_81 = tpu.memref_slice %arg13[%dma_start3A_79, %dma_start3A_80] : memref<10000x128xf32, #tpu.memory_space<vmem_shared>> -> memref<10000x128xf32, #tpu.memory_space<vmem_shared>>
        tpu.enqueue_indirect_dma source(%arg12 : memref<16x128xf32, #tpu.memory_space<vmem>>) target(%dma_start3A_81 : memref<10000x128xf32, #tpu.memory_space<vmem_shared>>) offsets(%dma_start3A_78 : memref<16xi32, #tpu.memory_space<vmem>>) semaphore(%run_scoped3A_75 : memref<!tpu.dma_semaphore, #tpu.memory_space<semaphore_mem>>) {add = true}
        %dma_wait3A_82 = arith.constant 0 : i32
        %dma_wait3A_83 = tpu.memref_slice %arg10[%run_scoped3A_66, %dma_wait3A_82] : memref<1x16xi32, #tpu.memory_space<vmem>> -> memref<1x16xi32, #tpu.memory_space<vmem>>
        %dma_wait3A_84 = tpu.memref_squeeze %dma_wait3A_83 : memref<1x16xi32, #tpu.memory_space<vmem>> -> memref<16xi32, #tpu.memory_space<vmem>>
        %dma_wait3A_85 = arith.constant 0 : i32
        %dma_wait3A_86 = arith.constant 0 : i32
        %dma_wait3A_87 = tpu.memref_slice %arg13[%dma_wait3A_85, %dma_wait3A_86] : memref<10000x128xf32, #tpu.memory_space<vmem_shared>> -> memref<10000x128xf32, #tpu.memory_space<vmem_shared>>
        tpu.wait_indirect_dma semaphore(%run_scoped3A_75 : memref<!tpu.dma_semaphore, #tpu.memory_space<semaphore_mem>>) src(%arg12 : memref<16x128xf32, #tpu.memory_space<vmem>>) dst(%dma_wait3A_87 : memref<10000x128xf32, #tpu.memory_space<vmem_shared>>)
        tpu.yield
      }) : () -> ()
      %barrier3A_67 = arith.constant 0 : index
      tpu.barrier barrier_id(%barrier3A_67)
      %mul3A_68 = arith.constant 624 : i32
      %mul3A_69 = arith.muli %arg1, %mul3A_68 : i32
      "tpu.region"() ({
        %run_scoped3A_75 = tpu.sem_alloc : memref<!tpu.dma_semaphore, #tpu.memory_space<semaphore_mem>>
        %dma_start3A_76 = arith.constant 0 : i32
        %dma_start3A_77 = tpu.memref_slice %arg6[%mul3A_69, %dma_start3A_76] : memref<10000x128xf32, #tpu.memory_space<hbm>> -> memref<624x128xf32, #tpu.memory_space<hbm>>
        %dma_start3A_78 = arith.constant 0 : i32
        %dma_start3A_79 = tpu.memref_slice %arg13[%mul3A_69, %dma_start3A_78] : memref<10000x128xf32, #tpu.memory_space<vmem_shared>> -> memref<624x128xf32, #tpu.memory_space<vmem_shared>>
        tpu.enqueue_dma source(%dma_start3A_79 : memref<624x128xf32, #tpu.memory_space<vmem_shared>>) target(%dma_start3A_77 : memref<624x128xf32, #tpu.memory_space<hbm>>) target_semaphore(%run_scoped3A_75 : memref<!tpu.dma_semaphore, #tpu.memory_space<semaphore_mem>>)
        %dma_wait3A_80 = arith.constant 0 : i32
        %dma_wait3A_81 = tpu.memref_slice %arg6[%mul3A_69, %dma_wait3A_80] : memref<10000x128xf32, #tpu.memory_space<hbm>> -> memref<624x128xf32, #tpu.memory_space<hbm>>
        %dma_wait3A_82 = arith.constant 0 : i32
        %dma_wait3A_83 = tpu.memref_slice %arg13[%mul3A_69, %dma_wait3A_82] : memref<10000x128xf32, #tpu.memory_space<vmem_shared>> -> memref<624x128xf32, #tpu.memory_space<vmem_shared>>
        tpu.wait_dma2 semaphore(%run_scoped3A_75 : memref<!tpu.dma_semaphore, #tpu.memory_space<semaphore_mem>>) src(%dma_wait3A_83 : memref<624x128xf32, #tpu.memory_space<vmem_shared>>) dst(%dma_wait3A_81 : memref<624x128xf32, #tpu.memory_space<hbm>>)
        tpu.yield
      }) : () -> ()
      %eq3A_70 = arith.constant 15 : i32
      %eq3A_71 = arith.cmpi eq, %arg1, %eq3A_70 : i32
      %convert_element_type3A_72 = arith.extui %eq3A_71 : i1 to i32
      %cond3A_73 = arith.constant 0 : i32
      %cond3A_74 = arith.cmpi ne, %convert_element_type3A_72, %cond3A_73 : i32
      scf.if %cond3A_74 {
        "tpu.region"() ({
          %run_scoped3A_75 = tpu.sem_alloc : memref<!tpu.dma_semaphore, #tpu.memory_space<semaphore_mem>>
          %dma_start3A_76 = arith.constant 9984 : i32
          %dma_start3A_77 = arith.constant 0 : i32
          %dma_start3A_78 = tpu.memref_slice %arg6[%dma_start3A_76, %dma_start3A_77] : memref<10000x128xf32, #tpu.memory_space<hbm>> -> memref<16x128xf32, #tpu.memory_space<hbm>>
          %dma_start3A_79 = arith.constant 9984 : i32
          %dma_start3A_80 = arith.constant 0 : i32
          %dma_start3A_81 = tpu.memref_slice %arg13[%dma_start3A_79, %dma_start3A_80] : memref<10000x128xf32, #tpu.memory_space<vmem_shared>> -> memref<16x128xf32, #tpu.memory_space<vmem_shared>>
          tpu.enqueue_dma source(%dma_start3A_81 : memref<16x128xf32, #tpu.memory_space<vmem_shared>>) target(%dma_start3A_78 : memref<16x128xf32, #tpu.memory_space<hbm>>) target_semaphore(%run_scoped3A_75 : memref<!tpu.dma_semaphore, #tpu.memory_space<semaphore_mem>>)
          %dma_wait3A_82 = arith.constant 9984 : i32
          %dma_wait3A_83 = arith.constant 0 : i32
          %dma_wait3A_84 = tpu.memref_slice %arg6[%dma_wait3A_82, %dma_wait3A_83] : memref<10000x128xf32, #tpu.memory_space<hbm>> -> memref<16x128xf32, #tpu.memory_space<hbm>>
          %dma_wait3A_85 = arith.constant 9984 : i32
          %dma_wait3A_86 = arith.constant 0 : i32
          %dma_wait3A_87 = tpu.memref_slice %arg13[%dma_wait3A_85, %dma_wait3A_86] : memref<10000x128xf32, #tpu.memory_space<vmem_shared>> -> memref<16x128xf32, #tpu.memory_space<vmem_shared>>
          tpu.wait_dma2 semaphore(%run_scoped3A_75 : memref<!tpu.dma_semaphore, #tpu.memory_space<semaphore_mem>>) src(%dma_wait3A_87 : memref<16x128xf32, #tpu.memory_space<vmem_shared>>) dst(%dma_wait3A_84 : memref<16x128xf32, #tpu.memory_space<hbm>>)
          tpu.yield
        }) : () -> ()
      } else {
      }
    } else {
    }
    %eq3A_2 = arith.constant 1 : i32
    %eq3A_3 = arith.cmpi eq, %arg0, %eq3A_2 : i32
    %convert_element_type3A_4 = arith.extui %eq3A_3 : i1 to i32
    %cond3A_5 = arith.constant 0 : i32
    %cond3A_6 = arith.cmpi ne, %convert_element_type3A_4, %cond3A_5 : i32
    scf.if %cond3A_6 {
      %mul3A = arith.constant 10000 : i32
      %mul3A_7 = arith.muli %arg1, %mul3A : i32
      "tpu.region"() ({
        %run_scoped3A_75 = tpu.sem_alloc : memref<!tpu.dma_semaphore, #tpu.memory_space<semaphore_mem>>
        %dma_start3A_76 = tpu.memref_slice %arg2[%mul3A_7] : memref<160000xi32, #tpu.memory_space<hbm>> -> memref<10000xi32, #tpu.memory_space<hbm>>
        %dma_start3A_77 = tpu.memref_slice %arg2[%mul3A_7] : memref<160000xi32, #tpu.memory_space<hbm>> -> memref<10000xi32, #tpu.memory_space<hbm>>
        tpu.enqueue_dma source(%dma_start3A_77 : memref<10000xi32, #tpu.memory_space<hbm>>) target(%arg8 : memref<10000xi32, #tpu.memory_space<vmem>>) target_semaphore(%run_scoped3A_75 : memref<!tpu.dma_semaphore, #tpu.memory_space<semaphore_mem>>)
        %dma_wait3A_78 = tpu.memref_slice %arg2[%mul3A_7] : memref<160000xi32, #tpu.memory_space<hbm>> -> memref<10000xi32, #tpu.memory_space<hbm>>
        %dma_wait3A_79 = tpu.memref_slice %arg2[%mul3A_7] : memref<160000xi32, #tpu.memory_space<hbm>> -> memref<10000xi32, #tpu.memory_space<hbm>>
        tpu.wait_dma2 semaphore(%run_scoped3A_75 : memref<!tpu.dma_semaphore, #tpu.memory_space<semaphore_mem>>) src(%dma_wait3A_79 : memref<10000xi32, #tpu.memory_space<hbm>>) dst(%arg8 : memref<10000xi32, #tpu.memory_space<vmem>>)
        tpu.yield
      }) : () -> ()
      %mul3A_8 = arith.constant 624 : i32
      %mul3A_9 = arith.muli %arg1, %mul3A_8 : i32
      "tpu.region"() ({
        %run_scoped3A_75 = tpu.sem_alloc : memref<!tpu.dma_semaphore, #tpu.memory_space<semaphore_mem>>
        %dma_start3A_76 = arith.constant 0 : i32
        %dma_start3A_77 = tpu.memref_slice %arg13[%mul3A_9, %dma_start3A_76] : memref<10000x128xf32, #tpu.memory_space<vmem_shared>> -> memref<624x128xf32, #tpu.memory_space<vmem_shared>>
        %dma_start3A_78 = arith.constant 0 : i32
        %dma_start3A_79 = tpu.memref_slice %arg5[%mul3A_9, %dma_start3A_78] : memref<10000x128xf32, #tpu.memory_space<hbm>> -> memref<624x128xf32, #tpu.memory_space<hbm>>
        tpu.enqueue_dma source(%dma_start3A_79 : memref<624x128xf32, #tpu.memory_space<hbm>>) target(%dma_start3A_77 : memref<624x128xf32, #tpu.memory_space<vmem_shared>>) target_semaphore(%run_scoped3A_75 : memref<!tpu.dma_semaphore, #tpu.memory_space<semaphore_mem>>)
        %dma_wait3A_80 = arith.constant 0 : i32
        %dma_wait3A_81 = tpu.memref_slice %arg13[%mul3A_9, %dma_wait3A_80] : memref<10000x128xf32, #tpu.memory_space<vmem_shared>> -> memref<624x128xf32, #tpu.memory_space<vmem_shared>>
        %dma_wait3A_82 = arith.constant 0 : i32
        %dma_wait3A_83 = tpu.memref_slice %arg5[%mul3A_9, %dma_wait3A_82] : memref<10000x128xf32, #tpu.memory_space<hbm>> -> memref<624x128xf32, #tpu.memory_space<hbm>>
        tpu.wait_dma2 semaphore(%run_scoped3A_75 : memref<!tpu.dma_semaphore, #tpu.memory_space<semaphore_mem>>) src(%dma_wait3A_83 : memref<624x128xf32, #tpu.memory_space<hbm>>) dst(%dma_wait3A_81 : memref<624x128xf32, #tpu.memory_space<vmem_shared>>)
        tpu.yield
      }) : () -> ()
      %eq3A_10 = arith.constant 15 : i32
      %eq3A_11 = arith.cmpi eq, %arg1, %eq3A_10 : i32
      %convert_element_type3A_12 = arith.extui %eq3A_11 : i1 to i32
      %cond3A_13 = arith.constant 0 : i32
      %cond3A_14 = arith.cmpi ne, %convert_element_type3A_12, %cond3A_13 : i32
      scf.if %cond3A_14 {
        "tpu.region"() ({
          %run_scoped3A_75 = tpu.sem_alloc : memref<!tpu.dma_semaphore, #tpu.memory_space<semaphore_mem>>
          %dma_start3A_76 = arith.constant 9984 : i32
          %dma_start3A_77 = arith.constant 0 : i32
          %dma_start3A_78 = tpu.memref_slice %arg13[%dma_start3A_76, %dma_start3A_77] : memref<10000x128xf32, #tpu.memory_space<vmem_shared>> -> memref<16x128xf32, #tpu.memory_space<vmem_shared>>
          %dma_start3A_79 = arith.constant 9984 : i32
          %dma_start3A_80 = arith.constant 0 : i32
          %dma_start3A_81 = tpu.memref_slice %arg5[%dma_start3A_79, %dma_start3A_80] : memref<10000x128xf32, #tpu.memory_space<hbm>> -> memref<16x128xf32, #tpu.memory_space<hbm>>
          tpu.enqueue_dma source(%dma_start3A_81 : memref<16x128xf32, #tpu.memory_space<hbm>>) target(%dma_start3A_78 : memref<16x128xf32, #tpu.memory_space<vmem_shared>>) target_semaphore(%run_scoped3A_75 : memref<!tpu.dma_semaphore, #tpu.memory_space<semaphore_mem>>)
          %dma_wait3A_82 = arith.constant 9984 : i32
          %dma_wait3A_83 = arith.constant 0 : i32
          %dma_wait3A_84 = tpu.memref_slice %arg13[%dma_wait3A_82, %dma_wait3A_83] : memref<10000x128xf32, #tpu.memory_space<vmem_shared>> -> memref<16x128xf32, #tpu.memory_space<vmem_shared>>
          %dma_wait3A_85 = arith.constant 9984 : i32
          %dma_wait3A_86 = arith.constant 0 : i32
          %dma_wait3A_87 = tpu.memref_slice %arg5[%dma_wait3A_85, %dma_wait3A_86] : memref<10000x128xf32, #tpu.memory_space<hbm>> -> memref<16x128xf32, #tpu.memory_space<hbm>>
          tpu.wait_dma2 semaphore(%run_scoped3A_75 : memref<!tpu.dma_semaphore, #tpu.memory_space<semaphore_mem>>) src(%dma_wait3A_87 : memref<16x128xf32, #tpu.memory_space<hbm>>) dst(%dma_wait3A_84 : memref<16x128xf32, #tpu.memory_space<vmem_shared>>)
          tpu.yield
        }) : () -> ()
      } else {
      }
      %dma_start3A = arith.constant 0 : i32
      %dma_start3A_15 = arith.constant 0 : i32
      %dma_start3A_16 = arith.constant 0 : i32
      %dma_start3A_17 = tpu.memref_slice %arg11[%dma_start3A, %dma_start3A_15, %dma_start3A_16] : memref<2x128x128xf32, #tpu.memory_space<vmem>> -> memref<1x128x128xf32, #tpu.memory_space<vmem>>
      %dma_start3A_18 = tpu.memref_squeeze %dma_start3A_17 : memref<1x128x128xf32, #tpu.memory_space<vmem>> -> memref<128x128xf32, #tpu.memory_space<vmem>>
      %dma_start3A_19 = arith.constant 0 : i32
      %dma_start3A_20 = tpu.memref_slice %arg8[%dma_start3A_19] : memref<10000xi32, #tpu.memory_space<vmem>> -> memref<128xi32, #tpu.memory_space<vmem>>
      %dma_start3A_21 = arith.constant 0 : i32
      %dma_start3A_22 = arith.constant 0 : i32
      %dma_start3A_23 = tpu.memref_slice %arg5[%dma_start3A_21, %dma_start3A_22] : memref<10000x128xf32, #tpu.memory_space<hbm>> -> memref<10000x128xf32, #tpu.memory_space<hbm>>
      tpu.enqueue_indirect_dma source(%dma_start3A_23 : memref<10000x128xf32, #tpu.memory_space<hbm>>) target(%dma_start3A_18 : memref<128x128xf32, #tpu.memory_space<vmem>>) offsets(%dma_start3A_20 : memref<128xi32, #tpu.memory_space<vmem>>) semaphore(%arg16 : memref<!tpu.dma_semaphore, #tpu.memory_space<semaphore_mem>>)
      %mul3A_24 = arith.constant 10000 : i32
      %mul3A_25 = arith.muli %arg1, %mul3A_24 : i32
      %add3A = arith.constant 0 : i32
      %add3A_26 = arith.addi %mul3A_25, %add3A : i32
      %dma_start3A_27 = arith.constant 0 : i32
      %dma_start3A_28 = arith.constant 0 : i32
      %dma_start3A_29 = tpu.memref_slice %arg9[%dma_start3A_27, %dma_start3A_28] : memref<2x128xi32, #tpu.memory_space<vmem>> -> memref<1x128xi32, #tpu.memory_space<vmem>>
      %dma_start3A_30 = tpu.memref_squeeze %dma_start3A_29 : memref<1x128xi32, #tpu.memory_space<vmem>> -> memref<128xi32, #tpu.memory_space<vmem>>
      %dma_start3A_31 = tpu.memref_slice %arg3[%add3A_26] : memref<160000xi32, #tpu.memory_space<hbm>> -> memref<128xi32, #tpu.memory_space<hbm>>
      %dma_start3A_32 = arith.constant 0 : i32
      %dma_start3A_33 = tpu.memref_slice %arg9[%dma_start3A_27, %dma_start3A_32] : memref<2x128xi32, #tpu.memory_space<vmem>> -> memref<1x128xi32, #tpu.memory_space<vmem>>
      %dma_start3A_34 = tpu.memref_squeeze %dma_start3A_33 : memref<1x128xi32, #tpu.memory_space<vmem>> -> memref<128xi32, #tpu.memory_space<vmem>>
      %dma_start3A_35 = tpu.memref_slice %arg3[%add3A_26] : memref<160000xi32, #tpu.memory_space<hbm>> -> memref<128xi32, #tpu.memory_space<hbm>>
      tpu.enqueue_dma source(%dma_start3A_35 : memref<128xi32, #tpu.memory_space<hbm>>) target(%dma_start3A_34 : memref<128xi32, #tpu.memory_space<vmem>>) target_semaphore(%arg14 : memref<!tpu.dma_semaphore, #tpu.memory_space<semaphore_mem>>)
      %barrier3A = arith.constant 0 : index
      tpu.barrier barrier_id(%barrier3A)
      %scan3A = arith.constant 0 : i32
      %scan3A_36 = arith.constant 0 : i32
      %scan3A_37 = arith.constant 39 : i32
      %scan3A_38 = arith.addi %scan3A_36, %scan3A_37 : i32
      %scan3A_39 = arith.constant 1 : i32
      scf.for %scan3A_75 = %scan3A_36 to %scan3A_38 step %scan3A_39  : i32 {
        %mul3A_76 = arith.constant 2 : i32
        %mul3A_77 = arith.muli %mul3A_76, %scan3A_75 : i32
        %add3A_78 = arith.constant 0 : i32
        %add3A_79 = arith.addi %mul3A_77, %add3A_78 : i32
        %mul3A_80 = arith.constant 128 : i32
        %mul3A_81 = arith.muli %add3A_79, %mul3A_80 : i32
        %dma_wait3A_82 = arith.constant 0 : i32
        %dma_wait3A_83 = arith.constant 0 : i32
        %dma_wait3A_84 = arith.constant 0 : i32
        %dma_wait3A_85 = tpu.memref_slice %arg11[%dma_wait3A_82, %dma_wait3A_83, %dma_wait3A_84] : memref<2x128x128xf32, #tpu.memory_space<vmem>> -> memref<1x128x128xf32, #tpu.memory_space<vmem>>
        %dma_wait3A_86 = tpu.memref_squeeze %dma_wait3A_85 : memref<1x128x128xf32, #tpu.memory_space<vmem>> -> memref<128x128xf32, #tpu.memory_space<vmem>>
        %dma_wait3A_87 = tpu.memref_slice %arg8[%mul3A_81] : memref<10000xi32, #tpu.memory_space<vmem>> -> memref<128xi32, #tpu.memory_space<vmem>>
        %dma_wait3A_88 = arith.constant 0 : i32
        %dma_wait3A_89 = arith.constant 0 : i32
        %dma_wait3A_90 = tpu.memref_slice %arg5[%dma_wait3A_88, %dma_wait3A_89] : memref<10000x128xf32, #tpu.memory_space<hbm>> -> memref<10000x128xf32, #tpu.memory_space<hbm>>
        tpu.wait_indirect_dma semaphore(%arg16 : memref<!tpu.dma_semaphore, #tpu.memory_space<semaphore_mem>>) src(%dma_wait3A_90 : memref<10000x128xf32, #tpu.memory_space<hbm>>) dst(%dma_wait3A_86 : memref<128x128xf32, #tpu.memory_space<vmem>>)
        %mul3A_91 = arith.constant 10000 : i32
        %mul3A_92 = arith.muli %arg1, %mul3A_91 : i32
        %mul3A_93 = arith.constant 128 : i32
        %mul3A_94 = arith.muli %add3A_79, %mul3A_93 : i32
        %add3A_95 = arith.addi %mul3A_92, %mul3A_94 : i32
        %dma_wait3A_96 = arith.constant 0 : i32
        %dma_wait3A_97 = arith.constant 0 : i32
        %dma_wait3A_98 = tpu.memref_slice %arg9[%dma_wait3A_96, %dma_wait3A_97] : memref<2x128xi32, #tpu.memory_space<vmem>> -> memref<1x128xi32, #tpu.memory_space<vmem>>
        %dma_wait3A_99 = tpu.memref_squeeze %dma_wait3A_98 : memref<1x128xi32, #tpu.memory_space<vmem>> -> memref<128xi32, #tpu.memory_space<vmem>>
        %dma_wait3A_100 = tpu.memref_slice %arg3[%add3A_95] : memref<160000xi32, #tpu.memory_space<hbm>> -> memref<128xi32, #tpu.memory_space<hbm>>
        %dma_wait3A_101 = arith.constant 0 : i32
        %dma_wait3A_102 = tpu.memref_slice %arg9[%dma_wait3A_96, %dma_wait3A_101] : memref<2x128xi32, #tpu.memory_space<vmem>> -> memref<1x128xi32, #tpu.memory_space<vmem>>
        %dma_wait3A_103 = tpu.memref_squeeze %dma_wait3A_102 : memref<1x128xi32, #tpu.memory_space<vmem>> -> memref<128xi32, #tpu.memory_space<vmem>>
        %dma_wait3A_104 = tpu.memref_slice %arg3[%add3A_95] : memref<160000xi32, #tpu.memory_space<hbm>> -> memref<128xi32, #tpu.memory_space<hbm>>
        tpu.wait_dma2 semaphore(%arg14 : memref<!tpu.dma_semaphore, #tpu.memory_space<semaphore_mem>>) src(%dma_wait3A_104 : memref<128xi32, #tpu.memory_space<hbm>>) dst(%dma_wait3A_103 : memref<128xi32, #tpu.memory_space<vmem>>)
        %dma_start3A_105 = arith.constant 0 : i32
        %dma_start3A_106 = arith.constant 0 : i32
        %dma_start3A_107 = arith.constant 0 : i32
        %dma_start3A_108 = arith.constant 0 : i32
        %dma_start3A_109 = tpu.memref_slice %arg11[%dma_start3A_105, %dma_start3A_107, %dma_start3A_108] : memref<2x128x128xf32, #tpu.memory_space<vmem>> -> memref<1x128x128xf32, #tpu.memory_space<vmem>>
        %dma_start3A_110 = tpu.memref_squeeze %dma_start3A_109 : memref<1x128x128xf32, #tpu.memory_space<vmem>> -> memref<128x128xf32, #tpu.memory_space<vmem>>
        %dma_start3A_111 = arith.constant 0 : i32
        %dma_start3A_112 = tpu.memref_slice %arg9[%dma_start3A_106, %dma_start3A_111] : memref<2x128xi32, #tpu.memory_space<vmem>> -> memref<1x128xi32, #tpu.memory_space<vmem>>
        %dma_start3A_113 = tpu.memref_squeeze %dma_start3A_112 : memref<1x128xi32, #tpu.memory_space<vmem>> -> memref<128xi32, #tpu.memory_space<vmem>>
        %dma_start3A_114 = arith.constant 0 : i32
        %dma_start3A_115 = arith.constant 0 : i32
        %dma_start3A_116 = tpu.memref_slice %arg13[%dma_start3A_114, %dma_start3A_115] : memref<10000x128xf32, #tpu.memory_space<vmem_shared>> -> memref<10000x128xf32, #tpu.memory_space<vmem_shared>>
        tpu.enqueue_indirect_dma source(%dma_start3A_110 : memref<128x128xf32, #tpu.memory_space<vmem>>) target(%dma_start3A_116 : memref<10000x128xf32, #tpu.memory_space<vmem_shared>>) offsets(%dma_start3A_113 : memref<128xi32, #tpu.memory_space<vmem>>) semaphore(%arg18 : memref<!tpu.dma_semaphore, #tpu.memory_space<semaphore_mem>>) {add = true}
        %ge3A = arith.constant 1 : i32
        %ge3A_117 = arith.cmpi sge, %add3A_79, %ge3A : i32
        %convert_element_type3A_118 = arith.extui %ge3A_117 : i1 to i32
        %cond3A_119 = arith.constant 0 : i32
        %cond3A_120 = arith.cmpi ne, %convert_element_type3A_118, %cond3A_119 : i32
        scf.if %cond3A_120 {
          %dma_wait3A_180 = arith.constant 1 : i32
          %dma_wait3A_181 = arith.constant 1 : i32
          %dma_wait3A_182 = arith.constant 0 : i32
          %dma_wait3A_183 = arith.constant 0 : i32
          %dma_wait3A_184 = tpu.memref_slice %arg11[%dma_wait3A_180, %dma_wait3A_182, %dma_wait3A_183] : memref<2x128x128xf32, #tpu.memory_space<vmem>> -> memref<1x128x128xf32, #tpu.memory_space<vmem>>
          %dma_wait3A_185 = tpu.memref_squeeze %dma_wait3A_184 : memref<1x128x128xf32, #tpu.memory_space<vmem>> -> memref<128x128xf32, #tpu.memory_space<vmem>>
          %dma_wait3A_186 = arith.constant 0 : i32
          %dma_wait3A_187 = tpu.memref_slice %arg9[%dma_wait3A_181, %dma_wait3A_186] : memref<2x128xi32, #tpu.memory_space<vmem>> -> memref<1x128xi32, #tpu.memory_space<vmem>>
          %dma_wait3A_188 = tpu.memref_squeeze %dma_wait3A_187 : memref<1x128xi32, #tpu.memory_space<vmem>> -> memref<128xi32, #tpu.memory_space<vmem>>
          %dma_wait3A_189 = arith.constant 0 : i32
          %dma_wait3A_190 = arith.constant 0 : i32
          %dma_wait3A_191 = tpu.memref_slice %arg13[%dma_wait3A_189, %dma_wait3A_190] : memref<10000x128xf32, #tpu.memory_space<vmem_shared>> -> memref<10000x128xf32, #tpu.memory_space<vmem_shared>>
          tpu.wait_indirect_dma semaphore(%arg19 : memref<!tpu.dma_semaphore, #tpu.memory_space<semaphore_mem>>) src(%dma_wait3A_185 : memref<128x128xf32, #tpu.memory_space<vmem>>) dst(%dma_wait3A_191 : memref<10000x128xf32, #tpu.memory_space<vmem_shared>>)
        } else {
        }
        %add3A_121 = arith.constant 1 : i32
        %add3A_122 = arith.addi %add3A_79, %add3A_121 : i32
        %lt3A = arith.constant 78 : i32
        %lt3A_123 = arith.cmpi slt, %add3A_122, %lt3A : i32
        %convert_element_type3A_124 = arith.extui %lt3A_123 : i1 to i32
        %cond3A_125 = arith.constant 0 : i32
        %cond3A_126 = arith.cmpi ne, %convert_element_type3A_124, %cond3A_125 : i32
        scf.if %cond3A_126 {
          %add3A_180 = arith.constant 1 : i32
          %add3A_181 = arith.addi %add3A_79, %add3A_180 : i32
          %mul3A_182 = arith.constant 128 : i32
          %mul3A_183 = arith.muli %add3A_181, %mul3A_182 : i32
          %dma_start3A_184 = arith.constant 1 : i32
          %dma_start3A_185 = arith.constant 0 : i32
          %dma_start3A_186 = arith.constant 0 : i32
          %dma_start3A_187 = tpu.memref_slice %arg11[%dma_start3A_184, %dma_start3A_185, %dma_start3A_186] : memref<2x128x128xf32, #tpu.memory_space<vmem>> -> memref<1x128x128xf32, #tpu.memory_space<vmem>>
          %dma_start3A_188 = tpu.memref_squeeze %dma_start3A_187 : memref<1x128x128xf32, #tpu.memory_space<vmem>> -> memref<128x128xf32, #tpu.memory_space<vmem>>
          %dma_start3A_189 = tpu.memref_slice %arg8[%mul3A_183] : memref<10000xi32, #tpu.memory_space<vmem>> -> memref<128xi32, #tpu.memory_space<vmem>>
          %dma_start3A_190 = arith.constant 0 : i32
          %dma_start3A_191 = arith.constant 0 : i32
          %dma_start3A_192 = tpu.memref_slice %arg5[%dma_start3A_190, %dma_start3A_191] : memref<10000x128xf32, #tpu.memory_space<hbm>> -> memref<10000x128xf32, #tpu.memory_space<hbm>>
          tpu.enqueue_indirect_dma source(%dma_start3A_192 : memref<10000x128xf32, #tpu.memory_space<hbm>>) target(%dma_start3A_188 : memref<128x128xf32, #tpu.memory_space<vmem>>) offsets(%dma_start3A_189 : memref<128xi32, #tpu.memory_space<vmem>>) semaphore(%arg17 : memref<!tpu.dma_semaphore, #tpu.memory_space<semaphore_mem>>)
          %add3A_193 = arith.constant 1 : i32
          %add3A_194 = arith.addi %add3A_79, %add3A_193 : i32
          %mul3A_195 = arith.constant 10000 : i32
          %mul3A_196 = arith.muli %arg1, %mul3A_195 : i32
          %mul3A_197 = arith.constant 128 : i32
          %mul3A_198 = arith.muli %add3A_194, %mul3A_197 : i32
          %add3A_199 = arith.addi %mul3A_196, %mul3A_198 : i32
          %dma_start3A_200 = arith.constant 1 : i32
          %dma_start3A_201 = arith.constant 0 : i32
          %dma_start3A_202 = tpu.memref_slice %arg9[%dma_start3A_200, %dma_start3A_201] : memref<2x128xi32, #tpu.memory_space<vmem>> -> memref<1x128xi32, #tpu.memory_space<vmem>>
          %dma_start3A_203 = tpu.memref_squeeze %dma_start3A_202 : memref<1x128xi32, #tpu.memory_space<vmem>> -> memref<128xi32, #tpu.memory_space<vmem>>
          %dma_start3A_204 = tpu.memref_slice %arg3[%add3A_199] : memref<160000xi32, #tpu.memory_space<hbm>> -> memref<128xi32, #tpu.memory_space<hbm>>
          %dma_start3A_205 = arith.constant 0 : i32
          %dma_start3A_206 = tpu.memref_slice %arg9[%dma_start3A_200, %dma_start3A_205] : memref<2x128xi32, #tpu.memory_space<vmem>> -> memref<1x128xi32, #tpu.memory_space<vmem>>
          %dma_start3A_207 = tpu.memref_squeeze %dma_start3A_206 : memref<1x128xi32, #tpu.memory_space<vmem>> -> memref<128xi32, #tpu.memory_space<vmem>>
          %dma_start3A_208 = tpu.memref_slice %arg3[%add3A_199] : memref<160000xi32, #tpu.memory_space<hbm>> -> memref<128xi32, #tpu.memory_space<hbm>>
          tpu.enqueue_dma source(%dma_start3A_208 : memref<128xi32, #tpu.memory_space<hbm>>) target(%dma_start3A_207 : memref<128xi32, #tpu.memory_space<vmem>>) target_semaphore(%arg15 : memref<!tpu.dma_semaphore, #tpu.memory_space<semaphore_mem>>)
        } else {
        }
        %mul3A_127 = arith.constant 2 : i32
        %mul3A_128 = arith.muli %mul3A_127, %scan3A_75 : i32
        %add3A_129 = arith.constant 1 : i32
        %add3A_130 = arith.addi %mul3A_128, %add3A_129 : i32
        %mul3A_131 = arith.constant 128 : i32
        %mul3A_132 = arith.muli %add3A_130, %mul3A_131 : i32
        %dma_wait3A_133 = arith.constant 1 : i32
        %dma_wait3A_134 = arith.constant 0 : i32
        %dma_wait3A_135 = arith.constant 0 : i32
        %dma_wait3A_136 = tpu.memref_slice %arg11[%dma_wait3A_133, %dma_wait3A_134, %dma_wait3A_135] : memref<2x128x128xf32, #tpu.memory_space<vmem>> -> memref<1x128x128xf32, #tpu.memory_space<vmem>>
        %dma_wait3A_137 = tpu.memref_squeeze %dma_wait3A_136 : memref<1x128x128xf32, #tpu.memory_space<vmem>> -> memref<128x128xf32, #tpu.memory_space<vmem>>
        %dma_wait3A_138 = tpu.memref_slice %arg8[%mul3A_132] : memref<10000xi32, #tpu.memory_space<vmem>> -> memref<128xi32, #tpu.memory_space<vmem>>
        %dma_wait3A_139 = arith.constant 0 : i32
        %dma_wait3A_140 = arith.constant 0 : i32
        %dma_wait3A_141 = tpu.memref_slice %arg5[%dma_wait3A_139, %dma_wait3A_140] : memref<10000x128xf32, #tpu.memory_space<hbm>> -> memref<10000x128xf32, #tpu.memory_space<hbm>>
        tpu.wait_indirect_dma semaphore(%arg17 : memref<!tpu.dma_semaphore, #tpu.memory_space<semaphore_mem>>) src(%dma_wait3A_141 : memref<10000x128xf32, #tpu.memory_space<hbm>>) dst(%dma_wait3A_137 : memref<128x128xf32, #tpu.memory_space<vmem>>)
        %mul3A_142 = arith.constant 10000 : i32
        %mul3A_143 = arith.muli %arg1, %mul3A_142 : i32
        %mul3A_144 = arith.constant 128 : i32
        %mul3A_145 = arith.muli %add3A_130, %mul3A_144 : i32
        %add3A_146 = arith.addi %mul3A_143, %mul3A_145 : i32
        %dma_wait3A_147 = arith.constant 1 : i32
        %dma_wait3A_148 = arith.constant 0 : i32
        %dma_wait3A_149 = tpu.memref_slice %arg9[%dma_wait3A_147, %dma_wait3A_148] : memref<2x128xi32, #tpu.memory_space<vmem>> -> memref<1x128xi32, #tpu.memory_space<vmem>>
        %dma_wait3A_150 = tpu.memref_squeeze %dma_wait3A_149 : memref<1x128xi32, #tpu.memory_space<vmem>> -> memref<128xi32, #tpu.memory_space<vmem>>
        %dma_wait3A_151 = tpu.memref_slice %arg3[%add3A_146] : memref<160000xi32, #tpu.memory_space<hbm>> -> memref<128xi32, #tpu.memory_space<hbm>>
        %dma_wait3A_152 = arith.constant 0 : i32
        %dma_wait3A_153 = tpu.memref_slice %arg9[%dma_wait3A_147, %dma_wait3A_152] : memref<2x128xi32, #tpu.memory_space<vmem>> -> memref<1x128xi32, #tpu.memory_space<vmem>>
        %dma_wait3A_154 = tpu.memref_squeeze %dma_wait3A_153 : memref<1x128xi32, #tpu.memory_space<vmem>> -> memref<128xi32, #tpu.memory_space<vmem>>
        %dma_wait3A_155 = tpu.memref_slice %arg3[%add3A_146] : memref<160000xi32, #tpu.memory_space<hbm>> -> memref<128xi32, #tpu.memory_space<hbm>>
        tpu.wait_dma2 semaphore(%arg15 : memref<!tpu.dma_semaphore, #tpu.memory_space<semaphore_mem>>) src(%dma_wait3A_155 : memref<128xi32, #tpu.memory_space<hbm>>) dst(%dma_wait3A_154 : memref<128xi32, #tpu.memory_space<vmem>>)
        %dma_start3A_156 = arith.constant 1 : i32
        %dma_start3A_157 = arith.constant 1 : i32
        %dma_start3A_158 = arith.constant 0 : i32
        %dma_start3A_159 = arith.constant 0 : i32
        %dma_start3A_160 = tpu.memref_slice %arg11[%dma_start3A_156, %dma_start3A_158, %dma_start3A_159] : memref<2x128x128xf32, #tpu.memory_space<vmem>> -> memref<1x128x128xf32, #tpu.memory_space<vmem>>
        %dma_start3A_161 = tpu.memref_squeeze %dma_start3A_160 : memref<1x128x128xf32, #tpu.memory_space<vmem>> -> memref<128x128xf32, #tpu.memory_space<vmem>>
        %dma_start3A_162 = arith.constant 0 : i32
        %dma_start3A_163 = tpu.memref_slice %arg9[%dma_start3A_157, %dma_start3A_162] : memref<2x128xi32, #tpu.memory_space<vmem>> -> memref<1x128xi32, #tpu.memory_space<vmem>>
        %dma_start3A_164 = tpu.memref_squeeze %dma_start3A_163 : memref<1x128xi32, #tpu.memory_space<vmem>> -> memref<128xi32, #tpu.memory_space<vmem>>
        %dma_start3A_165 = arith.constant 0 : i32
        %dma_start3A_166 = arith.constant 0 : i32
        %dma_start3A_167 = tpu.memref_slice %arg13[%dma_start3A_165, %dma_start3A_166] : memref<10000x128xf32, #tpu.memory_space<vmem_shared>> -> memref<10000x128xf32, #tpu.memory_space<vmem_shared>>
        tpu.enqueue_indirect_dma source(%dma_start3A_161 : memref<128x128xf32, #tpu.memory_space<vmem>>) target(%dma_start3A_167 : memref<10000x128xf32, #tpu.memory_space<vmem_shared>>) offsets(%dma_start3A_164 : memref<128xi32, #tpu.memory_space<vmem>>) semaphore(%arg19 : memref<!tpu.dma_semaphore, #tpu.memory_space<semaphore_mem>>) {add = true}
        %ge3A_168 = arith.constant 1 : i32
        %ge3A_169 = arith.cmpi sge, %add3A_130, %ge3A_168 : i32
        %convert_element_type3A_170 = arith.extui %ge3A_169 : i1 to i32
        %cond3A_171 = arith.constant 0 : i32
        %cond3A_172 = arith.cmpi ne, %convert_element_type3A_170, %cond3A_171 : i32
        scf.if %cond3A_172 {
          %dma_wait3A_180 = arith.constant 0 : i32
          %dma_wait3A_181 = arith.constant 0 : i32
          %dma_wait3A_182 = arith.constant 0 : i32
          %dma_wait3A_183 = arith.constant 0 : i32
          %dma_wait3A_184 = tpu.memref_slice %arg11[%dma_wait3A_180, %dma_wait3A_182, %dma_wait3A_183] : memref<2x128x128xf32, #tpu.memory_space<vmem>> -> memref<1x128x128xf32, #tpu.memory_space<vmem>>
          %dma_wait3A_185 = tpu.memref_squeeze %dma_wait3A_184 : memref<1x128x128xf32, #tpu.memory_space<vmem>> -> memref<128x128xf32, #tpu.memory_space<vmem>>
          %dma_wait3A_186 = arith.constant 0 : i32
          %dma_wait3A_187 = tpu.memref_slice %arg9[%dma_wait3A_181, %dma_wait3A_186] : memref<2x128xi32, #tpu.memory_space<vmem>> -> memref<1x128xi32, #tpu.memory_space<vmem>>
          %dma_wait3A_188 = tpu.memref_squeeze %dma_wait3A_187 : memref<1x128xi32, #tpu.memory_space<vmem>> -> memref<128xi32, #tpu.memory_space<vmem>>
          %dma_wait3A_189 = arith.constant 0 : i32
          %dma_wait3A_190 = arith.constant 0 : i32
          %dma_wait3A_191 = tpu.memref_slice %arg13[%dma_wait3A_189, %dma_wait3A_190] : memref<10000x128xf32, #tpu.memory_space<vmem_shared>> -> memref<10000x128xf32, #tpu.memory_space<vmem_shared>>
          tpu.wait_indirect_dma semaphore(%arg18 : memref<!tpu.dma_semaphore, #tpu.memory_space<semaphore_mem>>) src(%dma_wait3A_185 : memref<128x128xf32, #tpu.memory_space<vmem>>) dst(%dma_wait3A_191 : memref<10000x128xf32, #tpu.memory_space<vmem_shared>>)
        } else {
        }
        %add3A_173 = arith.constant 1 : i32
        %add3A_174 = arith.addi %add3A_130, %add3A_173 : i32
        %lt3A_175 = arith.constant 78 : i32
        %lt3A_176 = arith.cmpi slt, %add3A_174, %lt3A_175 : i32
        %convert_element_type3A_177 = arith.extui %lt3A_176 : i1 to i32
        %cond3A_178 = arith.constant 0 : i32
        %cond3A_179 = arith.cmpi ne, %convert_element_type3A_177, %cond3A_178 : i32
        scf.if %cond3A_179 {
          %add3A_180 = arith.constant 1 : i32
          %add3A_181 = arith.addi %add3A_130, %add3A_180 : i32
          %mul3A_182 = arith.constant 128 : i32
          %mul3A_183 = arith.muli %add3A_181, %mul3A_182 : i32
          %dma_start3A_184 = arith.constant 0 : i32
          %dma_start3A_185 = arith.constant 0 : i32
          %dma_start3A_186 = arith.constant 0 : i32
          %dma_start3A_187 = tpu.memref_slice %arg11[%dma_start3A_184, %dma_start3A_185, %dma_start3A_186] : memref<2x128x128xf32, #tpu.memory_space<vmem>> -> memref<1x128x128xf32, #tpu.memory_space<vmem>>
          %dma_start3A_188 = tpu.memref_squeeze %dma_start3A_187 : memref<1x128x128xf32, #tpu.memory_space<vmem>> -> memref<128x128xf32, #tpu.memory_space<vmem>>
          %dma_start3A_189 = tpu.memref_slice %arg8[%mul3A_183] : memref<10000xi32, #tpu.memory_space<vmem>> -> memref<128xi32, #tpu.memory_space<vmem>>
          %dma_start3A_190 = arith.constant 0 : i32
          %dma_start3A_191 = arith.constant 0 : i32
          %dma_start3A_192 = tpu.memref_slice %arg5[%dma_start3A_190, %dma_start3A_191] : memref<10000x128xf32, #tpu.memory_space<hbm>> -> memref<10000x128xf32, #tpu.memory_space<hbm>>
          tpu.enqueue_indirect_dma source(%dma_start3A_192 : memref<10000x128xf32, #tpu.memory_space<hbm>>) target(%dma_start3A_188 : memref<128x128xf32, #tpu.memory_space<vmem>>) offsets(%dma_start3A_189 : memref<128xi32, #tpu.memory_space<vmem>>) semaphore(%arg16 : memref<!tpu.dma_semaphore, #tpu.memory_space<semaphore_mem>>)
          %add3A_193 = arith.constant 1 : i32
          %add3A_194 = arith.addi %add3A_130, %add3A_193 : i32
          %mul3A_195 = arith.constant 10000 : i32
          %mul3A_196 = arith.muli %arg1, %mul3A_195 : i32
          %mul3A_197 = arith.constant 128 : i32
          %mul3A_198 = arith.muli %add3A_194, %mul3A_197 : i32
          %add3A_199 = arith.addi %mul3A_196, %mul3A_198 : i32
          %dma_start3A_200 = arith.constant 0 : i32
          %dma_start3A_201 = arith.constant 0 : i32
          %dma_start3A_202 = tpu.memref_slice %arg9[%dma_start3A_200, %dma_start3A_201] : memref<2x128xi32, #tpu.memory_space<vmem>> -> memref<1x128xi32, #tpu.memory_space<vmem>>
          %dma_start3A_203 = tpu.memref_squeeze %dma_start3A_202 : memref<1x128xi32, #tpu.memory_space<vmem>> -> memref<128xi32, #tpu.memory_space<vmem>>
          %dma_start3A_204 = tpu.memref_slice %arg3[%add3A_199] : memref<160000xi32, #tpu.memory_space<hbm>> -> memref<128xi32, #tpu.memory_space<hbm>>
          %dma_start3A_205 = arith.constant 0 : i32
          %dma_start3A_206 = tpu.memref_slice %arg9[%dma_start3A_200, %dma_start3A_205] : memref<2x128xi32, #tpu.memory_space<vmem>> -> memref<1x128xi32, #tpu.memory_space<vmem>>
          %dma_start3A_207 = tpu.memref_squeeze %dma_start3A_206 : memref<1x128xi32, #tpu.memory_space<vmem>> -> memref<128xi32, #tpu.memory_space<vmem>>
          %dma_start3A_208 = tpu.memref_slice %arg3[%add3A_199] : memref<160000xi32, #tpu.memory_space<hbm>> -> memref<128xi32, #tpu.memory_space<hbm>>
          tpu.enqueue_dma source(%dma_start3A_208 : memref<128xi32, #tpu.memory_space<hbm>>) target(%dma_start3A_207 : memref<128xi32, #tpu.memory_space<vmem>>) target_semaphore(%arg14 : memref<!tpu.dma_semaphore, #tpu.memory_space<semaphore_mem>>)
        } else {
        }
      }
      %scan3A_40 = arith.constant 39 : i32
      %dma_wait3A = arith.constant 1 : i32
      %dma_wait3A_41 = arith.constant 1 : i32
      %dma_wait3A_42 = arith.constant 0 : i32
      %dma_wait3A_43 = arith.constant 0 : i32
      %dma_wait3A_44 = tpu.memref_slice %arg11[%dma_wait3A, %dma_wait3A_42, %dma_wait3A_43] : memref<2x128x128xf32, #tpu.memory_space<vmem>> -> memref<1x128x128xf32, #tpu.memory_space<vmem>>
      %dma_wait3A_45 = tpu.memref_squeeze %dma_wait3A_44 : memref<1x128x128xf32, #tpu.memory_space<vmem>> -> memref<128x128xf32, #tpu.memory_space<vmem>>
      %dma_wait3A_46 = arith.constant 0 : i32
      %dma_wait3A_47 = tpu.memref_slice %arg9[%dma_wait3A_41, %dma_wait3A_46] : memref<2x128xi32, #tpu.memory_space<vmem>> -> memref<1x128xi32, #tpu.memory_space<vmem>>
      %dma_wait3A_48 = tpu.memref_squeeze %dma_wait3A_47 : memref<1x128xi32, #tpu.memory_space<vmem>> -> memref<128xi32, #tpu.memory_space<vmem>>
      %dma_wait3A_49 = arith.constant 0 : i32
      %dma_wait3A_50 = arith.constant 0 : i32
      %dma_wait3A_51 = tpu.memref_slice %arg13[%dma_wait3A_49, %dma_wait3A_50] : memref<10000x128xf32, #tpu.memory_space<vmem_shared>> -> memref<10000x128xf32, #tpu.memory_space<vmem_shared>>
      tpu.wait_indirect_dma semaphore(%arg19 : memref<!tpu.dma_semaphore, #tpu.memory_space<semaphore_mem>>) src(%dma_wait3A_45 : memref<128x128xf32, #tpu.memory_space<vmem>>) dst(%dma_wait3A_51 : memref<10000x128xf32, #tpu.memory_space<vmem_shared>>)
      %mul3A_52 = arith.constant 10000 : i32
      %mul3A_53 = arith.muli %arg1, %mul3A_52 : i32
      %add3A_54 = arith.constant 9984 : i32
      %add3A_55 = arith.addi %mul3A_53, %add3A_54 : i32
      %run_scoped3A = arith.constant 0 : i32
      "tpu.region"() ({
        %run_scoped3A_75 = tpu.sem_alloc : memref<!tpu.dma_semaphore, #tpu.memory_space<semaphore_mem>>
        %dma_start3A_76 = arith.constant 0 : i32
        %dma_start3A_77 = tpu.memref_slice %arg10[%run_scoped3A, %dma_start3A_76] : memref<1x16xi32, #tpu.memory_space<vmem>> -> memref<1x16xi32, #tpu.memory_space<vmem>>
        %dma_start3A_78 = tpu.memref_squeeze %dma_start3A_77 : memref<1x16xi32, #tpu.memory_space<vmem>> -> memref<16xi32, #tpu.memory_space<vmem>>
        %dma_start3A_79 = tpu.memref_slice %arg3[%add3A_55] : memref<160000xi32, #tpu.memory_space<hbm>> -> memref<16xi32, #tpu.memory_space<hbm>>
        %dma_start3A_80 = arith.constant 0 : i32
        %dma_start3A_81 = tpu.memref_slice %arg10[%run_scoped3A, %dma_start3A_80] : memref<1x16xi32, #tpu.memory_space<vmem>> -> memref<1x16xi32, #tpu.memory_space<vmem>>
        %dma_start3A_82 = tpu.memref_squeeze %dma_start3A_81 : memref<1x16xi32, #tpu.memory_space<vmem>> -> memref<16xi32, #tpu.memory_space<vmem>>
        %dma_start3A_83 = tpu.memref_slice %arg3[%add3A_55] : memref<160000xi32, #tpu.memory_space<hbm>> -> memref<16xi32, #tpu.memory_space<hbm>>
        tpu.enqueue_dma source(%dma_start3A_83 : memref<16xi32, #tpu.memory_space<hbm>>) target(%dma_start3A_82 : memref<16xi32, #tpu.memory_space<vmem>>) target_semaphore(%run_scoped3A_75 : memref<!tpu.dma_semaphore, #tpu.memory_space<semaphore_mem>>)
        %dma_wait3A_84 = arith.constant 0 : i32
        %dma_wait3A_85 = tpu.memref_slice %arg10[%run_scoped3A, %dma_wait3A_84] : memref<1x16xi32, #tpu.memory_space<vmem>> -> memref<1x16xi32, #tpu.memory_space<vmem>>
        %dma_wait3A_86 = tpu.memref_squeeze %dma_wait3A_85 : memref<1x16xi32, #tpu.memory_space<vmem>> -> memref<16xi32, #tpu.memory_space<vmem>>
        %dma_wait3A_87 = tpu.memref_slice %arg3[%add3A_55] : memref<160000xi32, #tpu.memory_space<hbm>> -> memref<16xi32, #tpu.memory_space<hbm>>
        %dma_wait3A_88 = arith.constant 0 : i32
        %dma_wait3A_89 = tpu.memref_slice %arg10[%run_scoped3A, %dma_wait3A_88] : memref<1x16xi32, #tpu.memory_space<vmem>> -> memref<1x16xi32, #tpu.memory_space<vmem>>
        %dma_wait3A_90 = tpu.memref_squeeze %dma_wait3A_89 : memref<1x16xi32, #tpu.memory_space<vmem>> -> memref<16xi32, #tpu.memory_space<vmem>>
        %dma_wait3A_91 = tpu.memref_slice %arg3[%add3A_55] : memref<160000xi32, #tpu.memory_space<hbm>> -> memref<16xi32, #tpu.memory_space<hbm>>
        tpu.wait_dma2 semaphore(%run_scoped3A_75 : memref<!tpu.dma_semaphore, #tpu.memory_space<semaphore_mem>>) src(%dma_wait3A_91 : memref<16xi32, #tpu.memory_space<hbm>>) dst(%dma_wait3A_90 : memref<16xi32, #tpu.memory_space<vmem>>)
        tpu.yield
      }) : () -> ()
      %dma_start3A_56 = arith.constant 9984 : i32
      %dma_start3A_57 = tpu.memref_slice %arg8[%dma_start3A_56] : memref<10000xi32, #tpu.memory_space<vmem>> -> memref<16xi32, #tpu.memory_space<vmem>>
      %dma_start3A_58 = arith.constant 0 : i32
      %dma_start3A_59 = arith.constant 0 : i32
      %dma_start3A_60 = tpu.memref_slice %arg5[%dma_start3A_58, %dma_start3A_59] : memref<10000x128xf32, #tpu.memory_space<hbm>> -> memref<10000x128xf32, #tpu.memory_space<hbm>>
      tpu.enqueue_indirect_dma source(%dma_start3A_60 : memref<10000x128xf32, #tpu.memory_space<hbm>>) target(%arg12 : memref<16x128xf32, #tpu.memory_space<vmem>>) offsets(%dma_start3A_57 : memref<16xi32, #tpu.memory_space<vmem>>) semaphore(%arg16 : memref<!tpu.dma_semaphore, #tpu.memory_space<semaphore_mem>>)
      %dma_wait3A_61 = arith.constant 9984 : i32
      %dma_wait3A_62 = tpu.memref_slice %arg8[%dma_wait3A_61] : memref<10000xi32, #tpu.memory_space<vmem>> -> memref<16xi32, #tpu.memory_space<vmem>>
      %dma_wait3A_63 = arith.constant 0 : i32
      %dma_wait3A_64 = arith.constant 0 : i32
      %dma_wait3A_65 = tpu.memref_slice %arg5[%dma_wait3A_63, %dma_wait3A_64] : memref<10000x128xf32, #tpu.memory_space<hbm>> -> memref<10000x128xf32, #tpu.memory_space<hbm>>
      tpu.wait_indirect_dma semaphore(%arg16 : memref<!tpu.dma_semaphore, #tpu.memory_space<semaphore_mem>>) src(%dma_wait3A_65 : memref<10000x128xf32, #tpu.memory_space<hbm>>) dst(%arg12 : memref<16x128xf32, #tpu.memory_space<vmem>>)
      %run_scoped3A_66 = arith.constant 0 : i32
      "tpu.region"() ({
        %run_scoped3A_75 = tpu.sem_alloc : memref<!tpu.dma_semaphore, #tpu.memory_space<semaphore_mem>>
        %dma_start3A_76 = arith.constant 0 : i32
        %dma_start3A_77 = tpu.memref_slice %arg10[%run_scoped3A_66, %dma_start3A_76] : memref<1x16xi32, #tpu.memory_space<vmem>> -> memref<1x16xi32, #tpu.memory_space<vmem>>
        %dma_start3A_78 = tpu.memref_squeeze %dma_start3A_77 : memref<1x16xi32, #tpu.memory_space<vmem>> -> memref<16xi32, #tpu.memory_space<vmem>>
        %dma_start3A_79 = arith.constant 0 : i32
        %dma_start3A_80 = arith.constant 0 : i32
        %dma_start3A_81 = tpu.memref_slice %arg13[%dma_start3A_79, %dma_start3A_80] : memref<10000x128xf32, #tpu.memory_space<vmem_shared>> -> memref<10000x128xf32, #tpu.memory_space<vmem_shared>>
        tpu.enqueue_indirect_dma source(%arg12 : memref<16x128xf32, #tpu.memory_space<vmem>>) target(%dma_start3A_81 : memref<10000x128xf32, #tpu.memory_space<vmem_shared>>) offsets(%dma_start3A_78 : memref<16xi32, #tpu.memory_space<vmem>>) semaphore(%run_scoped3A_75 : memref<!tpu.dma_semaphore, #tpu.memory_space<semaphore_mem>>) {add = true}
        %dma_wait3A_82 = arith.constant 0 : i32
        %dma_wait3A_83 = tpu.memref_slice %arg10[%run_scoped3A_66, %dma_wait3A_82] : memref<1x16xi32, #tpu.memory_space<vmem>> -> memref<1x16xi32, #tpu.memory_space<vmem>>
        %dma_wait3A_84 = tpu.memref_squeeze %dma_wait3A_83 : memref<1x16xi32, #tpu.memory_space<vmem>> -> memref<16xi32, #tpu.memory_space<vmem>>
        %dma_wait3A_85 = arith.constant 0 : i32
        %dma_wait3A_86 = arith.constant 0 : i32
        %dma_wait3A_87 = tpu.memref_slice %arg13[%dma_wait3A_85, %dma_wait3A_86] : memref<10000x128xf32, #tpu.memory_space<vmem_shared>> -> memref<10000x128xf32, #tpu.memory_space<vmem_shared>>
        tpu.wait_indirect_dma semaphore(%run_scoped3A_75 : memref<!tpu.dma_semaphore, #tpu.memory_space<semaphore_mem>>) src(%arg12 : memref<16x128xf32, #tpu.memory_space<vmem>>) dst(%dma_wait3A_87 : memref<10000x128xf32, #tpu.memory_space<vmem_shared>>)
        tpu.yield
      }) : () -> ()
      %barrier3A_67 = arith.constant 0 : index
      tpu.barrier barrier_id(%barrier3A_67)
      %mul3A_68 = arith.constant 624 : i32
      %mul3A_69 = arith.muli %arg1, %mul3A_68 : i32
      "tpu.region"() ({
        %run_scoped3A_75 = tpu.sem_alloc : memref<!tpu.dma_semaphore, #tpu.memory_space<semaphore_mem>>
        %dma_start3A_76 = arith.constant 0 : i32
        %dma_start3A_77 = tpu.memref_slice %arg7[%mul3A_69, %dma_start3A_76] : memref<10000x128xf32, #tpu.memory_space<hbm>> -> memref<624x128xf32, #tpu.memory_space<hbm>>
        %dma_start3A_78 = arith.constant 0 : i32
        %dma_start3A_79 = tpu.memref_slice %arg13[%mul3A_69, %dma_start3A_78] : memref<10000x128xf32, #tpu.memory_space<vmem_shared>> -> memref<624x128xf32, #tpu.memory_space<vmem_shared>>
        tpu.enqueue_dma source(%dma_start3A_79 : memref<624x128xf32, #tpu.memory_space<vmem_shared>>) target(%dma_start3A_77 : memref<624x128xf32, #tpu.memory_space<hbm>>) target_semaphore(%run_scoped3A_75 : memref<!tpu.dma_semaphore, #tpu.memory_space<semaphore_mem>>)
        %dma_wait3A_80 = arith.constant 0 : i32
        %dma_wait3A_81 = tpu.memref_slice %arg7[%mul3A_69, %dma_wait3A_80] : memref<10000x128xf32, #tpu.memory_space<hbm>> -> memref<624x128xf32, #tpu.memory_space<hbm>>
        %dma_wait3A_82 = arith.constant 0 : i32
        %dma_wait3A_83 = tpu.memref_slice %arg13[%mul3A_69, %dma_wait3A_82] : memref<10000x128xf32, #tpu.memory_space<vmem_shared>> -> memref<624x128xf32, #tpu.memory_space<vmem_shared>>
        tpu.wait_dma2 semaphore(%run_scoped3A_75 : memref<!tpu.dma_semaphore, #tpu.memory_space<semaphore_mem>>) src(%dma_wait3A_83 : memref<624x128xf32, #tpu.memory_space<vmem_shared>>) dst(%dma_wait3A_81 : memref<624x128xf32, #tpu.memory_space<hbm>>)
        tpu.yield
      }) : () -> ()
      %eq3A_70 = arith.constant 15 : i32
      %eq3A_71 = arith.cmpi eq, %arg1, %eq3A_70 : i32
      %convert_element_type3A_72 = arith.extui %eq3A_71 : i1 to i32
      %cond3A_73 = arith.constant 0 : i32
      %cond3A_74 = arith.cmpi ne, %convert_element_type3A_72, %cond3A_73 : i32
      scf.if %cond3A_74 {
        "tpu.region"() ({
          %run_scoped3A_75 = tpu.sem_alloc : memref<!tpu.dma_semaphore, #tpu.memory_space<semaphore_mem>>
          %dma_start3A_76 = arith.constant 9984 : i32
          %dma_start3A_77 = arith.constant 0 : i32
          %dma_start3A_78 = tpu.memref_slice %arg7[%dma_start3A_76, %dma_start3A_77] : memref<10000x128xf32, #tpu.memory_space<hbm>> -> memref<16x128xf32, #tpu.memory_space<hbm>>
          %dma_start3A_79 = arith.constant 9984 : i32
          %dma_start3A_80 = arith.constant 0 : i32
          %dma_start3A_81 = tpu.memref_slice %arg13[%dma_start3A_79, %dma_start3A_80] : memref<10000x128xf32, #tpu.memory_space<vmem_shared>> -> memref<16x128xf32, #tpu.memory_space<vmem_shared>>
          tpu.enqueue_dma source(%dma_start3A_81 : memref<16x128xf32, #tpu.memory_space<vmem_shared>>) target(%dma_start3A_78 : memref<16x128xf32, #tpu.memory_space<hbm>>) target_semaphore(%run_scoped3A_75 : memref<!tpu.dma_semaphore, #tpu.memory_space<semaphore_mem>>)
          %dma_wait3A_82 = arith.constant 9984 : i32
          %dma_wait3A_83 = arith.constant 0 : i32
          %dma_wait3A_84 = tpu.memref_slice %arg7[%dma_wait3A_82, %dma_wait3A_83] : memref<10000x128xf32, #tpu.memory_space<hbm>> -> memref<16x128xf32, #tpu.memory_space<hbm>>
          %dma_wait3A_85 = arith.constant 9984 : i32
          %dma_wait3A_86 = arith.constant 0 : i32
          %dma_wait3A_87 = tpu.memref_slice %arg13[%dma_wait3A_85, %dma_wait3A_86] : memref<10000x128xf32, #tpu.memory_space<vmem_shared>> -> memref<16x128xf32, #tpu.memory_space<vmem_shared>>
          tpu.wait_dma2 semaphore(%run_scoped3A_75 : memref<!tpu.dma_semaphore, #tpu.memory_space<semaphore_mem>>) src(%dma_wait3A_87 : memref<16x128xf32, #tpu.memory_space<vmem_shared>>) dst(%dma_wait3A_84 : memref<16x128xf32, #tpu.memory_space<hbm>>)
          tpu.yield
        }) : () -> ()
      } else {
      }
    } else {
    }
    return
  }
}

#map = affine_map<(d0, d1) -> (0)>
#map1 = affine_map<(d0, d1) -> (0, 0)>
module attributes {stable_mosaic.version = 14 : i64} {
  func.func @_sc_agg(%arg0: i32, %arg1: i32, %arg2: memref<160000xi32, #tpu.memory_space<hbm>>, %arg3: memref<160000xi32, #tpu.memory_space<hbm>>, %arg4: memref<10000x128xf32, #tpu.memory_space<hbm>>, %arg5: memref<10000x128xf32, #tpu.memory_space<hbm>>, %arg6: memref<10000x128xf32, #tpu.memory_space<hbm>>, %arg7: memref<10000x128xf32, #tpu.memory_space<hbm>>, %arg8: memref<10000xi32, #tpu.memory_space<vmem>>, %arg9: memref<2x128xi32, #tpu.memory_space<vmem>>, %arg10: memref<1x16xi32, #tpu.memory_space<vmem>>, %arg11: memref<2x128x128xf32, #tpu.memory_space<vmem>>, %arg12: memref<16x128xf32, #tpu.memory_space<vmem>>, %arg13: memref<10000x128xf32, #tpu.memory_space<vmem_shared>>, %arg14: memref<!tpu.dma_semaphore, #tpu.memory_space<semaphore_mem>>, %arg15: memref<!tpu.dma_semaphore, #tpu.memory_space<semaphore_mem>>, %arg16: memref<!tpu.dma_semaphore, #tpu.memory_space<semaphore_mem>>, %arg17: memref<!tpu.dma_semaphore, #tpu.memory_space<semaphore_mem>>, %arg18: memref<!tpu.dma_semaphore, #tpu.memory_space<semaphore_mem>>, %arg19: memref<!tpu.dma_semaphore, #tpu.memory_space<semaphore_mem>>) attributes {dimension_semantics = [#tpu.dimension_semantics<core_parallel>, #tpu.dimension_semantics<subcore_parallel>], iteration_bounds = array<i64: 2, 16>, scalar_prefetch = 0 : i64, scratch_operands = 12 : i64, tpu.core_type = #tpu.core_type<sc_vector_subcore>, window_params = [{transform_indices = #map}, {transform_indices = #map}, {transform_indices = #map1}, {transform_indices = #map1}, {transform_indices = #map1}, {transform_indices = #map1}]} {
    %eq3A = arith.constant 0 : i32
    %eq3A_0 = arith.cmpi eq, %arg0, %eq3A : i32
    %convert_element_type3A = arith.extui %eq3A_0 : i1 to i32
    %cond3A = arith.constant 0 : i32
    %cond3A_1 = arith.cmpi ne, %convert_element_type3A, %cond3A : i32
    scf.if %cond3A_1 {
      %mul3A = arith.constant 10000 : i32
      %mul3A_7 = arith.muli %arg1, %mul3A : i32
      "tpu.region"() ({
        %run_scoped3A_75 = tpu.sem_alloc : memref<!tpu.dma_semaphore, #tpu.memory_space<semaphore_mem>>
        %dma_start3A_76 = tpu.memref_slice %arg2[%mul3A_7] : memref<160000xi32, #tpu.memory_space<hbm>> -> memref<10000xi32, #tpu.memory_space<hbm>>
        %dma_start3A_77 = tpu.memref_slice %arg2[%mul3A_7] : memref<160000xi32, #tpu.memory_space<hbm>> -> memref<10000xi32, #tpu.memory_space<hbm>>
        tpu.enqueue_dma source(%dma_start3A_77 : memref<10000xi32, #tpu.memory_space<hbm>>) target(%arg8 : memref<10000xi32, #tpu.memory_space<vmem>>) target_semaphore(%run_scoped3A_75 : memref<!tpu.dma_semaphore, #tpu.memory_space<semaphore_mem>>)
        %dma_wait3A_78 = tpu.memref_slice %arg2[%mul3A_7] : memref<160000xi32, #tpu.memory_space<hbm>> -> memref<10000xi32, #tpu.memory_space<hbm>>
        %dma_wait3A_79 = tpu.memref_slice %arg2[%mul3A_7] : memref<160000xi32, #tpu.memory_space<hbm>> -> memref<10000xi32, #tpu.memory_space<hbm>>
        tpu.wait_dma2 semaphore(%run_scoped3A_75 : memref<!tpu.dma_semaphore, #tpu.memory_space<semaphore_mem>>) src(%dma_wait3A_79 : memref<10000xi32, #tpu.memory_space<hbm>>) dst(%arg8 : memref<10000xi32, #tpu.memory_space<vmem>>)
        tpu.yield
      }) : () -> ()
      %mul3A_8 = arith.constant 624 : i32
      %mul3A_9 = arith.muli %arg1, %mul3A_8 : i32
      "tpu.region"() ({
        %run_scoped3A_75 = tpu.sem_alloc : memref<!tpu.dma_semaphore, #tpu.memory_space<semaphore_mem>>
        %dma_start3A_76 = arith.constant 0 : i32
        %dma_start3A_77 = tpu.memref_slice %arg13[%mul3A_9, %dma_start3A_76] : memref<10000x128xf32, #tpu.memory_space<vmem_shared>> -> memref<624x128xf32, #tpu.memory_space<vmem_shared>>
        %dma_start3A_78 = arith.constant 0 : i32
        %dma_start3A_79 = tpu.memref_slice %arg4[%mul3A_9, %dma_start3A_78] : memref<10000x128xf32, #tpu.memory_space<hbm>> -> memref<624x128xf32, #tpu.memory_space<hbm>>
        tpu.enqueue_dma source(%dma_start3A_79 : memref<624x128xf32, #tpu.memory_space<hbm>>) target(%dma_start3A_77 : memref<624x128xf32, #tpu.memory_space<vmem_shared>>) target_semaphore(%run_scoped3A_75 : memref<!tpu.dma_semaphore, #tpu.memory_space<semaphore_mem>>)
        %dma_wait3A_80 = arith.constant 0 : i32
        %dma_wait3A_81 = tpu.memref_slice %arg13[%mul3A_9, %dma_wait3A_80] : memref<10000x128xf32, #tpu.memory_space<vmem_shared>> -> memref<624x128xf32, #tpu.memory_space<vmem_shared>>
        %dma_wait3A_82 = arith.constant 0 : i32
        %dma_wait3A_83 = tpu.memref_slice %arg4[%mul3A_9, %dma_wait3A_82] : memref<10000x128xf32, #tpu.memory_space<hbm>> -> memref<624x128xf32, #tpu.memory_space<hbm>>
        tpu.wait_dma2 semaphore(%run_scoped3A_75 : memref<!tpu.dma_semaphore, #tpu.memory_space<semaphore_mem>>) src(%dma_wait3A_83 : memref<624x128xf32, #tpu.memory_space<hbm>>) dst(%dma_wait3A_81 : memref<624x128xf32, #tpu.memory_space<vmem_shared>>)
        tpu.yield
      }) : () -> ()
      %eq3A_10 = arith.constant 15 : i32
      %eq3A_11 = arith.cmpi eq, %arg1, %eq3A_10 : i32
      %convert_element_type3A_12 = arith.extui %eq3A_11 : i1 to i32
      %cond3A_13 = arith.constant 0 : i32
      %cond3A_14 = arith.cmpi ne, %convert_element_type3A_12, %cond3A_13 : i32
      scf.if %cond3A_14 {
        "tpu.region"() ({
          %run_scoped3A_75 = tpu.sem_alloc : memref<!tpu.dma_semaphore, #tpu.memory_space<semaphore_mem>>
          %dma_start3A_76 = arith.constant 9984 : i32
          %dma_start3A_77 = arith.constant 0 : i32
          %dma_start3A_78 = tpu.memref_slice %arg13[%dma_start3A_76, %dma_start3A_77] : memref<10000x128xf32, #tpu.memory_space<vmem_shared>> -> memref<16x128xf32, #tpu.memory_space<vmem_shared>>
          %dma_start3A_79 = arith.constant 9984 : i32
          %dma_start3A_80 = arith.constant 0 : i32
          %dma_start3A_81 = tpu.memref_slice %arg4[%dma_start3A_79, %dma_start3A_80] : memref<10000x128xf32, #tpu.memory_space<hbm>> -> memref<16x128xf32, #tpu.memory_space<hbm>>
          tpu.enqueue_dma source(%dma_start3A_81 : memref<16x128xf32, #tpu.memory_space<hbm>>) target(%dma_start3A_78 : memref<16x128xf32, #tpu.memory_space<vmem_shared>>) target_semaphore(%run_scoped3A_75 : memref<!tpu.dma_semaphore, #tpu.memory_space<semaphore_mem>>)
          %dma_wait3A_82 = arith.constant 9984 : i32
          %dma_wait3A_83 = arith.constant 0 : i32
          %dma_wait3A_84 = tpu.memref_slice %arg13[%dma_wait3A_82, %dma_wait3A_83] : memref<10000x128xf32, #tpu.memory_space<vmem_shared>> -> memref<16x128xf32, #tpu.memory_space<vmem_shared>>
          %dma_wait3A_85 = arith.constant 9984 : i32
          %dma_wait3A_86 = arith.constant 0 : i32
          %dma_wait3A_87 = tpu.memref_slice %arg4[%dma_wait3A_85, %dma_wait3A_86] : memref<10000x128xf32, #tpu.memory_space<hbm>> -> memref<16x128xf32, #tpu.memory_space<hbm>>
          tpu.wait_dma2 semaphore(%run_scoped3A_75 : memref<!tpu.dma_semaphore, #tpu.memory_space<semaphore_mem>>) src(%dma_wait3A_87 : memref<16x128xf32, #tpu.memory_space<hbm>>) dst(%dma_wait3A_84 : memref<16x128xf32, #tpu.memory_space<vmem_shared>>)
          tpu.yield
        }) : () -> ()
      } else {
      }
      %dma_start3A = arith.constant 0 : i32
      %dma_start3A_15 = arith.constant 0 : i32
      %dma_start3A_16 = arith.constant 0 : i32
      %dma_start3A_17 = tpu.memref_slice %arg11[%dma_start3A, %dma_start3A_15, %dma_start3A_16] : memref<2x128x128xf32, #tpu.memory_space<vmem>> -> memref<1x128x128xf32, #tpu.memory_space<vmem>>
      %dma_start3A_18 = tpu.memref_squeeze %dma_start3A_17 : memref<1x128x128xf32, #tpu.memory_space<vmem>> -> memref<128x128xf32, #tpu.memory_space<vmem>>
      %dma_start3A_19 = arith.constant 0 : i32
      %dma_start3A_20 = tpu.memref_slice %arg8[%dma_start3A_19] : memref<10000xi32, #tpu.memory_space<vmem>> -> memref<128xi32, #tpu.memory_space<vmem>>
      %dma_start3A_21 = arith.constant 0 : i32
      %dma_start3A_22 = arith.constant 0 : i32
      %dma_start3A_23 = tpu.memref_slice %arg4[%dma_start3A_21, %dma_start3A_22] : memref<10000x128xf32, #tpu.memory_space<hbm>> -> memref<10000x128xf32, #tpu.memory_space<hbm>>
      tpu.enqueue_indirect_dma source(%dma_start3A_23 : memref<10000x128xf32, #tpu.memory_space<hbm>>) target(%dma_start3A_18 : memref<128x128xf32, #tpu.memory_space<vmem>>) offsets(%dma_start3A_20 : memref<128xi32, #tpu.memory_space<vmem>>) semaphore(%arg16 : memref<!tpu.dma_semaphore, #tpu.memory_space<semaphore_mem>>)
      %mul3A_24 = arith.constant 10000 : i32
      %mul3A_25 = arith.muli %arg1, %mul3A_24 : i32
      %add3A = arith.constant 0 : i32
      %add3A_26 = arith.addi %mul3A_25, %add3A : i32
      %dma_start3A_27 = arith.constant 0 : i32
      %dma_start3A_28 = arith.constant 0 : i32
      %dma_start3A_29 = tpu.memref_slice %arg9[%dma_start3A_27, %dma_start3A_28] : memref<2x128xi32, #tpu.memory_space<vmem>> -> memref<1x128xi32, #tpu.memory_space<vmem>>
      %dma_start3A_30 = tpu.memref_squeeze %dma_start3A_29 : memref<1x128xi32, #tpu.memory_space<vmem>> -> memref<128xi32, #tpu.memory_space<vmem>>
      %dma_start3A_31 = tpu.memref_slice %arg3[%add3A_26] : memref<160000xi32, #tpu.memory_space<hbm>> -> memref<128xi32, #tpu.memory_space<hbm>>
      %dma_start3A_32 = arith.constant 0 : i32
      %dma_start3A_33 = tpu.memref_slice %arg9[%dma_start3A_27, %dma_start3A_32] : memref<2x128xi32, #tpu.memory_space<vmem>> -> memref<1x128xi32, #tpu.memory_space<vmem>>
      %dma_start3A_34 = tpu.memref_squeeze %dma_start3A_33 : memref<1x128xi32, #tpu.memory_space<vmem>> -> memref<128xi32, #tpu.memory_space<vmem>>
      %dma_start3A_35 = tpu.memref_slice %arg3[%add3A_26] : memref<160000xi32, #tpu.memory_space<hbm>> -> memref<128xi32, #tpu.memory_space<hbm>>
      tpu.enqueue_dma source(%dma_start3A_35 : memref<128xi32, #tpu.memory_space<hbm>>) target(%dma_start3A_34 : memref<128xi32, #tpu.memory_space<vmem>>) target_semaphore(%arg14 : memref<!tpu.dma_semaphore, #tpu.memory_space<semaphore_mem>>)
      %barrier3A = arith.constant 0 : index
      tpu.barrier barrier_id(%barrier3A)
      %scan3A = arith.constant 0 : i32
      %scan3A_36 = arith.constant 0 : i32
      %scan3A_37 = arith.constant 39 : i32
      %scan3A_38 = arith.addi %scan3A_36, %scan3A_37 : i32
      %scan3A_39 = arith.constant 1 : i32
      scf.for %scan3A_75 = %scan3A_36 to %scan3A_38 step %scan3A_39  : i32 {
        %mul3A_76 = arith.constant 2 : i32
        %mul3A_77 = arith.muli %mul3A_76, %scan3A_75 : i32
        %add3A_78 = arith.constant 0 : i32
        %add3A_79 = arith.addi %mul3A_77, %add3A_78 : i32
        %mul3A_80 = arith.constant 128 : i32
        %mul3A_81 = arith.muli %add3A_79, %mul3A_80 : i32
        %dma_wait3A_82 = arith.constant 0 : i32
        %dma_wait3A_83 = arith.constant 0 : i32
        %dma_wait3A_84 = arith.constant 0 : i32
        %dma_wait3A_85 = tpu.memref_slice %arg11[%dma_wait3A_82, %dma_wait3A_83, %dma_wait3A_84] : memref<2x128x128xf32, #tpu.memory_space<vmem>> -> memref<1x128x128xf32, #tpu.memory_space<vmem>>
        %dma_wait3A_86 = tpu.memref_squeeze %dma_wait3A_85 : memref<1x128x128xf32, #tpu.memory_space<vmem>> -> memref<128x128xf32, #tpu.memory_space<vmem>>
        %dma_wait3A_87 = tpu.memref_slice %arg8[%mul3A_81] : memref<10000xi32, #tpu.memory_space<vmem>> -> memref<128xi32, #tpu.memory_space<vmem>>
        %dma_wait3A_88 = arith.constant 0 : i32
        %dma_wait3A_89 = arith.constant 0 : i32
        %dma_wait3A_90 = tpu.memref_slice %arg4[%dma_wait3A_88, %dma_wait3A_89] : memref<10000x128xf32, #tpu.memory_space<hbm>> -> memref<10000x128xf32, #tpu.memory_space<hbm>>
        tpu.wait_indirect_dma semaphore(%arg16 : memref<!tpu.dma_semaphore, #tpu.memory_space<semaphore_mem>>) src(%dma_wait3A_90 : memref<10000x128xf32, #tpu.memory_space<hbm>>) dst(%dma_wait3A_86 : memref<128x128xf32, #tpu.memory_space<vmem>>)
        %mul3A_91 = arith.constant 10000 : i32
        %mul3A_92 = arith.muli %arg1, %mul3A_91 : i32
        %mul3A_93 = arith.constant 128 : i32
        %mul3A_94 = arith.muli %add3A_79, %mul3A_93 : i32
        %add3A_95 = arith.addi %mul3A_92, %mul3A_94 : i32
        %dma_wait3A_96 = arith.constant 0 : i32
        %dma_wait3A_97 = arith.constant 0 : i32
        %dma_wait3A_98 = tpu.memref_slice %arg9[%dma_wait3A_96, %dma_wait3A_97] : memref<2x128xi32, #tpu.memory_space<vmem>> -> memref<1x128xi32, #tpu.memory_space<vmem>>
        %dma_wait3A_99 = tpu.memref_squeeze %dma_wait3A_98 : memref<1x128xi32, #tpu.memory_space<vmem>> -> memref<128xi32, #tpu.memory_space<vmem>>
        %dma_wait3A_100 = tpu.memref_slice %arg3[%add3A_95] : memref<160000xi32, #tpu.memory_space<hbm>> -> memref<128xi32, #tpu.memory_space<hbm>>
        %dma_wait3A_101 = arith.constant 0 : i32
        %dma_wait3A_102 = tpu.memref_slice %arg9[%dma_wait3A_96, %dma_wait3A_101] : memref<2x128xi32, #tpu.memory_space<vmem>> -> memref<1x128xi32, #tpu.memory_space<vmem>>
        %dma_wait3A_103 = tpu.memref_squeeze %dma_wait3A_102 : memref<1x128xi32, #tpu.memory_space<vmem>> -> memref<128xi32, #tpu.memory_space<vmem>>
        %dma_wait3A_104 = tpu.memref_slice %arg3[%add3A_95] : memref<160000xi32, #tpu.memory_space<hbm>> -> memref<128xi32, #tpu.memory_space<hbm>>
        tpu.wait_dma2 semaphore(%arg14 : memref<!tpu.dma_semaphore, #tpu.memory_space<semaphore_mem>>) src(%dma_wait3A_104 : memref<128xi32, #tpu.memory_space<hbm>>) dst(%dma_wait3A_103 : memref<128xi32, #tpu.memory_space<vmem>>)
        %dma_start3A_105 = arith.constant 0 : i32
        %dma_start3A_106 = arith.constant 0 : i32
        %dma_start3A_107 = arith.constant 0 : i32
        %dma_start3A_108 = arith.constant 0 : i32
        %dma_start3A_109 = tpu.memref_slice %arg11[%dma_start3A_105, %dma_start3A_107, %dma_start3A_108] : memref<2x128x128xf32, #tpu.memory_space<vmem>> -> memref<1x128x128xf32, #tpu.memory_space<vmem>>
        %dma_start3A_110 = tpu.memref_squeeze %dma_start3A_109 : memref<1x128x128xf32, #tpu.memory_space<vmem>> -> memref<128x128xf32, #tpu.memory_space<vmem>>
        %dma_start3A_111 = arith.constant 0 : i32
        %dma_start3A_112 = tpu.memref_slice %arg9[%dma_start3A_106, %dma_start3A_111] : memref<2x128xi32, #tpu.memory_space<vmem>> -> memref<1x128xi32, #tpu.memory_space<vmem>>
        %dma_start3A_113 = tpu.memref_squeeze %dma_start3A_112 : memref<1x128xi32, #tpu.memory_space<vmem>> -> memref<128xi32, #tpu.memory_space<vmem>>
        %dma_start3A_114 = arith.constant 0 : i32
        %dma_start3A_115 = arith.constant 0 : i32
        %dma_start3A_116 = tpu.memref_slice %arg13[%dma_start3A_114, %dma_start3A_115] : memref<10000x128xf32, #tpu.memory_space<vmem_shared>> -> memref<10000x128xf32, #tpu.memory_space<vmem_shared>>
        tpu.enqueue_indirect_dma source(%dma_start3A_110 : memref<128x128xf32, #tpu.memory_space<vmem>>) target(%dma_start3A_116 : memref<10000x128xf32, #tpu.memory_space<vmem_shared>>) offsets(%dma_start3A_113 : memref<128xi32, #tpu.memory_space<vmem>>) semaphore(%arg18 : memref<!tpu.dma_semaphore, #tpu.memory_space<semaphore_mem>>) {add = true}
        %ge3A = arith.constant 1 : i32
        %ge3A_117 = arith.cmpi sge, %add3A_79, %ge3A : i32
        %convert_element_type3A_118 = arith.extui %ge3A_117 : i1 to i32
        %cond3A_119 = arith.constant 0 : i32
        %cond3A_120 = arith.cmpi ne, %convert_element_type3A_118, %cond3A_119 : i32
        scf.if %cond3A_120 {
          %dma_wait3A_180 = arith.constant 1 : i32
          %dma_wait3A_181 = arith.constant 1 : i32
          %dma_wait3A_182 = arith.constant 0 : i32
          %dma_wait3A_183 = arith.constant 0 : i32
          %dma_wait3A_184 = tpu.memref_slice %arg11[%dma_wait3A_180, %dma_wait3A_182, %dma_wait3A_183] : memref<2x128x128xf32, #tpu.memory_space<vmem>> -> memref<1x128x128xf32, #tpu.memory_space<vmem>>
          %dma_wait3A_185 = tpu.memref_squeeze %dma_wait3A_184 : memref<1x128x128xf32, #tpu.memory_space<vmem>> -> memref<128x128xf32, #tpu.memory_space<vmem>>
          %dma_wait3A_186 = arith.constant 0 : i32
          %dma_wait3A_187 = tpu.memref_slice %arg9[%dma_wait3A_181, %dma_wait3A_186] : memref<2x128xi32, #tpu.memory_space<vmem>> -> memref<1x128xi32, #tpu.memory_space<vmem>>
          %dma_wait3A_188 = tpu.memref_squeeze %dma_wait3A_187 : memref<1x128xi32, #tpu.memory_space<vmem>> -> memref<128xi32, #tpu.memory_space<vmem>>
          %dma_wait3A_189 = arith.constant 0 : i32
          %dma_wait3A_190 = arith.constant 0 : i32
          %dma_wait3A_191 = tpu.memref_slice %arg13[%dma_wait3A_189, %dma_wait3A_190] : memref<10000x128xf32, #tpu.memory_space<vmem_shared>> -> memref<10000x128xf32, #tpu.memory_space<vmem_shared>>
          tpu.wait_indirect_dma semaphore(%arg19 : memref<!tpu.dma_semaphore, #tpu.memory_space<semaphore_mem>>) src(%dma_wait3A_185 : memref<128x128xf32, #tpu.memory_space<vmem>>) dst(%dma_wait3A_191 : memref<10000x128xf32, #tpu.memory_space<vmem_shared>>)
        } else {
        }
        %add3A_121 = arith.constant 1 : i32
        %add3A_122 = arith.addi %add3A_79, %add3A_121 : i32
        %lt3A = arith.constant 78 : i32
        %lt3A_123 = arith.cmpi slt, %add3A_122, %lt3A : i32
        %convert_element_type3A_124 = arith.extui %lt3A_123 : i1 to i32
        %cond3A_125 = arith.constant 0 : i32
        %cond3A_126 = arith.cmpi ne, %convert_element_type3A_124, %cond3A_125 : i32
        scf.if %cond3A_126 {
          %add3A_180 = arith.constant 1 : i32
          %add3A_181 = arith.addi %add3A_79, %add3A_180 : i32
          %mul3A_182 = arith.constant 128 : i32
          %mul3A_183 = arith.muli %add3A_181, %mul3A_182 : i32
          %dma_start3A_184 = arith.constant 1 : i32
          %dma_start3A_185 = arith.constant 0 : i32
          %dma_start3A_186 = arith.constant 0 : i32
          %dma_start3A_187 = tpu.memref_slice %arg11[%dma_start3A_184, %dma_start3A_185, %dma_start3A_186] : memref<2x128x128xf32, #tpu.memory_space<vmem>> -> memref<1x128x128xf32, #tpu.memory_space<vmem>>
          %dma_start3A_188 = tpu.memref_squeeze %dma_start3A_187 : memref<1x128x128xf32, #tpu.memory_space<vmem>> -> memref<128x128xf32, #tpu.memory_space<vmem>>
          %dma_start3A_189 = tpu.memref_slice %arg8[%mul3A_183] : memref<10000xi32, #tpu.memory_space<vmem>> -> memref<128xi32, #tpu.memory_space<vmem>>
          %dma_start3A_190 = arith.constant 0 : i32
          %dma_start3A_191 = arith.constant 0 : i32
          %dma_start3A_192 = tpu.memref_slice %arg4[%dma_start3A_190, %dma_start3A_191] : memref<10000x128xf32, #tpu.memory_space<hbm>> -> memref<10000x128xf32, #tpu.memory_space<hbm>>
          tpu.enqueue_indirect_dma source(%dma_start3A_192 : memref<10000x128xf32, #tpu.memory_space<hbm>>) target(%dma_start3A_188 : memref<128x128xf32, #tpu.memory_space<vmem>>) offsets(%dma_start3A_189 : memref<128xi32, #tpu.memory_space<vmem>>) semaphore(%arg17 : memref<!tpu.dma_semaphore, #tpu.memory_space<semaphore_mem>>)
          %add3A_193 = arith.constant 1 : i32
          %add3A_194 = arith.addi %add3A_79, %add3A_193 : i32
          %mul3A_195 = arith.constant 10000 : i32
          %mul3A_196 = arith.muli %arg1, %mul3A_195 : i32
          %mul3A_197 = arith.constant 128 : i32
          %mul3A_198 = arith.muli %add3A_194, %mul3A_197 : i32
          %add3A_199 = arith.addi %mul3A_196, %mul3A_198 : i32
          %dma_start3A_200 = arith.constant 1 : i32
          %dma_start3A_201 = arith.constant 0 : i32
          %dma_start3A_202 = tpu.memref_slice %arg9[%dma_start3A_200, %dma_start3A_201] : memref<2x128xi32, #tpu.memory_space<vmem>> -> memref<1x128xi32, #tpu.memory_space<vmem>>
          %dma_start3A_203 = tpu.memref_squeeze %dma_start3A_202 : memref<1x128xi32, #tpu.memory_space<vmem>> -> memref<128xi32, #tpu.memory_space<vmem>>
          %dma_start3A_204 = tpu.memref_slice %arg3[%add3A_199] : memref<160000xi32, #tpu.memory_space<hbm>> -> memref<128xi32, #tpu.memory_space<hbm>>
          %dma_start3A_205 = arith.constant 0 : i32
          %dma_start3A_206 = tpu.memref_slice %arg9[%dma_start3A_200, %dma_start3A_205] : memref<2x128xi32, #tpu.memory_space<vmem>> -> memref<1x128xi32, #tpu.memory_space<vmem>>
          %dma_start3A_207 = tpu.memref_squeeze %dma_start3A_206 : memref<1x128xi32, #tpu.memory_space<vmem>> -> memref<128xi32, #tpu.memory_space<vmem>>
          %dma_start3A_208 = tpu.memref_slice %arg3[%add3A_199] : memref<160000xi32, #tpu.memory_space<hbm>> -> memref<128xi32, #tpu.memory_space<hbm>>
          tpu.enqueue_dma source(%dma_start3A_208 : memref<128xi32, #tpu.memory_space<hbm>>) target(%dma_start3A_207 : memref<128xi32, #tpu.memory_space<vmem>>) target_semaphore(%arg15 : memref<!tpu.dma_semaphore, #tpu.memory_space<semaphore_mem>>)
        } else {
        }
        %mul3A_127 = arith.constant 2 : i32
        %mul3A_128 = arith.muli %mul3A_127, %scan3A_75 : i32
        %add3A_129 = arith.constant 1 : i32
        %add3A_130 = arith.addi %mul3A_128, %add3A_129 : i32
        %mul3A_131 = arith.constant 128 : i32
        %mul3A_132 = arith.muli %add3A_130, %mul3A_131 : i32
        %dma_wait3A_133 = arith.constant 1 : i32
        %dma_wait3A_134 = arith.constant 0 : i32
        %dma_wait3A_135 = arith.constant 0 : i32
        %dma_wait3A_136 = tpu.memref_slice %arg11[%dma_wait3A_133, %dma_wait3A_134, %dma_wait3A_135] : memref<2x128x128xf32, #tpu.memory_space<vmem>> -> memref<1x128x128xf32, #tpu.memory_space<vmem>>
        %dma_wait3A_137 = tpu.memref_squeeze %dma_wait3A_136 : memref<1x128x128xf32, #tpu.memory_space<vmem>> -> memref<128x128xf32, #tpu.memory_space<vmem>>
        %dma_wait3A_138 = tpu.memref_slice %arg8[%mul3A_132] : memref<10000xi32, #tpu.memory_space<vmem>> -> memref<128xi32, #tpu.memory_space<vmem>>
        %dma_wait3A_139 = arith.constant 0 : i32
        %dma_wait3A_140 = arith.constant 0 : i32
        %dma_wait3A_141 = tpu.memref_slice %arg4[%dma_wait3A_139, %dma_wait3A_140] : memref<10000x128xf32, #tpu.memory_space<hbm>> -> memref<10000x128xf32, #tpu.memory_space<hbm>>
        tpu.wait_indirect_dma semaphore(%arg17 : memref<!tpu.dma_semaphore, #tpu.memory_space<semaphore_mem>>) src(%dma_wait3A_141 : memref<10000x128xf32, #tpu.memory_space<hbm>>) dst(%dma_wait3A_137 : memref<128x128xf32, #tpu.memory_space<vmem>>)
        %mul3A_142 = arith.constant 10000 : i32
        %mul3A_143 = arith.muli %arg1, %mul3A_142 : i32
        %mul3A_144 = arith.constant 128 : i32
        %mul3A_145 = arith.muli %add3A_130, %mul3A_144 : i32
        %add3A_146 = arith.addi %mul3A_143, %mul3A_145 : i32
        %dma_wait3A_147 = arith.constant 1 : i32
        %dma_wait3A_148 = arith.constant 0 : i32
        %dma_wait3A_149 = tpu.memref_slice %arg9[%dma_wait3A_147, %dma_wait3A_148] : memref<2x128xi32, #tpu.memory_space<vmem>> -> memref<1x128xi32, #tpu.memory_space<vmem>>
        %dma_wait3A_150 = tpu.memref_squeeze %dma_wait3A_149 : memref<1x128xi32, #tpu.memory_space<vmem>> -> memref<128xi32, #tpu.memory_space<vmem>>
        %dma_wait3A_151 = tpu.memref_slice %arg3[%add3A_146] : memref<160000xi32, #tpu.memory_space<hbm>> -> memref<128xi32, #tpu.memory_space<hbm>>
        %dma_wait3A_152 = arith.constant 0 : i32
        %dma_wait3A_153 = tpu.memref_slice %arg9[%dma_wait3A_147, %dma_wait3A_152] : memref<2x128xi32, #tpu.memory_space<vmem>> -> memref<1x128xi32, #tpu.memory_space<vmem>>
        %dma_wait3A_154 = tpu.memref_squeeze %dma_wait3A_153 : memref<1x128xi32, #tpu.memory_space<vmem>> -> memref<128xi32, #tpu.memory_space<vmem>>
        %dma_wait3A_155 = tpu.memref_slice %arg3[%add3A_146] : memref<160000xi32, #tpu.memory_space<hbm>> -> memref<128xi32, #tpu.memory_space<hbm>>
        tpu.wait_dma2 semaphore(%arg15 : memref<!tpu.dma_semaphore, #tpu.memory_space<semaphore_mem>>) src(%dma_wait3A_155 : memref<128xi32, #tpu.memory_space<hbm>>) dst(%dma_wait3A_154 : memref<128xi32, #tpu.memory_space<vmem>>)
        %dma_start3A_156 = arith.constant 1 : i32
        %dma_start3A_157 = arith.constant 1 : i32
        %dma_start3A_158 = arith.constant 0 : i32
        %dma_start3A_159 = arith.constant 0 : i32
        %dma_start3A_160 = tpu.memref_slice %arg11[%dma_start3A_156, %dma_start3A_158, %dma_start3A_159] : memref<2x128x128xf32, #tpu.memory_space<vmem>> -> memref<1x128x128xf32, #tpu.memory_space<vmem>>
        %dma_start3A_161 = tpu.memref_squeeze %dma_start3A_160 : memref<1x128x128xf32, #tpu.memory_space<vmem>> -> memref<128x128xf32, #tpu.memory_space<vmem>>
        %dma_start3A_162 = arith.constant 0 : i32
        %dma_start3A_163 = tpu.memref_slice %arg9[%dma_start3A_157, %dma_start3A_162] : memref<2x128xi32, #tpu.memory_space<vmem>> -> memref<1x128xi32, #tpu.memory_space<vmem>>
        %dma_start3A_164 = tpu.memref_squeeze %dma_start3A_163 : memref<1x128xi32, #tpu.memory_space<vmem>> -> memref<128xi32, #tpu.memory_space<vmem>>
        %dma_start3A_165 = arith.constant 0 : i32
        %dma_start3A_166 = arith.constant 0 : i32
        %dma_start3A_167 = tpu.memref_slice %arg13[%dma_start3A_165, %dma_start3A_166] : memref<10000x128xf32, #tpu.memory_space<vmem_shared>> -> memref<10000x128xf32, #tpu.memory_space<vmem_shared>>
        tpu.enqueue_indirect_dma source(%dma_start3A_161 : memref<128x128xf32, #tpu.memory_space<vmem>>) target(%dma_start3A_167 : memref<10000x128xf32, #tpu.memory_space<vmem_shared>>) offsets(%dma_start3A_164 : memref<128xi32, #tpu.memory_space<vmem>>) semaphore(%arg19 : memref<!tpu.dma_semaphore, #tpu.memory_space<semaphore_mem>>) {add = true}
        %ge3A_168 = arith.constant 1 : i32
        %ge3A_169 = arith.cmpi sge, %add3A_130, %ge3A_168 : i32
        %convert_element_type3A_170 = arith.extui %ge3A_169 : i1 to i32
        %cond3A_171 = arith.constant 0 : i32
        %cond3A_172 = arith.cmpi ne, %convert_element_type3A_170, %cond3A_171 : i32
        scf.if %cond3A_172 {
          %dma_wait3A_180 = arith.constant 0 : i32
          %dma_wait3A_181 = arith.constant 0 : i32
          %dma_wait3A_182 = arith.constant 0 : i32
          %dma_wait3A_183 = arith.constant 0 : i32
          %dma_wait3A_184 = tpu.memref_slice %arg11[%dma_wait3A_180, %dma_wait3A_182, %dma_wait3A_183] : memref<2x128x128xf32, #tpu.memory_space<vmem>> -> memref<1x128x128xf32, #tpu.memory_space<vmem>>
          %dma_wait3A_185 = tpu.memref_squeeze %dma_wait3A_184 : memref<1x128x128xf32, #tpu.memory_space<vmem>> -> memref<128x128xf32, #tpu.memory_space<vmem>>
          %dma_wait3A_186 = arith.constant 0 : i32
          %dma_wait3A_187 = tpu.memref_slice %arg9[%dma_wait3A_181, %dma_wait3A_186] : memref<2x128xi32, #tpu.memory_space<vmem>> -> memref<1x128xi32, #tpu.memory_space<vmem>>
          %dma_wait3A_188 = tpu.memref_squeeze %dma_wait3A_187 : memref<1x128xi32, #tpu.memory_space<vmem>> -> memref<128xi32, #tpu.memory_space<vmem>>
          %dma_wait3A_189 = arith.constant 0 : i32
          %dma_wait3A_190 = arith.constant 0 : i32
          %dma_wait3A_191 = tpu.memref_slice %arg13[%dma_wait3A_189, %dma_wait3A_190] : memref<10000x128xf32, #tpu.memory_space<vmem_shared>> -> memref<10000x128xf32, #tpu.memory_space<vmem_shared>>
          tpu.wait_indirect_dma semaphore(%arg18 : memref<!tpu.dma_semaphore, #tpu.memory_space<semaphore_mem>>) src(%dma_wait3A_185 : memref<128x128xf32, #tpu.memory_space<vmem>>) dst(%dma_wait3A_191 : memref<10000x128xf32, #tpu.memory_space<vmem_shared>>)
        } else {
        }
        %add3A_173 = arith.constant 1 : i32
        %add3A_174 = arith.addi %add3A_130, %add3A_173 : i32
        %lt3A_175 = arith.constant 78 : i32
        %lt3A_176 = arith.cmpi slt, %add3A_174, %lt3A_175 : i32
        %convert_element_type3A_177 = arith.extui %lt3A_176 : i1 to i32
        %cond3A_178 = arith.constant 0 : i32
        %cond3A_179 = arith.cmpi ne, %convert_element_type3A_177, %cond3A_178 : i32
        scf.if %cond3A_179 {
          %add3A_180 = arith.constant 1 : i32
          %add3A_181 = arith.addi %add3A_130, %add3A_180 : i32
          %mul3A_182 = arith.constant 128 : i32
          %mul3A_183 = arith.muli %add3A_181, %mul3A_182 : i32
          %dma_start3A_184 = arith.constant 0 : i32
          %dma_start3A_185 = arith.constant 0 : i32
          %dma_start3A_186 = arith.constant 0 : i32
          %dma_start3A_187 = tpu.memref_slice %arg11[%dma_start3A_184, %dma_start3A_185, %dma_start3A_186] : memref<2x128x128xf32, #tpu.memory_space<vmem>> -> memref<1x128x128xf32, #tpu.memory_space<vmem>>
          %dma_start3A_188 = tpu.memref_squeeze %dma_start3A_187 : memref<1x128x128xf32, #tpu.memory_space<vmem>> -> memref<128x128xf32, #tpu.memory_space<vmem>>
          %dma_start3A_189 = tpu.memref_slice %arg8[%mul3A_183] : memref<10000xi32, #tpu.memory_space<vmem>> -> memref<128xi32, #tpu.memory_space<vmem>>
          %dma_start3A_190 = arith.constant 0 : i32
          %dma_start3A_191 = arith.constant 0 : i32
          %dma_start3A_192 = tpu.memref_slice %arg4[%dma_start3A_190, %dma_start3A_191] : memref<10000x128xf32, #tpu.memory_space<hbm>> -> memref<10000x128xf32, #tpu.memory_space<hbm>>
          tpu.enqueue_indirect_dma source(%dma_start3A_192 : memref<10000x128xf32, #tpu.memory_space<hbm>>) target(%dma_start3A_188 : memref<128x128xf32, #tpu.memory_space<vmem>>) offsets(%dma_start3A_189 : memref<128xi32, #tpu.memory_space<vmem>>) semaphore(%arg16 : memref<!tpu.dma_semaphore, #tpu.memory_space<semaphore_mem>>)
          %add3A_193 = arith.constant 1 : i32
          %add3A_194 = arith.addi %add3A_130, %add3A_193 : i32
          %mul3A_195 = arith.constant 10000 : i32
          %mul3A_196 = arith.muli %arg1, %mul3A_195 : i32
          %mul3A_197 = arith.constant 128 : i32
          %mul3A_198 = arith.muli %add3A_194, %mul3A_197 : i32
          %add3A_199 = arith.addi %mul3A_196, %mul3A_198 : i32
          %dma_start3A_200 = arith.constant 0 : i32
          %dma_start3A_201 = arith.constant 0 : i32
          %dma_start3A_202 = tpu.memref_slice %arg9[%dma_start3A_200, %dma_start3A_201] : memref<2x128xi32, #tpu.memory_space<vmem>> -> memref<1x128xi32, #tpu.memory_space<vmem>>
          %dma_start3A_203 = tpu.memref_squeeze %dma_start3A_202 : memref<1x128xi32, #tpu.memory_space<vmem>> -> memref<128xi32, #tpu.memory_space<vmem>>
          %dma_start3A_204 = tpu.memref_slice %arg3[%add3A_199] : memref<160000xi32, #tpu.memory_space<hbm>> -> memref<128xi32, #tpu.memory_space<hbm>>
          %dma_start3A_205 = arith.constant 0 : i32
          %dma_start3A_206 = tpu.memref_slice %arg9[%dma_start3A_200, %dma_start3A_205] : memref<2x128xi32, #tpu.memory_space<vmem>> -> memref<1x128xi32, #tpu.memory_space<vmem>>
          %dma_start3A_207 = tpu.memref_squeeze %dma_start3A_206 : memref<1x128xi32, #tpu.memory_space<vmem>> -> memref<128xi32, #tpu.memory_space<vmem>>
          %dma_start3A_208 = tpu.memref_slice %arg3[%add3A_199] : memref<160000xi32, #tpu.memory_space<hbm>> -> memref<128xi32, #tpu.memory_space<hbm>>
          tpu.enqueue_dma source(%dma_start3A_208 : memref<128xi32, #tpu.memory_space<hbm>>) target(%dma_start3A_207 : memref<128xi32, #tpu.memory_space<vmem>>) target_semaphore(%arg14 : memref<!tpu.dma_semaphore, #tpu.memory_space<semaphore_mem>>)
        } else {
        }
      }
      %scan3A_40 = arith.constant 39 : i32
      %dma_wait3A = arith.constant 1 : i32
      %dma_wait3A_41 = arith.constant 1 : i32
      %dma_wait3A_42 = arith.constant 0 : i32
      %dma_wait3A_43 = arith.constant 0 : i32
      %dma_wait3A_44 = tpu.memref_slice %arg11[%dma_wait3A, %dma_wait3A_42, %dma_wait3A_43] : memref<2x128x128xf32, #tpu.memory_space<vmem>> -> memref<1x128x128xf32, #tpu.memory_space<vmem>>
      %dma_wait3A_45 = tpu.memref_squeeze %dma_wait3A_44 : memref<1x128x128xf32, #tpu.memory_space<vmem>> -> memref<128x128xf32, #tpu.memory_space<vmem>>
      %dma_wait3A_46 = arith.constant 0 : i32
      %dma_wait3A_47 = tpu.memref_slice %arg9[%dma_wait3A_41, %dma_wait3A_46] : memref<2x128xi32, #tpu.memory_space<vmem>> -> memref<1x128xi32, #tpu.memory_space<vmem>>
      %dma_wait3A_48 = tpu.memref_squeeze %dma_wait3A_47 : memref<1x128xi32, #tpu.memory_space<vmem>> -> memref<128xi32, #tpu.memory_space<vmem>>
      %dma_wait3A_49 = arith.constant 0 : i32
      %dma_wait3A_50 = arith.constant 0 : i32
      %dma_wait3A_51 = tpu.memref_slice %arg13[%dma_wait3A_49, %dma_wait3A_50] : memref<10000x128xf32, #tpu.memory_space<vmem_shared>> -> memref<10000x128xf32, #tpu.memory_space<vmem_shared>>
      tpu.wait_indirect_dma semaphore(%arg19 : memref<!tpu.dma_semaphore, #tpu.memory_space<semaphore_mem>>) src(%dma_wait3A_45 : memref<128x128xf32, #tpu.memory_space<vmem>>) dst(%dma_wait3A_51 : memref<10000x128xf32, #tpu.memory_space<vmem_shared>>)
      %mul3A_52 = arith.constant 10000 : i32
      %mul3A_53 = arith.muli %arg1, %mul3A_52 : i32
      %add3A_54 = arith.constant 9984 : i32
      %add3A_55 = arith.addi %mul3A_53, %add3A_54 : i32
      %run_scoped3A = arith.constant 0 : i32
      "tpu.region"() ({
        %run_scoped3A_75 = tpu.sem_alloc : memref<!tpu.dma_semaphore, #tpu.memory_space<semaphore_mem>>
        %dma_start3A_76 = arith.constant 0 : i32
        %dma_start3A_77 = tpu.memref_slice %arg10[%run_scoped3A, %dma_start3A_76] : memref<1x16xi32, #tpu.memory_space<vmem>> -> memref<1x16xi32, #tpu.memory_space<vmem>>
        %dma_start3A_78 = tpu.memref_squeeze %dma_start3A_77 : memref<1x16xi32, #tpu.memory_space<vmem>> -> memref<16xi32, #tpu.memory_space<vmem>>
        %dma_start3A_79 = tpu.memref_slice %arg3[%add3A_55] : memref<160000xi32, #tpu.memory_space<hbm>> -> memref<16xi32, #tpu.memory_space<hbm>>
        %dma_start3A_80 = arith.constant 0 : i32
        %dma_start3A_81 = tpu.memref_slice %arg10[%run_scoped3A, %dma_start3A_80] : memref<1x16xi32, #tpu.memory_space<vmem>> -> memref<1x16xi32, #tpu.memory_space<vmem>>
        %dma_start3A_82 = tpu.memref_squeeze %dma_start3A_81 : memref<1x16xi32, #tpu.memory_space<vmem>> -> memref<16xi32, #tpu.memory_space<vmem>>
        %dma_start3A_83 = tpu.memref_slice %arg3[%add3A_55] : memref<160000xi32, #tpu.memory_space<hbm>> -> memref<16xi32, #tpu.memory_space<hbm>>
        tpu.enqueue_dma source(%dma_start3A_83 : memref<16xi32, #tpu.memory_space<hbm>>) target(%dma_start3A_82 : memref<16xi32, #tpu.memory_space<vmem>>) target_semaphore(%run_scoped3A_75 : memref<!tpu.dma_semaphore, #tpu.memory_space<semaphore_mem>>)
        %dma_wait3A_84 = arith.constant 0 : i32
        %dma_wait3A_85 = tpu.memref_slice %arg10[%run_scoped3A, %dma_wait3A_84] : memref<1x16xi32, #tpu.memory_space<vmem>> -> memref<1x16xi32, #tpu.memory_space<vmem>>
        %dma_wait3A_86 = tpu.memref_squeeze %dma_wait3A_85 : memref<1x16xi32, #tpu.memory_space<vmem>> -> memref<16xi32, #tpu.memory_space<vmem>>
        %dma_wait3A_87 = tpu.memref_slice %arg3[%add3A_55] : memref<160000xi32, #tpu.memory_space<hbm>> -> memref<16xi32, #tpu.memory_space<hbm>>
        %dma_wait3A_88 = arith.constant 0 : i32
        %dma_wait3A_89 = tpu.memref_slice %arg10[%run_scoped3A, %dma_wait3A_88] : memref<1x16xi32, #tpu.memory_space<vmem>> -> memref<1x16xi32, #tpu.memory_space<vmem>>
        %dma_wait3A_90 = tpu.memref_squeeze %dma_wait3A_89 : memref<1x16xi32, #tpu.memory_space<vmem>> -> memref<16xi32, #tpu.memory_space<vmem>>
        %dma_wait3A_91 = tpu.memref_slice %arg3[%add3A_55] : memref<160000xi32, #tpu.memory_space<hbm>> -> memref<16xi32, #tpu.memory_space<hbm>>
        tpu.wait_dma2 semaphore(%run_scoped3A_75 : memref<!tpu.dma_semaphore, #tpu.memory_space<semaphore_mem>>) src(%dma_wait3A_91 : memref<16xi32, #tpu.memory_space<hbm>>) dst(%dma_wait3A_90 : memref<16xi32, #tpu.memory_space<vmem>>)
        tpu.yield
      }) : () -> ()
      %dma_start3A_56 = arith.constant 9984 : i32
      %dma_start3A_57 = tpu.memref_slice %arg8[%dma_start3A_56] : memref<10000xi32, #tpu.memory_space<vmem>> -> memref<16xi32, #tpu.memory_space<vmem>>
      %dma_start3A_58 = arith.constant 0 : i32
      %dma_start3A_59 = arith.constant 0 : i32
      %dma_start3A_60 = tpu.memref_slice %arg4[%dma_start3A_58, %dma_start3A_59] : memref<10000x128xf32, #tpu.memory_space<hbm>> -> memref<10000x128xf32, #tpu.memory_space<hbm>>
      tpu.enqueue_indirect_dma source(%dma_start3A_60 : memref<10000x128xf32, #tpu.memory_space<hbm>>) target(%arg12 : memref<16x128xf32, #tpu.memory_space<vmem>>) offsets(%dma_start3A_57 : memref<16xi32, #tpu.memory_space<vmem>>) semaphore(%arg16 : memref<!tpu.dma_semaphore, #tpu.memory_space<semaphore_mem>>)
      %dma_wait3A_61 = arith.constant 9984 : i32
      %dma_wait3A_62 = tpu.memref_slice %arg8[%dma_wait3A_61] : memref<10000xi32, #tpu.memory_space<vmem>> -> memref<16xi32, #tpu.memory_space<vmem>>
      %dma_wait3A_63 = arith.constant 0 : i32
      %dma_wait3A_64 = arith.constant 0 : i32
      %dma_wait3A_65 = tpu.memref_slice %arg4[%dma_wait3A_63, %dma_wait3A_64] : memref<10000x128xf32, #tpu.memory_space<hbm>> -> memref<10000x128xf32, #tpu.memory_space<hbm>>
      tpu.wait_indirect_dma semaphore(%arg16 : memref<!tpu.dma_semaphore, #tpu.memory_space<semaphore_mem>>) src(%dma_wait3A_65 : memref<10000x128xf32, #tpu.memory_space<hbm>>) dst(%arg12 : memref<16x128xf32, #tpu.memory_space<vmem>>)
      %run_scoped3A_66 = arith.constant 0 : i32
      "tpu.region"() ({
        %run_scoped3A_75 = tpu.sem_alloc : memref<!tpu.dma_semaphore, #tpu.memory_space<semaphore_mem>>
        %dma_start3A_76 = arith.constant 0 : i32
        %dma_start3A_77 = tpu.memref_slice %arg10[%run_scoped3A_66, %dma_start3A_76] : memref<1x16xi32, #tpu.memory_space<vmem>> -> memref<1x16xi32, #tpu.memory_space<vmem>>
        %dma_start3A_78 = tpu.memref_squeeze %dma_start3A_77 : memref<1x16xi32, #tpu.memory_space<vmem>> -> memref<16xi32, #tpu.memory_space<vmem>>
        %dma_start3A_79 = arith.constant 0 : i32
        %dma_start3A_80 = arith.constant 0 : i32
        %dma_start3A_81 = tpu.memref_slice %arg13[%dma_start3A_79, %dma_start3A_80] : memref<10000x128xf32, #tpu.memory_space<vmem_shared>> -> memref<10000x128xf32, #tpu.memory_space<vmem_shared>>
        tpu.enqueue_indirect_dma source(%arg12 : memref<16x128xf32, #tpu.memory_space<vmem>>) target(%dma_start3A_81 : memref<10000x128xf32, #tpu.memory_space<vmem_shared>>) offsets(%dma_start3A_78 : memref<16xi32, #tpu.memory_space<vmem>>) semaphore(%run_scoped3A_75 : memref<!tpu.dma_semaphore, #tpu.memory_space<semaphore_mem>>) {add = true}
        %dma_wait3A_82 = arith.constant 0 : i32
        %dma_wait3A_83 = tpu.memref_slice %arg10[%run_scoped3A_66, %dma_wait3A_82] : memref<1x16xi32, #tpu.memory_space<vmem>> -> memref<1x16xi32, #tpu.memory_space<vmem>>
        %dma_wait3A_84 = tpu.memref_squeeze %dma_wait3A_83 : memref<1x16xi32, #tpu.memory_space<vmem>> -> memref<16xi32, #tpu.memory_space<vmem>>
        %dma_wait3A_85 = arith.constant 0 : i32
        %dma_wait3A_86 = arith.constant 0 : i32
        %dma_wait3A_87 = tpu.memref_slice %arg13[%dma_wait3A_85, %dma_wait3A_86] : memref<10000x128xf32, #tpu.memory_space<vmem_shared>> -> memref<10000x128xf32, #tpu.memory_space<vmem_shared>>
        tpu.wait_indirect_dma semaphore(%run_scoped3A_75 : memref<!tpu.dma_semaphore, #tpu.memory_space<semaphore_mem>>) src(%arg12 : memref<16x128xf32, #tpu.memory_space<vmem>>) dst(%dma_wait3A_87 : memref<10000x128xf32, #tpu.memory_space<vmem_shared>>)
        tpu.yield
      }) : () -> ()
      %barrier3A_67 = arith.constant 0 : index
      tpu.barrier barrier_id(%barrier3A_67)
      %mul3A_68 = arith.constant 624 : i32
      %mul3A_69 = arith.muli %arg1, %mul3A_68 : i32
      "tpu.region"() ({
        %run_scoped3A_75 = tpu.sem_alloc : memref<!tpu.dma_semaphore, #tpu.memory_space<semaphore_mem>>
        %dma_start3A_76 = arith.constant 0 : i32
        %dma_start3A_77 = tpu.memref_slice %arg6[%mul3A_69, %dma_start3A_76] : memref<10000x128xf32, #tpu.memory_space<hbm>> -> memref<624x128xf32, #tpu.memory_space<hbm>>
        %dma_start3A_78 = arith.constant 0 : i32
        %dma_start3A_79 = tpu.memref_slice %arg13[%mul3A_69, %dma_start3A_78] : memref<10000x128xf32, #tpu.memory_space<vmem_shared>> -> memref<624x128xf32, #tpu.memory_space<vmem_shared>>
        tpu.enqueue_dma source(%dma_start3A_79 : memref<624x128xf32, #tpu.memory_space<vmem_shared>>) target(%dma_start3A_77 : memref<624x128xf32, #tpu.memory_space<hbm>>) target_semaphore(%run_scoped3A_75 : memref<!tpu.dma_semaphore, #tpu.memory_space<semaphore_mem>>)
        %dma_wait3A_80 = arith.constant 0 : i32
        %dma_wait3A_81 = tpu.memref_slice %arg6[%mul3A_69, %dma_wait3A_80] : memref<10000x128xf32, #tpu.memory_space<hbm>> -> memref<624x128xf32, #tpu.memory_space<hbm>>
        %dma_wait3A_82 = arith.constant 0 : i32
        %dma_wait3A_83 = tpu.memref_slice %arg13[%mul3A_69, %dma_wait3A_82] : memref<10000x128xf32, #tpu.memory_space<vmem_shared>> -> memref<624x128xf32, #tpu.memory_space<vmem_shared>>
        tpu.wait_dma2 semaphore(%run_scoped3A_75 : memref<!tpu.dma_semaphore, #tpu.memory_space<semaphore_mem>>) src(%dma_wait3A_83 : memref<624x128xf32, #tpu.memory_space<vmem_shared>>) dst(%dma_wait3A_81 : memref<624x128xf32, #tpu.memory_space<hbm>>)
        tpu.yield
      }) : () -> ()
      %eq3A_70 = arith.constant 15 : i32
      %eq3A_71 = arith.cmpi eq, %arg1, %eq3A_70 : i32
      %convert_element_type3A_72 = arith.extui %eq3A_71 : i1 to i32
      %cond3A_73 = arith.constant 0 : i32
      %cond3A_74 = arith.cmpi ne, %convert_element_type3A_72, %cond3A_73 : i32
      scf.if %cond3A_74 {
        "tpu.region"() ({
          %run_scoped3A_75 = tpu.sem_alloc : memref<!tpu.dma_semaphore, #tpu.memory_space<semaphore_mem>>
          %dma_start3A_76 = arith.constant 9984 : i32
          %dma_start3A_77 = arith.constant 0 : i32
          %dma_start3A_78 = tpu.memref_slice %arg6[%dma_start3A_76, %dma_start3A_77] : memref<10000x128xf32, #tpu.memory_space<hbm>> -> memref<16x128xf32, #tpu.memory_space<hbm>>
          %dma_start3A_79 = arith.constant 9984 : i32
          %dma_start3A_80 = arith.constant 0 : i32
          %dma_start3A_81 = tpu.memref_slice %arg13[%dma_start3A_79, %dma_start3A_80] : memref<10000x128xf32, #tpu.memory_space<vmem_shared>> -> memref<16x128xf32, #tpu.memory_space<vmem_shared>>
          tpu.enqueue_dma source(%dma_start3A_81 : memref<16x128xf32, #tpu.memory_space<vmem_shared>>) target(%dma_start3A_78 : memref<16x128xf32, #tpu.memory_space<hbm>>) target_semaphore(%run_scoped3A_75 : memref<!tpu.dma_semaphore, #tpu.memory_space<semaphore_mem>>)
          %dma_wait3A_82 = arith.constant 9984 : i32
          %dma_wait3A_83 = arith.constant 0 : i32
          %dma_wait3A_84 = tpu.memref_slice %arg6[%dma_wait3A_82, %dma_wait3A_83] : memref<10000x128xf32, #tpu.memory_space<hbm>> -> memref<16x128xf32, #tpu.memory_space<hbm>>
          %dma_wait3A_85 = arith.constant 9984 : i32
          %dma_wait3A_86 = arith.constant 0 : i32
          %dma_wait3A_87 = tpu.memref_slice %arg13[%dma_wait3A_85, %dma_wait3A_86] : memref<10000x128xf32, #tpu.memory_space<vmem_shared>> -> memref<16x128xf32, #tpu.memory_space<vmem_shared>>
          tpu.wait_dma2 semaphore(%run_scoped3A_75 : memref<!tpu.dma_semaphore, #tpu.memory_space<semaphore_mem>>) src(%dma_wait3A_87 : memref<16x128xf32, #tpu.memory_space<vmem_shared>>) dst(%dma_wait3A_84 : memref<16x128xf32, #tpu.memory_space<hbm>>)
          tpu.yield
        }) : () -> ()
      } else {
      }
    } else {
    }
    %eq3A_2 = arith.constant 1 : i32
    %eq3A_3 = arith.cmpi eq, %arg0, %eq3A_2 : i32
    %convert_element_type3A_4 = arith.extui %eq3A_3 : i1 to i32
    %cond3A_5 = arith.constant 0 : i32
    %cond3A_6 = arith.cmpi ne, %convert_element_type3A_4, %cond3A_5 : i32
    scf.if %cond3A_6 {
      %mul3A = arith.constant 10000 : i32
      %mul3A_7 = arith.muli %arg1, %mul3A : i32
      "tpu.region"() ({
        %run_scoped3A_75 = tpu.sem_alloc : memref<!tpu.dma_semaphore, #tpu.memory_space<semaphore_mem>>
        %dma_start3A_76 = tpu.memref_slice %arg2[%mul3A_7] : memref<160000xi32, #tpu.memory_space<hbm>> -> memref<10000xi32, #tpu.memory_space<hbm>>
        %dma_start3A_77 = tpu.memref_slice %arg2[%mul3A_7] : memref<160000xi32, #tpu.memory_space<hbm>> -> memref<10000xi32, #tpu.memory_space<hbm>>
        tpu.enqueue_dma source(%dma_start3A_77 : memref<10000xi32, #tpu.memory_space<hbm>>) target(%arg8 : memref<10000xi32, #tpu.memory_space<vmem>>) target_semaphore(%run_scoped3A_75 : memref<!tpu.dma_semaphore, #tpu.memory_space<semaphore_mem>>)
        %dma_wait3A_78 = tpu.memref_slice %arg2[%mul3A_7] : memref<160000xi32, #tpu.memory_space<hbm>> -> memref<10000xi32, #tpu.memory_space<hbm>>
        %dma_wait3A_79 = tpu.memref_slice %arg2[%mul3A_7] : memref<160000xi32, #tpu.memory_space<hbm>> -> memref<10000xi32, #tpu.memory_space<hbm>>
        tpu.wait_dma2 semaphore(%run_scoped3A_75 : memref<!tpu.dma_semaphore, #tpu.memory_space<semaphore_mem>>) src(%dma_wait3A_79 : memref<10000xi32, #tpu.memory_space<hbm>>) dst(%arg8 : memref<10000xi32, #tpu.memory_space<vmem>>)
        tpu.yield
      }) : () -> ()
      %mul3A_8 = arith.constant 624 : i32
      %mul3A_9 = arith.muli %arg1, %mul3A_8 : i32
      "tpu.region"() ({
        %run_scoped3A_75 = tpu.sem_alloc : memref<!tpu.dma_semaphore, #tpu.memory_space<semaphore_mem>>
        %dma_start3A_76 = arith.constant 0 : i32
        %dma_start3A_77 = tpu.memref_slice %arg13[%mul3A_9, %dma_start3A_76] : memref<10000x128xf32, #tpu.memory_space<vmem_shared>> -> memref<624x128xf32, #tpu.memory_space<vmem_shared>>
        %dma_start3A_78 = arith.constant 0 : i32
        %dma_start3A_79 = tpu.memref_slice %arg5[%mul3A_9, %dma_start3A_78] : memref<10000x128xf32, #tpu.memory_space<hbm>> -> memref<624x128xf32, #tpu.memory_space<hbm>>
        tpu.enqueue_dma source(%dma_start3A_79 : memref<624x128xf32, #tpu.memory_space<hbm>>) target(%dma_start3A_77 : memref<624x128xf32, #tpu.memory_space<vmem_shared>>) target_semaphore(%run_scoped3A_75 : memref<!tpu.dma_semaphore, #tpu.memory_space<semaphore_mem>>)
        %dma_wait3A_80 = arith.constant 0 : i32
        %dma_wait3A_81 = tpu.memref_slice %arg13[%mul3A_9, %dma_wait3A_80] : memref<10000x128xf32, #tpu.memory_space<vmem_shared>> -> memref<624x128xf32, #tpu.memory_space<vmem_shared>>
        %dma_wait3A_82 = arith.constant 0 : i32
        %dma_wait3A_83 = tpu.memref_slice %arg5[%mul3A_9, %dma_wait3A_82] : memref<10000x128xf32, #tpu.memory_space<hbm>> -> memref<624x128xf32, #tpu.memory_space<hbm>>
        tpu.wait_dma2 semaphore(%run_scoped3A_75 : memref<!tpu.dma_semaphore, #tpu.memory_space<semaphore_mem>>) src(%dma_wait3A_83 : memref<624x128xf32, #tpu.memory_space<hbm>>) dst(%dma_wait3A_81 : memref<624x128xf32, #tpu.memory_space<vmem_shared>>)
        tpu.yield
      }) : () -> ()
      %eq3A_10 = arith.constant 15 : i32
      %eq3A_11 = arith.cmpi eq, %arg1, %eq3A_10 : i32
      %convert_element_type3A_12 = arith.extui %eq3A_11 : i1 to i32
      %cond3A_13 = arith.constant 0 : i32
      %cond3A_14 = arith.cmpi ne, %convert_element_type3A_12, %cond3A_13 : i32
      scf.if %cond3A_14 {
        "tpu.region"() ({
          %run_scoped3A_75 = tpu.sem_alloc : memref<!tpu.dma_semaphore, #tpu.memory_space<semaphore_mem>>
          %dma_start3A_76 = arith.constant 9984 : i32
          %dma_start3A_77 = arith.constant 0 : i32
          %dma_start3A_78 = tpu.memref_slice %arg13[%dma_start3A_76, %dma_start3A_77] : memref<10000x128xf32, #tpu.memory_space<vmem_shared>> -> memref<16x128xf32, #tpu.memory_space<vmem_shared>>
          %dma_start3A_79 = arith.constant 9984 : i32
          %dma_start3A_80 = arith.constant 0 : i32
          %dma_start3A_81 = tpu.memref_slice %arg5[%dma_start3A_79, %dma_start3A_80] : memref<10000x128xf32, #tpu.memory_space<hbm>> -> memref<16x128xf32, #tpu.memory_space<hbm>>
          tpu.enqueue_dma source(%dma_start3A_81 : memref<16x128xf32, #tpu.memory_space<hbm>>) target(%dma_start3A_78 : memref<16x128xf32, #tpu.memory_space<vmem_shared>>) target_semaphore(%run_scoped3A_75 : memref<!tpu.dma_semaphore, #tpu.memory_space<semaphore_mem>>)
          %dma_wait3A_82 = arith.constant 9984 : i32
          %dma_wait3A_83 = arith.constant 0 : i32
          %dma_wait3A_84 = tpu.memref_slice %arg13[%dma_wait3A_82, %dma_wait3A_83] : memref<10000x128xf32, #tpu.memory_space<vmem_shared>> -> memref<16x128xf32, #tpu.memory_space<vmem_shared>>
          %dma_wait3A_85 = arith.constant 9984 : i32
          %dma_wait3A_86 = arith.constant 0 : i32
          %dma_wait3A_87 = tpu.memref_slice %arg5[%dma_wait3A_85, %dma_wait3A_86] : memref<10000x128xf32, #tpu.memory_space<hbm>> -> memref<16x128xf32, #tpu.memory_space<hbm>>
          tpu.wait_dma2 semaphore(%run_scoped3A_75 : memref<!tpu.dma_semaphore, #tpu.memory_space<semaphore_mem>>) src(%dma_wait3A_87 : memref<16x128xf32, #tpu.memory_space<hbm>>) dst(%dma_wait3A_84 : memref<16x128xf32, #tpu.memory_space<vmem_shared>>)
          tpu.yield
        }) : () -> ()
      } else {
      }
      %dma_start3A = arith.constant 0 : i32
      %dma_start3A_15 = arith.constant 0 : i32
      %dma_start3A_16 = arith.constant 0 : i32
      %dma_start3A_17 = tpu.memref_slice %arg11[%dma_start3A, %dma_start3A_15, %dma_start3A_16] : memref<2x128x128xf32, #tpu.memory_space<vmem>> -> memref<1x128x128xf32, #tpu.memory_space<vmem>>
      %dma_start3A_18 = tpu.memref_squeeze %dma_start3A_17 : memref<1x128x128xf32, #tpu.memory_space<vmem>> -> memref<128x128xf32, #tpu.memory_space<vmem>>
      %dma_start3A_19 = arith.constant 0 : i32
      %dma_start3A_20 = tpu.memref_slice %arg8[%dma_start3A_19] : memref<10000xi32, #tpu.memory_space<vmem>> -> memref<128xi32, #tpu.memory_space<vmem>>
      %dma_start3A_21 = arith.constant 0 : i32
      %dma_start3A_22 = arith.constant 0 : i32
      %dma_start3A_23 = tpu.memref_slice %arg5[%dma_start3A_21, %dma_start3A_22] : memref<10000x128xf32, #tpu.memory_space<hbm>> -> memref<10000x128xf32, #tpu.memory_space<hbm>>
      tpu.enqueue_indirect_dma source(%dma_start3A_23 : memref<10000x128xf32, #tpu.memory_space<hbm>>) target(%dma_start3A_18 : memref<128x128xf32, #tpu.memory_space<vmem>>) offsets(%dma_start3A_20 : memref<128xi32, #tpu.memory_space<vmem>>) semaphore(%arg16 : memref<!tpu.dma_semaphore, #tpu.memory_space<semaphore_mem>>)
      %mul3A_24 = arith.constant 10000 : i32
      %mul3A_25 = arith.muli %arg1, %mul3A_24 : i32
      %add3A = arith.constant 0 : i32
      %add3A_26 = arith.addi %mul3A_25, %add3A : i32
      %dma_start3A_27 = arith.constant 0 : i32
      %dma_start3A_28 = arith.constant 0 : i32
      %dma_start3A_29 = tpu.memref_slice %arg9[%dma_start3A_27, %dma_start3A_28] : memref<2x128xi32, #tpu.memory_space<vmem>> -> memref<1x128xi32, #tpu.memory_space<vmem>>
      %dma_start3A_30 = tpu.memref_squeeze %dma_start3A_29 : memref<1x128xi32, #tpu.memory_space<vmem>> -> memref<128xi32, #tpu.memory_space<vmem>>
      %dma_start3A_31 = tpu.memref_slice %arg3[%add3A_26] : memref<160000xi32, #tpu.memory_space<hbm>> -> memref<128xi32, #tpu.memory_space<hbm>>
      %dma_start3A_32 = arith.constant 0 : i32
      %dma_start3A_33 = tpu.memref_slice %arg9[%dma_start3A_27, %dma_start3A_32] : memref<2x128xi32, #tpu.memory_space<vmem>> -> memref<1x128xi32, #tpu.memory_space<vmem>>
      %dma_start3A_34 = tpu.memref_squeeze %dma_start3A_33 : memref<1x128xi32, #tpu.memory_space<vmem>> -> memref<128xi32, #tpu.memory_space<vmem>>
      %dma_start3A_35 = tpu.memref_slice %arg3[%add3A_26] : memref<160000xi32, #tpu.memory_space<hbm>> -> memref<128xi32, #tpu.memory_space<hbm>>
      tpu.enqueue_dma source(%dma_start3A_35 : memref<128xi32, #tpu.memory_space<hbm>>) target(%dma_start3A_34 : memref<128xi32, #tpu.memory_space<vmem>>) target_semaphore(%arg14 : memref<!tpu.dma_semaphore, #tpu.memory_space<semaphore_mem>>)
      %barrier3A = arith.constant 0 : index
      tpu.barrier barrier_id(%barrier3A)
      %scan3A = arith.constant 0 : i32
      %scan3A_36 = arith.constant 0 : i32
      %scan3A_37 = arith.constant 39 : i32
      %scan3A_38 = arith.addi %scan3A_36, %scan3A_37 : i32
      %scan3A_39 = arith.constant 1 : i32
      scf.for %scan3A_75 = %scan3A_36 to %scan3A_38 step %scan3A_39  : i32 {
        %mul3A_76 = arith.constant 2 : i32
        %mul3A_77 = arith.muli %mul3A_76, %scan3A_75 : i32
        %add3A_78 = arith.constant 0 : i32
        %add3A_79 = arith.addi %mul3A_77, %add3A_78 : i32
        %mul3A_80 = arith.constant 128 : i32
        %mul3A_81 = arith.muli %add3A_79, %mul3A_80 : i32
        %dma_wait3A_82 = arith.constant 0 : i32
        %dma_wait3A_83 = arith.constant 0 : i32
        %dma_wait3A_84 = arith.constant 0 : i32
        %dma_wait3A_85 = tpu.memref_slice %arg11[%dma_wait3A_82, %dma_wait3A_83, %dma_wait3A_84] : memref<2x128x128xf32, #tpu.memory_space<vmem>> -> memref<1x128x128xf32, #tpu.memory_space<vmem>>
        %dma_wait3A_86 = tpu.memref_squeeze %dma_wait3A_85 : memref<1x128x128xf32, #tpu.memory_space<vmem>> -> memref<128x128xf32, #tpu.memory_space<vmem>>
        %dma_wait3A_87 = tpu.memref_slice %arg8[%mul3A_81] : memref<10000xi32, #tpu.memory_space<vmem>> -> memref<128xi32, #tpu.memory_space<vmem>>
        %dma_wait3A_88 = arith.constant 0 : i32
        %dma_wait3A_89 = arith.constant 0 : i32
        %dma_wait3A_90 = tpu.memref_slice %arg5[%dma_wait3A_88, %dma_wait3A_89] : memref<10000x128xf32, #tpu.memory_space<hbm>> -> memref<10000x128xf32, #tpu.memory_space<hbm>>
        tpu.wait_indirect_dma semaphore(%arg16 : memref<!tpu.dma_semaphore, #tpu.memory_space<semaphore_mem>>) src(%dma_wait3A_90 : memref<10000x128xf32, #tpu.memory_space<hbm>>) dst(%dma_wait3A_86 : memref<128x128xf32, #tpu.memory_space<vmem>>)
        %mul3A_91 = arith.constant 10000 : i32
        %mul3A_92 = arith.muli %arg1, %mul3A_91 : i32
        %mul3A_93 = arith.constant 128 : i32
        %mul3A_94 = arith.muli %add3A_79, %mul3A_93 : i32
        %add3A_95 = arith.addi %mul3A_92, %mul3A_94 : i32
        %dma_wait3A_96 = arith.constant 0 : i32
        %dma_wait3A_97 = arith.constant 0 : i32
        %dma_wait3A_98 = tpu.memref_slice %arg9[%dma_wait3A_96, %dma_wait3A_97] : memref<2x128xi32, #tpu.memory_space<vmem>> -> memref<1x128xi32, #tpu.memory_space<vmem>>
        %dma_wait3A_99 = tpu.memref_squeeze %dma_wait3A_98 : memref<1x128xi32, #tpu.memory_space<vmem>> -> memref<128xi32, #tpu.memory_space<vmem>>
        %dma_wait3A_100 = tpu.memref_slice %arg3[%add3A_95] : memref<160000xi32, #tpu.memory_space<hbm>> -> memref<128xi32, #tpu.memory_space<hbm>>
        %dma_wait3A_101 = arith.constant 0 : i32
        %dma_wait3A_102 = tpu.memref_slice %arg9[%dma_wait3A_96, %dma_wait3A_101] : memref<2x128xi32, #tpu.memory_space<vmem>> -> memref<1x128xi32, #tpu.memory_space<vmem>>
        %dma_wait3A_103 = tpu.memref_squeeze %dma_wait3A_102 : memref<1x128xi32, #tpu.memory_space<vmem>> -> memref<128xi32, #tpu.memory_space<vmem>>
        %dma_wait3A_104 = tpu.memref_slice %arg3[%add3A_95] : memref<160000xi32, #tpu.memory_space<hbm>> -> memref<128xi32, #tpu.memory_space<hbm>>
        tpu.wait_dma2 semaphore(%arg14 : memref<!tpu.dma_semaphore, #tpu.memory_space<semaphore_mem>>) src(%dma_wait3A_104 : memref<128xi32, #tpu.memory_space<hbm>>) dst(%dma_wait3A_103 : memref<128xi32, #tpu.memory_space<vmem>>)
        %dma_start3A_105 = arith.constant 0 : i32
        %dma_start3A_106 = arith.constant 0 : i32
        %dma_start3A_107 = arith.constant 0 : i32
        %dma_start3A_108 = arith.constant 0 : i32
        %dma_start3A_109 = tpu.memref_slice %arg11[%dma_start3A_105, %dma_start3A_107, %dma_start3A_108] : memref<2x128x128xf32, #tpu.memory_space<vmem>> -> memref<1x128x128xf32, #tpu.memory_space<vmem>>
        %dma_start3A_110 = tpu.memref_squeeze %dma_start3A_109 : memref<1x128x128xf32, #tpu.memory_space<vmem>> -> memref<128x128xf32, #tpu.memory_space<vmem>>
        %dma_start3A_111 = arith.constant 0 : i32
        %dma_start3A_112 = tpu.memref_slice %arg9[%dma_start3A_106, %dma_start3A_111] : memref<2x128xi32, #tpu.memory_space<vmem>> -> memref<1x128xi32, #tpu.memory_space<vmem>>
        %dma_start3A_113 = tpu.memref_squeeze %dma_start3A_112 : memref<1x128xi32, #tpu.memory_space<vmem>> -> memref<128xi32, #tpu.memory_space<vmem>>
        %dma_start3A_114 = arith.constant 0 : i32
        %dma_start3A_115 = arith.constant 0 : i32
        %dma_start3A_116 = tpu.memref_slice %arg13[%dma_start3A_114, %dma_start3A_115] : memref<10000x128xf32, #tpu.memory_space<vmem_shared>> -> memref<10000x128xf32, #tpu.memory_space<vmem_shared>>
        tpu.enqueue_indirect_dma source(%dma_start3A_110 : memref<128x128xf32, #tpu.memory_space<vmem>>) target(%dma_start3A_116 : memref<10000x128xf32, #tpu.memory_space<vmem_shared>>) offsets(%dma_start3A_113 : memref<128xi32, #tpu.memory_space<vmem>>) semaphore(%arg18 : memref<!tpu.dma_semaphore, #tpu.memory_space<semaphore_mem>>) {add = true}
        %ge3A = arith.constant 1 : i32
        %ge3A_117 = arith.cmpi sge, %add3A_79, %ge3A : i32
        %convert_element_type3A_118 = arith.extui %ge3A_117 : i1 to i32
        %cond3A_119 = arith.constant 0 : i32
        %cond3A_120 = arith.cmpi ne, %convert_element_type3A_118, %cond3A_119 : i32
        scf.if %cond3A_120 {
          %dma_wait3A_180 = arith.constant 1 : i32
          %dma_wait3A_181 = arith.constant 1 : i32
          %dma_wait3A_182 = arith.constant 0 : i32
          %dma_wait3A_183 = arith.constant 0 : i32
          %dma_wait3A_184 = tpu.memref_slice %arg11[%dma_wait3A_180, %dma_wait3A_182, %dma_wait3A_183] : memref<2x128x128xf32, #tpu.memory_space<vmem>> -> memref<1x128x128xf32, #tpu.memory_space<vmem>>
          %dma_wait3A_185 = tpu.memref_squeeze %dma_wait3A_184 : memref<1x128x128xf32, #tpu.memory_space<vmem>> -> memref<128x128xf32, #tpu.memory_space<vmem>>
          %dma_wait3A_186 = arith.constant 0 : i32
          %dma_wait3A_187 = tpu.memref_slice %arg9[%dma_wait3A_181, %dma_wait3A_186] : memref<2x128xi32, #tpu.memory_space<vmem>> -> memref<1x128xi32, #tpu.memory_space<vmem>>
          %dma_wait3A_188 = tpu.memref_squeeze %dma_wait3A_187 : memref<1x128xi32, #tpu.memory_space<vmem>> -> memref<128xi32, #tpu.memory_space<vmem>>
          %dma_wait3A_189 = arith.constant 0 : i32
          %dma_wait3A_190 = arith.constant 0 : i32
          %dma_wait3A_191 = tpu.memref_slice %arg13[%dma_wait3A_189, %dma_wait3A_190] : memref<10000x128xf32, #tpu.memory_space<vmem_shared>> -> memref<10000x128xf32, #tpu.memory_space<vmem_shared>>
          tpu.wait_indirect_dma semaphore(%arg19 : memref<!tpu.dma_semaphore, #tpu.memory_space<semaphore_mem>>) src(%dma_wait3A_185 : memref<128x128xf32, #tpu.memory_space<vmem>>) dst(%dma_wait3A_191 : memref<10000x128xf32, #tpu.memory_space<vmem_shared>>)
        } else {
        }
        %add3A_121 = arith.constant 1 : i32
        %add3A_122 = arith.addi %add3A_79, %add3A_121 : i32
        %lt3A = arith.constant 78 : i32
        %lt3A_123 = arith.cmpi slt, %add3A_122, %lt3A : i32
        %convert_element_type3A_124 = arith.extui %lt3A_123 : i1 to i32
        %cond3A_125 = arith.constant 0 : i32
        %cond3A_126 = arith.cmpi ne, %convert_element_type3A_124, %cond3A_125 : i32
        scf.if %cond3A_126 {
          %add3A_180 = arith.constant 1 : i32
          %add3A_181 = arith.addi %add3A_79, %add3A_180 : i32
          %mul3A_182 = arith.constant 128 : i32
          %mul3A_183 = arith.muli %add3A_181, %mul3A_182 : i32
          %dma_start3A_184 = arith.constant 1 : i32
          %dma_start3A_185 = arith.constant 0 : i32
          %dma_start3A_186 = arith.constant 0 : i32
          %dma_start3A_187 = tpu.memref_slice %arg11[%dma_start3A_184, %dma_start3A_185, %dma_start3A_186] : memref<2x128x128xf32, #tpu.memory_space<vmem>> -> memref<1x128x128xf32, #tpu.memory_space<vmem>>
          %dma_start3A_188 = tpu.memref_squeeze %dma_start3A_187 : memref<1x128x128xf32, #tpu.memory_space<vmem>> -> memref<128x128xf32, #tpu.memory_space<vmem>>
          %dma_start3A_189 = tpu.memref_slice %arg8[%mul3A_183] : memref<10000xi32, #tpu.memory_space<vmem>> -> memref<128xi32, #tpu.memory_space<vmem>>
          %dma_start3A_190 = arith.constant 0 : i32
          %dma_start3A_191 = arith.constant 0 : i32
          %dma_start3A_192 = tpu.memref_slice %arg5[%dma_start3A_190, %dma_start3A_191] : memref<10000x128xf32, #tpu.memory_space<hbm>> -> memref<10000x128xf32, #tpu.memory_space<hbm>>
          tpu.enqueue_indirect_dma source(%dma_start3A_192 : memref<10000x128xf32, #tpu.memory_space<hbm>>) target(%dma_start3A_188 : memref<128x128xf32, #tpu.memory_space<vmem>>) offsets(%dma_start3A_189 : memref<128xi32, #tpu.memory_space<vmem>>) semaphore(%arg17 : memref<!tpu.dma_semaphore, #tpu.memory_space<semaphore_mem>>)
          %add3A_193 = arith.constant 1 : i32
          %add3A_194 = arith.addi %add3A_79, %add3A_193 : i32
          %mul3A_195 = arith.constant 10000 : i32
          %mul3A_196 = arith.muli %arg1, %mul3A_195 : i32
          %mul3A_197 = arith.constant 128 : i32
          %mul3A_198 = arith.muli %add3A_194, %mul3A_197 : i32
          %add3A_199 = arith.addi %mul3A_196, %mul3A_198 : i32
          %dma_start3A_200 = arith.constant 1 : i32
          %dma_start3A_201 = arith.constant 0 : i32
          %dma_start3A_202 = tpu.memref_slice %arg9[%dma_start3A_200, %dma_start3A_201] : memref<2x128xi32, #tpu.memory_space<vmem>> -> memref<1x128xi32, #tpu.memory_space<vmem>>
          %dma_start3A_203 = tpu.memref_squeeze %dma_start3A_202 : memref<1x128xi32, #tpu.memory_space<vmem>> -> memref<128xi32, #tpu.memory_space<vmem>>
          %dma_start3A_204 = tpu.memref_slice %arg3[%add3A_199] : memref<160000xi32, #tpu.memory_space<hbm>> -> memref<128xi32, #tpu.memory_space<hbm>>
          %dma_start3A_205 = arith.constant 0 : i32
          %dma_start3A_206 = tpu.memref_slice %arg9[%dma_start3A_200, %dma_start3A_205] : memref<2x128xi32, #tpu.memory_space<vmem>> -> memref<1x128xi32, #tpu.memory_space<vmem>>
          %dma_start3A_207 = tpu.memref_squeeze %dma_start3A_206 : memref<1x128xi32, #tpu.memory_space<vmem>> -> memref<128xi32, #tpu.memory_space<vmem>>
          %dma_start3A_208 = tpu.memref_slice %arg3[%add3A_199] : memref<160000xi32, #tpu.memory_space<hbm>> -> memref<128xi32, #tpu.memory_space<hbm>>
          tpu.enqueue_dma source(%dma_start3A_208 : memref<128xi32, #tpu.memory_space<hbm>>) target(%dma_start3A_207 : memref<128xi32, #tpu.memory_space<vmem>>) target_semaphore(%arg15 : memref<!tpu.dma_semaphore, #tpu.memory_space<semaphore_mem>>)
        } else {
        }
        %mul3A_127 = arith.constant 2 : i32
        %mul3A_128 = arith.muli %mul3A_127, %scan3A_75 : i32
        %add3A_129 = arith.constant 1 : i32
        %add3A_130 = arith.addi %mul3A_128, %add3A_129 : i32
        %mul3A_131 = arith.constant 128 : i32
        %mul3A_132 = arith.muli %add3A_130, %mul3A_131 : i32
        %dma_wait3A_133 = arith.constant 1 : i32
        %dma_wait3A_134 = arith.constant 0 : i32
        %dma_wait3A_135 = arith.constant 0 : i32
        %dma_wait3A_136 = tpu.memref_slice %arg11[%dma_wait3A_133, %dma_wait3A_134, %dma_wait3A_135] : memref<2x128x128xf32, #tpu.memory_space<vmem>> -> memref<1x128x128xf32, #tpu.memory_space<vmem>>
        %dma_wait3A_137 = tpu.memref_squeeze %dma_wait3A_136 : memref<1x128x128xf32, #tpu.memory_space<vmem>> -> memref<128x128xf32, #tpu.memory_space<vmem>>
        %dma_wait3A_138 = tpu.memref_slice %arg8[%mul3A_132] : memref<10000xi32, #tpu.memory_space<vmem>> -> memref<128xi32, #tpu.memory_space<vmem>>
        %dma_wait3A_139 = arith.constant 0 : i32
        %dma_wait3A_140 = arith.constant 0 : i32
        %dma_wait3A_141 = tpu.memref_slice %arg5[%dma_wait3A_139, %dma_wait3A_140] : memref<10000x128xf32, #tpu.memory_space<hbm>> -> memref<10000x128xf32, #tpu.memory_space<hbm>>
        tpu.wait_indirect_dma semaphore(%arg17 : memref<!tpu.dma_semaphore, #tpu.memory_space<semaphore_mem>>) src(%dma_wait3A_141 : memref<10000x128xf32, #tpu.memory_space<hbm>>) dst(%dma_wait3A_137 : memref<128x128xf32, #tpu.memory_space<vmem>>)
        %mul3A_142 = arith.constant 10000 : i32
        %mul3A_143 = arith.muli %arg1, %mul3A_142 : i32
        %mul3A_144 = arith.constant 128 : i32
        %mul3A_145 = arith.muli %add3A_130, %mul3A_144 : i32
        %add3A_146 = arith.addi %mul3A_143, %mul3A_145 : i32
        %dma_wait3A_147 = arith.constant 1 : i32
        %dma_wait3A_148 = arith.constant 0 : i32
        %dma_wait3A_149 = tpu.memref_slice %arg9[%dma_wait3A_147, %dma_wait3A_148] : memref<2x128xi32, #tpu.memory_space<vmem>> -> memref<1x128xi32, #tpu.memory_space<vmem>>
        %dma_wait3A_150 = tpu.memref_squeeze %dma_wait3A_149 : memref<1x128xi32, #tpu.memory_space<vmem>> -> memref<128xi32, #tpu.memory_space<vmem>>
        %dma_wait3A_151 = tpu.memref_slice %arg3[%add3A_146] : memref<160000xi32, #tpu.memory_space<hbm>> -> memref<128xi32, #tpu.memory_space<hbm>>
        %dma_wait3A_152 = arith.constant 0 : i32
        %dma_wait3A_153 = tpu.memref_slice %arg9[%dma_wait3A_147, %dma_wait3A_152] : memref<2x128xi32, #tpu.memory_space<vmem>> -> memref<1x128xi32, #tpu.memory_space<vmem>>
        %dma_wait3A_154 = tpu.memref_squeeze %dma_wait3A_153 : memref<1x128xi32, #tpu.memory_space<vmem>> -> memref<128xi32, #tpu.memory_space<vmem>>
        %dma_wait3A_155 = tpu.memref_slice %arg3[%add3A_146] : memref<160000xi32, #tpu.memory_space<hbm>> -> memref<128xi32, #tpu.memory_space<hbm>>
        tpu.wait_dma2 semaphore(%arg15 : memref<!tpu.dma_semaphore, #tpu.memory_space<semaphore_mem>>) src(%dma_wait3A_155 : memref<128xi32, #tpu.memory_space<hbm>>) dst(%dma_wait3A_154 : memref<128xi32, #tpu.memory_space<vmem>>)
        %dma_start3A_156 = arith.constant 1 : i32
        %dma_start3A_157 = arith.constant 1 : i32
        %dma_start3A_158 = arith.constant 0 : i32
        %dma_start3A_159 = arith.constant 0 : i32
        %dma_start3A_160 = tpu.memref_slice %arg11[%dma_start3A_156, %dma_start3A_158, %dma_start3A_159] : memref<2x128x128xf32, #tpu.memory_space<vmem>> -> memref<1x128x128xf32, #tpu.memory_space<vmem>>
        %dma_start3A_161 = tpu.memref_squeeze %dma_start3A_160 : memref<1x128x128xf32, #tpu.memory_space<vmem>> -> memref<128x128xf32, #tpu.memory_space<vmem>>
        %dma_start3A_162 = arith.constant 0 : i32
        %dma_start3A_163 = tpu.memref_slice %arg9[%dma_start3A_157, %dma_start3A_162] : memref<2x128xi32, #tpu.memory_space<vmem>> -> memref<1x128xi32, #tpu.memory_space<vmem>>
        %dma_start3A_164 = tpu.memref_squeeze %dma_start3A_163 : memref<1x128xi32, #tpu.memory_space<vmem>> -> memref<128xi32, #tpu.memory_space<vmem>>
        %dma_start3A_165 = arith.constant 0 : i32
        %dma_start3A_166 = arith.constant 0 : i32
        %dma_start3A_167 = tpu.memref_slice %arg13[%dma_start3A_165, %dma_start3A_166] : memref<10000x128xf32, #tpu.memory_space<vmem_shared>> -> memref<10000x128xf32, #tpu.memory_space<vmem_shared>>
        tpu.enqueue_indirect_dma source(%dma_start3A_161 : memref<128x128xf32, #tpu.memory_space<vmem>>) target(%dma_start3A_167 : memref<10000x128xf32, #tpu.memory_space<vmem_shared>>) offsets(%dma_start3A_164 : memref<128xi32, #tpu.memory_space<vmem>>) semaphore(%arg19 : memref<!tpu.dma_semaphore, #tpu.memory_space<semaphore_mem>>) {add = true}
        %ge3A_168 = arith.constant 1 : i32
        %ge3A_169 = arith.cmpi sge, %add3A_130, %ge3A_168 : i32
        %convert_element_type3A_170 = arith.extui %ge3A_169 : i1 to i32
        %cond3A_171 = arith.constant 0 : i32
        %cond3A_172 = arith.cmpi ne, %convert_element_type3A_170, %cond3A_171 : i32
        scf.if %cond3A_172 {
          %dma_wait3A_180 = arith.constant 0 : i32
          %dma_wait3A_181 = arith.constant 0 : i32
          %dma_wait3A_182 = arith.constant 0 : i32
          %dma_wait3A_183 = arith.constant 0 : i32
          %dma_wait3A_184 = tpu.memref_slice %arg11[%dma_wait3A_180, %dma_wait3A_182, %dma_wait3A_183] : memref<2x128x128xf32, #tpu.memory_space<vmem>> -> memref<1x128x128xf32, #tpu.memory_space<vmem>>
          %dma_wait3A_185 = tpu.memref_squeeze %dma_wait3A_184 : memref<1x128x128xf32, #tpu.memory_space<vmem>> -> memref<128x128xf32, #tpu.memory_space<vmem>>
          %dma_wait3A_186 = arith.constant 0 : i32
          %dma_wait3A_187 = tpu.memref_slice %arg9[%dma_wait3A_181, %dma_wait3A_186] : memref<2x128xi32, #tpu.memory_space<vmem>> -> memref<1x128xi32, #tpu.memory_space<vmem>>
          %dma_wait3A_188 = tpu.memref_squeeze %dma_wait3A_187 : memref<1x128xi32, #tpu.memory_space<vmem>> -> memref<128xi32, #tpu.memory_space<vmem>>
          %dma_wait3A_189 = arith.constant 0 : i32
          %dma_wait3A_190 = arith.constant 0 : i32
          %dma_wait3A_191 = tpu.memref_slice %arg13[%dma_wait3A_189, %dma_wait3A_190] : memref<10000x128xf32, #tpu.memory_space<vmem_shared>> -> memref<10000x128xf32, #tpu.memory_space<vmem_shared>>
          tpu.wait_indirect_dma semaphore(%arg18 : memref<!tpu.dma_semaphore, #tpu.memory_space<semaphore_mem>>) src(%dma_wait3A_185 : memref<128x128xf32, #tpu.memory_space<vmem>>) dst(%dma_wait3A_191 : memref<10000x128xf32, #tpu.memory_space<vmem_shared>>)
        } else {
        }
        %add3A_173 = arith.constant 1 : i32
        %add3A_174 = arith.addi %add3A_130, %add3A_173 : i32
        %lt3A_175 = arith.constant 78 : i32
        %lt3A_176 = arith.cmpi slt, %add3A_174, %lt3A_175 : i32
        %convert_element_type3A_177 = arith.extui %lt3A_176 : i1 to i32
        %cond3A_178 = arith.constant 0 : i32
        %cond3A_179 = arith.cmpi ne, %convert_element_type3A_177, %cond3A_178 : i32
        scf.if %cond3A_179 {
          %add3A_180 = arith.constant 1 : i32
          %add3A_181 = arith.addi %add3A_130, %add3A_180 : i32
          %mul3A_182 = arith.constant 128 : i32
          %mul3A_183 = arith.muli %add3A_181, %mul3A_182 : i32
          %dma_start3A_184 = arith.constant 0 : i32
          %dma_start3A_185 = arith.constant 0 : i32
          %dma_start3A_186 = arith.constant 0 : i32
          %dma_start3A_187 = tpu.memref_slice %arg11[%dma_start3A_184, %dma_start3A_185, %dma_start3A_186] : memref<2x128x128xf32, #tpu.memory_space<vmem>> -> memref<1x128x128xf32, #tpu.memory_space<vmem>>
          %dma_start3A_188 = tpu.memref_squeeze %dma_start3A_187 : memref<1x128x128xf32, #tpu.memory_space<vmem>> -> memref<128x128xf32, #tpu.memory_space<vmem>>
          %dma_start3A_189 = tpu.memref_slice %arg8[%mul3A_183] : memref<10000xi32, #tpu.memory_space<vmem>> -> memref<128xi32, #tpu.memory_space<vmem>>
          %dma_start3A_190 = arith.constant 0 : i32
          %dma_start3A_191 = arith.constant 0 : i32
          %dma_start3A_192 = tpu.memref_slice %arg5[%dma_start3A_190, %dma_start3A_191] : memref<10000x128xf32, #tpu.memory_space<hbm>> -> memref<10000x128xf32, #tpu.memory_space<hbm>>
          tpu.enqueue_indirect_dma source(%dma_start3A_192 : memref<10000x128xf32, #tpu.memory_space<hbm>>) target(%dma_start3A_188 : memref<128x128xf32, #tpu.memory_space<vmem>>) offsets(%dma_start3A_189 : memref<128xi32, #tpu.memory_space<vmem>>) semaphore(%arg16 : memref<!tpu.dma_semaphore, #tpu.memory_space<semaphore_mem>>)
          %add3A_193 = arith.constant 1 : i32
          %add3A_194 = arith.addi %add3A_130, %add3A_193 : i32
          %mul3A_195 = arith.constant 10000 : i32
          %mul3A_196 = arith.muli %arg1, %mul3A_195 : i32
          %mul3A_197 = arith.constant 128 : i32
          %mul3A_198 = arith.muli %add3A_194, %mul3A_197 : i32
          %add3A_199 = arith.addi %mul3A_196, %mul3A_198 : i32
          %dma_start3A_200 = arith.constant 0 : i32
          %dma_start3A_201 = arith.constant 0 : i32
          %dma_start3A_202 = tpu.memref_slice %arg9[%dma_start3A_200, %dma_start3A_201] : memref<2x128xi32, #tpu.memory_space<vmem>> -> memref<1x128xi32, #tpu.memory_space<vmem>>
          %dma_start3A_203 = tpu.memref_squeeze %dma_start3A_202 : memref<1x128xi32, #tpu.memory_space<vmem>> -> memref<128xi32, #tpu.memory_space<vmem>>
          %dma_start3A_204 = tpu.memref_slice %arg3[%add3A_199] : memref<160000xi32, #tpu.memory_space<hbm>> -> memref<128xi32, #tpu.memory_space<hbm>>
          %dma_start3A_205 = arith.constant 0 : i32
          %dma_start3A_206 = tpu.memref_slice %arg9[%dma_start3A_200, %dma_start3A_205] : memref<2x128xi32, #tpu.memory_space<vmem>> -> memref<1x128xi32, #tpu.memory_space<vmem>>
          %dma_start3A_207 = tpu.memref_squeeze %dma_start3A_206 : memref<1x128xi32, #tpu.memory_space<vmem>> -> memref<128xi32, #tpu.memory_space<vmem>>
          %dma_start3A_208 = tpu.memref_slice %arg3[%add3A_199] : memref<160000xi32, #tpu.memory_space<hbm>> -> memref<128xi32, #tpu.memory_space<hbm>>
          tpu.enqueue_dma source(%dma_start3A_208 : memref<128xi32, #tpu.memory_space<hbm>>) target(%dma_start3A_207 : memref<128xi32, #tpu.memory_space<vmem>>) target_semaphore(%arg14 : memref<!tpu.dma_semaphore, #tpu.memory_space<semaphore_mem>>)
        } else {
        }
      }
      %scan3A_40 = arith.constant 39 : i32
      %dma_wait3A = arith.constant 1 : i32
      %dma_wait3A_41 = arith.constant 1 : i32
      %dma_wait3A_42 = arith.constant 0 : i32
      %dma_wait3A_43 = arith.constant 0 : i32
      %dma_wait3A_44 = tpu.memref_slice %arg11[%dma_wait3A, %dma_wait3A_42, %dma_wait3A_43] : memref<2x128x128xf32, #tpu.memory_space<vmem>> -> memref<1x128x128xf32, #tpu.memory_space<vmem>>
      %dma_wait3A_45 = tpu.memref_squeeze %dma_wait3A_44 : memref<1x128x128xf32, #tpu.memory_space<vmem>> -> memref<128x128xf32, #tpu.memory_space<vmem>>
      %dma_wait3A_46 = arith.constant 0 : i32
      %dma_wait3A_47 = tpu.memref_slice %arg9[%dma_wait3A_41, %dma_wait3A_46] : memref<2x128xi32, #tpu.memory_space<vmem>> -> memref<1x128xi32, #tpu.memory_space<vmem>>
      %dma_wait3A_48 = tpu.memref_squeeze %dma_wait3A_47 : memref<1x128xi32, #tpu.memory_space<vmem>> -> memref<128xi32, #tpu.memory_space<vmem>>
      %dma_wait3A_49 = arith.constant 0 : i32
      %dma_wait3A_50 = arith.constant 0 : i32
      %dma_wait3A_51 = tpu.memref_slice %arg13[%dma_wait3A_49, %dma_wait3A_50] : memref<10000x128xf32, #tpu.memory_space<vmem_shared>> -> memref<10000x128xf32, #tpu.memory_space<vmem_shared>>
      tpu.wait_indirect_dma semaphore(%arg19 : memref<!tpu.dma_semaphore, #tpu.memory_space<semaphore_mem>>) src(%dma_wait3A_45 : memref<128x128xf32, #tpu.memory_space<vmem>>) dst(%dma_wait3A_51 : memref<10000x128xf32, #tpu.memory_space<vmem_shared>>)
      %mul3A_52 = arith.constant 10000 : i32
      %mul3A_53 = arith.muli %arg1, %mul3A_52 : i32
      %add3A_54 = arith.constant 9984 : i32
      %add3A_55 = arith.addi %mul3A_53, %add3A_54 : i32
      %run_scoped3A = arith.constant 0 : i32
      "tpu.region"() ({
        %run_scoped3A_75 = tpu.sem_alloc : memref<!tpu.dma_semaphore, #tpu.memory_space<semaphore_mem>>
        %dma_start3A_76 = arith.constant 0 : i32
        %dma_start3A_77 = tpu.memref_slice %arg10[%run_scoped3A, %dma_start3A_76] : memref<1x16xi32, #tpu.memory_space<vmem>> -> memref<1x16xi32, #tpu.memory_space<vmem>>
        %dma_start3A_78 = tpu.memref_squeeze %dma_start3A_77 : memref<1x16xi32, #tpu.memory_space<vmem>> -> memref<16xi32, #tpu.memory_space<vmem>>
        %dma_start3A_79 = tpu.memref_slice %arg3[%add3A_55] : memref<160000xi32, #tpu.memory_space<hbm>> -> memref<16xi32, #tpu.memory_space<hbm>>
        %dma_start3A_80 = arith.constant 0 : i32
        %dma_start3A_81 = tpu.memref_slice %arg10[%run_scoped3A, %dma_start3A_80] : memref<1x16xi32, #tpu.memory_space<vmem>> -> memref<1x16xi32, #tpu.memory_space<vmem>>
        %dma_start3A_82 = tpu.memref_squeeze %dma_start3A_81 : memref<1x16xi32, #tpu.memory_space<vmem>> -> memref<16xi32, #tpu.memory_space<vmem>>
        %dma_start3A_83 = tpu.memref_slice %arg3[%add3A_55] : memref<160000xi32, #tpu.memory_space<hbm>> -> memref<16xi32, #tpu.memory_space<hbm>>
        tpu.enqueue_dma source(%dma_start3A_83 : memref<16xi32, #tpu.memory_space<hbm>>) target(%dma_start3A_82 : memref<16xi32, #tpu.memory_space<vmem>>) target_semaphore(%run_scoped3A_75 : memref<!tpu.dma_semaphore, #tpu.memory_space<semaphore_mem>>)
        %dma_wait3A_84 = arith.constant 0 : i32
        %dma_wait3A_85 = tpu.memref_slice %arg10[%run_scoped3A, %dma_wait3A_84] : memref<1x16xi32, #tpu.memory_space<vmem>> -> memref<1x16xi32, #tpu.memory_space<vmem>>
        %dma_wait3A_86 = tpu.memref_squeeze %dma_wait3A_85 : memref<1x16xi32, #tpu.memory_space<vmem>> -> memref<16xi32, #tpu.memory_space<vmem>>
        %dma_wait3A_87 = tpu.memref_slice %arg3[%add3A_55] : memref<160000xi32, #tpu.memory_space<hbm>> -> memref<16xi32, #tpu.memory_space<hbm>>
        %dma_wait3A_88 = arith.constant 0 : i32
        %dma_wait3A_89 = tpu.memref_slice %arg10[%run_scoped3A, %dma_wait3A_88] : memref<1x16xi32, #tpu.memory_space<vmem>> -> memref<1x16xi32, #tpu.memory_space<vmem>>
        %dma_wait3A_90 = tpu.memref_squeeze %dma_wait3A_89 : memref<1x16xi32, #tpu.memory_space<vmem>> -> memref<16xi32, #tpu.memory_space<vmem>>
        %dma_wait3A_91 = tpu.memref_slice %arg3[%add3A_55] : memref<160000xi32, #tpu.memory_space<hbm>> -> memref<16xi32, #tpu.memory_space<hbm>>
        tpu.wait_dma2 semaphore(%run_scoped3A_75 : memref<!tpu.dma_semaphore, #tpu.memory_space<semaphore_mem>>) src(%dma_wait3A_91 : memref<16xi32, #tpu.memory_space<hbm>>) dst(%dma_wait3A_90 : memref<16xi32, #tpu.memory_space<vmem>>)
        tpu.yield
      }) : () -> ()
      %dma_start3A_56 = arith.constant 9984 : i32
      %dma_start3A_57 = tpu.memref_slice %arg8[%dma_start3A_56] : memref<10000xi32, #tpu.memory_space<vmem>> -> memref<16xi32, #tpu.memory_space<vmem>>
      %dma_start3A_58 = arith.constant 0 : i32
      %dma_start3A_59 = arith.constant 0 : i32
      %dma_start3A_60 = tpu.memref_slice %arg5[%dma_start3A_58, %dma_start3A_59] : memref<10000x128xf32, #tpu.memory_space<hbm>> -> memref<10000x128xf32, #tpu.memory_space<hbm>>
      tpu.enqueue_indirect_dma source(%dma_start3A_60 : memref<10000x128xf32, #tpu.memory_space<hbm>>) target(%arg12 : memref<16x128xf32, #tpu.memory_space<vmem>>) offsets(%dma_start3A_57 : memref<16xi32, #tpu.memory_space<vmem>>) semaphore(%arg16 : memref<!tpu.dma_semaphore, #tpu.memory_space<semaphore_mem>>)
      %dma_wait3A_61 = arith.constant 9984 : i32
      %dma_wait3A_62 = tpu.memref_slice %arg8[%dma_wait3A_61] : memref<10000xi32, #tpu.memory_space<vmem>> -> memref<16xi32, #tpu.memory_space<vmem>>
      %dma_wait3A_63 = arith.constant 0 : i32
      %dma_wait3A_64 = arith.constant 0 : i32
      %dma_wait3A_65 = tpu.memref_slice %arg5[%dma_wait3A_63, %dma_wait3A_64] : memref<10000x128xf32, #tpu.memory_space<hbm>> -> memref<10000x128xf32, #tpu.memory_space<hbm>>
      tpu.wait_indirect_dma semaphore(%arg16 : memref<!tpu.dma_semaphore, #tpu.memory_space<semaphore_mem>>) src(%dma_wait3A_65 : memref<10000x128xf32, #tpu.memory_space<hbm>>) dst(%arg12 : memref<16x128xf32, #tpu.memory_space<vmem>>)
      %run_scoped3A_66 = arith.constant 0 : i32
      "tpu.region"() ({
        %run_scoped3A_75 = tpu.sem_alloc : memref<!tpu.dma_semaphore, #tpu.memory_space<semaphore_mem>>
        %dma_start3A_76 = arith.constant 0 : i32
        %dma_start3A_77 = tpu.memref_slice %arg10[%run_scoped3A_66, %dma_start3A_76] : memref<1x16xi32, #tpu.memory_space<vmem>> -> memref<1x16xi32, #tpu.memory_space<vmem>>
        %dma_start3A_78 = tpu.memref_squeeze %dma_start3A_77 : memref<1x16xi32, #tpu.memory_space<vmem>> -> memref<16xi32, #tpu.memory_space<vmem>>
        %dma_start3A_79 = arith.constant 0 : i32
        %dma_start3A_80 = arith.constant 0 : i32
        %dma_start3A_81 = tpu.memref_slice %arg13[%dma_start3A_79, %dma_start3A_80] : memref<10000x128xf32, #tpu.memory_space<vmem_shared>> -> memref<10000x128xf32, #tpu.memory_space<vmem_shared>>
        tpu.enqueue_indirect_dma source(%arg12 : memref<16x128xf32, #tpu.memory_space<vmem>>) target(%dma_start3A_81 : memref<10000x128xf32, #tpu.memory_space<vmem_shared>>) offsets(%dma_start3A_78 : memref<16xi32, #tpu.memory_space<vmem>>) semaphore(%run_scoped3A_75 : memref<!tpu.dma_semaphore, #tpu.memory_space<semaphore_mem>>) {add = true}
        %dma_wait3A_82 = arith.constant 0 : i32
        %dma_wait3A_83 = tpu.memref_slice %arg10[%run_scoped3A_66, %dma_wait3A_82] : memref<1x16xi32, #tpu.memory_space<vmem>> -> memref<1x16xi32, #tpu.memory_space<vmem>>
        %dma_wait3A_84 = tpu.memref_squeeze %dma_wait3A_83 : memref<1x16xi32, #tpu.memory_space<vmem>> -> memref<16xi32, #tpu.memory_space<vmem>>
        %dma_wait3A_85 = arith.constant 0 : i32
        %dma_wait3A_86 = arith.constant 0 : i32
        %dma_wait3A_87 = tpu.memref_slice %arg13[%dma_wait3A_85, %dma_wait3A_86] : memref<10000x128xf32, #tpu.memory_space<vmem_shared>> -> memref<10000x128xf32, #tpu.memory_space<vmem_shared>>
        tpu.wait_indirect_dma semaphore(%run_scoped3A_75 : memref<!tpu.dma_semaphore, #tpu.memory_space<semaphore_mem>>) src(%arg12 : memref<16x128xf32, #tpu.memory_space<vmem>>) dst(%dma_wait3A_87 : memref<10000x128xf32, #tpu.memory_space<vmem_shared>>)
        tpu.yield
      }) : () -> ()
      %barrier3A_67 = arith.constant 0 : index
      tpu.barrier barrier_id(%barrier3A_67)
      %mul3A_68 = arith.constant 624 : i32
      %mul3A_69 = arith.muli %arg1, %mul3A_68 : i32
      "tpu.region"() ({
        %run_scoped3A_75 = tpu.sem_alloc : memref<!tpu.dma_semaphore, #tpu.memory_space<semaphore_mem>>
        %dma_start3A_76 = arith.constant 0 : i32
        %dma_start3A_77 = tpu.memref_slice %arg7[%mul3A_69, %dma_start3A_76] : memref<10000x128xf32, #tpu.memory_space<hbm>> -> memref<624x128xf32, #tpu.memory_space<hbm>>
        %dma_start3A_78 = arith.constant 0 : i32
        %dma_start3A_79 = tpu.memref_slice %arg13[%mul3A_69, %dma_start3A_78] : memref<10000x128xf32, #tpu.memory_space<vmem_shared>> -> memref<624x128xf32, #tpu.memory_space<vmem_shared>>
        tpu.enqueue_dma source(%dma_start3A_79 : memref<624x128xf32, #tpu.memory_space<vmem_shared>>) target(%dma_start3A_77 : memref<624x128xf32, #tpu.memory_space<hbm>>) target_semaphore(%run_scoped3A_75 : memref<!tpu.dma_semaphore, #tpu.memory_space<semaphore_mem>>)
        %dma_wait3A_80 = arith.constant 0 : i32
        %dma_wait3A_81 = tpu.memref_slice %arg7[%mul3A_69, %dma_wait3A_80] : memref<10000x128xf32, #tpu.memory_space<hbm>> -> memref<624x128xf32, #tpu.memory_space<hbm>>
        %dma_wait3A_82 = arith.constant 0 : i32
        %dma_wait3A_83 = tpu.memref_slice %arg13[%mul3A_69, %dma_wait3A_82] : memref<10000x128xf32, #tpu.memory_space<vmem_shared>> -> memref<624x128xf32, #tpu.memory_space<vmem_shared>>
        tpu.wait_dma2 semaphore(%run_scoped3A_75 : memref<!tpu.dma_semaphore, #tpu.memory_space<semaphore_mem>>) src(%dma_wait3A_83 : memref<624x128xf32, #tpu.memory_space<vmem_shared>>) dst(%dma_wait3A_81 : memref<624x128xf32, #tpu.memory_space<hbm>>)
        tpu.yield
      }) : () -> ()
      %eq3A_70 = arith.constant 15 : i32
      %eq3A_71 = arith.cmpi eq, %arg1, %eq3A_70 : i32
      %convert_element_type3A_72 = arith.extui %eq3A_71 : i1 to i32
      %cond3A_73 = arith.constant 0 : i32
      %cond3A_74 = arith.cmpi ne, %convert_element_type3A_72, %cond3A_73 : i32
      scf.if %cond3A_74 {
        "tpu.region"() ({
          %run_scoped3A_75 = tpu.sem_alloc : memref<!tpu.dma_semaphore, #tpu.memory_space<semaphore_mem>>
          %dma_start3A_76 = arith.constant 9984 : i32
          %dma_start3A_77 = arith.constant 0 : i32
          %dma_start3A_78 = tpu.memref_slice %arg7[%dma_start3A_76, %dma_start3A_77] : memref<10000x128xf32, #tpu.memory_space<hbm>> -> memref<16x128xf32, #tpu.memory_space<hbm>>
          %dma_start3A_79 = arith.constant 9984 : i32
          %dma_start3A_80 = arith.constant 0 : i32
          %dma_start3A_81 = tpu.memref_slice %arg13[%dma_start3A_79, %dma_start3A_80] : memref<10000x128xf32, #tpu.memory_space<vmem_shared>> -> memref<16x128xf32, #tpu.memory_space<vmem_shared>>
          tpu.enqueue_dma source(%dma_start3A_81 : memref<16x128xf32, #tpu.memory_space<vmem_shared>>) target(%dma_start3A_78 : memref<16x128xf32, #tpu.memory_space<hbm>>) target_semaphore(%run_scoped3A_75 : memref<!tpu.dma_semaphore, #tpu.memory_space<semaphore_mem>>)
          %dma_wait3A_82 = arith.constant 9984 : i32
          %dma_wait3A_83 = arith.constant 0 : i32
          %dma_wait3A_84 = tpu.memref_slice %arg7[%dma_wait3A_82, %dma_wait3A_83] : memref<10000x128xf32, #tpu.memory_space<hbm>> -> memref<16x128xf32, #tpu.memory_space<hbm>>
          %dma_wait3A_85 = arith.constant 9984 : i32
          %dma_wait3A_86 = arith.constant 0 : i32
          %dma_wait3A_87 = tpu.memref_slice %arg13[%dma_wait3A_85, %dma_wait3A_86] : memref<10000x128xf32, #tpu.memory_space<vmem_shared>> -> memref<16x128xf32, #tpu.memory_space<vmem_shared>>
          tpu.wait_dma2 semaphore(%run_scoped3A_75 : memref<!tpu.dma_semaphore, #tpu.memory_space<semaphore_mem>>) src(%dma_wait3A_87 : memref<16x128xf32, #tpu.memory_space<vmem_shared>>) dst(%dma_wait3A_84 : memref<16x128xf32, #tpu.memory_space<hbm>>)
          tpu.yield
        }) : () -> ()
      } else {
      }
    } else {
    }
    return
  }
}

#map = affine_map<(d0, d1) -> (0)>
#map1 = affine_map<(d0, d1) -> (0, 0)>
module attributes {stable_mosaic.version = 14 : i64} {
  func.func @_sc_agg(%arg0: i32, %arg1: i32, %arg2: memref<160000xi32, #tpu.memory_space<hbm>>, %arg3: memref<160000xi32, #tpu.memory_space<hbm>>, %arg4: memref<10000x128xf32, #tpu.memory_space<hbm>>, %arg5: memref<10000x128xf32, #tpu.memory_space<hbm>>, %arg6: memref<10000x128xf32, #tpu.memory_space<hbm>>, %arg7: memref<10000x128xf32, #tpu.memory_space<hbm>>, %arg8: memref<10000xi32, #tpu.memory_space<vmem>>, %arg9: memref<2x128xi32, #tpu.memory_space<vmem>>, %arg10: memref<1x16xi32, #tpu.memory_space<vmem>>, %arg11: memref<2x128x128xf32, #tpu.memory_space<vmem>>, %arg12: memref<16x128xf32, #tpu.memory_space<vmem>>, %arg13: memref<10000x128xf32, #tpu.memory_space<vmem_shared>>, %arg14: memref<!tpu.dma_semaphore, #tpu.memory_space<semaphore_mem>>, %arg15: memref<!tpu.dma_semaphore, #tpu.memory_space<semaphore_mem>>, %arg16: memref<!tpu.dma_semaphore, #tpu.memory_space<semaphore_mem>>, %arg17: memref<!tpu.dma_semaphore, #tpu.memory_space<semaphore_mem>>, %arg18: memref<!tpu.dma_semaphore, #tpu.memory_space<semaphore_mem>>, %arg19: memref<!tpu.dma_semaphore, #tpu.memory_space<semaphore_mem>>) attributes {dimension_semantics = [#tpu.dimension_semantics<core_parallel>, #tpu.dimension_semantics<subcore_parallel>], iteration_bounds = array<i64: 2, 16>, scalar_prefetch = 0 : i64, scratch_operands = 12 : i64, tpu.core_type = #tpu.core_type<sc_vector_subcore>, window_params = [{transform_indices = #map}, {transform_indices = #map}, {transform_indices = #map1}, {transform_indices = #map1}, {transform_indices = #map1}, {transform_indices = #map1}]} {
    %eq3A = arith.constant 0 : i32
    %eq3A_0 = arith.cmpi eq, %arg0, %eq3A : i32
    %convert_element_type3A = arith.extui %eq3A_0 : i1 to i32
    %cond3A = arith.constant 0 : i32
    %cond3A_1 = arith.cmpi ne, %convert_element_type3A, %cond3A : i32
    scf.if %cond3A_1 {
      %mul3A = arith.constant 10000 : i32
      %mul3A_7 = arith.muli %arg1, %mul3A : i32
      "tpu.region"() ({
        %run_scoped3A_75 = tpu.sem_alloc : memref<!tpu.dma_semaphore, #tpu.memory_space<semaphore_mem>>
        %dma_start3A_76 = tpu.memref_slice %arg2[%mul3A_7] : memref<160000xi32, #tpu.memory_space<hbm>> -> memref<10000xi32, #tpu.memory_space<hbm>>
        %dma_start3A_77 = tpu.memref_slice %arg2[%mul3A_7] : memref<160000xi32, #tpu.memory_space<hbm>> -> memref<10000xi32, #tpu.memory_space<hbm>>
        tpu.enqueue_dma source(%dma_start3A_77 : memref<10000xi32, #tpu.memory_space<hbm>>) target(%arg8 : memref<10000xi32, #tpu.memory_space<vmem>>) target_semaphore(%run_scoped3A_75 : memref<!tpu.dma_semaphore, #tpu.memory_space<semaphore_mem>>)
        %dma_wait3A_78 = tpu.memref_slice %arg2[%mul3A_7] : memref<160000xi32, #tpu.memory_space<hbm>> -> memref<10000xi32, #tpu.memory_space<hbm>>
        %dma_wait3A_79 = tpu.memref_slice %arg2[%mul3A_7] : memref<160000xi32, #tpu.memory_space<hbm>> -> memref<10000xi32, #tpu.memory_space<hbm>>
        tpu.wait_dma2 semaphore(%run_scoped3A_75 : memref<!tpu.dma_semaphore, #tpu.memory_space<semaphore_mem>>) src(%dma_wait3A_79 : memref<10000xi32, #tpu.memory_space<hbm>>) dst(%arg8 : memref<10000xi32, #tpu.memory_space<vmem>>)
        tpu.yield
      }) : () -> ()
      %mul3A_8 = arith.constant 624 : i32
      %mul3A_9 = arith.muli %arg1, %mul3A_8 : i32
      "tpu.region"() ({
        %run_scoped3A_75 = tpu.sem_alloc : memref<!tpu.dma_semaphore, #tpu.memory_space<semaphore_mem>>
        %dma_start3A_76 = arith.constant 0 : i32
        %dma_start3A_77 = tpu.memref_slice %arg13[%mul3A_9, %dma_start3A_76] : memref<10000x128xf32, #tpu.memory_space<vmem_shared>> -> memref<624x128xf32, #tpu.memory_space<vmem_shared>>
        %dma_start3A_78 = arith.constant 0 : i32
        %dma_start3A_79 = tpu.memref_slice %arg4[%mul3A_9, %dma_start3A_78] : memref<10000x128xf32, #tpu.memory_space<hbm>> -> memref<624x128xf32, #tpu.memory_space<hbm>>
        tpu.enqueue_dma source(%dma_start3A_79 : memref<624x128xf32, #tpu.memory_space<hbm>>) target(%dma_start3A_77 : memref<624x128xf32, #tpu.memory_space<vmem_shared>>) target_semaphore(%run_scoped3A_75 : memref<!tpu.dma_semaphore, #tpu.memory_space<semaphore_mem>>)
        %dma_wait3A_80 = arith.constant 0 : i32
        %dma_wait3A_81 = tpu.memref_slice %arg13[%mul3A_9, %dma_wait3A_80] : memref<10000x128xf32, #tpu.memory_space<vmem_shared>> -> memref<624x128xf32, #tpu.memory_space<vmem_shared>>
        %dma_wait3A_82 = arith.constant 0 : i32
        %dma_wait3A_83 = tpu.memref_slice %arg4[%mul3A_9, %dma_wait3A_82] : memref<10000x128xf32, #tpu.memory_space<hbm>> -> memref<624x128xf32, #tpu.memory_space<hbm>>
        tpu.wait_dma2 semaphore(%run_scoped3A_75 : memref<!tpu.dma_semaphore, #tpu.memory_space<semaphore_mem>>) src(%dma_wait3A_83 : memref<624x128xf32, #tpu.memory_space<hbm>>) dst(%dma_wait3A_81 : memref<624x128xf32, #tpu.memory_space<vmem_shared>>)
        tpu.yield
      }) : () -> ()
      %eq3A_10 = arith.constant 15 : i32
      %eq3A_11 = arith.cmpi eq, %arg1, %eq3A_10 : i32
      %convert_element_type3A_12 = arith.extui %eq3A_11 : i1 to i32
      %cond3A_13 = arith.constant 0 : i32
      %cond3A_14 = arith.cmpi ne, %convert_element_type3A_12, %cond3A_13 : i32
      scf.if %cond3A_14 {
        "tpu.region"() ({
          %run_scoped3A_75 = tpu.sem_alloc : memref<!tpu.dma_semaphore, #tpu.memory_space<semaphore_mem>>
          %dma_start3A_76 = arith.constant 9984 : i32
          %dma_start3A_77 = arith.constant 0 : i32
          %dma_start3A_78 = tpu.memref_slice %arg13[%dma_start3A_76, %dma_start3A_77] : memref<10000x128xf32, #tpu.memory_space<vmem_shared>> -> memref<16x128xf32, #tpu.memory_space<vmem_shared>>
          %dma_start3A_79 = arith.constant 9984 : i32
          %dma_start3A_80 = arith.constant 0 : i32
          %dma_start3A_81 = tpu.memref_slice %arg4[%dma_start3A_79, %dma_start3A_80] : memref<10000x128xf32, #tpu.memory_space<hbm>> -> memref<16x128xf32, #tpu.memory_space<hbm>>
          tpu.enqueue_dma source(%dma_start3A_81 : memref<16x128xf32, #tpu.memory_space<hbm>>) target(%dma_start3A_78 : memref<16x128xf32, #tpu.memory_space<vmem_shared>>) target_semaphore(%run_scoped3A_75 : memref<!tpu.dma_semaphore, #tpu.memory_space<semaphore_mem>>)
          %dma_wait3A_82 = arith.constant 9984 : i32
          %dma_wait3A_83 = arith.constant 0 : i32
          %dma_wait3A_84 = tpu.memref_slice %arg13[%dma_wait3A_82, %dma_wait3A_83] : memref<10000x128xf32, #tpu.memory_space<vmem_shared>> -> memref<16x128xf32, #tpu.memory_space<vmem_shared>>
          %dma_wait3A_85 = arith.constant 9984 : i32
          %dma_wait3A_86 = arith.constant 0 : i32
          %dma_wait3A_87 = tpu.memref_slice %arg4[%dma_wait3A_85, %dma_wait3A_86] : memref<10000x128xf32, #tpu.memory_space<hbm>> -> memref<16x128xf32, #tpu.memory_space<hbm>>
          tpu.wait_dma2 semaphore(%run_scoped3A_75 : memref<!tpu.dma_semaphore, #tpu.memory_space<semaphore_mem>>) src(%dma_wait3A_87 : memref<16x128xf32, #tpu.memory_space<hbm>>) dst(%dma_wait3A_84 : memref<16x128xf32, #tpu.memory_space<vmem_shared>>)
          tpu.yield
        }) : () -> ()
      } else {
      }
      %dma_start3A = arith.constant 0 : i32
      %dma_start3A_15 = arith.constant 0 : i32
      %dma_start3A_16 = arith.constant 0 : i32
      %dma_start3A_17 = tpu.memref_slice %arg11[%dma_start3A, %dma_start3A_15, %dma_start3A_16] : memref<2x128x128xf32, #tpu.memory_space<vmem>> -> memref<1x128x128xf32, #tpu.memory_space<vmem>>
      %dma_start3A_18 = tpu.memref_squeeze %dma_start3A_17 : memref<1x128x128xf32, #tpu.memory_space<vmem>> -> memref<128x128xf32, #tpu.memory_space<vmem>>
      %dma_start3A_19 = arith.constant 0 : i32
      %dma_start3A_20 = tpu.memref_slice %arg8[%dma_start3A_19] : memref<10000xi32, #tpu.memory_space<vmem>> -> memref<128xi32, #tpu.memory_space<vmem>>
      %dma_start3A_21 = arith.constant 0 : i32
      %dma_start3A_22 = arith.constant 0 : i32
      %dma_start3A_23 = tpu.memref_slice %arg4[%dma_start3A_21, %dma_start3A_22] : memref<10000x128xf32, #tpu.memory_space<hbm>> -> memref<10000x128xf32, #tpu.memory_space<hbm>>
      tpu.enqueue_indirect_dma source(%dma_start3A_23 : memref<10000x128xf32, #tpu.memory_space<hbm>>) target(%dma_start3A_18 : memref<128x128xf32, #tpu.memory_space<vmem>>) offsets(%dma_start3A_20 : memref<128xi32, #tpu.memory_space<vmem>>) semaphore(%arg16 : memref<!tpu.dma_semaphore, #tpu.memory_space<semaphore_mem>>)
      %mul3A_24 = arith.constant 10000 : i32
      %mul3A_25 = arith.muli %arg1, %mul3A_24 : i32
      %add3A = arith.constant 0 : i32
      %add3A_26 = arith.addi %mul3A_25, %add3A : i32
      %dma_start3A_27 = arith.constant 0 : i32
      %dma_start3A_28 = arith.constant 0 : i32
      %dma_start3A_29 = tpu.memref_slice %arg9[%dma_start3A_27, %dma_start3A_28] : memref<2x128xi32, #tpu.memory_space<vmem>> -> memref<1x128xi32, #tpu.memory_space<vmem>>
      %dma_start3A_30 = tpu.memref_squeeze %dma_start3A_29 : memref<1x128xi32, #tpu.memory_space<vmem>> -> memref<128xi32, #tpu.memory_space<vmem>>
      %dma_start3A_31 = tpu.memref_slice %arg3[%add3A_26] : memref<160000xi32, #tpu.memory_space<hbm>> -> memref<128xi32, #tpu.memory_space<hbm>>
      %dma_start3A_32 = arith.constant 0 : i32
      %dma_start3A_33 = tpu.memref_slice %arg9[%dma_start3A_27, %dma_start3A_32] : memref<2x128xi32, #tpu.memory_space<vmem>> -> memref<1x128xi32, #tpu.memory_space<vmem>>
      %dma_start3A_34 = tpu.memref_squeeze %dma_start3A_33 : memref<1x128xi32, #tpu.memory_space<vmem>> -> memref<128xi32, #tpu.memory_space<vmem>>
      %dma_start3A_35 = tpu.memref_slice %arg3[%add3A_26] : memref<160000xi32, #tpu.memory_space<hbm>> -> memref<128xi32, #tpu.memory_space<hbm>>
      tpu.enqueue_dma source(%dma_start3A_35 : memref<128xi32, #tpu.memory_space<hbm>>) target(%dma_start3A_34 : memref<128xi32, #tpu.memory_space<vmem>>) target_semaphore(%arg14 : memref<!tpu.dma_semaphore, #tpu.memory_space<semaphore_mem>>)
      %barrier3A = arith.constant 0 : index
      tpu.barrier barrier_id(%barrier3A)
      %scan3A = arith.constant 0 : i32
      %scan3A_36 = arith.constant 0 : i32
      %scan3A_37 = arith.constant 39 : i32
      %scan3A_38 = arith.addi %scan3A_36, %scan3A_37 : i32
      %scan3A_39 = arith.constant 1 : i32
      scf.for %scan3A_75 = %scan3A_36 to %scan3A_38 step %scan3A_39  : i32 {
        %mul3A_76 = arith.constant 2 : i32
        %mul3A_77 = arith.muli %mul3A_76, %scan3A_75 : i32
        %add3A_78 = arith.constant 0 : i32
        %add3A_79 = arith.addi %mul3A_77, %add3A_78 : i32
        %mul3A_80 = arith.constant 128 : i32
        %mul3A_81 = arith.muli %add3A_79, %mul3A_80 : i32
        %dma_wait3A_82 = arith.constant 0 : i32
        %dma_wait3A_83 = arith.constant 0 : i32
        %dma_wait3A_84 = arith.constant 0 : i32
        %dma_wait3A_85 = tpu.memref_slice %arg11[%dma_wait3A_82, %dma_wait3A_83, %dma_wait3A_84] : memref<2x128x128xf32, #tpu.memory_space<vmem>> -> memref<1x128x128xf32, #tpu.memory_space<vmem>>
        %dma_wait3A_86 = tpu.memref_squeeze %dma_wait3A_85 : memref<1x128x128xf32, #tpu.memory_space<vmem>> -> memref<128x128xf32, #tpu.memory_space<vmem>>
        %dma_wait3A_87 = tpu.memref_slice %arg8[%mul3A_81] : memref<10000xi32, #tpu.memory_space<vmem>> -> memref<128xi32, #tpu.memory_space<vmem>>
        %dma_wait3A_88 = arith.constant 0 : i32
        %dma_wait3A_89 = arith.constant 0 : i32
        %dma_wait3A_90 = tpu.memref_slice %arg4[%dma_wait3A_88, %dma_wait3A_89] : memref<10000x128xf32, #tpu.memory_space<hbm>> -> memref<10000x128xf32, #tpu.memory_space<hbm>>
        tpu.wait_indirect_dma semaphore(%arg16 : memref<!tpu.dma_semaphore, #tpu.memory_space<semaphore_mem>>) src(%dma_wait3A_90 : memref<10000x128xf32, #tpu.memory_space<hbm>>) dst(%dma_wait3A_86 : memref<128x128xf32, #tpu.memory_space<vmem>>)
        %mul3A_91 = arith.constant 10000 : i32
        %mul3A_92 = arith.muli %arg1, %mul3A_91 : i32
        %mul3A_93 = arith.constant 128 : i32
        %mul3A_94 = arith.muli %add3A_79, %mul3A_93 : i32
        %add3A_95 = arith.addi %mul3A_92, %mul3A_94 : i32
        %dma_wait3A_96 = arith.constant 0 : i32
        %dma_wait3A_97 = arith.constant 0 : i32
        %dma_wait3A_98 = tpu.memref_slice %arg9[%dma_wait3A_96, %dma_wait3A_97] : memref<2x128xi32, #tpu.memory_space<vmem>> -> memref<1x128xi32, #tpu.memory_space<vmem>>
        %dma_wait3A_99 = tpu.memref_squeeze %dma_wait3A_98 : memref<1x128xi32, #tpu.memory_space<vmem>> -> memref<128xi32, #tpu.memory_space<vmem>>
        %dma_wait3A_100 = tpu.memref_slice %arg3[%add3A_95] : memref<160000xi32, #tpu.memory_space<hbm>> -> memref<128xi32, #tpu.memory_space<hbm>>
        %dma_wait3A_101 = arith.constant 0 : i32
        %dma_wait3A_102 = tpu.memref_slice %arg9[%dma_wait3A_96, %dma_wait3A_101] : memref<2x128xi32, #tpu.memory_space<vmem>> -> memref<1x128xi32, #tpu.memory_space<vmem>>
        %dma_wait3A_103 = tpu.memref_squeeze %dma_wait3A_102 : memref<1x128xi32, #tpu.memory_space<vmem>> -> memref<128xi32, #tpu.memory_space<vmem>>
        %dma_wait3A_104 = tpu.memref_slice %arg3[%add3A_95] : memref<160000xi32, #tpu.memory_space<hbm>> -> memref<128xi32, #tpu.memory_space<hbm>>
        tpu.wait_dma2 semaphore(%arg14 : memref<!tpu.dma_semaphore, #tpu.memory_space<semaphore_mem>>) src(%dma_wait3A_104 : memref<128xi32, #tpu.memory_space<hbm>>) dst(%dma_wait3A_103 : memref<128xi32, #tpu.memory_space<vmem>>)
        %dma_start3A_105 = arith.constant 0 : i32
        %dma_start3A_106 = arith.constant 0 : i32
        %dma_start3A_107 = arith.constant 0 : i32
        %dma_start3A_108 = arith.constant 0 : i32
        %dma_start3A_109 = tpu.memref_slice %arg11[%dma_start3A_105, %dma_start3A_107, %dma_start3A_108] : memref<2x128x128xf32, #tpu.memory_space<vmem>> -> memref<1x128x128xf32, #tpu.memory_space<vmem>>
        %dma_start3A_110 = tpu.memref_squeeze %dma_start3A_109 : memref<1x128x128xf32, #tpu.memory_space<vmem>> -> memref<128x128xf32, #tpu.memory_space<vmem>>
        %dma_start3A_111 = arith.constant 0 : i32
        %dma_start3A_112 = tpu.memref_slice %arg9[%dma_start3A_106, %dma_start3A_111] : memref<2x128xi32, #tpu.memory_space<vmem>> -> memref<1x128xi32, #tpu.memory_space<vmem>>
        %dma_start3A_113 = tpu.memref_squeeze %dma_start3A_112 : memref<1x128xi32, #tpu.memory_space<vmem>> -> memref<128xi32, #tpu.memory_space<vmem>>
        %dma_start3A_114 = arith.constant 0 : i32
        %dma_start3A_115 = arith.constant 0 : i32
        %dma_start3A_116 = tpu.memref_slice %arg13[%dma_start3A_114, %dma_start3A_115] : memref<10000x128xf32, #tpu.memory_space<vmem_shared>> -> memref<10000x128xf32, #tpu.memory_space<vmem_shared>>
        tpu.enqueue_indirect_dma source(%dma_start3A_110 : memref<128x128xf32, #tpu.memory_space<vmem>>) target(%dma_start3A_116 : memref<10000x128xf32, #tpu.memory_space<vmem_shared>>) offsets(%dma_start3A_113 : memref<128xi32, #tpu.memory_space<vmem>>) semaphore(%arg18 : memref<!tpu.dma_semaphore, #tpu.memory_space<semaphore_mem>>) {add = true}
        %ge3A = arith.constant 1 : i32
        %ge3A_117 = arith.cmpi sge, %add3A_79, %ge3A : i32
        %convert_element_type3A_118 = arith.extui %ge3A_117 : i1 to i32
        %cond3A_119 = arith.constant 0 : i32
        %cond3A_120 = arith.cmpi ne, %convert_element_type3A_118, %cond3A_119 : i32
        scf.if %cond3A_120 {
          %dma_wait3A_180 = arith.constant 1 : i32
          %dma_wait3A_181 = arith.constant 1 : i32
          %dma_wait3A_182 = arith.constant 0 : i32
          %dma_wait3A_183 = arith.constant 0 : i32
          %dma_wait3A_184 = tpu.memref_slice %arg11[%dma_wait3A_180, %dma_wait3A_182, %dma_wait3A_183] : memref<2x128x128xf32, #tpu.memory_space<vmem>> -> memref<1x128x128xf32, #tpu.memory_space<vmem>>
          %dma_wait3A_185 = tpu.memref_squeeze %dma_wait3A_184 : memref<1x128x128xf32, #tpu.memory_space<vmem>> -> memref<128x128xf32, #tpu.memory_space<vmem>>
          %dma_wait3A_186 = arith.constant 0 : i32
          %dma_wait3A_187 = tpu.memref_slice %arg9[%dma_wait3A_181, %dma_wait3A_186] : memref<2x128xi32, #tpu.memory_space<vmem>> -> memref<1x128xi32, #tpu.memory_space<vmem>>
          %dma_wait3A_188 = tpu.memref_squeeze %dma_wait3A_187 : memref<1x128xi32, #tpu.memory_space<vmem>> -> memref<128xi32, #tpu.memory_space<vmem>>
          %dma_wait3A_189 = arith.constant 0 : i32
          %dma_wait3A_190 = arith.constant 0 : i32
          %dma_wait3A_191 = tpu.memref_slice %arg13[%dma_wait3A_189, %dma_wait3A_190] : memref<10000x128xf32, #tpu.memory_space<vmem_shared>> -> memref<10000x128xf32, #tpu.memory_space<vmem_shared>>
          tpu.wait_indirect_dma semaphore(%arg19 : memref<!tpu.dma_semaphore, #tpu.memory_space<semaphore_mem>>) src(%dma_wait3A_185 : memref<128x128xf32, #tpu.memory_space<vmem>>) dst(%dma_wait3A_191 : memref<10000x128xf32, #tpu.memory_space<vmem_shared>>)
        } else {
        }
        %add3A_121 = arith.constant 1 : i32
        %add3A_122 = arith.addi %add3A_79, %add3A_121 : i32
        %lt3A = arith.constant 78 : i32
        %lt3A_123 = arith.cmpi slt, %add3A_122, %lt3A : i32
        %convert_element_type3A_124 = arith.extui %lt3A_123 : i1 to i32
        %cond3A_125 = arith.constant 0 : i32
        %cond3A_126 = arith.cmpi ne, %convert_element_type3A_124, %cond3A_125 : i32
        scf.if %cond3A_126 {
          %add3A_180 = arith.constant 1 : i32
          %add3A_181 = arith.addi %add3A_79, %add3A_180 : i32
          %mul3A_182 = arith.constant 128 : i32
          %mul3A_183 = arith.muli %add3A_181, %mul3A_182 : i32
          %dma_start3A_184 = arith.constant 1 : i32
          %dma_start3A_185 = arith.constant 0 : i32
          %dma_start3A_186 = arith.constant 0 : i32
          %dma_start3A_187 = tpu.memref_slice %arg11[%dma_start3A_184, %dma_start3A_185, %dma_start3A_186] : memref<2x128x128xf32, #tpu.memory_space<vmem>> -> memref<1x128x128xf32, #tpu.memory_space<vmem>>
          %dma_start3A_188 = tpu.memref_squeeze %dma_start3A_187 : memref<1x128x128xf32, #tpu.memory_space<vmem>> -> memref<128x128xf32, #tpu.memory_space<vmem>>
          %dma_start3A_189 = tpu.memref_slice %arg8[%mul3A_183] : memref<10000xi32, #tpu.memory_space<vmem>> -> memref<128xi32, #tpu.memory_space<vmem>>
          %dma_start3A_190 = arith.constant 0 : i32
          %dma_start3A_191 = arith.constant 0 : i32
          %dma_start3A_192 = tpu.memref_slice %arg4[%dma_start3A_190, %dma_start3A_191] : memref<10000x128xf32, #tpu.memory_space<hbm>> -> memref<10000x128xf32, #tpu.memory_space<hbm>>
          tpu.enqueue_indirect_dma source(%dma_start3A_192 : memref<10000x128xf32, #tpu.memory_space<hbm>>) target(%dma_start3A_188 : memref<128x128xf32, #tpu.memory_space<vmem>>) offsets(%dma_start3A_189 : memref<128xi32, #tpu.memory_space<vmem>>) semaphore(%arg17 : memref<!tpu.dma_semaphore, #tpu.memory_space<semaphore_mem>>)
          %add3A_193 = arith.constant 1 : i32
          %add3A_194 = arith.addi %add3A_79, %add3A_193 : i32
          %mul3A_195 = arith.constant 10000 : i32
          %mul3A_196 = arith.muli %arg1, %mul3A_195 : i32
          %mul3A_197 = arith.constant 128 : i32
          %mul3A_198 = arith.muli %add3A_194, %mul3A_197 : i32
          %add3A_199 = arith.addi %mul3A_196, %mul3A_198 : i32
          %dma_start3A_200 = arith.constant 1 : i32
          %dma_start3A_201 = arith.constant 0 : i32
          %dma_start3A_202 = tpu.memref_slice %arg9[%dma_start3A_200, %dma_start3A_201] : memref<2x128xi32, #tpu.memory_space<vmem>> -> memref<1x128xi32, #tpu.memory_space<vmem>>
          %dma_start3A_203 = tpu.memref_squeeze %dma_start3A_202 : memref<1x128xi32, #tpu.memory_space<vmem>> -> memref<128xi32, #tpu.memory_space<vmem>>
          %dma_start3A_204 = tpu.memref_slice %arg3[%add3A_199] : memref<160000xi32, #tpu.memory_space<hbm>> -> memref<128xi32, #tpu.memory_space<hbm>>
          %dma_start3A_205 = arith.constant 0 : i32
          %dma_start3A_206 = tpu.memref_slice %arg9[%dma_start3A_200, %dma_start3A_205] : memref<2x128xi32, #tpu.memory_space<vmem>> -> memref<1x128xi32, #tpu.memory_space<vmem>>
          %dma_start3A_207 = tpu.memref_squeeze %dma_start3A_206 : memref<1x128xi32, #tpu.memory_space<vmem>> -> memref<128xi32, #tpu.memory_space<vmem>>
          %dma_start3A_208 = tpu.memref_slice %arg3[%add3A_199] : memref<160000xi32, #tpu.memory_space<hbm>> -> memref<128xi32, #tpu.memory_space<hbm>>
          tpu.enqueue_dma source(%dma_start3A_208 : memref<128xi32, #tpu.memory_space<hbm>>) target(%dma_start3A_207 : memref<128xi32, #tpu.memory_space<vmem>>) target_semaphore(%arg15 : memref<!tpu.dma_semaphore, #tpu.memory_space<semaphore_mem>>)
        } else {
        }
        %mul3A_127 = arith.constant 2 : i32
        %mul3A_128 = arith.muli %mul3A_127, %scan3A_75 : i32
        %add3A_129 = arith.constant 1 : i32
        %add3A_130 = arith.addi %mul3A_128, %add3A_129 : i32
        %mul3A_131 = arith.constant 128 : i32
        %mul3A_132 = arith.muli %add3A_130, %mul3A_131 : i32
        %dma_wait3A_133 = arith.constant 1 : i32
        %dma_wait3A_134 = arith.constant 0 : i32
        %dma_wait3A_135 = arith.constant 0 : i32
        %dma_wait3A_136 = tpu.memref_slice %arg11[%dma_wait3A_133, %dma_wait3A_134, %dma_wait3A_135] : memref<2x128x128xf32, #tpu.memory_space<vmem>> -> memref<1x128x128xf32, #tpu.memory_space<vmem>>
        %dma_wait3A_137 = tpu.memref_squeeze %dma_wait3A_136 : memref<1x128x128xf32, #tpu.memory_space<vmem>> -> memref<128x128xf32, #tpu.memory_space<vmem>>
        %dma_wait3A_138 = tpu.memref_slice %arg8[%mul3A_132] : memref<10000xi32, #tpu.memory_space<vmem>> -> memref<128xi32, #tpu.memory_space<vmem>>
        %dma_wait3A_139 = arith.constant 0 : i32
        %dma_wait3A_140 = arith.constant 0 : i32
        %dma_wait3A_141 = tpu.memref_slice %arg4[%dma_wait3A_139, %dma_wait3A_140] : memref<10000x128xf32, #tpu.memory_space<hbm>> -> memref<10000x128xf32, #tpu.memory_space<hbm>>
        tpu.wait_indirect_dma semaphore(%arg17 : memref<!tpu.dma_semaphore, #tpu.memory_space<semaphore_mem>>) src(%dma_wait3A_141 : memref<10000x128xf32, #tpu.memory_space<hbm>>) dst(%dma_wait3A_137 : memref<128x128xf32, #tpu.memory_space<vmem>>)
        %mul3A_142 = arith.constant 10000 : i32
        %mul3A_143 = arith.muli %arg1, %mul3A_142 : i32
        %mul3A_144 = arith.constant 128 : i32
        %mul3A_145 = arith.muli %add3A_130, %mul3A_144 : i32
        %add3A_146 = arith.addi %mul3A_143, %mul3A_145 : i32
        %dma_wait3A_147 = arith.constant 1 : i32
        %dma_wait3A_148 = arith.constant 0 : i32
        %dma_wait3A_149 = tpu.memref_slice %arg9[%dma_wait3A_147, %dma_wait3A_148] : memref<2x128xi32, #tpu.memory_space<vmem>> -> memref<1x128xi32, #tpu.memory_space<vmem>>
        %dma_wait3A_150 = tpu.memref_squeeze %dma_wait3A_149 : memref<1x128xi32, #tpu.memory_space<vmem>> -> memref<128xi32, #tpu.memory_space<vmem>>
        %dma_wait3A_151 = tpu.memref_slice %arg3[%add3A_146] : memref<160000xi32, #tpu.memory_space<hbm>> -> memref<128xi32, #tpu.memory_space<hbm>>
        %dma_wait3A_152 = arith.constant 0 : i32
        %dma_wait3A_153 = tpu.memref_slice %arg9[%dma_wait3A_147, %dma_wait3A_152] : memref<2x128xi32, #tpu.memory_space<vmem>> -> memref<1x128xi32, #tpu.memory_space<vmem>>
        %dma_wait3A_154 = tpu.memref_squeeze %dma_wait3A_153 : memref<1x128xi32, #tpu.memory_space<vmem>> -> memref<128xi32, #tpu.memory_space<vmem>>
        %dma_wait3A_155 = tpu.memref_slice %arg3[%add3A_146] : memref<160000xi32, #tpu.memory_space<hbm>> -> memref<128xi32, #tpu.memory_space<hbm>>
        tpu.wait_dma2 semaphore(%arg15 : memref<!tpu.dma_semaphore, #tpu.memory_space<semaphore_mem>>) src(%dma_wait3A_155 : memref<128xi32, #tpu.memory_space<hbm>>) dst(%dma_wait3A_154 : memref<128xi32, #tpu.memory_space<vmem>>)
        %dma_start3A_156 = arith.constant 1 : i32
        %dma_start3A_157 = arith.constant 1 : i32
        %dma_start3A_158 = arith.constant 0 : i32
        %dma_start3A_159 = arith.constant 0 : i32
        %dma_start3A_160 = tpu.memref_slice %arg11[%dma_start3A_156, %dma_start3A_158, %dma_start3A_159] : memref<2x128x128xf32, #tpu.memory_space<vmem>> -> memref<1x128x128xf32, #tpu.memory_space<vmem>>
        %dma_start3A_161 = tpu.memref_squeeze %dma_start3A_160 : memref<1x128x128xf32, #tpu.memory_space<vmem>> -> memref<128x128xf32, #tpu.memory_space<vmem>>
        %dma_start3A_162 = arith.constant 0 : i32
        %dma_start3A_163 = tpu.memref_slice %arg9[%dma_start3A_157, %dma_start3A_162] : memref<2x128xi32, #tpu.memory_space<vmem>> -> memref<1x128xi32, #tpu.memory_space<vmem>>
        %dma_start3A_164 = tpu.memref_squeeze %dma_start3A_163 : memref<1x128xi32, #tpu.memory_space<vmem>> -> memref<128xi32, #tpu.memory_space<vmem>>
        %dma_start3A_165 = arith.constant 0 : i32
        %dma_start3A_166 = arith.constant 0 : i32
        %dma_start3A_167 = tpu.memref_slice %arg13[%dma_start3A_165, %dma_start3A_166] : memref<10000x128xf32, #tpu.memory_space<vmem_shared>> -> memref<10000x128xf32, #tpu.memory_space<vmem_shared>>
        tpu.enqueue_indirect_dma source(%dma_start3A_161 : memref<128x128xf32, #tpu.memory_space<vmem>>) target(%dma_start3A_167 : memref<10000x128xf32, #tpu.memory_space<vmem_shared>>) offsets(%dma_start3A_164 : memref<128xi32, #tpu.memory_space<vmem>>) semaphore(%arg19 : memref<!tpu.dma_semaphore, #tpu.memory_space<semaphore_mem>>) {add = true}
        %ge3A_168 = arith.constant 1 : i32
        %ge3A_169 = arith.cmpi sge, %add3A_130, %ge3A_168 : i32
        %convert_element_type3A_170 = arith.extui %ge3A_169 : i1 to i32
        %cond3A_171 = arith.constant 0 : i32
        %cond3A_172 = arith.cmpi ne, %convert_element_type3A_170, %cond3A_171 : i32
        scf.if %cond3A_172 {
          %dma_wait3A_180 = arith.constant 0 : i32
          %dma_wait3A_181 = arith.constant 0 : i32
          %dma_wait3A_182 = arith.constant 0 : i32
          %dma_wait3A_183 = arith.constant 0 : i32
          %dma_wait3A_184 = tpu.memref_slice %arg11[%dma_wait3A_180, %dma_wait3A_182, %dma_wait3A_183] : memref<2x128x128xf32, #tpu.memory_space<vmem>> -> memref<1x128x128xf32, #tpu.memory_space<vmem>>
          %dma_wait3A_185 = tpu.memref_squeeze %dma_wait3A_184 : memref<1x128x128xf32, #tpu.memory_space<vmem>> -> memref<128x128xf32, #tpu.memory_space<vmem>>
          %dma_wait3A_186 = arith.constant 0 : i32
          %dma_wait3A_187 = tpu.memref_slice %arg9[%dma_wait3A_181, %dma_wait3A_186] : memref<2x128xi32, #tpu.memory_space<vmem>> -> memref<1x128xi32, #tpu.memory_space<vmem>>
          %dma_wait3A_188 = tpu.memref_squeeze %dma_wait3A_187 : memref<1x128xi32, #tpu.memory_space<vmem>> -> memref<128xi32, #tpu.memory_space<vmem>>
          %dma_wait3A_189 = arith.constant 0 : i32
          %dma_wait3A_190 = arith.constant 0 : i32
          %dma_wait3A_191 = tpu.memref_slice %arg13[%dma_wait3A_189, %dma_wait3A_190] : memref<10000x128xf32, #tpu.memory_space<vmem_shared>> -> memref<10000x128xf32, #tpu.memory_space<vmem_shared>>
          tpu.wait_indirect_dma semaphore(%arg18 : memref<!tpu.dma_semaphore, #tpu.memory_space<semaphore_mem>>) src(%dma_wait3A_185 : memref<128x128xf32, #tpu.memory_space<vmem>>) dst(%dma_wait3A_191 : memref<10000x128xf32, #tpu.memory_space<vmem_shared>>)
        } else {
        }
        %add3A_173 = arith.constant 1 : i32
        %add3A_174 = arith.addi %add3A_130, %add3A_173 : i32
        %lt3A_175 = arith.constant 78 : i32
        %lt3A_176 = arith.cmpi slt, %add3A_174, %lt3A_175 : i32
        %convert_element_type3A_177 = arith.extui %lt3A_176 : i1 to i32
        %cond3A_178 = arith.constant 0 : i32
        %cond3A_179 = arith.cmpi ne, %convert_element_type3A_177, %cond3A_178 : i32
        scf.if %cond3A_179 {
          %add3A_180 = arith.constant 1 : i32
          %add3A_181 = arith.addi %add3A_130, %add3A_180 : i32
          %mul3A_182 = arith.constant 128 : i32
          %mul3A_183 = arith.muli %add3A_181, %mul3A_182 : i32
          %dma_start3A_184 = arith.constant 0 : i32
          %dma_start3A_185 = arith.constant 0 : i32
          %dma_start3A_186 = arith.constant 0 : i32
          %dma_start3A_187 = tpu.memref_slice %arg11[%dma_start3A_184, %dma_start3A_185, %dma_start3A_186] : memref<2x128x128xf32, #tpu.memory_space<vmem>> -> memref<1x128x128xf32, #tpu.memory_space<vmem>>
          %dma_start3A_188 = tpu.memref_squeeze %dma_start3A_187 : memref<1x128x128xf32, #tpu.memory_space<vmem>> -> memref<128x128xf32, #tpu.memory_space<vmem>>
          %dma_start3A_189 = tpu.memref_slice %arg8[%mul3A_183] : memref<10000xi32, #tpu.memory_space<vmem>> -> memref<128xi32, #tpu.memory_space<vmem>>
          %dma_start3A_190 = arith.constant 0 : i32
          %dma_start3A_191 = arith.constant 0 : i32
          %dma_start3A_192 = tpu.memref_slice %arg4[%dma_start3A_190, %dma_start3A_191] : memref<10000x128xf32, #tpu.memory_space<hbm>> -> memref<10000x128xf32, #tpu.memory_space<hbm>>
          tpu.enqueue_indirect_dma source(%dma_start3A_192 : memref<10000x128xf32, #tpu.memory_space<hbm>>) target(%dma_start3A_188 : memref<128x128xf32, #tpu.memory_space<vmem>>) offsets(%dma_start3A_189 : memref<128xi32, #tpu.memory_space<vmem>>) semaphore(%arg16 : memref<!tpu.dma_semaphore, #tpu.memory_space<semaphore_mem>>)
          %add3A_193 = arith.constant 1 : i32
          %add3A_194 = arith.addi %add3A_130, %add3A_193 : i32
          %mul3A_195 = arith.constant 10000 : i32
          %mul3A_196 = arith.muli %arg1, %mul3A_195 : i32
          %mul3A_197 = arith.constant 128 : i32
          %mul3A_198 = arith.muli %add3A_194, %mul3A_197 : i32
          %add3A_199 = arith.addi %mul3A_196, %mul3A_198 : i32
          %dma_start3A_200 = arith.constant 0 : i32
          %dma_start3A_201 = arith.constant 0 : i32
          %dma_start3A_202 = tpu.memref_slice %arg9[%dma_start3A_200, %dma_start3A_201] : memref<2x128xi32, #tpu.memory_space<vmem>> -> memref<1x128xi32, #tpu.memory_space<vmem>>
          %dma_start3A_203 = tpu.memref_squeeze %dma_start3A_202 : memref<1x128xi32, #tpu.memory_space<vmem>> -> memref<128xi32, #tpu.memory_space<vmem>>
          %dma_start3A_204 = tpu.memref_slice %arg3[%add3A_199] : memref<160000xi32, #tpu.memory_space<hbm>> -> memref<128xi32, #tpu.memory_space<hbm>>
          %dma_start3A_205 = arith.constant 0 : i32
          %dma_start3A_206 = tpu.memref_slice %arg9[%dma_start3A_200, %dma_start3A_205] : memref<2x128xi32, #tpu.memory_space<vmem>> -> memref<1x128xi32, #tpu.memory_space<vmem>>
          %dma_start3A_207 = tpu.memref_squeeze %dma_start3A_206 : memref<1x128xi32, #tpu.memory_space<vmem>> -> memref<128xi32, #tpu.memory_space<vmem>>
          %dma_start3A_208 = tpu.memref_slice %arg3[%add3A_199] : memref<160000xi32, #tpu.memory_space<hbm>> -> memref<128xi32, #tpu.memory_space<hbm>>
          tpu.enqueue_dma source(%dma_start3A_208 : memref<128xi32, #tpu.memory_space<hbm>>) target(%dma_start3A_207 : memref<128xi32, #tpu.memory_space<vmem>>) target_semaphore(%arg14 : memref<!tpu.dma_semaphore, #tpu.memory_space<semaphore_mem>>)
        } else {
        }
      }
      %scan3A_40 = arith.constant 39 : i32
      %dma_wait3A = arith.constant 1 : i32
      %dma_wait3A_41 = arith.constant 1 : i32
      %dma_wait3A_42 = arith.constant 0 : i32
      %dma_wait3A_43 = arith.constant 0 : i32
      %dma_wait3A_44 = tpu.memref_slice %arg11[%dma_wait3A, %dma_wait3A_42, %dma_wait3A_43] : memref<2x128x128xf32, #tpu.memory_space<vmem>> -> memref<1x128x128xf32, #tpu.memory_space<vmem>>
      %dma_wait3A_45 = tpu.memref_squeeze %dma_wait3A_44 : memref<1x128x128xf32, #tpu.memory_space<vmem>> -> memref<128x128xf32, #tpu.memory_space<vmem>>
      %dma_wait3A_46 = arith.constant 0 : i32
      %dma_wait3A_47 = tpu.memref_slice %arg9[%dma_wait3A_41, %dma_wait3A_46] : memref<2x128xi32, #tpu.memory_space<vmem>> -> memref<1x128xi32, #tpu.memory_space<vmem>>
      %dma_wait3A_48 = tpu.memref_squeeze %dma_wait3A_47 : memref<1x128xi32, #tpu.memory_space<vmem>> -> memref<128xi32, #tpu.memory_space<vmem>>
      %dma_wait3A_49 = arith.constant 0 : i32
      %dma_wait3A_50 = arith.constant 0 : i32
      %dma_wait3A_51 = tpu.memref_slice %arg13[%dma_wait3A_49, %dma_wait3A_50] : memref<10000x128xf32, #tpu.memory_space<vmem_shared>> -> memref<10000x128xf32, #tpu.memory_space<vmem_shared>>
      tpu.wait_indirect_dma semaphore(%arg19 : memref<!tpu.dma_semaphore, #tpu.memory_space<semaphore_mem>>) src(%dma_wait3A_45 : memref<128x128xf32, #tpu.memory_space<vmem>>) dst(%dma_wait3A_51 : memref<10000x128xf32, #tpu.memory_space<vmem_shared>>)
      %mul3A_52 = arith.constant 10000 : i32
      %mul3A_53 = arith.muli %arg1, %mul3A_52 : i32
      %add3A_54 = arith.constant 9984 : i32
      %add3A_55 = arith.addi %mul3A_53, %add3A_54 : i32
      %run_scoped3A = arith.constant 0 : i32
      "tpu.region"() ({
        %run_scoped3A_75 = tpu.sem_alloc : memref<!tpu.dma_semaphore, #tpu.memory_space<semaphore_mem>>
        %dma_start3A_76 = arith.constant 0 : i32
        %dma_start3A_77 = tpu.memref_slice %arg10[%run_scoped3A, %dma_start3A_76] : memref<1x16xi32, #tpu.memory_space<vmem>> -> memref<1x16xi32, #tpu.memory_space<vmem>>
        %dma_start3A_78 = tpu.memref_squeeze %dma_start3A_77 : memref<1x16xi32, #tpu.memory_space<vmem>> -> memref<16xi32, #tpu.memory_space<vmem>>
        %dma_start3A_79 = tpu.memref_slice %arg3[%add3A_55] : memref<160000xi32, #tpu.memory_space<hbm>> -> memref<16xi32, #tpu.memory_space<hbm>>
        %dma_start3A_80 = arith.constant 0 : i32
        %dma_start3A_81 = tpu.memref_slice %arg10[%run_scoped3A, %dma_start3A_80] : memref<1x16xi32, #tpu.memory_space<vmem>> -> memref<1x16xi32, #tpu.memory_space<vmem>>
        %dma_start3A_82 = tpu.memref_squeeze %dma_start3A_81 : memref<1x16xi32, #tpu.memory_space<vmem>> -> memref<16xi32, #tpu.memory_space<vmem>>
        %dma_start3A_83 = tpu.memref_slice %arg3[%add3A_55] : memref<160000xi32, #tpu.memory_space<hbm>> -> memref<16xi32, #tpu.memory_space<hbm>>
        tpu.enqueue_dma source(%dma_start3A_83 : memref<16xi32, #tpu.memory_space<hbm>>) target(%dma_start3A_82 : memref<16xi32, #tpu.memory_space<vmem>>) target_semaphore(%run_scoped3A_75 : memref<!tpu.dma_semaphore, #tpu.memory_space<semaphore_mem>>)
        %dma_wait3A_84 = arith.constant 0 : i32
        %dma_wait3A_85 = tpu.memref_slice %arg10[%run_scoped3A, %dma_wait3A_84] : memref<1x16xi32, #tpu.memory_space<vmem>> -> memref<1x16xi32, #tpu.memory_space<vmem>>
        %dma_wait3A_86 = tpu.memref_squeeze %dma_wait3A_85 : memref<1x16xi32, #tpu.memory_space<vmem>> -> memref<16xi32, #tpu.memory_space<vmem>>
        %dma_wait3A_87 = tpu.memref_slice %arg3[%add3A_55] : memref<160000xi32, #tpu.memory_space<hbm>> -> memref<16xi32, #tpu.memory_space<hbm>>
        %dma_wait3A_88 = arith.constant 0 : i32
        %dma_wait3A_89 = tpu.memref_slice %arg10[%run_scoped3A, %dma_wait3A_88] : memref<1x16xi32, #tpu.memory_space<vmem>> -> memref<1x16xi32, #tpu.memory_space<vmem>>
        %dma_wait3A_90 = tpu.memref_squeeze %dma_wait3A_89 : memref<1x16xi32, #tpu.memory_space<vmem>> -> memref<16xi32, #tpu.memory_space<vmem>>
        %dma_wait3A_91 = tpu.memref_slice %arg3[%add3A_55] : memref<160000xi32, #tpu.memory_space<hbm>> -> memref<16xi32, #tpu.memory_space<hbm>>
        tpu.wait_dma2 semaphore(%run_scoped3A_75 : memref<!tpu.dma_semaphore, #tpu.memory_space<semaphore_mem>>) src(%dma_wait3A_91 : memref<16xi32, #tpu.memory_space<hbm>>) dst(%dma_wait3A_90 : memref<16xi32, #tpu.memory_space<vmem>>)
        tpu.yield
      }) : () -> ()
      %dma_start3A_56 = arith.constant 9984 : i32
      %dma_start3A_57 = tpu.memref_slice %arg8[%dma_start3A_56] : memref<10000xi32, #tpu.memory_space<vmem>> -> memref<16xi32, #tpu.memory_space<vmem>>
      %dma_start3A_58 = arith.constant 0 : i32
      %dma_start3A_59 = arith.constant 0 : i32
      %dma_start3A_60 = tpu.memref_slice %arg4[%dma_start3A_58, %dma_start3A_59] : memref<10000x128xf32, #tpu.memory_space<hbm>> -> memref<10000x128xf32, #tpu.memory_space<hbm>>
      tpu.enqueue_indirect_dma source(%dma_start3A_60 : memref<10000x128xf32, #tpu.memory_space<hbm>>) target(%arg12 : memref<16x128xf32, #tpu.memory_space<vmem>>) offsets(%dma_start3A_57 : memref<16xi32, #tpu.memory_space<vmem>>) semaphore(%arg16 : memref<!tpu.dma_semaphore, #tpu.memory_space<semaphore_mem>>)
      %dma_wait3A_61 = arith.constant 9984 : i32
      %dma_wait3A_62 = tpu.memref_slice %arg8[%dma_wait3A_61] : memref<10000xi32, #tpu.memory_space<vmem>> -> memref<16xi32, #tpu.memory_space<vmem>>
      %dma_wait3A_63 = arith.constant 0 : i32
      %dma_wait3A_64 = arith.constant 0 : i32
      %dma_wait3A_65 = tpu.memref_slice %arg4[%dma_wait3A_63, %dma_wait3A_64] : memref<10000x128xf32, #tpu.memory_space<hbm>> -> memref<10000x128xf32, #tpu.memory_space<hbm>>
      tpu.wait_indirect_dma semaphore(%arg16 : memref<!tpu.dma_semaphore, #tpu.memory_space<semaphore_mem>>) src(%dma_wait3A_65 : memref<10000x128xf32, #tpu.memory_space<hbm>>) dst(%arg12 : memref<16x128xf32, #tpu.memory_space<vmem>>)
      %run_scoped3A_66 = arith.constant 0 : i32
      "tpu.region"() ({
        %run_scoped3A_75 = tpu.sem_alloc : memref<!tpu.dma_semaphore, #tpu.memory_space<semaphore_mem>>
        %dma_start3A_76 = arith.constant 0 : i32
        %dma_start3A_77 = tpu.memref_slice %arg10[%run_scoped3A_66, %dma_start3A_76] : memref<1x16xi32, #tpu.memory_space<vmem>> -> memref<1x16xi32, #tpu.memory_space<vmem>>
        %dma_start3A_78 = tpu.memref_squeeze %dma_start3A_77 : memref<1x16xi32, #tpu.memory_space<vmem>> -> memref<16xi32, #tpu.memory_space<vmem>>
        %dma_start3A_79 = arith.constant 0 : i32
        %dma_start3A_80 = arith.constant 0 : i32
        %dma_start3A_81 = tpu.memref_slice %arg13[%dma_start3A_79, %dma_start3A_80] : memref<10000x128xf32, #tpu.memory_space<vmem_shared>> -> memref<10000x128xf32, #tpu.memory_space<vmem_shared>>
        tpu.enqueue_indirect_dma source(%arg12 : memref<16x128xf32, #tpu.memory_space<vmem>>) target(%dma_start3A_81 : memref<10000x128xf32, #tpu.memory_space<vmem_shared>>) offsets(%dma_start3A_78 : memref<16xi32, #tpu.memory_space<vmem>>) semaphore(%run_scoped3A_75 : memref<!tpu.dma_semaphore, #tpu.memory_space<semaphore_mem>>) {add = true}
        %dma_wait3A_82 = arith.constant 0 : i32
        %dma_wait3A_83 = tpu.memref_slice %arg10[%run_scoped3A_66, %dma_wait3A_82] : memref<1x16xi32, #tpu.memory_space<vmem>> -> memref<1x16xi32, #tpu.memory_space<vmem>>
        %dma_wait3A_84 = tpu.memref_squeeze %dma_wait3A_83 : memref<1x16xi32, #tpu.memory_space<vmem>> -> memref<16xi32, #tpu.memory_space<vmem>>
        %dma_wait3A_85 = arith.constant 0 : i32
        %dma_wait3A_86 = arith.constant 0 : i32
        %dma_wait3A_87 = tpu.memref_slice %arg13[%dma_wait3A_85, %dma_wait3A_86] : memref<10000x128xf32, #tpu.memory_space<vmem_shared>> -> memref<10000x128xf32, #tpu.memory_space<vmem_shared>>
        tpu.wait_indirect_dma semaphore(%run_scoped3A_75 : memref<!tpu.dma_semaphore, #tpu.memory_space<semaphore_mem>>) src(%arg12 : memref<16x128xf32, #tpu.memory_space<vmem>>) dst(%dma_wait3A_87 : memref<10000x128xf32, #tpu.memory_space<vmem_shared>>)
        tpu.yield
      }) : () -> ()
      %barrier3A_67 = arith.constant 0 : index
      tpu.barrier barrier_id(%barrier3A_67)
      %mul3A_68 = arith.constant 624 : i32
      %mul3A_69 = arith.muli %arg1, %mul3A_68 : i32
      "tpu.region"() ({
        %run_scoped3A_75 = tpu.sem_alloc : memref<!tpu.dma_semaphore, #tpu.memory_space<semaphore_mem>>
        %dma_start3A_76 = arith.constant 0 : i32
        %dma_start3A_77 = tpu.memref_slice %arg6[%mul3A_69, %dma_start3A_76] : memref<10000x128xf32, #tpu.memory_space<hbm>> -> memref<624x128xf32, #tpu.memory_space<hbm>>
        %dma_start3A_78 = arith.constant 0 : i32
        %dma_start3A_79 = tpu.memref_slice %arg13[%mul3A_69, %dma_start3A_78] : memref<10000x128xf32, #tpu.memory_space<vmem_shared>> -> memref<624x128xf32, #tpu.memory_space<vmem_shared>>
        tpu.enqueue_dma source(%dma_start3A_79 : memref<624x128xf32, #tpu.memory_space<vmem_shared>>) target(%dma_start3A_77 : memref<624x128xf32, #tpu.memory_space<hbm>>) target_semaphore(%run_scoped3A_75 : memref<!tpu.dma_semaphore, #tpu.memory_space<semaphore_mem>>)
        %dma_wait3A_80 = arith.constant 0 : i32
        %dma_wait3A_81 = tpu.memref_slice %arg6[%mul3A_69, %dma_wait3A_80] : memref<10000x128xf32, #tpu.memory_space<hbm>> -> memref<624x128xf32, #tpu.memory_space<hbm>>
        %dma_wait3A_82 = arith.constant 0 : i32
        %dma_wait3A_83 = tpu.memref_slice %arg13[%mul3A_69, %dma_wait3A_82] : memref<10000x128xf32, #tpu.memory_space<vmem_shared>> -> memref<624x128xf32, #tpu.memory_space<vmem_shared>>
        tpu.wait_dma2 semaphore(%run_scoped3A_75 : memref<!tpu.dma_semaphore, #tpu.memory_space<semaphore_mem>>) src(%dma_wait3A_83 : memref<624x128xf32, #tpu.memory_space<vmem_shared>>) dst(%dma_wait3A_81 : memref<624x128xf32, #tpu.memory_space<hbm>>)
        tpu.yield
      }) : () -> ()
      %eq3A_70 = arith.constant 15 : i32
      %eq3A_71 = arith.cmpi eq, %arg1, %eq3A_70 : i32
      %convert_element_type3A_72 = arith.extui %eq3A_71 : i1 to i32
      %cond3A_73 = arith.constant 0 : i32
      %cond3A_74 = arith.cmpi ne, %convert_element_type3A_72, %cond3A_73 : i32
      scf.if %cond3A_74 {
        "tpu.region"() ({
          %run_scoped3A_75 = tpu.sem_alloc : memref<!tpu.dma_semaphore, #tpu.memory_space<semaphore_mem>>
          %dma_start3A_76 = arith.constant 9984 : i32
          %dma_start3A_77 = arith.constant 0 : i32
          %dma_start3A_78 = tpu.memref_slice %arg6[%dma_start3A_76, %dma_start3A_77] : memref<10000x128xf32, #tpu.memory_space<hbm>> -> memref<16x128xf32, #tpu.memory_space<hbm>>
          %dma_start3A_79 = arith.constant 9984 : i32
          %dma_start3A_80 = arith.constant 0 : i32
          %dma_start3A_81 = tpu.memref_slice %arg13[%dma_start3A_79, %dma_start3A_80] : memref<10000x128xf32, #tpu.memory_space<vmem_shared>> -> memref<16x128xf32, #tpu.memory_space<vmem_shared>>
          tpu.enqueue_dma source(%dma_start3A_81 : memref<16x128xf32, #tpu.memory_space<vmem_shared>>) target(%dma_start3A_78 : memref<16x128xf32, #tpu.memory_space<hbm>>) target_semaphore(%run_scoped3A_75 : memref<!tpu.dma_semaphore, #tpu.memory_space<semaphore_mem>>)
          %dma_wait3A_82 = arith.constant 9984 : i32
          %dma_wait3A_83 = arith.constant 0 : i32
          %dma_wait3A_84 = tpu.memref_slice %arg6[%dma_wait3A_82, %dma_wait3A_83] : memref<10000x128xf32, #tpu.memory_space<hbm>> -> memref<16x128xf32, #tpu.memory_space<hbm>>
          %dma_wait3A_85 = arith.constant 9984 : i32
          %dma_wait3A_86 = arith.constant 0 : i32
          %dma_wait3A_87 = tpu.memref_slice %arg13[%dma_wait3A_85, %dma_wait3A_86] : memref<10000x128xf32, #tpu.memory_space<vmem_shared>> -> memref<16x128xf32, #tpu.memory_space<vmem_shared>>
          tpu.wait_dma2 semaphore(%run_scoped3A_75 : memref<!tpu.dma_semaphore, #tpu.memory_space<semaphore_mem>>) src(%dma_wait3A_87 : memref<16x128xf32, #tpu.memory_space<vmem_shared>>) dst(%dma_wait3A_84 : memref<16x128xf32, #tpu.memory_space<hbm>>)
          tpu.yield
        }) : () -> ()
      } else {
      }
    } else {
    }
    %eq3A_2 = arith.constant 1 : i32
    %eq3A_3 = arith.cmpi eq, %arg0, %eq3A_2 : i32
    %convert_element_type3A_4 = arith.extui %eq3A_3 : i1 to i32
    %cond3A_5 = arith.constant 0 : i32
    %cond3A_6 = arith.cmpi ne, %convert_element_type3A_4, %cond3A_5 : i32
    scf.if %cond3A_6 {
      %mul3A = arith.constant 10000 : i32
      %mul3A_7 = arith.muli %arg1, %mul3A : i32
      "tpu.region"() ({
        %run_scoped3A_75 = tpu.sem_alloc : memref<!tpu.dma_semaphore, #tpu.memory_space<semaphore_mem>>
        %dma_start3A_76 = tpu.memref_slice %arg2[%mul3A_7] : memref<160000xi32, #tpu.memory_space<hbm>> -> memref<10000xi32, #tpu.memory_space<hbm>>
        %dma_start3A_77 = tpu.memref_slice %arg2[%mul3A_7] : memref<160000xi32, #tpu.memory_space<hbm>> -> memref<10000xi32, #tpu.memory_space<hbm>>
        tpu.enqueue_dma source(%dma_start3A_77 : memref<10000xi32, #tpu.memory_space<hbm>>) target(%arg8 : memref<10000xi32, #tpu.memory_space<vmem>>) target_semaphore(%run_scoped3A_75 : memref<!tpu.dma_semaphore, #tpu.memory_space<semaphore_mem>>)
        %dma_wait3A_78 = tpu.memref_slice %arg2[%mul3A_7] : memref<160000xi32, #tpu.memory_space<hbm>> -> memref<10000xi32, #tpu.memory_space<hbm>>
        %dma_wait3A_79 = tpu.memref_slice %arg2[%mul3A_7] : memref<160000xi32, #tpu.memory_space<hbm>> -> memref<10000xi32, #tpu.memory_space<hbm>>
        tpu.wait_dma2 semaphore(%run_scoped3A_75 : memref<!tpu.dma_semaphore, #tpu.memory_space<semaphore_mem>>) src(%dma_wait3A_79 : memref<10000xi32, #tpu.memory_space<hbm>>) dst(%arg8 : memref<10000xi32, #tpu.memory_space<vmem>>)
        tpu.yield
      }) : () -> ()
      %mul3A_8 = arith.constant 624 : i32
      %mul3A_9 = arith.muli %arg1, %mul3A_8 : i32
      "tpu.region"() ({
        %run_scoped3A_75 = tpu.sem_alloc : memref<!tpu.dma_semaphore, #tpu.memory_space<semaphore_mem>>
        %dma_start3A_76 = arith.constant 0 : i32
        %dma_start3A_77 = tpu.memref_slice %arg13[%mul3A_9, %dma_start3A_76] : memref<10000x128xf32, #tpu.memory_space<vmem_shared>> -> memref<624x128xf32, #tpu.memory_space<vmem_shared>>
        %dma_start3A_78 = arith.constant 0 : i32
        %dma_start3A_79 = tpu.memref_slice %arg5[%mul3A_9, %dma_start3A_78] : memref<10000x128xf32, #tpu.memory_space<hbm>> -> memref<624x128xf32, #tpu.memory_space<hbm>>
        tpu.enqueue_dma source(%dma_start3A_79 : memref<624x128xf32, #tpu.memory_space<hbm>>) target(%dma_start3A_77 : memref<624x128xf32, #tpu.memory_space<vmem_shared>>) target_semaphore(%run_scoped3A_75 : memref<!tpu.dma_semaphore, #tpu.memory_space<semaphore_mem>>)
        %dma_wait3A_80 = arith.constant 0 : i32
        %dma_wait3A_81 = tpu.memref_slice %arg13[%mul3A_9, %dma_wait3A_80] : memref<10000x128xf32, #tpu.memory_space<vmem_shared>> -> memref<624x128xf32, #tpu.memory_space<vmem_shared>>
        %dma_wait3A_82 = arith.constant 0 : i32
        %dma_wait3A_83 = tpu.memref_slice %arg5[%mul3A_9, %dma_wait3A_82] : memref<10000x128xf32, #tpu.memory_space<hbm>> -> memref<624x128xf32, #tpu.memory_space<hbm>>
        tpu.wait_dma2 semaphore(%run_scoped3A_75 : memref<!tpu.dma_semaphore, #tpu.memory_space<semaphore_mem>>) src(%dma_wait3A_83 : memref<624x128xf32, #tpu.memory_space<hbm>>) dst(%dma_wait3A_81 : memref<624x128xf32, #tpu.memory_space<vmem_shared>>)
        tpu.yield
      }) : () -> ()
      %eq3A_10 = arith.constant 15 : i32
      %eq3A_11 = arith.cmpi eq, %arg1, %eq3A_10 : i32
      %convert_element_type3A_12 = arith.extui %eq3A_11 : i1 to i32
      %cond3A_13 = arith.constant 0 : i32
      %cond3A_14 = arith.cmpi ne, %convert_element_type3A_12, %cond3A_13 : i32
      scf.if %cond3A_14 {
        "tpu.region"() ({
          %run_scoped3A_75 = tpu.sem_alloc : memref<!tpu.dma_semaphore, #tpu.memory_space<semaphore_mem>>
          %dma_start3A_76 = arith.constant 9984 : i32
          %dma_start3A_77 = arith.constant 0 : i32
          %dma_start3A_78 = tpu.memref_slice %arg13[%dma_start3A_76, %dma_start3A_77] : memref<10000x128xf32, #tpu.memory_space<vmem_shared>> -> memref<16x128xf32, #tpu.memory_space<vmem_shared>>
          %dma_start3A_79 = arith.constant 9984 : i32
          %dma_start3A_80 = arith.constant 0 : i32
          %dma_start3A_81 = tpu.memref_slice %arg5[%dma_start3A_79, %dma_start3A_80] : memref<10000x128xf32, #tpu.memory_space<hbm>> -> memref<16x128xf32, #tpu.memory_space<hbm>>
          tpu.enqueue_dma source(%dma_start3A_81 : memref<16x128xf32, #tpu.memory_space<hbm>>) target(%dma_start3A_78 : memref<16x128xf32, #tpu.memory_space<vmem_shared>>) target_semaphore(%run_scoped3A_75 : memref<!tpu.dma_semaphore, #tpu.memory_space<semaphore_mem>>)
          %dma_wait3A_82 = arith.constant 9984 : i32
          %dma_wait3A_83 = arith.constant 0 : i32
          %dma_wait3A_84 = tpu.memref_slice %arg13[%dma_wait3A_82, %dma_wait3A_83] : memref<10000x128xf32, #tpu.memory_space<vmem_shared>> -> memref<16x128xf32, #tpu.memory_space<vmem_shared>>
          %dma_wait3A_85 = arith.constant 9984 : i32
          %dma_wait3A_86 = arith.constant 0 : i32
          %dma_wait3A_87 = tpu.memref_slice %arg5[%dma_wait3A_85, %dma_wait3A_86] : memref<10000x128xf32, #tpu.memory_space<hbm>> -> memref<16x128xf32, #tpu.memory_space<hbm>>
          tpu.wait_dma2 semaphore(%run_scoped3A_75 : memref<!tpu.dma_semaphore, #tpu.memory_space<semaphore_mem>>) src(%dma_wait3A_87 : memref<16x128xf32, #tpu.memory_space<hbm>>) dst(%dma_wait3A_84 : memref<16x128xf32, #tpu.memory_space<vmem_shared>>)
          tpu.yield
        }) : () -> ()
      } else {
      }
      %dma_start3A = arith.constant 0 : i32
      %dma_start3A_15 = arith.constant 0 : i32
      %dma_start3A_16 = arith.constant 0 : i32
      %dma_start3A_17 = tpu.memref_slice %arg11[%dma_start3A, %dma_start3A_15, %dma_start3A_16] : memref<2x128x128xf32, #tpu.memory_space<vmem>> -> memref<1x128x128xf32, #tpu.memory_space<vmem>>
      %dma_start3A_18 = tpu.memref_squeeze %dma_start3A_17 : memref<1x128x128xf32, #tpu.memory_space<vmem>> -> memref<128x128xf32, #tpu.memory_space<vmem>>
      %dma_start3A_19 = arith.constant 0 : i32
      %dma_start3A_20 = tpu.memref_slice %arg8[%dma_start3A_19] : memref<10000xi32, #tpu.memory_space<vmem>> -> memref<128xi32, #tpu.memory_space<vmem>>
      %dma_start3A_21 = arith.constant 0 : i32
      %dma_start3A_22 = arith.constant 0 : i32
      %dma_start3A_23 = tpu.memref_slice %arg5[%dma_start3A_21, %dma_start3A_22] : memref<10000x128xf32, #tpu.memory_space<hbm>> -> memref<10000x128xf32, #tpu.memory_space<hbm>>
      tpu.enqueue_indirect_dma source(%dma_start3A_23 : memref<10000x128xf32, #tpu.memory_space<hbm>>) target(%dma_start3A_18 : memref<128x128xf32, #tpu.memory_space<vmem>>) offsets(%dma_start3A_20 : memref<128xi32, #tpu.memory_space<vmem>>) semaphore(%arg16 : memref<!tpu.dma_semaphore, #tpu.memory_space<semaphore_mem>>)
      %mul3A_24 = arith.constant 10000 : i32
      %mul3A_25 = arith.muli %arg1, %mul3A_24 : i32
      %add3A = arith.constant 0 : i32
      %add3A_26 = arith.addi %mul3A_25, %add3A : i32
      %dma_start3A_27 = arith.constant 0 : i32
      %dma_start3A_28 = arith.constant 0 : i32
      %dma_start3A_29 = tpu.memref_slice %arg9[%dma_start3A_27, %dma_start3A_28] : memref<2x128xi32, #tpu.memory_space<vmem>> -> memref<1x128xi32, #tpu.memory_space<vmem>>
      %dma_start3A_30 = tpu.memref_squeeze %dma_start3A_29 : memref<1x128xi32, #tpu.memory_space<vmem>> -> memref<128xi32, #tpu.memory_space<vmem>>
      %dma_start3A_31 = tpu.memref_slice %arg3[%add3A_26] : memref<160000xi32, #tpu.memory_space<hbm>> -> memref<128xi32, #tpu.memory_space<hbm>>
      %dma_start3A_32 = arith.constant 0 : i32
      %dma_start3A_33 = tpu.memref_slice %arg9[%dma_start3A_27, %dma_start3A_32] : memref<2x128xi32, #tpu.memory_space<vmem>> -> memref<1x128xi32, #tpu.memory_space<vmem>>
      %dma_start3A_34 = tpu.memref_squeeze %dma_start3A_33 : memref<1x128xi32, #tpu.memory_space<vmem>> -> memref<128xi32, #tpu.memory_space<vmem>>
      %dma_start3A_35 = tpu.memref_slice %arg3[%add3A_26] : memref<160000xi32, #tpu.memory_space<hbm>> -> memref<128xi32, #tpu.memory_space<hbm>>
      tpu.enqueue_dma source(%dma_start3A_35 : memref<128xi32, #tpu.memory_space<hbm>>) target(%dma_start3A_34 : memref<128xi32, #tpu.memory_space<vmem>>) target_semaphore(%arg14 : memref<!tpu.dma_semaphore, #tpu.memory_space<semaphore_mem>>)
      %barrier3A = arith.constant 0 : index
      tpu.barrier barrier_id(%barrier3A)
      %scan3A = arith.constant 0 : i32
      %scan3A_36 = arith.constant 0 : i32
      %scan3A_37 = arith.constant 39 : i32
      %scan3A_38 = arith.addi %scan3A_36, %scan3A_37 : i32
      %scan3A_39 = arith.constant 1 : i32
      scf.for %scan3A_75 = %scan3A_36 to %scan3A_38 step %scan3A_39  : i32 {
        %mul3A_76 = arith.constant 2 : i32
        %mul3A_77 = arith.muli %mul3A_76, %scan3A_75 : i32
        %add3A_78 = arith.constant 0 : i32
        %add3A_79 = arith.addi %mul3A_77, %add3A_78 : i32
        %mul3A_80 = arith.constant 128 : i32
        %mul3A_81 = arith.muli %add3A_79, %mul3A_80 : i32
        %dma_wait3A_82 = arith.constant 0 : i32
        %dma_wait3A_83 = arith.constant 0 : i32
        %dma_wait3A_84 = arith.constant 0 : i32
        %dma_wait3A_85 = tpu.memref_slice %arg11[%dma_wait3A_82, %dma_wait3A_83, %dma_wait3A_84] : memref<2x128x128xf32, #tpu.memory_space<vmem>> -> memref<1x128x128xf32, #tpu.memory_space<vmem>>
        %dma_wait3A_86 = tpu.memref_squeeze %dma_wait3A_85 : memref<1x128x128xf32, #tpu.memory_space<vmem>> -> memref<128x128xf32, #tpu.memory_space<vmem>>
        %dma_wait3A_87 = tpu.memref_slice %arg8[%mul3A_81] : memref<10000xi32, #tpu.memory_space<vmem>> -> memref<128xi32, #tpu.memory_space<vmem>>
        %dma_wait3A_88 = arith.constant 0 : i32
        %dma_wait3A_89 = arith.constant 0 : i32
        %dma_wait3A_90 = tpu.memref_slice %arg5[%dma_wait3A_88, %dma_wait3A_89] : memref<10000x128xf32, #tpu.memory_space<hbm>> -> memref<10000x128xf32, #tpu.memory_space<hbm>>
        tpu.wait_indirect_dma semaphore(%arg16 : memref<!tpu.dma_semaphore, #tpu.memory_space<semaphore_mem>>) src(%dma_wait3A_90 : memref<10000x128xf32, #tpu.memory_space<hbm>>) dst(%dma_wait3A_86 : memref<128x128xf32, #tpu.memory_space<vmem>>)
        %mul3A_91 = arith.constant 10000 : i32
        %mul3A_92 = arith.muli %arg1, %mul3A_91 : i32
        %mul3A_93 = arith.constant 128 : i32
        %mul3A_94 = arith.muli %add3A_79, %mul3A_93 : i32
        %add3A_95 = arith.addi %mul3A_92, %mul3A_94 : i32
        %dma_wait3A_96 = arith.constant 0 : i32
        %dma_wait3A_97 = arith.constant 0 : i32
        %dma_wait3A_98 = tpu.memref_slice %arg9[%dma_wait3A_96, %dma_wait3A_97] : memref<2x128xi32, #tpu.memory_space<vmem>> -> memref<1x128xi32, #tpu.memory_space<vmem>>
        %dma_wait3A_99 = tpu.memref_squeeze %dma_wait3A_98 : memref<1x128xi32, #tpu.memory_space<vmem>> -> memref<128xi32, #tpu.memory_space<vmem>>
        %dma_wait3A_100 = tpu.memref_slice %arg3[%add3A_95] : memref<160000xi32, #tpu.memory_space<hbm>> -> memref<128xi32, #tpu.memory_space<hbm>>
        %dma_wait3A_101 = arith.constant 0 : i32
        %dma_wait3A_102 = tpu.memref_slice %arg9[%dma_wait3A_96, %dma_wait3A_101] : memref<2x128xi32, #tpu.memory_space<vmem>> -> memref<1x128xi32, #tpu.memory_space<vmem>>
        %dma_wait3A_103 = tpu.memref_squeeze %dma_wait3A_102 : memref<1x128xi32, #tpu.memory_space<vmem>> -> memref<128xi32, #tpu.memory_space<vmem>>
        %dma_wait3A_104 = tpu.memref_slice %arg3[%add3A_95] : memref<160000xi32, #tpu.memory_space<hbm>> -> memref<128xi32, #tpu.memory_space<hbm>>
        tpu.wait_dma2 semaphore(%arg14 : memref<!tpu.dma_semaphore, #tpu.memory_space<semaphore_mem>>) src(%dma_wait3A_104 : memref<128xi32, #tpu.memory_space<hbm>>) dst(%dma_wait3A_103 : memref<128xi32, #tpu.memory_space<vmem>>)
        %dma_start3A_105 = arith.constant 0 : i32
        %dma_start3A_106 = arith.constant 0 : i32
        %dma_start3A_107 = arith.constant 0 : i32
        %dma_start3A_108 = arith.constant 0 : i32
        %dma_start3A_109 = tpu.memref_slice %arg11[%dma_start3A_105, %dma_start3A_107, %dma_start3A_108] : memref<2x128x128xf32, #tpu.memory_space<vmem>> -> memref<1x128x128xf32, #tpu.memory_space<vmem>>
        %dma_start3A_110 = tpu.memref_squeeze %dma_start3A_109 : memref<1x128x128xf32, #tpu.memory_space<vmem>> -> memref<128x128xf32, #tpu.memory_space<vmem>>
        %dma_start3A_111 = arith.constant 0 : i32
        %dma_start3A_112 = tpu.memref_slice %arg9[%dma_start3A_106, %dma_start3A_111] : memref<2x128xi32, #tpu.memory_space<vmem>> -> memref<1x128xi32, #tpu.memory_space<vmem>>
        %dma_start3A_113 = tpu.memref_squeeze %dma_start3A_112 : memref<1x128xi32, #tpu.memory_space<vmem>> -> memref<128xi32, #tpu.memory_space<vmem>>
        %dma_start3A_114 = arith.constant 0 : i32
        %dma_start3A_115 = arith.constant 0 : i32
        %dma_start3A_116 = tpu.memref_slice %arg13[%dma_start3A_114, %dma_start3A_115] : memref<10000x128xf32, #tpu.memory_space<vmem_shared>> -> memref<10000x128xf32, #tpu.memory_space<vmem_shared>>
        tpu.enqueue_indirect_dma source(%dma_start3A_110 : memref<128x128xf32, #tpu.memory_space<vmem>>) target(%dma_start3A_116 : memref<10000x128xf32, #tpu.memory_space<vmem_shared>>) offsets(%dma_start3A_113 : memref<128xi32, #tpu.memory_space<vmem>>) semaphore(%arg18 : memref<!tpu.dma_semaphore, #tpu.memory_space<semaphore_mem>>) {add = true}
        %ge3A = arith.constant 1 : i32
        %ge3A_117 = arith.cmpi sge, %add3A_79, %ge3A : i32
        %convert_element_type3A_118 = arith.extui %ge3A_117 : i1 to i32
        %cond3A_119 = arith.constant 0 : i32
        %cond3A_120 = arith.cmpi ne, %convert_element_type3A_118, %cond3A_119 : i32
        scf.if %cond3A_120 {
          %dma_wait3A_180 = arith.constant 1 : i32
          %dma_wait3A_181 = arith.constant 1 : i32
          %dma_wait3A_182 = arith.constant 0 : i32
          %dma_wait3A_183 = arith.constant 0 : i32
          %dma_wait3A_184 = tpu.memref_slice %arg11[%dma_wait3A_180, %dma_wait3A_182, %dma_wait3A_183] : memref<2x128x128xf32, #tpu.memory_space<vmem>> -> memref<1x128x128xf32, #tpu.memory_space<vmem>>
          %dma_wait3A_185 = tpu.memref_squeeze %dma_wait3A_184 : memref<1x128x128xf32, #tpu.memory_space<vmem>> -> memref<128x128xf32, #tpu.memory_space<vmem>>
          %dma_wait3A_186 = arith.constant 0 : i32
          %dma_wait3A_187 = tpu.memref_slice %arg9[%dma_wait3A_181, %dma_wait3A_186] : memref<2x128xi32, #tpu.memory_space<vmem>> -> memref<1x128xi32, #tpu.memory_space<vmem>>
          %dma_wait3A_188 = tpu.memref_squeeze %dma_wait3A_187 : memref<1x128xi32, #tpu.memory_space<vmem>> -> memref<128xi32, #tpu.memory_space<vmem>>
          %dma_wait3A_189 = arith.constant 0 : i32
          %dma_wait3A_190 = arith.constant 0 : i32
          %dma_wait3A_191 = tpu.memref_slice %arg13[%dma_wait3A_189, %dma_wait3A_190] : memref<10000x128xf32, #tpu.memory_space<vmem_shared>> -> memref<10000x128xf32, #tpu.memory_space<vmem_shared>>
          tpu.wait_indirect_dma semaphore(%arg19 : memref<!tpu.dma_semaphore, #tpu.memory_space<semaphore_mem>>) src(%dma_wait3A_185 : memref<128x128xf32, #tpu.memory_space<vmem>>) dst(%dma_wait3A_191 : memref<10000x128xf32, #tpu.memory_space<vmem_shared>>)
        } else {
        }
        %add3A_121 = arith.constant 1 : i32
        %add3A_122 = arith.addi %add3A_79, %add3A_121 : i32
        %lt3A = arith.constant 78 : i32
        %lt3A_123 = arith.cmpi slt, %add3A_122, %lt3A : i32
        %convert_element_type3A_124 = arith.extui %lt3A_123 : i1 to i32
        %cond3A_125 = arith.constant 0 : i32
        %cond3A_126 = arith.cmpi ne, %convert_element_type3A_124, %cond3A_125 : i32
        scf.if %cond3A_126 {
          %add3A_180 = arith.constant 1 : i32
          %add3A_181 = arith.addi %add3A_79, %add3A_180 : i32
          %mul3A_182 = arith.constant 128 : i32
          %mul3A_183 = arith.muli %add3A_181, %mul3A_182 : i32
          %dma_start3A_184 = arith.constant 1 : i32
          %dma_start3A_185 = arith.constant 0 : i32
          %dma_start3A_186 = arith.constant 0 : i32
          %dma_start3A_187 = tpu.memref_slice %arg11[%dma_start3A_184, %dma_start3A_185, %dma_start3A_186] : memref<2x128x128xf32, #tpu.memory_space<vmem>> -> memref<1x128x128xf32, #tpu.memory_space<vmem>>
          %dma_start3A_188 = tpu.memref_squeeze %dma_start3A_187 : memref<1x128x128xf32, #tpu.memory_space<vmem>> -> memref<128x128xf32, #tpu.memory_space<vmem>>
          %dma_start3A_189 = tpu.memref_slice %arg8[%mul3A_183] : memref<10000xi32, #tpu.memory_space<vmem>> -> memref<128xi32, #tpu.memory_space<vmem>>
          %dma_start3A_190 = arith.constant 0 : i32
          %dma_start3A_191 = arith.constant 0 : i32
          %dma_start3A_192 = tpu.memref_slice %arg5[%dma_start3A_190, %dma_start3A_191] : memref<10000x128xf32, #tpu.memory_space<hbm>> -> memref<10000x128xf32, #tpu.memory_space<hbm>>
          tpu.enqueue_indirect_dma source(%dma_start3A_192 : memref<10000x128xf32, #tpu.memory_space<hbm>>) target(%dma_start3A_188 : memref<128x128xf32, #tpu.memory_space<vmem>>) offsets(%dma_start3A_189 : memref<128xi32, #tpu.memory_space<vmem>>) semaphore(%arg17 : memref<!tpu.dma_semaphore, #tpu.memory_space<semaphore_mem>>)
          %add3A_193 = arith.constant 1 : i32
          %add3A_194 = arith.addi %add3A_79, %add3A_193 : i32
          %mul3A_195 = arith.constant 10000 : i32
          %mul3A_196 = arith.muli %arg1, %mul3A_195 : i32
          %mul3A_197 = arith.constant 128 : i32
          %mul3A_198 = arith.muli %add3A_194, %mul3A_197 : i32
          %add3A_199 = arith.addi %mul3A_196, %mul3A_198 : i32
          %dma_start3A_200 = arith.constant 1 : i32
          %dma_start3A_201 = arith.constant 0 : i32
          %dma_start3A_202 = tpu.memref_slice %arg9[%dma_start3A_200, %dma_start3A_201] : memref<2x128xi32, #tpu.memory_space<vmem>> -> memref<1x128xi32, #tpu.memory_space<vmem>>
          %dma_start3A_203 = tpu.memref_squeeze %dma_start3A_202 : memref<1x128xi32, #tpu.memory_space<vmem>> -> memref<128xi32, #tpu.memory_space<vmem>>
          %dma_start3A_204 = tpu.memref_slice %arg3[%add3A_199] : memref<160000xi32, #tpu.memory_space<hbm>> -> memref<128xi32, #tpu.memory_space<hbm>>
          %dma_start3A_205 = arith.constant 0 : i32
          %dma_start3A_206 = tpu.memref_slice %arg9[%dma_start3A_200, %dma_start3A_205] : memref<2x128xi32, #tpu.memory_space<vmem>> -> memref<1x128xi32, #tpu.memory_space<vmem>>
          %dma_start3A_207 = tpu.memref_squeeze %dma_start3A_206 : memref<1x128xi32, #tpu.memory_space<vmem>> -> memref<128xi32, #tpu.memory_space<vmem>>
          %dma_start3A_208 = tpu.memref_slice %arg3[%add3A_199] : memref<160000xi32, #tpu.memory_space<hbm>> -> memref<128xi32, #tpu.memory_space<hbm>>
          tpu.enqueue_dma source(%dma_start3A_208 : memref<128xi32, #tpu.memory_space<hbm>>) target(%dma_start3A_207 : memref<128xi32, #tpu.memory_space<vmem>>) target_semaphore(%arg15 : memref<!tpu.dma_semaphore, #tpu.memory_space<semaphore_mem>>)
        } else {
        }
        %mul3A_127 = arith.constant 2 : i32
        %mul3A_128 = arith.muli %mul3A_127, %scan3A_75 : i32
        %add3A_129 = arith.constant 1 : i32
        %add3A_130 = arith.addi %mul3A_128, %add3A_129 : i32
        %mul3A_131 = arith.constant 128 : i32
        %mul3A_132 = arith.muli %add3A_130, %mul3A_131 : i32
        %dma_wait3A_133 = arith.constant 1 : i32
        %dma_wait3A_134 = arith.constant 0 : i32
        %dma_wait3A_135 = arith.constant 0 : i32
        %dma_wait3A_136 = tpu.memref_slice %arg11[%dma_wait3A_133, %dma_wait3A_134, %dma_wait3A_135] : memref<2x128x128xf32, #tpu.memory_space<vmem>> -> memref<1x128x128xf32, #tpu.memory_space<vmem>>
        %dma_wait3A_137 = tpu.memref_squeeze %dma_wait3A_136 : memref<1x128x128xf32, #tpu.memory_space<vmem>> -> memref<128x128xf32, #tpu.memory_space<vmem>>
        %dma_wait3A_138 = tpu.memref_slice %arg8[%mul3A_132] : memref<10000xi32, #tpu.memory_space<vmem>> -> memref<128xi32, #tpu.memory_space<vmem>>
        %dma_wait3A_139 = arith.constant 0 : i32
        %dma_wait3A_140 = arith.constant 0 : i32
        %dma_wait3A_141 = tpu.memref_slice %arg5[%dma_wait3A_139, %dma_wait3A_140] : memref<10000x128xf32, #tpu.memory_space<hbm>> -> memref<10000x128xf32, #tpu.memory_space<hbm>>
        tpu.wait_indirect_dma semaphore(%arg17 : memref<!tpu.dma_semaphore, #tpu.memory_space<semaphore_mem>>) src(%dma_wait3A_141 : memref<10000x128xf32, #tpu.memory_space<hbm>>) dst(%dma_wait3A_137 : memref<128x128xf32, #tpu.memory_space<vmem>>)
        %mul3A_142 = arith.constant 10000 : i32
        %mul3A_143 = arith.muli %arg1, %mul3A_142 : i32
        %mul3A_144 = arith.constant 128 : i32
        %mul3A_145 = arith.muli %add3A_130, %mul3A_144 : i32
        %add3A_146 = arith.addi %mul3A_143, %mul3A_145 : i32
        %dma_wait3A_147 = arith.constant 1 : i32
        %dma_wait3A_148 = arith.constant 0 : i32
        %dma_wait3A_149 = tpu.memref_slice %arg9[%dma_wait3A_147, %dma_wait3A_148] : memref<2x128xi32, #tpu.memory_space<vmem>> -> memref<1x128xi32, #tpu.memory_space<vmem>>
        %dma_wait3A_150 = tpu.memref_squeeze %dma_wait3A_149 : memref<1x128xi32, #tpu.memory_space<vmem>> -> memref<128xi32, #tpu.memory_space<vmem>>
        %dma_wait3A_151 = tpu.memref_slice %arg3[%add3A_146] : memref<160000xi32, #tpu.memory_space<hbm>> -> memref<128xi32, #tpu.memory_space<hbm>>
        %dma_wait3A_152 = arith.constant 0 : i32
        %dma_wait3A_153 = tpu.memref_slice %arg9[%dma_wait3A_147, %dma_wait3A_152] : memref<2x128xi32, #tpu.memory_space<vmem>> -> memref<1x128xi32, #tpu.memory_space<vmem>>
        %dma_wait3A_154 = tpu.memref_squeeze %dma_wait3A_153 : memref<1x128xi32, #tpu.memory_space<vmem>> -> memref<128xi32, #tpu.memory_space<vmem>>
        %dma_wait3A_155 = tpu.memref_slice %arg3[%add3A_146] : memref<160000xi32, #tpu.memory_space<hbm>> -> memref<128xi32, #tpu.memory_space<hbm>>
        tpu.wait_dma2 semaphore(%arg15 : memref<!tpu.dma_semaphore, #tpu.memory_space<semaphore_mem>>) src(%dma_wait3A_155 : memref<128xi32, #tpu.memory_space<hbm>>) dst(%dma_wait3A_154 : memref<128xi32, #tpu.memory_space<vmem>>)
        %dma_start3A_156 = arith.constant 1 : i32
        %dma_start3A_157 = arith.constant 1 : i32
        %dma_start3A_158 = arith.constant 0 : i32
        %dma_start3A_159 = arith.constant 0 : i32
        %dma_start3A_160 = tpu.memref_slice %arg11[%dma_start3A_156, %dma_start3A_158, %dma_start3A_159] : memref<2x128x128xf32, #tpu.memory_space<vmem>> -> memref<1x128x128xf32, #tpu.memory_space<vmem>>
        %dma_start3A_161 = tpu.memref_squeeze %dma_start3A_160 : memref<1x128x128xf32, #tpu.memory_space<vmem>> -> memref<128x128xf32, #tpu.memory_space<vmem>>
        %dma_start3A_162 = arith.constant 0 : i32
        %dma_start3A_163 = tpu.memref_slice %arg9[%dma_start3A_157, %dma_start3A_162] : memref<2x128xi32, #tpu.memory_space<vmem>> -> memref<1x128xi32, #tpu.memory_space<vmem>>
        %dma_start3A_164 = tpu.memref_squeeze %dma_start3A_163 : memref<1x128xi32, #tpu.memory_space<vmem>> -> memref<128xi32, #tpu.memory_space<vmem>>
        %dma_start3A_165 = arith.constant 0 : i32
        %dma_start3A_166 = arith.constant 0 : i32
        %dma_start3A_167 = tpu.memref_slice %arg13[%dma_start3A_165, %dma_start3A_166] : memref<10000x128xf32, #tpu.memory_space<vmem_shared>> -> memref<10000x128xf32, #tpu.memory_space<vmem_shared>>
        tpu.enqueue_indirect_dma source(%dma_start3A_161 : memref<128x128xf32, #tpu.memory_space<vmem>>) target(%dma_start3A_167 : memref<10000x128xf32, #tpu.memory_space<vmem_shared>>) offsets(%dma_start3A_164 : memref<128xi32, #tpu.memory_space<vmem>>) semaphore(%arg19 : memref<!tpu.dma_semaphore, #tpu.memory_space<semaphore_mem>>) {add = true}
        %ge3A_168 = arith.constant 1 : i32
        %ge3A_169 = arith.cmpi sge, %add3A_130, %ge3A_168 : i32
        %convert_element_type3A_170 = arith.extui %ge3A_169 : i1 to i32
        %cond3A_171 = arith.constant 0 : i32
        %cond3A_172 = arith.cmpi ne, %convert_element_type3A_170, %cond3A_171 : i32
        scf.if %cond3A_172 {
          %dma_wait3A_180 = arith.constant 0 : i32
          %dma_wait3A_181 = arith.constant 0 : i32
          %dma_wait3A_182 = arith.constant 0 : i32
          %dma_wait3A_183 = arith.constant 0 : i32
          %dma_wait3A_184 = tpu.memref_slice %arg11[%dma_wait3A_180, %dma_wait3A_182, %dma_wait3A_183] : memref<2x128x128xf32, #tpu.memory_space<vmem>> -> memref<1x128x128xf32, #tpu.memory_space<vmem>>
          %dma_wait3A_185 = tpu.memref_squeeze %dma_wait3A_184 : memref<1x128x128xf32, #tpu.memory_space<vmem>> -> memref<128x128xf32, #tpu.memory_space<vmem>>
          %dma_wait3A_186 = arith.constant 0 : i32
          %dma_wait3A_187 = tpu.memref_slice %arg9[%dma_wait3A_181, %dma_wait3A_186] : memref<2x128xi32, #tpu.memory_space<vmem>> -> memref<1x128xi32, #tpu.memory_space<vmem>>
          %dma_wait3A_188 = tpu.memref_squeeze %dma_wait3A_187 : memref<1x128xi32, #tpu.memory_space<vmem>> -> memref<128xi32, #tpu.memory_space<vmem>>
          %dma_wait3A_189 = arith.constant 0 : i32
          %dma_wait3A_190 = arith.constant 0 : i32
          %dma_wait3A_191 = tpu.memref_slice %arg13[%dma_wait3A_189, %dma_wait3A_190] : memref<10000x128xf32, #tpu.memory_space<vmem_shared>> -> memref<10000x128xf32, #tpu.memory_space<vmem_shared>>
          tpu.wait_indirect_dma semaphore(%arg18 : memref<!tpu.dma_semaphore, #tpu.memory_space<semaphore_mem>>) src(%dma_wait3A_185 : memref<128x128xf32, #tpu.memory_space<vmem>>) dst(%dma_wait3A_191 : memref<10000x128xf32, #tpu.memory_space<vmem_shared>>)
        } else {
        }
        %add3A_173 = arith.constant 1 : i32
        %add3A_174 = arith.addi %add3A_130, %add3A_173 : i32
        %lt3A_175 = arith.constant 78 : i32
        %lt3A_176 = arith.cmpi slt, %add3A_174, %lt3A_175 : i32
        %convert_element_type3A_177 = arith.extui %lt3A_176 : i1 to i32
        %cond3A_178 = arith.constant 0 : i32
        %cond3A_179 = arith.cmpi ne, %convert_element_type3A_177, %cond3A_178 : i32
        scf.if %cond3A_179 {
          %add3A_180 = arith.constant 1 : i32
          %add3A_181 = arith.addi %add3A_130, %add3A_180 : i32
          %mul3A_182 = arith.constant 128 : i32
          %mul3A_183 = arith.muli %add3A_181, %mul3A_182 : i32
          %dma_start3A_184 = arith.constant 0 : i32
          %dma_start3A_185 = arith.constant 0 : i32
          %dma_start3A_186 = arith.constant 0 : i32
          %dma_start3A_187 = tpu.memref_slice %arg11[%dma_start3A_184, %dma_start3A_185, %dma_start3A_186] : memref<2x128x128xf32, #tpu.memory_space<vmem>> -> memref<1x128x128xf32, #tpu.memory_space<vmem>>
          %dma_start3A_188 = tpu.memref_squeeze %dma_start3A_187 : memref<1x128x128xf32, #tpu.memory_space<vmem>> -> memref<128x128xf32, #tpu.memory_space<vmem>>
          %dma_start3A_189 = tpu.memref_slice %arg8[%mul3A_183] : memref<10000xi32, #tpu.memory_space<vmem>> -> memref<128xi32, #tpu.memory_space<vmem>>
          %dma_start3A_190 = arith.constant 0 : i32
          %dma_start3A_191 = arith.constant 0 : i32
          %dma_start3A_192 = tpu.memref_slice %arg5[%dma_start3A_190, %dma_start3A_191] : memref<10000x128xf32, #tpu.memory_space<hbm>> -> memref<10000x128xf32, #tpu.memory_space<hbm>>
          tpu.enqueue_indirect_dma source(%dma_start3A_192 : memref<10000x128xf32, #tpu.memory_space<hbm>>) target(%dma_start3A_188 : memref<128x128xf32, #tpu.memory_space<vmem>>) offsets(%dma_start3A_189 : memref<128xi32, #tpu.memory_space<vmem>>) semaphore(%arg16 : memref<!tpu.dma_semaphore, #tpu.memory_space<semaphore_mem>>)
          %add3A_193 = arith.constant 1 : i32
          %add3A_194 = arith.addi %add3A_130, %add3A_193 : i32
          %mul3A_195 = arith.constant 10000 : i32
          %mul3A_196 = arith.muli %arg1, %mul3A_195 : i32
          %mul3A_197 = arith.constant 128 : i32
          %mul3A_198 = arith.muli %add3A_194, %mul3A_197 : i32
          %add3A_199 = arith.addi %mul3A_196, %mul3A_198 : i32
          %dma_start3A_200 = arith.constant 0 : i32
          %dma_start3A_201 = arith.constant 0 : i32
          %dma_start3A_202 = tpu.memref_slice %arg9[%dma_start3A_200, %dma_start3A_201] : memref<2x128xi32, #tpu.memory_space<vmem>> -> memref<1x128xi32, #tpu.memory_space<vmem>>
          %dma_start3A_203 = tpu.memref_squeeze %dma_start3A_202 : memref<1x128xi32, #tpu.memory_space<vmem>> -> memref<128xi32, #tpu.memory_space<vmem>>
          %dma_start3A_204 = tpu.memref_slice %arg3[%add3A_199] : memref<160000xi32, #tpu.memory_space<hbm>> -> memref<128xi32, #tpu.memory_space<hbm>>
          %dma_start3A_205 = arith.constant 0 : i32
          %dma_start3A_206 = tpu.memref_slice %arg9[%dma_start3A_200, %dma_start3A_205] : memref<2x128xi32, #tpu.memory_space<vmem>> -> memref<1x128xi32, #tpu.memory_space<vmem>>
          %dma_start3A_207 = tpu.memref_squeeze %dma_start3A_206 : memref<1x128xi32, #tpu.memory_space<vmem>> -> memref<128xi32, #tpu.memory_space<vmem>>
          %dma_start3A_208 = tpu.memref_slice %arg3[%add3A_199] : memref<160000xi32, #tpu.memory_space<hbm>> -> memref<128xi32, #tpu.memory_space<hbm>>
          tpu.enqueue_dma source(%dma_start3A_208 : memref<128xi32, #tpu.memory_space<hbm>>) target(%dma_start3A_207 : memref<128xi32, #tpu.memory_space<vmem>>) target_semaphore(%arg14 : memref<!tpu.dma_semaphore, #tpu.memory_space<semaphore_mem>>)
        } else {
        }
      }
      %scan3A_40 = arith.constant 39 : i32
      %dma_wait3A = arith.constant 1 : i32
      %dma_wait3A_41 = arith.constant 1 : i32
      %dma_wait3A_42 = arith.constant 0 : i32
      %dma_wait3A_43 = arith.constant 0 : i32
      %dma_wait3A_44 = tpu.memref_slice %arg11[%dma_wait3A, %dma_wait3A_42, %dma_wait3A_43] : memref<2x128x128xf32, #tpu.memory_space<vmem>> -> memref<1x128x128xf32, #tpu.memory_space<vmem>>
      %dma_wait3A_45 = tpu.memref_squeeze %dma_wait3A_44 : memref<1x128x128xf32, #tpu.memory_space<vmem>> -> memref<128x128xf32, #tpu.memory_space<vmem>>
      %dma_wait3A_46 = arith.constant 0 : i32
      %dma_wait3A_47 = tpu.memref_slice %arg9[%dma_wait3A_41, %dma_wait3A_46] : memref<2x128xi32, #tpu.memory_space<vmem>> -> memref<1x128xi32, #tpu.memory_space<vmem>>
      %dma_wait3A_48 = tpu.memref_squeeze %dma_wait3A_47 : memref<1x128xi32, #tpu.memory_space<vmem>> -> memref<128xi32, #tpu.memory_space<vmem>>
      %dma_wait3A_49 = arith.constant 0 : i32
      %dma_wait3A_50 = arith.constant 0 : i32
      %dma_wait3A_51 = tpu.memref_slice %arg13[%dma_wait3A_49, %dma_wait3A_50] : memref<10000x128xf32, #tpu.memory_space<vmem_shared>> -> memref<10000x128xf32, #tpu.memory_space<vmem_shared>>
      tpu.wait_indirect_dma semaphore(%arg19 : memref<!tpu.dma_semaphore, #tpu.memory_space<semaphore_mem>>) src(%dma_wait3A_45 : memref<128x128xf32, #tpu.memory_space<vmem>>) dst(%dma_wait3A_51 : memref<10000x128xf32, #tpu.memory_space<vmem_shared>>)
      %mul3A_52 = arith.constant 10000 : i32
      %mul3A_53 = arith.muli %arg1, %mul3A_52 : i32
      %add3A_54 = arith.constant 9984 : i32
      %add3A_55 = arith.addi %mul3A_53, %add3A_54 : i32
      %run_scoped3A = arith.constant 0 : i32
      "tpu.region"() ({
        %run_scoped3A_75 = tpu.sem_alloc : memref<!tpu.dma_semaphore, #tpu.memory_space<semaphore_mem>>
        %dma_start3A_76 = arith.constant 0 : i32
        %dma_start3A_77 = tpu.memref_slice %arg10[%run_scoped3A, %dma_start3A_76] : memref<1x16xi32, #tpu.memory_space<vmem>> -> memref<1x16xi32, #tpu.memory_space<vmem>>
        %dma_start3A_78 = tpu.memref_squeeze %dma_start3A_77 : memref<1x16xi32, #tpu.memory_space<vmem>> -> memref<16xi32, #tpu.memory_space<vmem>>
        %dma_start3A_79 = tpu.memref_slice %arg3[%add3A_55] : memref<160000xi32, #tpu.memory_space<hbm>> -> memref<16xi32, #tpu.memory_space<hbm>>
        %dma_start3A_80 = arith.constant 0 : i32
        %dma_start3A_81 = tpu.memref_slice %arg10[%run_scoped3A, %dma_start3A_80] : memref<1x16xi32, #tpu.memory_space<vmem>> -> memref<1x16xi32, #tpu.memory_space<vmem>>
        %dma_start3A_82 = tpu.memref_squeeze %dma_start3A_81 : memref<1x16xi32, #tpu.memory_space<vmem>> -> memref<16xi32, #tpu.memory_space<vmem>>
        %dma_start3A_83 = tpu.memref_slice %arg3[%add3A_55] : memref<160000xi32, #tpu.memory_space<hbm>> -> memref<16xi32, #tpu.memory_space<hbm>>
        tpu.enqueue_dma source(%dma_start3A_83 : memref<16xi32, #tpu.memory_space<hbm>>) target(%dma_start3A_82 : memref<16xi32, #tpu.memory_space<vmem>>) target_semaphore(%run_scoped3A_75 : memref<!tpu.dma_semaphore, #tpu.memory_space<semaphore_mem>>)
        %dma_wait3A_84 = arith.constant 0 : i32
        %dma_wait3A_85 = tpu.memref_slice %arg10[%run_scoped3A, %dma_wait3A_84] : memref<1x16xi32, #tpu.memory_space<vmem>> -> memref<1x16xi32, #tpu.memory_space<vmem>>
        %dma_wait3A_86 = tpu.memref_squeeze %dma_wait3A_85 : memref<1x16xi32, #tpu.memory_space<vmem>> -> memref<16xi32, #tpu.memory_space<vmem>>
        %dma_wait3A_87 = tpu.memref_slice %arg3[%add3A_55] : memref<160000xi32, #tpu.memory_space<hbm>> -> memref<16xi32, #tpu.memory_space<hbm>>
        %dma_wait3A_88 = arith.constant 0 : i32
        %dma_wait3A_89 = tpu.memref_slice %arg10[%run_scoped3A, %dma_wait3A_88] : memref<1x16xi32, #tpu.memory_space<vmem>> -> memref<1x16xi32, #tpu.memory_space<vmem>>
        %dma_wait3A_90 = tpu.memref_squeeze %dma_wait3A_89 : memref<1x16xi32, #tpu.memory_space<vmem>> -> memref<16xi32, #tpu.memory_space<vmem>>
        %dma_wait3A_91 = tpu.memref_slice %arg3[%add3A_55] : memref<160000xi32, #tpu.memory_space<hbm>> -> memref<16xi32, #tpu.memory_space<hbm>>
        tpu.wait_dma2 semaphore(%run_scoped3A_75 : memref<!tpu.dma_semaphore, #tpu.memory_space<semaphore_mem>>) src(%dma_wait3A_91 : memref<16xi32, #tpu.memory_space<hbm>>) dst(%dma_wait3A_90 : memref<16xi32, #tpu.memory_space<vmem>>)
        tpu.yield
      }) : () -> ()
      %dma_start3A_56 = arith.constant 9984 : i32
      %dma_start3A_57 = tpu.memref_slice %arg8[%dma_start3A_56] : memref<10000xi32, #tpu.memory_space<vmem>> -> memref<16xi32, #tpu.memory_space<vmem>>
      %dma_start3A_58 = arith.constant 0 : i32
      %dma_start3A_59 = arith.constant 0 : i32
      %dma_start3A_60 = tpu.memref_slice %arg5[%dma_start3A_58, %dma_start3A_59] : memref<10000x128xf32, #tpu.memory_space<hbm>> -> memref<10000x128xf32, #tpu.memory_space<hbm>>
      tpu.enqueue_indirect_dma source(%dma_start3A_60 : memref<10000x128xf32, #tpu.memory_space<hbm>>) target(%arg12 : memref<16x128xf32, #tpu.memory_space<vmem>>) offsets(%dma_start3A_57 : memref<16xi32, #tpu.memory_space<vmem>>) semaphore(%arg16 : memref<!tpu.dma_semaphore, #tpu.memory_space<semaphore_mem>>)
      %dma_wait3A_61 = arith.constant 9984 : i32
      %dma_wait3A_62 = tpu.memref_slice %arg8[%dma_wait3A_61] : memref<10000xi32, #tpu.memory_space<vmem>> -> memref<16xi32, #tpu.memory_space<vmem>>
      %dma_wait3A_63 = arith.constant 0 : i32
      %dma_wait3A_64 = arith.constant 0 : i32
      %dma_wait3A_65 = tpu.memref_slice %arg5[%dma_wait3A_63, %dma_wait3A_64] : memref<10000x128xf32, #tpu.memory_space<hbm>> -> memref<10000x128xf32, #tpu.memory_space<hbm>>
      tpu.wait_indirect_dma semaphore(%arg16 : memref<!tpu.dma_semaphore, #tpu.memory_space<semaphore_mem>>) src(%dma_wait3A_65 : memref<10000x128xf32, #tpu.memory_space<hbm>>) dst(%arg12 : memref<16x128xf32, #tpu.memory_space<vmem>>)
      %run_scoped3A_66 = arith.constant 0 : i32
      "tpu.region"() ({
        %run_scoped3A_75 = tpu.sem_alloc : memref<!tpu.dma_semaphore, #tpu.memory_space<semaphore_mem>>
        %dma_start3A_76 = arith.constant 0 : i32
        %dma_start3A_77 = tpu.memref_slice %arg10[%run_scoped3A_66, %dma_start3A_76] : memref<1x16xi32, #tpu.memory_space<vmem>> -> memref<1x16xi32, #tpu.memory_space<vmem>>
        %dma_start3A_78 = tpu.memref_squeeze %dma_start3A_77 : memref<1x16xi32, #tpu.memory_space<vmem>> -> memref<16xi32, #tpu.memory_space<vmem>>
        %dma_start3A_79 = arith.constant 0 : i32
        %dma_start3A_80 = arith.constant 0 : i32
        %dma_start3A_81 = tpu.memref_slice %arg13[%dma_start3A_79, %dma_start3A_80] : memref<10000x128xf32, #tpu.memory_space<vmem_shared>> -> memref<10000x128xf32, #tpu.memory_space<vmem_shared>>
        tpu.enqueue_indirect_dma source(%arg12 : memref<16x128xf32, #tpu.memory_space<vmem>>) target(%dma_start3A_81 : memref<10000x128xf32, #tpu.memory_space<vmem_shared>>) offsets(%dma_start3A_78 : memref<16xi32, #tpu.memory_space<vmem>>) semaphore(%run_scoped3A_75 : memref<!tpu.dma_semaphore, #tpu.memory_space<semaphore_mem>>) {add = true}
        %dma_wait3A_82 = arith.constant 0 : i32
        %dma_wait3A_83 = tpu.memref_slice %arg10[%run_scoped3A_66, %dma_wait3A_82] : memref<1x16xi32, #tpu.memory_space<vmem>> -> memref<1x16xi32, #tpu.memory_space<vmem>>
        %dma_wait3A_84 = tpu.memref_squeeze %dma_wait3A_83 : memref<1x16xi32, #tpu.memory_space<vmem>> -> memref<16xi32, #tpu.memory_space<vmem>>
        %dma_wait3A_85 = arith.constant 0 : i32
        %dma_wait3A_86 = arith.constant 0 : i32
        %dma_wait3A_87 = tpu.memref_slice %arg13[%dma_wait3A_85, %dma_wait3A_86] : memref<10000x128xf32, #tpu.memory_space<vmem_shared>> -> memref<10000x128xf32, #tpu.memory_space<vmem_shared>>
        tpu.wait_indirect_dma semaphore(%run_scoped3A_75 : memref<!tpu.dma_semaphore, #tpu.memory_space<semaphore_mem>>) src(%arg12 : memref<16x128xf32, #tpu.memory_space<vmem>>) dst(%dma_wait3A_87 : memref<10000x128xf32, #tpu.memory_space<vmem_shared>>)
        tpu.yield
      }) : () -> ()
      %barrier3A_67 = arith.constant 0 : index
      tpu.barrier barrier_id(%barrier3A_67)
      %mul3A_68 = arith.constant 624 : i32
      %mul3A_69 = arith.muli %arg1, %mul3A_68 : i32
      "tpu.region"() ({
        %run_scoped3A_75 = tpu.sem_alloc : memref<!tpu.dma_semaphore, #tpu.memory_space<semaphore_mem>>
        %dma_start3A_76 = arith.constant 0 : i32
        %dma_start3A_77 = tpu.memref_slice %arg7[%mul3A_69, %dma_start3A_76] : memref<10000x128xf32, #tpu.memory_space<hbm>> -> memref<624x128xf32, #tpu.memory_space<hbm>>
        %dma_start3A_78 = arith.constant 0 : i32
        %dma_start3A_79 = tpu.memref_slice %arg13[%mul3A_69, %dma_start3A_78] : memref<10000x128xf32, #tpu.memory_space<vmem_shared>> -> memref<624x128xf32, #tpu.memory_space<vmem_shared>>
        tpu.enqueue_dma source(%dma_start3A_79 : memref<624x128xf32, #tpu.memory_space<vmem_shared>>) target(%dma_start3A_77 : memref<624x128xf32, #tpu.memory_space<hbm>>) target_semaphore(%run_scoped3A_75 : memref<!tpu.dma_semaphore, #tpu.memory_space<semaphore_mem>>)
        %dma_wait3A_80 = arith.constant 0 : i32
        %dma_wait3A_81 = tpu.memref_slice %arg7[%mul3A_69, %dma_wait3A_80] : memref<10000x128xf32, #tpu.memory_space<hbm>> -> memref<624x128xf32, #tpu.memory_space<hbm>>
        %dma_wait3A_82 = arith.constant 0 : i32
        %dma_wait3A_83 = tpu.memref_slice %arg13[%mul3A_69, %dma_wait3A_82] : memref<10000x128xf32, #tpu.memory_space<vmem_shared>> -> memref<624x128xf32, #tpu.memory_space<vmem_shared>>
        tpu.wait_dma2 semaphore(%run_scoped3A_75 : memref<!tpu.dma_semaphore, #tpu.memory_space<semaphore_mem>>) src(%dma_wait3A_83 : memref<624x128xf32, #tpu.memory_space<vmem_shared>>) dst(%dma_wait3A_81 : memref<624x128xf32, #tpu.memory_space<hbm>>)
        tpu.yield
      }) : () -> ()
      %eq3A_70 = arith.constant 15 : i32
      %eq3A_71 = arith.cmpi eq, %arg1, %eq3A_70 : i32
      %convert_element_type3A_72 = arith.extui %eq3A_71 : i1 to i32
      %cond3A_73 = arith.constant 0 : i32
      %cond3A_74 = arith.cmpi ne, %convert_element_type3A_72, %cond3A_73 : i32
      scf.if %cond3A_74 {
        "tpu.region"() ({
          %run_scoped3A_75 = tpu.sem_alloc : memref<!tpu.dma_semaphore, #tpu.memory_space<semaphore_mem>>
          %dma_start3A_76 = arith.constant 9984 : i32
          %dma_start3A_77 = arith.constant 0 : i32
          %dma_start3A_78 = tpu.memref_slice %arg7[%dma_start3A_76, %dma_start3A_77] : memref<10000x128xf32, #tpu.memory_space<hbm>> -> memref<16x128xf32, #tpu.memory_space<hbm>>
          %dma_start3A_79 = arith.constant 9984 : i32
          %dma_start3A_80 = arith.constant 0 : i32
          %dma_start3A_81 = tpu.memref_slice %arg13[%dma_start3A_79, %dma_start3A_80] : memref<10000x128xf32, #tpu.memory_space<vmem_shared>> -> memref<16x128xf32, #tpu.memory_space<vmem_shared>>
          tpu.enqueue_dma source(%dma_start3A_81 : memref<16x128xf32, #tpu.memory_space<vmem_shared>>) target(%dma_start3A_78 : memref<16x128xf32, #tpu.memory_space<hbm>>) target_semaphore(%run_scoped3A_75 : memref<!tpu.dma_semaphore, #tpu.memory_space<semaphore_mem>>)
          %dma_wait3A_82 = arith.constant 9984 : i32
          %dma_wait3A_83 = arith.constant 0 : i32
          %dma_wait3A_84 = tpu.memref_slice %arg7[%dma_wait3A_82, %dma_wait3A_83] : memref<10000x128xf32, #tpu.memory_space<hbm>> -> memref<16x128xf32, #tpu.memory_space<hbm>>
          %dma_wait3A_85 = arith.constant 9984 : i32
          %dma_wait3A_86 = arith.constant 0 : i32
          %dma_wait3A_87 = tpu.memref_slice %arg13[%dma_wait3A_85, %dma_wait3A_86] : memref<10000x128xf32, #tpu.memory_space<vmem_shared>> -> memref<16x128xf32, #tpu.memory_space<vmem_shared>>
          tpu.wait_dma2 semaphore(%run_scoped3A_75 : memref<!tpu.dma_semaphore, #tpu.memory_space<semaphore_mem>>) src(%dma_wait3A_87 : memref<16x128xf32, #tpu.memory_space<vmem_shared>>) dst(%dma_wait3A_84 : memref<16x128xf32, #tpu.memory_space<hbm>>)
          tpu.yield
        }) : () -> ()
      } else {
      }
    } else {
    }
    return
  }
}

module attributes {stable_mosaic.version = 14 : i64} {
  func.func @_tc1_body(%arg0: i32, %arg1: memref<1000x256xf32, #tpu.memory_space<vmem>>, %arg2: memref<1000x16xf32, #tpu.memory_space<vmem>>, %arg3: memref<1000x16xf32, #tpu.memory_space<vmem>>, %arg4: memref<1000x128xf32, #tpu.memory_space<vmem>>, %arg5: memref<1000x128xf32, #tpu.memory_space<vmem>>, %arg6: memref<1000x1xf32, #tpu.memory_space<vmem>>) attributes {dimension_semantics = [#tpu.dimension_semantics<arbitrary>], iteration_bounds = array<i64: 10>, scalar_prefetch = 0 : i64, scratch_operands = 0 : i64, tpu.core_type = #tpu.core_type<tc>, window_params = [{transform_indices = @transform_0, window_bounds = array<i64: 1000, 256>}, {transform_indices = @transform_1, window_bounds = array<i64: 1000, 16>}, {transform_indices = @transform_2, window_bounds = array<i64: 1000, 16>}, {transform_indices = @transform_3, window_bounds = array<i64: 1000, 128>}, {transform_indices = @transform_4, window_bounds = array<i64: 1000, 128>}, {transform_indices = @transform_5, window_bounds = array<i64: 1000, 1>}]} {
    %get3A = arith.constant 0 : index
    %get3A_0 = arith.constant 0 : index
    %get3A_1 = vector.load %arg2[%get3A, %get3A_0] : memref<1000x16xf32, #tpu.memory_space<vmem>>, vector<1000x1xf32>
    %get3A_2 = arith.constant 0 : index
    %get3A_3 = arith.constant 0 : index
    %get3A_4 = vector.load %arg3[%get3A_2, %get3A_3] : memref<1000x16xf32, #tpu.memory_space<vmem>>, vector<1000x1xf32>
    %add3A = arith.addf %get3A_1, %get3A_4 : vector<1000x1xf32>
    %sub3A = arith.constant 1.000000e+00 : f32
    %sub3A_5 = vector.broadcast %sub3A : f32 to vector<1000x1xf32>
    %sub3A_6 = arith.subf %add3A, %sub3A_5 : vector<1000x1xf32>
    %rsqrt3A = math.rsqrt %sub3A_6 : vector<1000x1xf32>
    %get3A_7 = arith.constant 0 : index
    %get3A_8 = arith.constant 0 : index
    %get3A_9 = vector.load %arg1[%get3A_7, %get3A_8] : memref<1000x256xf32, #tpu.memory_space<vmem>>, vector<1000x256xf32>
    %mul3A = vector.broadcast %rsqrt3A : vector<1000x1xf32> to vector<1000x256xf32>
    %mul3A_10 = arith.mulf %get3A_9, %mul3A : vector<1000x256xf32>
    %slice3A = vector.extract_strided_slice %mul3A_10 {offsets = [0, 0], sizes = [1000, 128], strides = [1, 1]} : vector<1000x256xf32> to vector<1000x128xf32>
    %swap3A = arith.constant 0 : index
    %swap3A_11 = arith.constant 0 : index
    %swap3A_12 = vector.load %arg4[%swap3A, %swap3A_11] : memref<1000x128xf32, #tpu.memory_space<vmem>>, vector<1000x128xf32>
    tpu.vector_store %arg4[%swap3A, %swap3A_11], %slice3A {strides = array<i32>} : memref<1000x128xf32, #tpu.memory_space<vmem>>, vector<1000x128xf32>,
    %slice3A_13 = vector.extract_strided_slice %mul3A_10 {offsets = [0, 128], sizes = [1000, 128], strides = [1, 1]} : vector<1000x256xf32> to vector<1000x128xf32>
    %swap3A_14 = arith.constant 0 : index
    %swap3A_15 = arith.constant 0 : index
    %swap3A_16 = vector.load %arg5[%swap3A_14, %swap3A_15] : memref<1000x128xf32, #tpu.memory_space<vmem>>, vector<1000x128xf32>
    tpu.vector_store %arg5[%swap3A_14, %swap3A_15], %slice3A_13 {strides = array<i32>} : memref<1000x128xf32, #tpu.memory_space<vmem>>, vector<1000x128xf32>,
    %swap3A_17 = arith.constant 0 : index
    %swap3A_18 = arith.constant 0 : index
    %swap3A_19 = vector.load %arg6[%swap3A_17, %swap3A_18] : memref<1000x1xf32, #tpu.memory_space<vmem>>, vector<1000x1xf32>
    tpu.vector_store %arg6[%swap3A_17, %swap3A_18], %rsqrt3A {strides = array<i32>} : memref<1000x1xf32, #tpu.memory_space<vmem>>, vector<1000x1xf32>,
    return
  }
  func.func @transform_0(%arg0: i32) -> (i32, i32) {
    %c0_i32 = arith.constant 0 : i32
    %c0_i32_0 = arith.constant 0 : i32
    return %arg0, %c0_i32 : i32, i32
  }
  func.func @transform_1(%arg0: i32) -> (i32, i32) {
    %c0_i32 = arith.constant 0 : i32
    %c0_i32_0 = arith.constant 0 : i32
    return %arg0, %c0_i32 : i32, i32
  }
  func.func @transform_2(%arg0: i32) -> (i32, i32) {
    %c0_i32 = arith.constant 0 : i32
    %c0_i32_0 = arith.constant 0 : i32
    return %arg0, %c0_i32 : i32, i32
  }
  func.func @transform_3(%arg0: i32) -> (i32, i32) {
    %c0_i32 = arith.constant 0 : i32
    %c0_i32_0 = arith.constant 0 : i32
    return %arg0, %c0_i32 : i32, i32
  }
  func.func @transform_4(%arg0: i32) -> (i32, i32) {
    %c0_i32 = arith.constant 0 : i32
    %c0_i32_0 = arith.constant 0 : i32
    return %arg0, %c0_i32 : i32, i32
  }
  func.func @transform_5(%arg0: i32) -> (i32, i32) {
    %c0_i32 = arith.constant 0 : i32
    %c0_i32_0 = arith.constant 0 : i32
    return %arg0, %c0_i32 : i32, i32
  }
}

module attributes {stable_mosaic.version = 14 : i64} {
  func.func @_tcm_body(%arg0: i32, %arg1: memref<1000x256xf32, #tpu.memory_space<vmem>>, %arg2: memref<256x256xf32, #tpu.memory_space<vmem>>, %arg3: memref<1000x256xf32, #tpu.memory_space<vmem>>) attributes {dimension_semantics = [#tpu.dimension_semantics<arbitrary>], iteration_bounds = array<i64: 10>, scalar_prefetch = 0 : i64, scratch_operands = 0 : i64, tpu.core_type = #tpu.core_type<tc>, window_params = [{transform_indices = @transform_0, window_bounds = array<i64: 1000, 256>}, {pipeline_mode = #tpu.pipeline_mode<synchronous>, transform_indices = @transform_1, window_bounds = array<i64: 256, 256>}, {transform_indices = @transform_2, window_bounds = array<i64: 1000, 256>}]} {
    %get3A = arith.constant 0 : index
    %get3A_0 = arith.constant 0 : index
    %get3A_1 = vector.load %arg1[%get3A, %get3A_0] : memref<1000x256xf32, #tpu.memory_space<vmem>>, vector<1000x256xf32>
    %get3A_2 = arith.constant 0 : index
    %get3A_3 = arith.constant 0 : index
    %get3A_4 = vector.load %arg2[%get3A_2, %get3A_3] : memref<256x256xf32, #tpu.memory_space<vmem>>, vector<256x256xf32>
    %dot_general3A = arith.constant dense<0.000000e+00> : vector<1000x256xf32>
    %dot_general3A_5 = tpu.matmul %get3A_1, %get3A_4, %dot_general3A {dimension_numbers = #tpu.dot_dimension_numbers<[1], [0], [0], [1], [0, 0, 1, 1], [], []>, precision = #tpu.contract_precision<fp32>, transpose_lhs_hint = false} : vector<1000x256xf32>, vector<256x256xf32>, vector<1000x256xf32> -> vector<1000x256xf32>
    %swap3A = arith.constant 0 : index
    %swap3A_6 = arith.constant 0 : index
    %swap3A_7 = vector.load %arg3[%swap3A, %swap3A_6] : memref<1000x256xf32, #tpu.memory_space<vmem>>, vector<1000x256xf32>
    tpu.vector_store %arg3[%swap3A, %swap3A_6], %dot_general3A_5 {strides = array<i32>} : memref<1000x256xf32, #tpu.memory_space<vmem>>, vector<1000x256xf32>,
    return
  }
  func.func @transform_0(%arg0: i32) -> (i32, i32) {
    %c0_i32 = arith.constant 0 : i32
    %c0_i32_0 = arith.constant 0 : i32
    return %arg0, %c0_i32 : i32, i32
  }
  func.func @transform_1(%arg0: i32) -> (i32, i32) {
    %c0_i32 = arith.constant 0 : i32
    %c0_i32_0 = arith.constant 0 : i32
    %c0_i32_1 = arith.constant 0 : i32
    return %c0_i32, %c0_i32_0 : i32, i32
  }
  func.func @transform_2(%arg0: i32) -> (i32, i32) {
    %c0_i32 = arith.constant 0 : i32
    %c0_i32_0 = arith.constant 0 : i32
    return %arg0, %c0_i32 : i32, i32
  }
}

module attributes {stable_mosaic.version = 14 : i64} {
  func.func @_tcl_body(%arg0: i32, %arg1: memref<1000x128xf32, #tpu.memory_space<vmem>>, %arg2: memref<1000x128xf32, #tpu.memory_space<vmem>>, %arg3: memref<1000x1xf32, #tpu.memory_space<vmem>>, %arg4: memref<1x256xf32, #tpu.memory_space<vmem>>, %arg5: memref<256x256xf32, #tpu.memory_space<vmem>>, %arg6: memref<1000x128xf32, #tpu.memory_space<vmem>>, %arg7: memref<1000x128xf32, #tpu.memory_space<vmem>>) attributes {dimension_semantics = [#tpu.dimension_semantics<arbitrary>], iteration_bounds = array<i64: 10>, scalar_prefetch = 0 : i64, scratch_operands = 0 : i64, tpu.core_type = #tpu.core_type<tc>, window_params = [{transform_indices = @transform_0, window_bounds = array<i64: 1000, 128>}, {transform_indices = @transform_1, window_bounds = array<i64: 1000, 128>}, {transform_indices = @transform_2, window_bounds = array<i64: 1000, 1>}, {pipeline_mode = #tpu.pipeline_mode<synchronous>, transform_indices = @transform_3, window_bounds = array<i64: 1, 256>}, {pipeline_mode = #tpu.pipeline_mode<synchronous>, transform_indices = @transform_4, window_bounds = array<i64: 256, 256>}, {transform_indices = @transform_5, window_bounds = array<i64: 1000, 128>}, {transform_indices = @transform_6, window_bounds = array<i64: 1000, 128>}]} {
    %get3A = arith.constant 0 : index
    %get3A_0 = arith.constant 0 : index
    %get3A_1 = vector.load %arg3[%get3A, %get3A_0] : memref<1000x1xf32, #tpu.memory_space<vmem>>, vector<1000x1xf32>
    %get3A_2 = arith.constant 0 : index
    %get3A_3 = arith.constant 0 : index
    %get3A_4 = vector.load %arg1[%get3A_2, %get3A_3] : memref<1000x128xf32, #tpu.memory_space<vmem>>, vector<1000x128xf32>
    %get3A_5 = arith.constant 0 : index
    %get3A_6 = arith.constant 0 : index
    %get3A_7 = vector.load %arg2[%get3A_5, %get3A_6] : memref<1000x128xf32, #tpu.memory_space<vmem>>, vector<1000x128xf32>
    %concatenate3A = tpu.concatenate %get3A_4, %get3A_7 in 1 : vector<1000x128xf32>, vector<1000x128xf32> -> vector<1000x256xf32>
    %mul3A = vector.broadcast %get3A_1 : vector<1000x1xf32> to vector<1000x256xf32>
    %mul3A_8 = arith.mulf %concatenate3A, %mul3A : vector<1000x256xf32>
    %get3A_9 = arith.constant 0 : index
    %get3A_10 = arith.constant 0 : index
    %get3A_11 = vector.load %arg4[%get3A_9, %get3A_10] : memref<1x256xf32, #tpu.memory_space<vmem>>, vector<1x256xf32>
    %add3A = vector.broadcast %get3A_11 : vector<1x256xf32> to vector<1000x256xf32>
    %add3A_12 = arith.addf %mul3A_8, %add3A : vector<1000x256xf32>
    %max3A = arith.constant 0.000000e+00 : f32
    %max3A_13 = vector.broadcast %max3A : f32 to vector<1000x256xf32>
    %max3A_14 = arith.maximumf %add3A_12, %max3A_13 : vector<1000x256xf32>
    %get3A_15 = arith.constant 0 : index
    %get3A_16 = arith.constant 0 : index
    %get3A_17 = vector.load %arg5[%get3A_15, %get3A_16] : memref<256x256xf32, #tpu.memory_space<vmem>>, vector<256x256xf32>
    %dot_general3A = arith.constant dense<0.000000e+00> : vector<1000x256xf32>
    %dot_general3A_18 = tpu.matmul %max3A_14, %get3A_17, %dot_general3A {dimension_numbers = #tpu.dot_dimension_numbers<[1], [0], [0], [1], [0, 0, 1, 1], [], []>, precision = #tpu.contract_precision<fp32>, transpose_lhs_hint = false} : vector<1000x256xf32>, vector<256x256xf32>, vector<1000x256xf32> -> vector<1000x256xf32>
    %mul3A_19 = vector.broadcast %get3A_1 : vector<1000x1xf32> to vector<1000x256xf32>
    %mul3A_20 = arith.mulf %dot_general3A_18, %mul3A_19 : vector<1000x256xf32>
    %slice3A = vector.extract_strided_slice %mul3A_20 {offsets = [0, 0], sizes = [1000, 128], strides = [1, 1]} : vector<1000x256xf32> to vector<1000x128xf32>
    %swap3A = arith.constant 0 : index
    %swap3A_21 = arith.constant 0 : index
    %swap3A_22 = vector.load %arg6[%swap3A, %swap3A_21] : memref<1000x128xf32, #tpu.memory_space<vmem>>, vector<1000x128xf32>
    tpu.vector_store %arg6[%swap3A, %swap3A_21], %slice3A {strides = array<i32>} : memref<1000x128xf32, #tpu.memory_space<vmem>>, vector<1000x128xf32>,
    %slice3A_23 = vector.extract_strided_slice %mul3A_20 {offsets = [0, 128], sizes = [1000, 128], strides = [1, 1]} : vector<1000x256xf32> to vector<1000x128xf32>
    %swap3A_24 = arith.constant 0 : index
    %swap3A_25 = arith.constant 0 : index
    %swap3A_26 = vector.load %arg7[%swap3A_24, %swap3A_25] : memref<1000x128xf32, #tpu.memory_space<vmem>>, vector<1000x128xf32>
    tpu.vector_store %arg7[%swap3A_24, %swap3A_25], %slice3A_23 {strides = array<i32>} : memref<1000x128xf32, #tpu.memory_space<vmem>>, vector<1000x128xf32>,
    return
  }
  func.func @transform_0(%arg0: i32) -> (i32, i32) {
    %c0_i32 = arith.constant 0 : i32
    %c0_i32_0 = arith.constant 0 : i32
    return %arg0, %c0_i32 : i32, i32
  }
  func.func @transform_1(%arg0: i32) -> (i32, i32) {
    %c0_i32 = arith.constant 0 : i32
    %c0_i32_0 = arith.constant 0 : i32
    return %arg0, %c0_i32 : i32, i32
  }
  func.func @transform_2(%arg0: i32) -> (i32, i32) {
    %c0_i32 = arith.constant 0 : i32
    %c0_i32_0 = arith.constant 0 : i32
    return %arg0, %c0_i32 : i32, i32
  }
  func.func @transform_3(%arg0: i32) -> (i32, i32) {
    %c0_i32 = arith.constant 0 : i32
    %c0_i32_0 = arith.constant 0 : i32
    %c0_i32_1 = arith.constant 0 : i32
    return %c0_i32, %c0_i32_0 : i32, i32
  }
  func.func @transform_4(%arg0: i32) -> (i32, i32) {
    %c0_i32 = arith.constant 0 : i32
    %c0_i32_0 = arith.constant 0 : i32
    %c0_i32_1 = arith.constant 0 : i32
    return %c0_i32, %c0_i32_0 : i32, i32
  }
  func.func @transform_5(%arg0: i32) -> (i32, i32) {
    %c0_i32 = arith.constant 0 : i32
    %c0_i32_0 = arith.constant 0 : i32
    return %arg0, %c0_i32 : i32, i32
  }
  func.func @transform_6(%arg0: i32) -> (i32, i32) {
    %c0_i32 = arith.constant 0 : i32
    %c0_i32_0 = arith.constant 0 : i32
    return %arg0, %c0_i32 : i32, i32
  }
}

module attributes {stable_mosaic.version = 14 : i64} {
  func.func @_tcf_body(%arg0: i32, %arg1: memref<1000x128xf32, #tpu.memory_space<vmem>>, %arg2: memref<1000x128xf32, #tpu.memory_space<vmem>>, %arg3: memref<1000x1xf32, #tpu.memory_space<vmem>>, %arg4: memref<1x256xf32, #tpu.memory_space<vmem>>, %arg5: memref<256x1xf32, #tpu.memory_space<vmem>>, %arg6: memref<1x1xf32, #tpu.memory_space<vmem>>, %arg7: memref<1000x1xf32, #tpu.memory_space<vmem>>) attributes {dimension_semantics = [#tpu.dimension_semantics<arbitrary>], iteration_bounds = array<i64: 10>, scalar_prefetch = 0 : i64, scratch_operands = 0 : i64, tpu.core_type = #tpu.core_type<tc>, window_params = [{transform_indices = @transform_0, window_bounds = array<i64: 1000, 128>}, {transform_indices = @transform_1, window_bounds = array<i64: 1000, 128>}, {transform_indices = @transform_2, window_bounds = array<i64: 1000, 1>}, {pipeline_mode = #tpu.pipeline_mode<synchronous>, transform_indices = @transform_3, window_bounds = array<i64: 1, 256>}, {pipeline_mode = #tpu.pipeline_mode<synchronous>, transform_indices = @transform_4, window_bounds = array<i64: 256, 1>}, {pipeline_mode = #tpu.pipeline_mode<synchronous>, transform_indices = @transform_5, window_bounds = array<i64: 1, 1>}, {transform_indices = @transform_6, window_bounds = array<i64: 1000, 1>}]} {
    %get3A = arith.constant 0 : index
    %get3A_0 = arith.constant 0 : index
    %get3A_1 = vector.load %arg3[%get3A, %get3A_0] : memref<1000x1xf32, #tpu.memory_space<vmem>>, vector<1000x1xf32>
    %get3A_2 = arith.constant 0 : index
    %get3A_3 = arith.constant 0 : index
    %get3A_4 = vector.load %arg1[%get3A_2, %get3A_3] : memref<1000x128xf32, #tpu.memory_space<vmem>>, vector<1000x128xf32>
    %get3A_5 = arith.constant 0 : index
    %get3A_6 = arith.constant 0 : index
    %get3A_7 = vector.load %arg2[%get3A_5, %get3A_6] : memref<1000x128xf32, #tpu.memory_space<vmem>>, vector<1000x128xf32>
    %concatenate3A = tpu.concatenate %get3A_4, %get3A_7 in 1 : vector<1000x128xf32>, vector<1000x128xf32> -> vector<1000x256xf32>
    %mul3A = vector.broadcast %get3A_1 : vector<1000x1xf32> to vector<1000x256xf32>
    %mul3A_8 = arith.mulf %concatenate3A, %mul3A : vector<1000x256xf32>
    %get3A_9 = arith.constant 0 : index
    %get3A_10 = arith.constant 0 : index
    %get3A_11 = vector.load %arg4[%get3A_9, %get3A_10] : memref<1x256xf32, #tpu.memory_space<vmem>>, vector<1x256xf32>
    %add3A = vector.broadcast %get3A_11 : vector<1x256xf32> to vector<1000x256xf32>
    %add3A_12 = arith.addf %mul3A_8, %add3A : vector<1000x256xf32>
    %max3A = arith.constant 0.000000e+00 : f32
    %max3A_13 = vector.broadcast %max3A : f32 to vector<1000x256xf32>
    %max3A_14 = arith.maximumf %add3A_12, %max3A_13 : vector<1000x256xf32>
    %get3A_15 = arith.constant 0 : index
    %get3A_16 = arith.constant 0 : index
    %get3A_17 = vector.load %arg5[%get3A_15, %get3A_16] : memref<256x1xf32, #tpu.memory_space<vmem>>, vector<256x1xf32>
    %dot_general3A = arith.constant dense<0.000000e+00> : vector<1000x1xf32>
    %dot_general3A_18 = tpu.matmul %max3A_14, %get3A_17, %dot_general3A {dimension_numbers = #tpu.dot_dimension_numbers<[1], [0], [0], [1], [0, 0, 1, 1], [], []>, precision = #tpu.contract_precision<fp32>, transpose_lhs_hint = false} : vector<1000x256xf32>, vector<256x1xf32>, vector<1000x1xf32> -> vector<1000x1xf32>
    %get3A_19 = arith.constant 0 : index
    %get3A_20 = arith.constant 0 : index
    %get3A_21 = vector.load %arg6[%get3A_19, %get3A_20] : memref<1x1xf32, #tpu.memory_space<vmem>>, vector<1x1xf32>
    %add3A_22 = vector.broadcast %get3A_21 : vector<1x1xf32> to vector<1000x1xf32>
    %add3A_23 = arith.addf %dot_general3A_18, %add3A_22 : vector<1000x1xf32>
    %logistic3A = arith.negf %add3A_23 : vector<1000x1xf32>
    %logistic3A_24 = math.exp %logistic3A : vector<1000x1xf32>
    %logistic3A_25 = arith.constant 1.000000e+00 : f32
    %logistic3A_26 = vector.broadcast %logistic3A_25 : f32 to vector<1000x1xf32>
    %logistic3A_27 = arith.addf %logistic3A_26, %logistic3A_24 : vector<1000x1xf32>
    %logistic3A_28 = arith.divf %logistic3A_26, %logistic3A_27 : vector<1000x1xf32>
    %swap3A = arith.constant 0 : index
    %swap3A_29 = arith.constant 0 : index
    %swap3A_30 = vector.load %arg7[%swap3A, %swap3A_29] : memref<1000x1xf32, #tpu.memory_space<vmem>>, vector<1000x1xf32>
    tpu.vector_store %arg7[%swap3A, %swap3A_29], %logistic3A_28 {strides = array<i32>} : memref<1000x1xf32, #tpu.memory_space<vmem>>, vector<1000x1xf32>,
    return
  }
  func.func @transform_0(%arg0: i32) -> (i32, i32) {
    %c0_i32 = arith.constant 0 : i32
    %c0_i32_0 = arith.constant 0 : i32
    return %arg0, %c0_i32 : i32, i32
  }
  func.func @transform_1(%arg0: i32) -> (i32, i32) {
    %c0_i32 = arith.constant 0 : i32
    %c0_i32_0 = arith.constant 0 : i32
    return %arg0, %c0_i32 : i32, i32
  }
  func.func @transform_2(%arg0: i32) -> (i32, i32) {
    %c0_i32 = arith.constant 0 : i32
    %c0_i32_0 = arith.constant 0 : i32
    return %arg0, %c0_i32 : i32, i32
  }
  func.func @transform_3(%arg0: i32) -> (i32, i32) {
    %c0_i32 = arith.constant 0 : i32
    %c0_i32_0 = arith.constant 0 : i32
    %c0_i32_1 = arith.constant 0 : i32
    return %c0_i32, %c0_i32_0 : i32, i32
  }
  func.func @transform_4(%arg0: i32) -> (i32, i32) {
    %c0_i32 = arith.constant 0 : i32
    %c0_i32_0 = arith.constant 0 : i32
    %c0_i32_1 = arith.constant 0 : i32
    return %c0_i32, %c0_i32_0 : i32, i32
  }
  func.func @transform_5(%arg0: i32) -> (i32, i32) {
    %c0_i32 = arith.constant 0 : i32
    %c0_i32_0 = arith.constant 0 : i32
    %c0_i32_1 = arith.constant 0 : i32
    return %c0_i32, %c0_i32_0 : i32, i32
  }
  func.func @transform_6(%arg0: i32) -> (i32, i32) {
    %c0_i32 = arith.constant 0 : i32
    %c0_i32_0 = arith.constant 0 : i32
    return %arg0, %c0_i32 : i32, i32
  }
}

</mosaic_0001>

<sc_bundles>
// kernel: kernel.11.cloned.1.call-start
scs
__scs_entry_jumppad:
0x0: {  	(pc) =	sbr.rel $0x88, $3  }
0x1: {  	(tag) =	ssettag $0x0;
	lr =	simm.s32 $0x1  }
0x2: {  	[smem:$0x3F97] =	sst lr;
	_ =	strace $0xD0000000  }
0x3: {  	_ = 	snop  }
0x4: {  	_ = 	snop  }
0x5: {  	_ = 	snop  }
0x6: {  	_ = 	snop  }
0x7: {  	_ = 	snop  }
__scs_overlays_trampoline_lowered:
0x8: {  	[smem:$0x3FA6] =	sst s0  }
0x9: {  	[smem:$0x3FA7] =	sst s1  }
0xa: {  	[smem:$0x3FA8] =	sst s2  }
0xb: {  	[smem:$0x3FA9] =	sst s3  }
0xc: {  	[smem:$0x3FAA] =	sst s4  }
0xd: {  	[smem:$0x3FAB] =	sst s5  }
0xe: {  	[smem:$0x3FAC] =	sst s6  }
0xf: {  	[smem:$0x3FAD] =	sst s7  }
0x10: {  	[smem:$0x3FAE] =	sst s8  }
0x11: {  	[smem:$0x3FAF] =	sst s9;
	s0 =	simm.s32 @!p0 $0x0  }
0x12: {  	s1 =	sld [smem:$0x3F95];
	s0 =	simm.s32 @p0 $0x1  }
0x13: {  	[smem:$0x3FB0] =	sst s0;
	s0 =	simm.s32 @!p1 $0x0  }
0x14: {  	s2 =	sld [smem:$0x3F94];
	s0 =	simm.s32 @p1 $0x1  }
0x15: {  	[smem:$0x3FB1] =	sst s0;
	s0 =	simm.s32 @!p2 $0x0  }
0x16: {  	s3 =	sld [smem:$0x3FDB];
	s0 =	simm.s32 @p2 $0x1  }
0x17: {  	s4 =	simm.s32 $0x1BF5;
	[smem:$0x3FB3] =	sst s0  }
0x18: {  	s0 =	sld [smem:$0x3F96];
	_ =	swait.ge [sflag:s4], $0x0  }
0x19: {  	s7 =	sld [smem:$0x3F97]  }
0x1a: {  	s8 =	sadd.s32 $0xFFFFE003, lr  }
0x1b: {  	s9 =	sadd.s32 $0xFFFFFEF7, lr;
	s5 =	simm.s32 $0xFFFFFFFF;
	p2 =	slt.u32 s8, $0xFFFFF086  }
0x1c: {  	p1 =	slt.u32 s9, $0xF7A;
	s5 =	simm.s32 @!p2 $0x0  }
0x1d: {  	s5 =	simm.s32 @p1 $0x1;
	p0 =	seq.s32 s7, s2  }
0x1e: {  	s7 =	smul.u32 @!p0 $0xF7A, s2;
	p2 =	seq.s32 @!p0 s5, $0x0  }
0x1f: {  	s9 =	smul.u32 $0xF7A, s1;
	s8 =	simm.s32 @!p0 $0x1BF5;
	p2 =	por !p2, p0  }
0x20: {  	[sflag:s8] =	ssyncset.s32 @!p0 $0xFFFFF086;
	s6 =	sadd.s32 @!p0 s3, s7;
	s7 =	simm.s32 @!p0 $0x108  }
0x21: {  	s3 =	sadd.s32 s3, s9;
	s6 =	sadd.s32 @!p0 $0x88, s6;
	s7 =	simm.s32 @p2 $0x1082  }
0x22: {  	[simem:s7], [sflag:s8] =	dma.local @!p0 [hbm:s6], $0xF7A  }
0x23: {  	s9 =	sor.u32 $0xD0000000, s2;
	s6 =	simm.s32 $0x108;
	_ =	swait.ge @!p0 [sflag:s8], $0x0  }
0x24: {  	s3 =	sadd.s32 $0x88, s3;
	s6 =	simm.s32 @!p1 $0x1082;
	[sflag:s4] =	ssyncset.s32 $0xFFFFF086  }
0x25: {  	[simem:s6], [sflag:s4] =	dma.local [hbm:s3], $0xF7A  }
0x26: {  	[smem:$0x3F97] =	sst s1;
	(tag) =	ssettag s2;
	_ =	strace s9  }
0x27: {  	s1 =	sld [smem:$0x3FA7]  }
0x28: {  	s2 =	sld [smem:$0x3FA8]  }
0x29: {  	s4 =	sld [smem:$0x3FAA]  }
0x2a: {  	p0 =	seq.s32 s5, $0x0;
	s5 =	sld [smem:$0x3FAB]  }
0x2b: {  	s6 =	sld [smem:$0x3FAC]  }
0x2c: {  	s7 =	sld [smem:$0x3FAD]  }
0x2d: {  	s3 =	simm.s32 $0x108;
	s8 =	sld [smem:$0x3FAE]  }
0x2e: {  	s3 =	simm.s32 @!p0 $0x1082;
	s9 =	sld [smem:$0x3FAF]  }
0x2f: {  	lr =	sadd.s32 s0, s3;
	s0 =	sld [smem:$0x3FA6]  }
0x30: {  	s3 =	sld [smem:$0x3FA9]  }
0x31: {  	[smem:$0x3FB2] =	sst s10  }
0x32: {  	s10 =	sld [smem:$0x3FB0];
	_ =	sdelay $0x3  }
0x33: {  	p0 =	seq.s32 s10, $0x1;
	s10 =	sld [smem:$0x3FB2];
	_ =	sdelay $0x3  }
0x34: {  	[smem:$0x3FB2] =	sst s10  }
0x35: {  	s10 =	sld [smem:$0x3FB1];
	_ =	sdelay $0x3  }
0x36: {  	p1 =	seq.s32 s10, $0x1;
	s10 =	sld [smem:$0x3FB2];
	_ =	sdelay $0x3  }
0x37: {  	[smem:$0x3FB2] =	sst s10  }
0x38: {  	s10 =	sld [smem:$0x3FB3]  }
0x39: {  	_ = 	snop;
	(pc) =	sbr.ind lr, $3  }
0x3a: {  	_ = 	snop  }
0x3b: {  	_ = 	snop  }
0x3c: {  	p2 =	seq.s32 s10, $0x1;
	s10 =	sld [smem:$0x3FB2]  }
0x3d: {  	_ =	shalt  }
0x3e: {  	_ =	shalt  }
0x3f: {  	_ =	shalt  }
0x40: {  	_ =	shalt  }
0x41: {  	_ =	shalt  }
0x42: {  	_ =	shalt  }
0x43: {  	_ =	shalt  }
0x44: {  	_ =	shalt  }
0x45: {  	_ =	shalt  }
0x46: {  	_ =	shalt  }
0x47: {  	_ =	shalt  }
0x48: {  	_ =	shalt  }
0x49: {  	_ =	shalt  }
0x4a: {  	_ =	shalt  }
0x4b: {  	_ =	shalt  }
0x4c: {  	_ =	shalt  }
0x4d: {  	_ =	shalt  }
0x4e: {  	_ =	shalt  }
0x4f: {  	_ =	shalt  }
0x50: {  	_ =	shalt  }
0x51: {  	_ =	shalt  }
0x52: {  	_ =	shalt  }
0x53: {  	_ =	shalt  }
0x54: {  	_ =	shalt  }
0x55: {  	_ =	shalt  }
0x56: {  	_ =	shalt  }
0x57: {  	_ =	shalt  }
0x58: {  	_ =	shalt  }
0x59: {  	_ =	shalt  }
0x5a: {  	_ =	shalt  }
0x5b: {  	_ =	shalt  }
0x5c: {  	_ =	shalt  }
0x5d: {  	_ =	shalt  }
0x5e: {  	_ =	shalt  }
0x5f: {  	_ =	shalt  }
0x60: {  	_ =	shalt  }
0x61: {  	_ =	shalt  }
0x62: {  	_ =	shalt  }
0x63: {  	_ =	shalt  }
0x64: {  	_ =	shalt  }
0x65: {  	_ =	shalt  }
0x66: {  	_ =	shalt  }
0x67: {  	_ =	shalt  }
0x68: {  	_ =	shalt  }
0x69: {  	_ =	shalt  }
0x6a: {  	_ =	shalt  }
0x6b: {  	_ =	shalt  }
0x6c: {  	_ =	shalt  }
0x6d: {  	_ =	shalt  }
0x6e: {  	_ =	shalt  }
0x6f: {  	_ =	shalt  }
0x70: {  	_ =	shalt  }
0x71: {  	_ =	shalt  }
0x72: {  	_ =	shalt  }
0x73: {  	_ =	shalt  }
0x74: {  	_ =	shalt  }
0x75: {  	_ =	shalt  }
0x76: {  	_ =	shalt  }
0x77: {  	_ =	shalt  }
0x78: {  	_ =	shalt  }
0x79: {  	_ =	shalt  }
0x7a: {  	_ =	shalt  }
0x7b: {  	_ =	shalt  }
0x7c: {  	_ =	shalt  }
0x7d: {  	_ =	shalt  }
0x7e: {  	_ =	shalt  }
0x7f: {  	_ =	shalt  }
0x80: {  	_ =	shalt  }
0x81: {  	_ =	shalt  }
0x82: {  	_ =	shalt  }
0x83: {  	_ =	shalt  }
0x84: {  	_ =	shalt  }
0x85: {  	_ =	shalt  }
0x86: {  	_ =	shalt  }
0x87: {  	_ =	shalt  }
.Lfunc_end0:
.L_simem_size_0:
called_computation_lowered:
.L_overlay_start_0:
0x88: {  	s2 =	sld [smem:$0x3FD9]  }
0x89: {  	s3 =	sld [smem:$0x3FFE];
	_ =	sdelay $0x1  }
0x8a: {  	s1 =	srdreg.scid  }
0x8b: {  	s0 =	sand.u32 $0x1, s1  }
0x8c: {  	s16 =	sshll.u32 s0, $0xA;
	s2 =	sadd.s32 s3, s2  }
0x8d: {  	s2 =	sadd.s32 s2, s16  }
0x8e: {  	[smem:$0x3FBE] =	sst s2  }
0x8f: {  	_ = 	snop  }
0x90: {  	(tm) =	ssettm $0x1  }
0x91: {  	s17 =	sld [smem:$0x3FFB];
	_ =	sdelay $0x3  }
0x92: {  	_ =	strace s17  }
0x93: {  	s2 =	sld [smem:$0x3FFC];
	_ =	sdelay $0x3  }
0x94: {  	_ =	strace s2  }
0x95: {  	s2 =	sld [smem:$0x3FFD];
	_ =	sdelay $0x3  }
0x96: {  	_ =	strace s2  }
0x97: {  	_ =	strace $0x8FFFFFFF  }
0x98: {  	s18 =	sld [smem:$0x3FDB];
	_ =	sdelay $0x1  }
0x99: {  	s19 =	simm.s32 $_scs_section_size  }
0x9a: {  	s4 =	simm.s32 $_size__tile_overlayer_lowered;
	s5 =	simm.s32 $_tile_overlayer_lowered  }
0x9b: {  	s22 =	simm.s32 $0x1BFF;
	s21 =	sshll.u32 s5, $0x1;
	s2 =	sadd.s32 s19, s18  }
0x9c: {  	s6 =	simm.s32 $0x0;
	s20 =	sshll.u32 s4, $0x1;
	s4 =	sadd.s32 s21, s2  }
0x9d: {  	[timem:s6], [sflag:s22] =	dma.local [hbm:s4], s20  }
0x9e: {  	_ =	swait.ge [sflag:s22], s20  }
0x9f: {  	s3 =	ssub.s32 $0x0, s20;
	[sflag:s22] =	ssyncset.done $0x0  }
0xa0: {  	[sflag:s22] =	ssyncadd.s32 s3;
	_ =	sdelay $0x1  }
0xa1: {  	s23 =	simm.s32 $0x1B8B  }
0xa2: {  	_ =	swait.ge [sflag:s23], $0x1  }
0xa3: {  	[sflag:s23] =	ssyncset.done $0x0  }
0xa4: {  	s25 =	simm.s32 $0x1B8E;
	s24 =	sld [smem:$0x3FFE];
	[sflag:s23] =	ssyncadd.s32 $0xFFFFFFFF  }
0xa5: {  	s26 =	simm.s32 $execute0_lowered;
	[smem:$0x3FD2] =	sst s25  }
0xa6: {  	s4 =	sshll.u32 s26, $0x1;
	_ =	strace $0x80000046;
	[dreg:$0x1] =	wrdreg $0xFFFFFFFF  }
0xa7: {  	s28 =	simm.s32 $_size_execute0_lowered;
	s2 =	sadd.s32 s2, s4;
	[dreg:$0x0] =	wrdreg $0x0  }
0xa8: {  	s4 =	sshll.u32 s28, $0x1;
	[dreg:$0x2] =	wrdreg s2  }
0xa9: {  	[dreg:$0x3] =	wrdreg s4  }
0xaa: {  	[dreg:$0x4] =	wrdreg $0xC0  }
0xab: {  	_ =	task [dreg:s6], $0x5FFFF  }
0xac: {  	[dreg:$0x1] =	wrdreg $0xFFFFFFFF  }
0xad: {  	[dreg:$0x0] =	wrdreg $0x60  }
0xae: {  	[dreg:$0x2] =	wrdreg s24  }
0xaf: {  	[dreg:$0x3] =	wrdreg $0x41800  }
0xb0: {  	[dreg:$0x4] =	wrdreg $0x9  }
0xb1: {  	_ =	task.clear_ibuf [dreg:s6], $0x5FFFF;
	_ =	strace $0x90000046  }
0xb2: {  	s29 =	simm.s32 $0x9;
	_ =	strace $0x80000048  }
0xb3: {  	_ =	swait.ge [sflag:s29], $0x1  }
0xb4: {  	[sflag:s29] =	ssyncadd.s32 $0xFFFFFFFF  }
0xb5: {  	_ =	strace $0x90000048  }
0xb6: {  	_ =	sfence  }
0xb7: {  	s30 =	sld [smem:$0x0];
	_ =	sdelay $0x2  }
0xb8: {  	s31 =	sshll.u32 s1, $0xD;
	s1 =	sshrl.u32 s1, $0x2  }
0xb9: {  	s3 =	sand.u32 $0x4000, s31;
	s1 =	sadd.s32 s1, s30  }
0xba: {  	s0 =	sor.u32 s3, s0;
	s1 =	sshll.u32 s1, $0x11  }
0xbb: {  	s0 =	sor.u32 s1, s0  }
0xbc: {  	s0 =	sadd.s32 $0x8F2B, s0  }
0xbd: {  	[sflag:s0] =	ssyncadd.remote.s32 $0x1  }
0xbe: {  	_ =	sfence.sel $0xFFFF  }
0xbf: {  	[dreg:$0x0] =	wrdreg $0xFFFFFFFF;
	(pc) =	sbr.abs _section_cstart, $3  }
0xc0: {  	[dreg:$0x1] =	wrdreg $0xFFFFFFFF  }
0xc1: {  	_ =	task.clear_ibuf [dreg:s6], $0x2FFFF;
	_ =	strace $0x9FFFFFFF  }
0xc2: {  	(tm) =	ssettm $0x7FFFFFFF  }
0xc3: {  	_ =	shalt  }
tec
execute0_lowered:
.L_overlay_start_1:
0x0: {  	(tag) =	ssettag $0x1  }
0x1: {  	s0 =	rddreg [dreg:$0x0]  }
0x2: {  	s1 =	rddreg [dreg:$0x1];
	s2 =	simm.s32 $0x0  }
0x3: {  	s5 =	srdreg.scid;
	s6 =	stileid.u32;
	s21 =	simm.s32 $0x5  }
0x4: {  	s28 =	simm.s32 $0x3;
	s29 =	simm.s32 $0x4;
	s30 =	simm.s32 $0x100  }
0x5: {  	s31 =	simm.s32 $0x8;
	[smem:$0x7FF] =	sst s2;
	s3 =	sadd.s32 $0x5800, s0  }
0x6: {  	s4 =	sadd.s32 $0xF800, s0;
	s18 =	sadd.s32 $0x36A00, s0;
	s7 =	smul.u32 $0x4E000, s6  }
0x7: {  	s5 =	sand.u32 $0x1, s5;
	s19 =	sadd.s32 $0x5DC00, s0;
	s14 =	smul.u32 $0x2700, s6  }
0x8: {  	s22 =	sshll.u32 s6, $0x6;
	s17 =	smul.u32 $0x1388, s6;
	s11 =	sadd.s32 $0x36800, s0  }
0x9: {  	p1 =	sne.s32 s6, $0xF;
	p2 =	seq.s32 s6, $0xF;
	_ =	strace $0x80000047  }
0xa: {  	s8 =	sshll.u32 s5, $0x4;
	s9 =	ssub.s32 $0x2, s5;
	s16 =	smul.u32 $0x13880, s5  }
0xb: {  	p0 =	seq.s32 s5, $0x1;
	[dreg:$0x3] =	wrdreg s18;
	s13 =	smov.u32 s19  }
0xc: {  	s8 =	sor.u32 s6, s8;
	s10 =	sshrl.u32 s9, $0x1;
	s7 =	sshrl.u32 s7, $0x2  }
0xd: {  	s24 =	sadd.s32 s18, s14;
	s8 =	smul.u32 $0x1388, s8;
	s15 =	ssub.s32 s9, s10  }
0xe: {  	s20 =	sadd.s32 s7, s1;
	s7 =	sadd.s32 s4, s14;
	s10 =	sadd.s32 $0x138000, s1  }
0xf: {  	[dreg:$0x4] =	wrdreg s24;
	s25 =	sadd.s32 s17, s16;
	s14 =	sadd.s32 s19, s14  }
0x10: {  	s24 =	simm.s32 $0x1;
	s15 =	smax.u32 s15, $0x1;
	s26 =	sadd.s32 $0x200, s25  }
0x11: {  	s0 =	sadd.s32 $0x180, s25;
	s20 =	sshrl.u32 s20, $0x3;
	s25 =	simm.s32 $0x80  }
.Ltmp0:
0x12: {  	s23 =	sshrl.u32 s8, $0x3;
	s8 =	sor.u32 $0x1C05, s22;
	(pc) =	sbr.rel .LBB2_1-.Ltmp0, $4  }
0x13: {  	s5 =	sshrl.u32 s26, $0x3;
	s0 =	sshrl.u32 s0, $0x3;
	s22 =	sshrl.u32 @!p1 s10, $0x3  }
0x14: {  	s26 =	simm.s32 $0x2;
	s9 =	sadd.s32 s3, s23;
	s18 =	sadd.s32 s5, s3  }
0x15: {  	s19 =	sadd.s32 s0, s3;
	s23 =	simm.s32 $0x180;
	s0 =	simm.s32 $0x0  }
0x16: {  	s12 =	sadd.s32 $0x270, s9;
	s16 =	sadd.s32 $0x10, s9;
	s17 =	sadd.s32 $0x20, s9  }
.LBB2_6:
0x17: {  	s3 =	sadd.s32 $0x27000, s3;
	s5 =	sshrl.u32 s10, $0x3  }
0x18: {  	[hbm:s3], [sflag:s8] =	dma.local [spmem:s5], $0x100  }
0x19: {  	_ =	swait.ge [sflag:s21], $0x100  }
0x1a: {  	[sflag:s21] =	ssyncset.done $0x0  }
0x1b: {  	[sflag:s21] =	ssyncadd.s32 $0xFFFFFF00  }
.LBB2_7:
0x1c: {  	s0 =	sadd.s32 $0x1, s0  }
0x1d: {  	p3 =	sne.s32 s0, s15  }
.Ltmp1:
0x1e: {  	_ = 	snop;
	(pc) =	sbr.rel @!p3 .LBB2_8-.Ltmp1, $1  }
0x1f: {  	_ =	sdelay $0x3  }
.LBB2_1:
0x20: {  	[spmem:s20], [sflag:s8] =	dma.local [hbm:s7], $0x2700  }
0x21: {  	_ =	swait.ge [sflag:s21], $0x2700  }
0x22: {  	[sflag:s21] =	ssyncset.done $0x0  }
0x23: {  	s3 =	simm.s32 @!p1 $0x5;
	[sflag:s21] =	ssyncadd.s32 $0xFFFFD900  }
0x24: {  	[spmem:s22], [sflag:s8] =	dma.local @!p1 [hbm:s11], $0x100  }
0x25: {  	_ =	swait.ge @!p1 [sflag:s3], $0x100  }
0x26: {  	[sflag:s3] =	ssyncset.done @!p1 $0x0  }
0x27: {  	[sflag:s3] =	ssyncadd.s32 @!p1 $0xFFFFFF00  }
0x28: {  	[tilespmem:s23], [sflag:$0x5] =	stream.linear.gather [hbm4b:s4+s2], $0x4000, $0x38;
	[tilespmem:$0x6890] =	vst v63  }
0x29: {  	_ =	swait.ge [sflag:s21], $0x4000  }
0x2a: {  	[sflag:s21] =	ssyncset.done $0x0  }
0x2b: {  	[sflag:s21] =	ssyncadd.s32 $0xFFFFC000  }
0x2c: {  	[tilespmem:s2], [sflag:$0x1] =	stream.linear.gather [hbm4b:s9+s2], $0x80, $0x38;
	[tilespmem:$0x6890] =	vst v63  }
0x2d: {  	[bflag:$0x0] =	sbarrier.arrive $0xFFFF  }
0x2e: {  	_ =	swait.ge [sflag:s24], $0x80  }
0x2f: {  	[sflag:s24] =	ssyncset.done $0x0  }
0x30: {  	[sflag:s24] =	ssyncadd.s32 $0xFFFFFF80  }
0x31: {  	[spmem:s1] =	stream.indirect.scatter.add.f32 [tilespmem:s23], [sflag:$0x3], $0x10, s2, s25, $0xb8;
	[tilespmem:$0x6890] =	vst v63  }
0x32: {  	_ = 	snop  }
0x33: {  	[tilespmem:s25], [sflag:$0x2] =	stream.linear.gather [hbm4b:s16+s2], $0x80, $0x38;
	[tilespmem:$0x6890] =	vst v63  }
0x34: {  	_ =	swait.ge [sflag:s26], $0x80  }
0x35: {  	[sflag:s26] =	ssyncset.done $0x0  }
0x36: {  	[sflag:s26] =	ssyncadd.s32 $0xFFFFFF80  }
0x37: {  	[spmem:s1] =	stream.indirect.scatter.add.f32 [tilespmem:s23], [sflag:$0x4], $0x10, s25, s25, $0xb8;
	[tilespmem:$0x6890] =	vst v63  }
0x38: {  	_ =	swait.ge [sflag:s28], $0x800  }
0x39: {  	[sflag:s28] =	ssyncset.done $0x0  }
0x3a: {  	[sflag:s28] =	ssyncadd.s32 $0xFFFFF800  }
0x3b: {  	[tilespmem:s2], [sflag:$0x1] =	stream.linear.gather [hbm4b:s17+s2], $0x80, $0x38;
	[tilespmem:$0x6890] =	vst v63  }
0x3c: {  	_ =	swait.ge [sflag:s24], $0x80  }
0x3d: {  	[sflag:s24] =	ssyncset.done $0x0  }
0x3e: {  	[sflag:s24] =	ssyncadd.s32 $0xFFFFFF80  }
0x3f: {  	[spmem:s1] =	stream.indirect.scatter.add.f32 [tilespmem:s23], [sflag:$0x3], $0x10, s2, s25, $0xb8;
	[tilespmem:$0x6890] =	vst v63  }
0x40: {  	_ =	swait.ge [sflag:s29], $0x800  }
0x41: {  	[sflag:s29] =	ssyncset.done $0x0  }
0x42: {  	s6 =	sadd.s32 $0x0, s19;
	[sflag:s29] =	ssyncadd.s32 $0xFFFFF800  }
0x43: {  	[tilespmem:s25], [sflag:$0x2] =	stream.linear.gather [hbm4b:s6+s2], $0x80, $0x38;
	[tilespmem:$0x6890] =	vst v63  }
0x44: {  	_ =	swait.ge [sflag:s26], $0x80  }
0x45: {  	[sflag:s26] =	ssyncset.done $0x0  }
0x46: {  	[sflag:s26] =	ssyncadd.s32 $0xFFFFFF80  }
0x47: {  	[spmem:s1] =	stream.indirect.scatter.add.f32 [tilespmem:s23], [sflag:$0x4], $0x10, s25, s25, $0xb8;
	[tilespmem:$0x6890] =	vst v63  }
0x48: {  	_ =	swait.ge [sflag:s28], $0x800  }
0x49: {  	[sflag:s28] =	ssyncset.done $0x0  }
0x4a: {  	s5 =	sadd.s32 $0x0, s18;
	s3 =	simm.s32 $0x20;
	[sflag:s28] =	ssyncadd.s32 $0xFFFFF800  }
.LBB2_2:
0x4b: {  	[tilespmem:s2], [sflag:$0x1] =	stream.linear.gather [hbm4b:s5+s2], $0x80, $0x38;
	[tilespmem:$0x6890] =	vst v63  }
0x4c: {  	s5 =	smov.u32 s3  }
0x4d: {  	p3 =	sne.s32 s3, $0x220;
	s3 =	sadd.s32 $0x20, s3;
	_ =	swait.ge [sflag:s24], $0x80  }
0x4e: {  	[sflag:s24] =	ssyncset.done $0x0  }
0x4f: {  	[sflag:s24] =	ssyncadd.s32 $0xFFFFFF80  }
0x50: {  	[spmem:s1] =	stream.indirect.scatter.add.f32 [tilespmem:s23], [sflag:$0x3], $0x10, s2, s25, $0xb8;
	[tilespmem:$0x6890] =	vst v63  }
0x51: {  	_ =	swait.ge [sflag:s29], $0x800  }
0x52: {  	[sflag:s29] =	ssyncset.done $0x0  }
0x53: {  	s6 =	sadd.s32 s5, s19;
	[sflag:s29] =	ssyncadd.s32 $0xFFFFF800  }
0x54: {  	[tilespmem:s25], [sflag:$0x2] =	stream.linear.gather [hbm4b:s6+s2], $0x80, $0x38;
	[tilespmem:$0x6890] =	vst v63  }
0x55: {  	_ =	swait.ge [sflag:s26], $0x80  }
0x56: {  	[sflag:s26] =	ssyncset.done $0x0  }
.Ltmp2:
0x57: {  	[sflag:s26] =	ssyncadd.s32 $0xFFFFFF80;
	(pc) =	sbr.rel @p3 .LBB2_2-.Ltmp2, $4  }
0x58: {  	[spmem:s1] =	stream.indirect.scatter.add.f32 [tilespmem:s23], [sflag:$0x4], $0x10, s25, s25, $0xb8;
	[tilespmem:$0x6890] =	vst v63  }
0x59: {  	_ =	swait.ge [sflag:s28], $0x800  }
0x5a: {  	[sflag:s28] =	ssyncset.done $0x0  }
0x5b: {  	s5 =	sadd.s32 s5, s18;
	[sflag:s28] =	ssyncadd.s32 $0xFFFFF800  }
0x5c: {  	[tilespmem:s2], [sflag:$0x1] =	stream.linear.gather [hbm4b:s5+s2], $0x80, $0x38;
	[tilespmem:$0x6890] =	vst v63  }
0x5d: {  	_ =	swait.ge [sflag:s24], $0x80  }
0x5e: {  	[sflag:s24] =	ssyncset.done $0x0  }
0x5f: {  	[sflag:s24] =	ssyncadd.s32 $0xFFFFFF80  }
0x60: {  	[spmem:s1] =	stream.indirect.scatter.add.f32 [tilespmem:s23], [sflag:$0x3], $0x10, s2, s25, $0xb8;
	[tilespmem:$0x6890] =	vst v63  }
0x61: {  	_ =	swait.ge [sflag:s29], $0x800  }
0x62: {  	[sflag:s29] =	ssyncset.done $0x0  }
0x63: {  	[sflag:s29] =	ssyncadd.s32 $0xFFFFF800  }
0x64: {  	_ =	swait.ge [sflag:s28], $0x800  }
0x65: {  	[sflag:s28] =	ssyncset.done $0x0  }
0x66: {  	[sflag:s28] =	ssyncadd.s32 $0xFFFFF800  }
0x67: {  	[tilespmem:s30], [sflag:$0x5] =	stream.linear.gather [hbm4b:s12+s2], $0x8, $0x38;
	[tilespmem:$0x6890] =	vst v63  }
0x68: {  	_ =	swait.ge [sflag:s21], $0x8  }
0x69: {  	[sflag:s21] =	ssyncset.done $0x0  }
0x6a: {  	[sflag:s21] =	ssyncadd.s32 $0xFFFFFFF8  }
0x6b: {  	[spmem:s1] =	stream.indirect.scatter.add.f32 [tilespmem:s23], [sflag:$0x5], $0x10, s30, s31, $0xb8;
	[tilespmem:$0x6890] =	vst v63  }
.Ltmp3:
0x6c: {  	_ =	swait.ge [sflag:s21], $0x80;
	(pc) =	sbr.rel @!p0 .LBB2_4-.Ltmp3, $3  }
0x6d: {  	[sflag:s21] =	ssyncset.done $0x0  }
0x6e: {  	[sflag:s21] =	ssyncadd.s32 $0xFFFFFF80  }
0x6f: {  	[bflag:$0x0] =	sbarrier.arrive $0xFFFF;
	_ =	sdelay $0x1  }
0x70: {  	[hbm:s14], [sflag:s8] =	dma.local [spmem:s20], $0x2700  }
.Ltmp4:
0x71: {  	_ = 	snop;
	(pc) =	sbr.rel @p1 .LBB2_7-.Ltmp4, $4  }
.Ltmp5:
0x72: {  	_ = 	snop;
	(pc) =	sbr.rel @!p1 .LBB2_6-.Ltmp5, $4  }
0x73: {  	_ =	swait.ge [sflag:s21], $0x2700  }
0x74: {  	[sflag:s21] =	ssyncset.done $0x0  }
0x75: {  	s3 =	smov.u32 s13;
	[sflag:s21] =	ssyncadd.s32 $0xFFFFD900  }
0x76: {  	_ = 	snop  }
.LBB2_4:
0x77: {  	s3 =	rddreg [dreg:$0x4]  }
0x78: {  	[hbm:s3], [sflag:s8] =	dma.local [spmem:s20], $0x2700  }
.Ltmp6:
0x79: {  	_ = 	snop;
	(pc) =	sbr.rel @p2 .LBB2_6-.Ltmp6, $4  }
.Ltmp7:
0x7a: {  	_ = 	snop;
	(pc) =	sbr.rel @!p2 .LBB2_7-.Ltmp7, $4  }
0x7b: {  	_ =	swait.ge [sflag:s21], $0x2700  }
0x7c: {  	[sflag:s21] =	ssyncset.done $0x0  }
0x7d: {  	s3 =	rddreg [dreg:$0x3];
	[sflag:s21] =	ssyncadd.s32 $0xFFFFD900  }
0x7e: {  	_ = 	snop  }
.LBB2_8:
0x7f: {  	_ =	sfence.sel $0x180000  }
0x80: {  	[bflag:$0x0] =	sbarrier.arrive $0xFFFF  }
0x81: {  	_ =	strace $0x90000047  }
0x82: {  	s0 =	stileid.u32;
	[bflag:$0x2] =	sbarrier.arrive $0xFFFF  }
0x83: {  	p0 =	sne.s32 s0, $0x0;
	s0 =	rddreg [dreg:$0x2]  }
0x84: {  	s0 =	sadd.s32 @!p0 $0x100000, s0  }
0x85: {  	[sflag:s0] =	ssyncadd.tile.s32 @!p0 $0x1;
	_ =	shalt  }
.Lfunc_end2:
_tile_overlayer_lowered:
.L_overlay_start_2:
0x86: {  	(tag) =	ssettag $0x2  }
0x87: {  	s0 =	rddreg [dreg:$0x0];
	s2 =	stileid.u32  }
0x88: {  	s1 =	rddreg [dreg:$0x1];
	p0 =	sne.s32 s2, $0x0  }
0x89: {  	s3 =	rddreg [dreg:$0x2];
	[bflag:$0x3] =	sbarrier.arrive $0xFFFF;
	s2 =	simm.s32 @!p0 $0x1C05  }
0x8a: {  	[timem:s3], [sflag:s2] =	dma.local @!p0 [hbm:s0], s1  }
0x8b: {  	s0 =	simm.s32 @!p0 $0x5  }
0x8c: {  	_ =	swait.ge @!p0 [sflag:s0], s1  }
0x8d: {  	s1 =	ssub.s32 @!p0 $0x0, s1;
	[sflag:s0] =	ssyncset.done @!p0 $0x0  }
0x8e: {  	[sflag:s0] =	ssyncadd.s32 @!p0 s1  }
0x8f: {  	[bflag:$0x3] =	sbarrier.arrive $0xFFFF  }
0x90: {  	_ =	shalt  }

// kernel: kernel.14.cloned.1.call-start
scs
__scs_entry_jumppad:
0x0: {  	(pc) =	sbr.rel $0x88, $3  }
0x1: {  	(tag) =	ssettag $0x0;
	lr =	simm.s32 $0x1  }
0x2: {  	[smem:$0x3F97] =	sst lr;
	_ =	strace $0xD0000000  }
0x3: {  	_ = 	snop  }
0x4: {  	_ = 	snop  }
0x5: {  	_ = 	snop  }
0x6: {  	_ = 	snop  }
0x7: {  	_ = 	snop  }
__scs_overlays_trampoline_lowered:
0x8: {  	[smem:$0x3FA6] =	sst s0  }
0x9: {  	[smem:$0x3FA7] =	sst s1  }
0xa: {  	[smem:$0x3FA8] =	sst s2  }
0xb: {  	[smem:$0x3FA9] =	sst s3  }
0xc: {  	[smem:$0x3FAA] =	sst s4  }
0xd: {  	[smem:$0x3FAB] =	sst s5  }
0xe: {  	[smem:$0x3FAC] =	sst s6  }
0xf: {  	[smem:$0x3FAD] =	sst s7  }
0x10: {  	[smem:$0x3FAE] =	sst s8  }
0x11: {  	[smem:$0x3FAF] =	sst s9;
	s0 =	simm.s32 @!p0 $0x0  }
0x12: {  	s1 =	sld [smem:$0x3F95];
	s0 =	simm.s32 @p0 $0x1  }
0x13: {  	[smem:$0x3FB0] =	sst s0;
	s0 =	simm.s32 @!p1 $0x0  }
0x14: {  	s2 =	sld [smem:$0x3F94];
	s0 =	simm.s32 @p1 $0x1  }
0x15: {  	[smem:$0x3FB1] =	sst s0;
	s0 =	simm.s32 @!p2 $0x0  }
0x16: {  	s3 =	sld [smem:$0x3FDB];
	s0 =	simm.s32 @p2 $0x1  }
0x17: {  	s4 =	simm.s32 $0x1BF5;
	[smem:$0x3FB3] =	sst s0  }
0x18: {  	s0 =	sld [smem:$0x3F96];
	_ =	swait.ge [sflag:s4], $0x0  }
0x19: {  	s7 =	sld [smem:$0x3F97]  }
0x1a: {  	s8 =	sadd.s32 $0xFFFFE003, lr  }
0x1b: {  	s9 =	sadd.s32 $0xFFFFFEF7, lr;
	s5 =	simm.s32 $0xFFFFFFFF;
	p2 =	slt.u32 s8, $0xFFFFF086  }
0x1c: {  	p1 =	slt.u32 s9, $0xF7A;
	s5 =	simm.s32 @!p2 $0x0  }
0x1d: {  	s5 =	simm.s32 @p1 $0x1;
	p0 =	seq.s32 s7, s2  }
0x1e: {  	s7 =	smul.u32 @!p0 $0xF7A, s2;
	p2 =	seq.s32 @!p0 s5, $0x0  }
0x1f: {  	s9 =	smul.u32 $0xF7A, s1;
	s8 =	simm.s32 @!p0 $0x1BF5;
	p2 =	por !p2, p0  }
0x20: {  	[sflag:s8] =	ssyncset.s32 @!p0 $0xFFFFF086;
	s6 =	sadd.s32 @!p0 s3, s7;
	s7 =	simm.s32 @!p0 $0x108  }
0x21: {  	s3 =	sadd.s32 s3, s9;
	s6 =	sadd.s32 @!p0 $0x88, s6;
	s7 =	simm.s32 @p2 $0x1082  }
0x22: {  	[simem:s7], [sflag:s8] =	dma.local @!p0 [hbm:s6], $0xF7A  }
0x23: {  	s9 =	sor.u32 $0xD0000000, s2;
	s6 =	simm.s32 $0x108;
	_ =	swait.ge @!p0 [sflag:s8], $0x0  }
0x24: {  	s3 =	sadd.s32 $0x88, s3;
	s6 =	simm.s32 @!p1 $0x1082;
	[sflag:s4] =	ssyncset.s32 $0xFFFFF086  }
0x25: {  	[simem:s6], [sflag:s4] =	dma.local [hbm:s3], $0xF7A  }
0x26: {  	[smem:$0x3F97] =	sst s1;
	(tag) =	ssettag s2;
	_ =	strace s9  }
0x27: {  	s1 =	sld [smem:$0x3FA7]  }
0x28: {  	s2 =	sld [smem:$0x3FA8]  }
0x29: {  	s4 =	sld [smem:$0x3FAA]  }
0x2a: {  	p0 =	seq.s32 s5, $0x0;
	s5 =	sld [smem:$0x3FAB]  }
0x2b: {  	s6 =	sld [smem:$0x3FAC]  }
0x2c: {  	s7 =	sld [smem:$0x3FAD]  }
0x2d: {  	s3 =	simm.s32 $0x108;
	s8 =	sld [smem:$0x3FAE]  }
0x2e: {  	s3 =	simm.s32 @!p0 $0x1082;
	s9 =	sld [smem:$0x3FAF]  }
0x2f: {  	lr =	sadd.s32 s0, s3;
	s0 =	sld [smem:$0x3FA6]  }
0x30: {  	s3 =	sld [smem:$0x3FA9]  }
0x31: {  	[smem:$0x3FB2] =	sst s10  }
0x32: {  	s10 =	sld [smem:$0x3FB0];
	_ =	sdelay $0x3  }
0x33: {  	p0 =	seq.s32 s10, $0x1;
	s10 =	sld [smem:$0x3FB2];
	_ =	sdelay $0x3  }
0x34: {  	[smem:$0x3FB2] =	sst s10  }
0x35: {  	s10 =	sld [smem:$0x3FB1];
	_ =	sdelay $0x3  }
0x36: {  	p1 =	seq.s32 s10, $0x1;
	s10 =	sld [smem:$0x3FB2];
	_ =	sdelay $0x3  }
0x37: {  	[smem:$0x3FB2] =	sst s10  }
0x38: {  	s10 =	sld [smem:$0x3FB3]  }
0x39: {  	_ = 	snop;
	(pc) =	sbr.ind lr, $3  }
0x3a: {  	_ = 	snop  }
0x3b: {  	_ = 	snop  }
0x3c: {  	p2 =	seq.s32 s10, $0x1;
	s10 =	sld [smem:$0x3FB2]  }
0x3d: {  	_ =	shalt  }
0x3e: {  	_ =	shalt  }
0x3f: {  	_ =	shalt  }
0x40: {  	_ =	shalt  }
0x41: {  	_ =	shalt  }
0x42: {  	_ =	shalt  }
0x43: {  	_ =	shalt  }
0x44: {  	_ =	shalt  }
0x45: {  	_ =	shalt  }
0x46: {  	_ =	shalt  }
0x47: {  	_ =	shalt  }
0x48: {  	_ =	shalt  }
0x49: {  	_ =	shalt  }
0x4a: {  	_ =	shalt  }
0x4b: {  	_ =	shalt  }
0x4c: {  	_ =	shalt  }
0x4d: {  	_ =	shalt  }
0x4e: {  	_ =	shalt  }
0x4f: {  	_ =	shalt  }
0x50: {  	_ =	shalt  }
0x51: {  	_ =	shalt  }
0x52: {  	_ =	shalt  }
0x53: {  	_ =	shalt  }
0x54: {  	_ =	shalt  }
0x55: {  	_ =	shalt  }
0x56: {  	_ =	shalt  }
0x57: {  	_ =	shalt  }
0x58: {  	_ =	shalt  }
0x59: {  	_ =	shalt  }
0x5a: {  	_ =	shalt  }
0x5b: {  	_ =	shalt  }
0x5c: {  	_ =	shalt  }
0x5d: {  	_ =	shalt  }
0x5e: {  	_ =	shalt  }
0x5f: {  	_ =	shalt  }
0x60: {  	_ =	shalt  }
0x61: {  	_ =	shalt  }
0x62: {  	_ =	shalt  }
0x63: {  	_ =	shalt  }
0x64: {  	_ =	shalt  }
0x65: {  	_ =	shalt  }
0x66: {  	_ =	shalt  }
0x67: {  	_ =	shalt  }
0x68: {  	_ =	shalt  }
0x69: {  	_ =	shalt  }
0x6a: {  	_ =	shalt  }
0x6b: {  	_ =	shalt  }
0x6c: {  	_ =	shalt  }
0x6d: {  	_ =	shalt  }
0x6e: {  	_ =	shalt  }
0x6f: {  	_ =	shalt  }
0x70: {  	_ =	shalt  }
0x71: {  	_ =	shalt  }
0x72: {  	_ =	shalt  }
0x73: {  	_ =	shalt  }
0x74: {  	_ =	shalt  }
0x75: {  	_ =	shalt  }
0x76: {  	_ =	shalt  }
0x77: {  	_ =	shalt  }
0x78: {  	_ =	shalt  }
0x79: {  	_ =	shalt  }
0x7a: {  	_ =	shalt  }
0x7b: {  	_ =	shalt  }
0x7c: {  	_ =	shalt  }
0x7d: {  	_ =	shalt  }
0x7e: {  	_ =	shalt  }
0x7f: {  	_ =	shalt  }
0x80: {  	_ =	shalt  }
0x81: {  	_ =	shalt  }
0x82: {  	_ =	shalt  }
0x83: {  	_ =	shalt  }
0x84: {  	_ =	shalt  }
0x85: {  	_ =	shalt  }
0x86: {  	_ =	shalt  }
0x87: {  	_ =	shalt  }
.Lfunc_end0:
.L_simem_size_0:
called_computation.1_lowered:
.L_overlay_start_0:
0x88: {  	s2 =	sld [smem:$0x3FD9]  }
0x89: {  	s3 =	sld [smem:$0x3FFE];
	_ =	sdelay $0x1  }
0x8a: {  	s1 =	srdreg.scid  }
0x8b: {  	s0 =	sand.u32 $0x1, s1  }
0x8c: {  	s16 =	sshll.u32 s0, $0xA;
	s2 =	sadd.s32 s3, s2  }
0x8d: {  	s2 =	sadd.s32 s2, s16  }
0x8e: {  	[smem:$0x3FBE] =	sst s2  }
0x8f: {  	_ = 	snop  }
0x90: {  	(tm) =	ssettm $0x1  }
0x91: {  	s17 =	sld [smem:$0x3FFB];
	_ =	sdelay $0x3  }
0x92: {  	_ =	strace s17  }
0x93: {  	s2 =	sld [smem:$0x3FFC];
	_ =	sdelay $0x3  }
0x94: {  	_ =	strace s2  }
0x95: {  	s2 =	sld [smem:$0x3FFD];
	_ =	sdelay $0x3  }
0x96: {  	_ =	strace s2  }
0x97: {  	_ =	strace $0x8FFFFFFF  }
0x98: {  	s18 =	sld [smem:$0x3FDB];
	_ =	sdelay $0x1  }
0x99: {  	s19 =	simm.s32 $_scs_section_size  }
0x9a: {  	s4 =	simm.s32 $_size__tile_overlayer_lowered;
	s5 =	simm.s32 $_tile_overlayer_lowered  }
0x9b: {  	s22 =	simm.s32 $0x1BFF;
	s21 =	sshll.u32 s5, $0x1;
	s2 =	sadd.s32 s19, s18  }
0x9c: {  	s6 =	simm.s32 $0x0;
	s20 =	sshll.u32 s4, $0x1;
	s4 =	sadd.s32 s21, s2  }
0x9d: {  	[timem:s6], [sflag:s22] =	dma.local [hbm:s4], s20  }
0x9e: {  	_ =	swait.ge [sflag:s22], s20  }
0x9f: {  	s3 =	ssub.s32 $0x0, s20;
	[sflag:s22] =	ssyncset.done $0x0  }
0xa0: {  	[sflag:s22] =	ssyncadd.s32 s3;
	_ =	sdelay $0x1  }
0xa1: {  	s23 =	simm.s32 $0x1B8B  }
0xa2: {  	_ =	swait.ge [sflag:s23], $0x1  }
0xa3: {  	[sflag:s23] =	ssyncset.done $0x0  }
0xa4: {  	s25 =	simm.s32 $0x1B8E;
	s24 =	sld [smem:$0x3FFE];
	[sflag:s23] =	ssyncadd.s32 $0xFFFFFFFF  }
0xa5: {  	s26 =	simm.s32 $execute0_lowered;
	[smem:$0x3FD2] =	sst s25  }
0xa6: {  	s4 =	sshll.u32 s26, $0x1;
	_ =	strace $0x80000049;
	[dreg:$0x1] =	wrdreg $0xFFFFFFFF  }
0xa7: {  	s28 =	simm.s32 $_size_execute0_lowered;
	s2 =	sadd.s32 s2, s4;
	[dreg:$0x0] =	wrdreg $0x0  }
0xa8: {  	s4 =	sshll.u32 s28, $0x1;
	[dreg:$0x2] =	wrdreg s2  }
0xa9: {  	[dreg:$0x3] =	wrdreg s4  }
0xaa: {  	[dreg:$0x4] =	wrdreg $0xC0  }
0xab: {  	_ =	task [dreg:s6], $0x5FFFF  }
0xac: {  	[dreg:$0x1] =	wrdreg $0xFFFFFFFF  }
0xad: {  	[dreg:$0x0] =	wrdreg $0x60  }
0xae: {  	[dreg:$0x2] =	wrdreg s24  }
0xaf: {  	[dreg:$0x3] =	wrdreg $0xB1000  }
0xb0: {  	[dreg:$0x4] =	wrdreg $0x9  }
0xb1: {  	_ =	task.clear_ibuf [dreg:s6], $0x5FFFF;
	_ =	strace $0x90000049  }
0xb2: {  	s29 =	simm.s32 $0x9;
	_ =	strace $0x8000004B  }
0xb3: {  	_ =	swait.ge [sflag:s29], $0x1  }
0xb4: {  	[sflag:s29] =	ssyncadd.s32 $0xFFFFFFFF  }
0xb5: {  	_ =	strace $0x9000004B  }
0xb6: {  	_ =	sfence  }
0xb7: {  	s30 =	sld [smem:$0x0];
	_ =	sdelay $0x2  }
0xb8: {  	s31 =	sshll.u32 s1, $0xD;
	s1 =	sshrl.u32 s1, $0x2  }
0xb9: {  	s3 =	sand.u32 $0x4000, s31;
	s1 =	sadd.s32 s1, s30  }
0xba: {  	s0 =	sor.u32 s3, s0;
	s1 =	sshll.u32 s1, $0x11  }
0xbb: {  	s0 =	sor.u32 s1, s0  }
0xbc: {  	s0 =	sadd.s32 $0x8F2B, s0  }
0xbd: {  	[sflag:s0] =	ssyncadd.remote.s32 $0x1  }
0xbe: {  	_ =	sfence.sel $0xFFFF  }
0xbf: {  	[dreg:$0x0] =	wrdreg $0xFFFFFFFF;
	(pc) =	sbr.abs _section_cstart, $3  }
0xc0: {  	[dreg:$0x1] =	wrdreg $0xFFFFFFFF  }
0xc1: {  	_ =	task.clear_ibuf [dreg:s6], $0x2FFFF;
	_ =	strace $0x9FFFFFFF  }
0xc2: {  	(tm) =	ssettm $0x7FFFFFFF  }
0xc3: {  	_ =	shalt  }
tec
execute0_lowered:
.L_overlay_start_1:
0x0: {  	(tag) =	ssettag $0x1  }
0x1: {  	s0 =	rddreg [dreg:$0x0]  }
0x2: {  	s2 =	rddreg [dreg:$0x1];
	s15 =	stileid.u32  }
0x3: {  	s3 =	simm.s32 $0x0;
	s8 =	srdreg.scid;
	s28 =	simm.s32 $0x2900  }
0x4: {  	s29 =	simm.s32 $0x2780;
	s30 =	simm.s32 $0x3;
	s31 =	simm.s32 $0x1  }
0x5: {  	s1 =	smul.u32 $0x2710, s15;
	[smem:$0x7FF] =	sst s3;
	s7 =	sadd.s32 $0x5800, s0  }
0x6: {  	s4 =	sadd.s32 $0xF800, s0;
	s5 =	sadd.s32 $0x36A00, s0;
	s10 =	smul.u32 $0x4E000, s15  }
0x7: {  	s8 =	sand.u32 $0x1, s8;
	s14 =	sadd.s32 $0x84E00, s0;
	s12 =	smul.u32 $0x2700, s15  }
0x8: {  	s16 =	sadd.s32 $0xAC000, s0;
	s18 =	sadd.s32 $0x36800, s0;
	s20 =	smul.u32 $0x4E2, s15  }
0x9: {  	s26 =	sshll.u32 s15, $0x6;
	_ =	strace $0x8000004A;
	[dreg:$0x8] =	wrdreg s18  }
0xa: {  	p1 =	sne.s32 s15, $0xF;
	p2 =	seq.s32 s15, $0xF;
	[dreg:$0x3] =	wrdreg s14  }
0xb: {  	s15 =	simm.s32 $0x5;
	s9 =	ssub.s32 $0x2, s8;
	[dreg:$0x4] =	wrdreg s16  }
0xc: {  	p0 =	seq.s32 s8, $0x1;
	[dreg:$0x10] =	wrdreg s26;
	s8 =	sor.u32 $0x1C07, s26  }
0xd: {  	s26 =	simm.s32 $0x80;
	s18 =	simm.s32 $0x10;
	s1 =	sshrl.u32 s1, $0x3  }
0xe: {  	s11 =	sshrl.u32 s9, $0x1;
	s17 =	sadd.s32 s4, s12;
	s19 =	sadd.s32 s14, s12  }
0xf: {  	s21 =	sadd.s32 s5, s12;
	s22 =	sadd.s32 s16, s12;
	s25 =	sadd.s32 s20, s7  }
0x10: {  	s12 =	simm.s32 $0x2;
	s16 =	simm.s32 $0xA900;
	[dreg:$0x7] =	wrdreg s17  }
0x11: {  	s6 =	sadd.s32 s1, s0;
	s9 =	ssub.s32 s9, s11;
	[dreg:$0xa] =	wrdreg s19  }
0x12: {  	s11 =	sshrl.u32 s10, $0x2;
	[dreg:$0xb] =	wrdreg s21;
	s0 =	sadd.s32 $0x5DA00, s0  }
0x13: {  	[dreg:$0xd] =	wrdreg s22;
	s14 =	sadd.s32 $0x30, s25;
	s10 =	simm.s32 $0x4  }
0x14: {  	s17 =	simm.s32 $0x2880;
	s6 =	sadd.s32 $0xA800, s6;
	[dreg:$0xc] =	wrdreg s0  }
0x15: {  	s13 =	sadd.s32 s11, s2;
	s11 =	sadd.s32 $0x138000, s2;
	[dreg:$0x5] =	wrdreg s6  }
.Ltmp0:
0x16: {  	s23 =	smax.u32 s9, $0x1;
	[dreg:$0x6] =	wrdreg s13;
	(pc) =	sbr.rel .LBB2_1-.Ltmp0, $4  }
0x17: {  	s0 =	simm.s32 $0x6900;
	s13 =	sadd.s32 s7, s1;
	[dreg:$0xe] =	wrdreg s23  }
0x18: {  	s6 =	simm.s32 $0x6;
	s7 =	simm.s32 $0x0;
	s1 =	sadd.s32 $0x4E0, s13  }
0x19: {  	s24 =	sadd.s32 $0x10, s13;
	s21 =	sadd.s32 $0x20, s13;
	[dreg:$0x9] =	wrdreg s1  }
0x1a: {  	[dreg:$0xf] =	wrdreg s24;
	s24 =	simm.s32 $0x7;
	s1 =	simm.s32 $0x2800  }
.LBB2_10:
0x1b: {  	s9 =	sadd.s32 $0x27000, s9;
	s19 =	sshrl.u32 s11, $0x3  }
0x1c: {  	[hbm:s9], [sflag:s25] =	dma.local [spmem:s19], $0x100  }
0x1d: {  	_ =	swait.ge [sflag:s24], $0x100  }
0x1e: {  	[sflag:s24] =	ssyncset.done $0x0  }
0x1f: {  	[sflag:s24] =	ssyncadd.s32 $0xFFFFFF00  }
.LBB2_11:
0x20: {  	s7 =	sadd.s32 $0x1, s7;
	s9 =	rddreg [dreg:$0xe]  }
0x21: {  	p3 =	sne.s32 s7, s9  }
.Ltmp1:
0x22: {  	_ = 	snop;
	(pc) =	sbr.rel @!p3 .LBB2_12-.Ltmp1, $1  }
0x23: {  	_ =	sdelay $0x3  }
.LBB2_1:
.Ltmp2:
0x24: {  	s9 =	rddreg [dreg:$0x5];
	(pc) =	sbr.rel @!p0 .LBB2_2-.Ltmp2, $4  }
0x25: {  	[tilespmem:s3], [sflag:$0x7] =	stream.linear.gather [hbm4b:s9+s3], $0x2710, $0x38;
	[tilespmem:$0x1E980] =	vst v63  }
0x26: {  	_ =	swait.ge [sflag:s24], $0x2710  }
0x27: {  	[sflag:s24] =	ssyncset.done $0x0;
	s25 =	rddreg [dreg:$0x6]  }
0x28: {  	s9 =	sshrl.u32 @!p1 s11, $0x3;
	[sflag:s24] =	ssyncadd.s32 $0xFFFFD8F0;
	s23 =	sshrl.u32 s25, $0x3  }
0x29: {  	s19 =	rddreg [dreg:$0xb]  }
0x2a: {  	[spmem:s23], [sflag:s8] =	dma.local [hbm:s19], $0x2700  }
0x2b: {  	_ =	swait.ge [sflag:s24], $0x2700  }
0x2c: {  	[sflag:s24] =	ssyncset.done $0x0  }
0x2d: {  	s19 =	rddreg [dreg:$0xc];
	[sflag:s24] =	ssyncadd.s32 $0xFFFFD900  }
0x2e: {  	[spmem:s9], [sflag:s8] =	dma.local @!p1 [hbm:s19], $0x100  }
0x2f: {  	s9 =	simm.s32 @!p1 $0x7  }
0x30: {  	_ =	swait.ge @!p1 [sflag:s9], $0x100  }
0x31: {  	[sflag:s9] =	ssyncset.done @!p1 $0x0  }
0x32: {  	[sflag:s9] =	ssyncadd.s32 @!p1 $0xFFFFFF00  }
0x33: {  	[tilespmem:s28], [sflag:$0x3] =	stream.indirect.gather [hbm4b:s5+s26], $0x80, s3, s26, $0xb8;
	[tilespmem:$0x1E980] =	vst v63  }
0x34: {  	_ = 	snop  }
0x35: {  	[tilespmem:s29], [sflag:$0x1] =	stream.linear.gather [hbm4b:s13+s3], $0x80, $0x38;
	[tilespmem:$0x1E980] =	vst v63  }
0x36: {  	[bflag:$0x0] =	sbarrier.arrive $0xFFFF  }
0x37: {  	_ =	swait.ge [sflag:s30], $0x4000  }
0x38: {  	[sflag:s30] =	ssyncset.done $0x0  }
0x39: {  	[sflag:s30] =	ssyncadd.s32 $0xFFFFC000  }
0x3a: {  	_ =	swait.ge [sflag:s31], $0x80  }
0x3b: {  	[sflag:s31] =	ssyncset.done $0x0  }
0x3c: {  	[sflag:s31] =	ssyncadd.s32 $0xFFFFFF80  }
0x3d: {  	[spmem:s2] =	stream.indirect.scatter.add.f32 [tilespmem:s28], [sflag:$0x5], $0x80, s29, s26, $0xb8;
	[tilespmem:$0x1E980] =	vst v63  }
0x3e: {  	_ = 	snop  }
0x3f: {  	[tilespmem:s0], [sflag:$0x4] =	stream.indirect.gather [hbm4b:s5+s26], $0x80, s26, s26, $0xb8;
	[tilespmem:$0x1E980] =	vst v63  }
0x40: {  	s22 =	rddreg [dreg:$0xf]  }
0x41: {  	[tilespmem:s1], [sflag:$0x2] =	stream.linear.gather [hbm4b:s22+s3], $0x80, $0x38;
	[tilespmem:$0x1E980] =	vst v63  }
0x42: {  	_ =	swait.ge [sflag:s10], $0x4000  }
0x43: {  	[sflag:s10] =	ssyncset.done $0x0  }
0x44: {  	[sflag:s10] =	ssyncadd.s32 $0xFFFFC000  }
0x45: {  	_ =	swait.ge [sflag:s12], $0x80  }
0x46: {  	[sflag:s12] =	ssyncset.done $0x0  }
0x47: {  	[sflag:s12] =	ssyncadd.s32 $0xFFFFFF80  }
0x48: {  	[spmem:s2] =	stream.indirect.scatter.add.f32 [tilespmem:s0], [sflag:$0x6], $0x80, s1, s26, $0xb8;
	[tilespmem:$0x1E980] =	vst v63  }
0x49: {  	_ =	swait.ge [sflag:s15], $0x4000  }
0x4a: {  	[sflag:s15] =	ssyncset.done $0x0  }
0x4b: {  	s25 =	simm.s32 $0x100;
	[sflag:s15] =	ssyncadd.s32 $0xFFFFC000  }
0x4c: {  	[tilespmem:s28], [sflag:$0x3] =	stream.indirect.gather [hbm4b:s5+s26], $0x80, s25, s26, $0xb8;
	[tilespmem:$0x1E980] =	vst v63  }
0x4d: {  	s9 =	simm.s32 $0xFFFF6C00;
	s22 =	smov.u32 s14  }
0x4e: {  	[tilespmem:s29], [sflag:$0x1] =	stream.linear.gather [hbm4b:s21+s3], $0x80, $0x38;
	[tilespmem:$0x1E980] =	vst v63  }
.LBB2_7:
0x4f: {  	_ =	swait.ge [sflag:s30], $0x4000  }
0x50: {  	[sflag:s30] =	ssyncset.done $0x0  }
0x51: {  	[sflag:s30] =	ssyncadd.s32 $0xFFFFC000  }
0x52: {  	_ =	swait.ge [sflag:s31], $0x80  }
0x53: {  	[sflag:s31] =	ssyncset.done $0x0  }
0x54: {  	[sflag:s31] =	ssyncadd.s32 $0xFFFFFF80  }
0x55: {  	[spmem:s2] =	stream.indirect.scatter.add.f32 [tilespmem:s28], [sflag:$0x5], $0x80, s29, s26, $0xb8;
	[tilespmem:$0x1E980] =	vst v63  }
0x56: {  	_ =	swait.ge [sflag:s6], $0x4000  }
0x57: {  	s19 =	sshra.s32 s9, $0x2;
	[sflag:s6] =	ssyncset.done $0x0  }
0x58: {  	s20 =	sadd.s32 $0x2680, s19;
	[sflag:s6] =	ssyncadd.s32 $0xFFFFC000  }
0x59: {  	[tilespmem:s0], [sflag:$0x4] =	stream.indirect.gather [hbm4b:s5+s26], $0x80, s20, s26, $0xb8;
	[tilespmem:$0x1E980] =	vst v63  }
0x5a: {  	_ = 	snop  }
0x5b: {  	[tilespmem:s1], [sflag:$0x2] =	stream.linear.gather [hbm4b:s22+s3], $0x80, $0x38;
	[tilespmem:$0x1E980] =	vst v63  }
0x5c: {  	_ =	swait.ge [sflag:s10], $0x4000  }
0x5d: {  	[sflag:s10] =	ssyncset.done $0x0  }
0x5e: {  	[sflag:s10] =	ssyncadd.s32 $0xFFFFC000  }
0x5f: {  	_ =	swait.ge [sflag:s12], $0x80  }
0x60: {  	p3 =	seq.s32 s9, $0x0;
	[sflag:s12] =	ssyncset.done $0x0  }
.Ltmp3:
0x61: {  	[sflag:s12] =	ssyncadd.s32 $0xFFFFFF80;
	(pc) =	sbr.rel @p3 .LBB2_9-.Ltmp3, $4  }
0x62: {  	[spmem:s2] =	stream.indirect.scatter.add.f32 [tilespmem:s0], [sflag:$0x6], $0x80, s1, s26, $0xb8;
	[tilespmem:$0x1E980] =	vst v63  }
0x63: {  	_ =	swait.ge [sflag:s15], $0x4000  }
0x64: {  	[sflag:s15] =	ssyncset.done $0x0  }
0x65: {  	[sflag:s15] =	ssyncadd.s32 $0xFFFFC000  }
.Ltmp4:
0x66: {  	(pc) =	sbr.rel .LBB2_7-.Ltmp4, $4  }
0x67: {  	s19 =	sadd.s32 $0x2700, s19  }
0x68: {  	[tilespmem:s28], [sflag:$0x3] =	stream.indirect.gather [hbm4b:s5+s26], $0x80, s19, s26, $0xb8;
	[tilespmem:$0x1E980] =	vst v63  }
0x69: {  	s25 =	sadd.s32 $0x10, s22;
	s22 =	sadd.s32 $0x20, s22;
	s9 =	sadd.s32 $0x400, s9  }
0x6a: {  	[tilespmem:s29], [sflag:$0x1] =	stream.linear.gather [hbm4b:s25+s3], $0x80, $0x38;
	[tilespmem:$0x1E980] =	vst v63  }
.LBB2_2:
0x6b: {  	s19 =	rddreg [dreg:$0x10]  }
0x6c: {  	s22 =	rddreg [dreg:$0x7];
	s25 =	sor.u32 $0x1C07, s19  }
0x6d: {  	[spmem:s23], [sflag:s25] =	dma.local [hbm:s22], $0x2700  }
0x6e: {  	_ =	swait.ge [sflag:s24], $0x2700  }
0x6f: {  	[sflag:s24] =	ssyncset.done $0x0  }
0x70: {  	s19 =	rddreg [dreg:$0x8];
	[sflag:s24] =	ssyncadd.s32 $0xFFFFD900  }
0x71: {  	[spmem:s9], [sflag:s25] =	dma.local @!p1 [hbm:s19], $0x100  }
0x72: {  	s9 =	simm.s32 @!p1 $0x7  }
0x73: {  	_ =	swait.ge @!p1 [sflag:s9], $0x100  }
0x74: {  	[sflag:s9] =	ssyncset.done @!p1 $0x0  }
0x75: {  	[sflag:s9] =	ssyncadd.s32 @!p1 $0xFFFFFF00  }
0x76: {  	[tilespmem:s28], [sflag:$0x3] =	stream.indirect.gather [hbm4b:s4+s26], $0x80, s3, s26, $0xb8;
	[tilespmem:$0x1E980] =	vst v63  }
0x77: {  	_ = 	snop  }
0x78: {  	[tilespmem:s29], [sflag:$0x1] =	stream.linear.gather [hbm4b:s13+s3], $0x80, $0x38;
	[tilespmem:$0x1E980] =	vst v63  }
0x79: {  	[bflag:$0x0] =	sbarrier.arrive $0xFFFF  }
0x7a: {  	_ =	swait.ge [sflag:s30], $0x4000  }
0x7b: {  	[sflag:s30] =	ssyncset.done $0x0  }
0x7c: {  	[sflag:s30] =	ssyncadd.s32 $0xFFFFC000  }
0x7d: {  	_ =	swait.ge [sflag:s31], $0x80  }
0x7e: {  	[sflag:s31] =	ssyncset.done $0x0  }
0x7f: {  	[sflag:s31] =	ssyncadd.s32 $0xFFFFFF80  }
0x80: {  	[spmem:s2] =	stream.indirect.scatter.add.f32 [tilespmem:s28], [sflag:$0x5], $0x80, s29, s26, $0xb8;
	[tilespmem:$0x1E980] =	vst v63  }
0x81: {  	_ = 	snop  }
0x82: {  	[tilespmem:s0], [sflag:$0x4] =	stream.indirect.gather [hbm4b:s4+s26], $0x80, s26, s26, $0xb8;
	[tilespmem:$0x1E980] =	vst v63  }
0x83: {  	s20 =	rddreg [dreg:$0xf]  }
0x84: {  	[tilespmem:s1], [sflag:$0x2] =	stream.linear.gather [hbm4b:s20+s3], $0x80, $0x38;
	[tilespmem:$0x1E980] =	vst v63  }
0x85: {  	_ =	swait.ge [sflag:s10], $0x4000  }
0x86: {  	[sflag:s10] =	ssyncset.done $0x0  }
0x87: {  	[sflag:s10] =	ssyncadd.s32 $0xFFFFC000  }
0x88: {  	_ =	swait.ge [sflag:s12], $0x80  }
0x89: {  	[sflag:s12] =	ssyncset.done $0x0  }
0x8a: {  	[sflag:s12] =	ssyncadd.s32 $0xFFFFFF80  }
0x8b: {  	[spmem:s2] =	stream.indirect.scatter.add.f32 [tilespmem:s0], [sflag:$0x6], $0x80, s1, s26, $0xb8;
	[tilespmem:$0x1E980] =	vst v63  }
0x8c: {  	_ =	swait.ge [sflag:s15], $0x4000  }
0x8d: {  	[sflag:s15] =	ssyncset.done $0x0  }
0x8e: {  	s22 =	simm.s32 $0x100;
	[sflag:s15] =	ssyncadd.s32 $0xFFFFC000  }
0x8f: {  	[tilespmem:s28], [sflag:$0x3] =	stream.indirect.gather [hbm4b:s4+s26], $0x80, s22, s26, $0xb8;
	[tilespmem:$0x1E980] =	vst v63  }
0x90: {  	s9 =	simm.s32 $0xFFFF6C00;
	s22 =	smov.u32 s14  }
0x91: {  	[tilespmem:s29], [sflag:$0x1] =	stream.linear.gather [hbm4b:s21+s3], $0x80, $0x38;
	[tilespmem:$0x1E980] =	vst v63  }
.LBB2_3:
0x92: {  	_ =	swait.ge [sflag:s30], $0x4000  }
0x93: {  	[sflag:s30] =	ssyncset.done $0x0  }
0x94: {  	[sflag:s30] =	ssyncadd.s32 $0xFFFFC000  }
0x95: {  	_ =	swait.ge [sflag:s31], $0x80  }
0x96: {  	[sflag:s31] =	ssyncset.done $0x0  }
0x97: {  	[sflag:s31] =	ssyncadd.s32 $0xFFFFFF80  }
0x98: {  	[spmem:s2] =	stream.indirect.scatter.add.f32 [tilespmem:s28], [sflag:$0x5], $0x80, s29, s26, $0xb8;
	[tilespmem:$0x1E980] =	vst v63  }
0x99: {  	_ =	swait.ge [sflag:s6], $0x4000  }
0x9a: {  	s19 =	sshra.s32 s9, $0x2;
	[sflag:s6] =	ssyncset.done $0x0  }
0x9b: {  	s20 =	sadd.s32 $0x2680, s19;
	[sflag:s6] =	ssyncadd.s32 $0xFFFFC000  }
0x9c: {  	[tilespmem:s0], [sflag:$0x4] =	stream.indirect.gather [hbm4b:s4+s26], $0x80, s20, s26, $0xb8;
	[tilespmem:$0x1E980] =	vst v63  }
0x9d: {  	_ = 	snop  }
0x9e: {  	[tilespmem:s1], [sflag:$0x2] =	stream.linear.gather [hbm4b:s22+s3], $0x80, $0x38;
	[tilespmem:$0x1E980] =	vst v63  }
0x9f: {  	_ =	swait.ge [sflag:s10], $0x4000  }
0xa0: {  	[sflag:s10] =	ssyncset.done $0x0  }
0xa1: {  	[sflag:s10] =	ssyncadd.s32 $0xFFFFC000  }
0xa2: {  	_ =	swait.ge [sflag:s12], $0x80  }
0xa3: {  	p3 =	seq.s32 s9, $0x0;
	[sflag:s12] =	ssyncset.done $0x0  }
.Ltmp5:
0xa4: {  	[sflag:s12] =	ssyncadd.s32 $0xFFFFFF80;
	(pc) =	sbr.rel @p3 .LBB2_5-.Ltmp5, $4  }
0xa5: {  	[spmem:s2] =	stream.indirect.scatter.add.f32 [tilespmem:s0], [sflag:$0x6], $0x80, s1, s26, $0xb8;
	[tilespmem:$0x1E980] =	vst v63  }
0xa6: {  	_ =	swait.ge [sflag:s15], $0x4000  }
0xa7: {  	[sflag:s15] =	ssyncset.done $0x0  }
0xa8: {  	[sflag:s15] =	ssyncadd.s32 $0xFFFFC000  }
.Ltmp6:
0xa9: {  	(pc) =	sbr.rel .LBB2_3-.Ltmp6, $4  }
0xaa: {  	s19 =	sadd.s32 $0x2700, s19  }
0xab: {  	[tilespmem:s28], [sflag:$0x3] =	stream.indirect.gather [hbm4b:s4+s26], $0x80, s19, s26, $0xb8;
	[tilespmem:$0x1E980] =	vst v63  }
0xac: {  	s20 =	sadd.s32 $0x10, s22;
	s22 =	sadd.s32 $0x20, s22;
	s9 =	sadd.s32 $0x400, s9  }
0xad: {  	[tilespmem:s29], [sflag:$0x1] =	stream.linear.gather [hbm4b:s20+s3], $0x80, $0x38;
	[tilespmem:$0x1E980] =	vst v63  }
.LBB2_9:
0xae: {  	_ =	swait.ge [sflag:s6], $0x4000  }
0xaf: {  	[sflag:s6] =	ssyncset.done $0x0  }
0xb0: {  	s9 =	rddreg [dreg:$0x9];
	[sflag:s6] =	ssyncadd.s32 $0xFFFFC000  }
0xb1: {  	[tilespmem:s17], [sflag:$0x7] =	stream.linear.gather [hbm4b:s9+s3], $0x10, $0x38;
	[tilespmem:$0x1E980] =	vst v63  }
0xb2: {  	_ =	swait.ge [sflag:s24], $0x10  }
0xb3: {  	[sflag:s24] =	ssyncset.done $0x0  }
0xb4: {  	s22 =	simm.s32 $0x2700;
	[sflag:s24] =	ssyncadd.s32 $0xFFFFFFF0  }
0xb5: {  	[tilespmem:s16], [sflag:$0x3] =	stream.indirect.gather [hbm4b:s5+s18], $0x80, s22, s18, $0xb8;
	[tilespmem:$0x1E980] =	vst v63  }
0xb6: {  	_ =	swait.ge [sflag:s30], $0x800  }
0xb7: {  	[sflag:s30] =	ssyncset.done $0x0  }
0xb8: {  	[sflag:s30] =	ssyncadd.s32 $0xFFFFF800  }
0xb9: {  	[spmem:s2] =	stream.indirect.scatter.add.f32 [tilespmem:s16], [sflag:$0x7], $0x80, s17, s18, $0xb8;
	[tilespmem:$0x1E980] =	vst v63  }
0xba: {  	_ =	swait.ge [sflag:s24], $0x800  }
0xbb: {  	[sflag:s24] =	ssyncset.done $0x0  }
0xbc: {  	[sflag:s24] =	ssyncadd.s32 $0xFFFFF800  }
0xbd: {  	[bflag:$0x0] =	sbarrier.arrive $0xFFFF  }
0xbe: {  	s25 =	rddreg [dreg:$0xd]  }
0xbf: {  	[hbm:s25], [sflag:s8] =	dma.local [spmem:s23], $0x2700  }
.Ltmp7:
0xc0: {  	_ = 	snop;
	(pc) =	sbr.rel @p1 .LBB2_11-.Ltmp7, $4  }
.Ltmp8:
0xc1: {  	_ = 	snop;
	(pc) =	sbr.rel @!p1 .LBB2_10-.Ltmp8, $4  }
0xc2: {  	_ =	swait.ge [sflag:s24], $0x2700  }
0xc3: {  	[sflag:s24] =	ssyncset.done $0x0  }
0xc4: {  	s25 =	smov.u32 s8;
	s9 =	rddreg [dreg:$0x4];
	[sflag:s24] =	ssyncadd.s32 $0xFFFFD900  }
0xc5: {  	_ = 	snop  }
.LBB2_5:
0xc6: {  	_ =	swait.ge [sflag:s6], $0x4000  }
0xc7: {  	[sflag:s6] =	ssyncset.done $0x0  }
0xc8: {  	s9 =	rddreg [dreg:$0x9];
	[sflag:s6] =	ssyncadd.s32 $0xFFFFC000  }
0xc9: {  	[tilespmem:s17], [sflag:$0x7] =	stream.linear.gather [hbm4b:s9+s3], $0x10, $0x38;
	[tilespmem:$0x1E980] =	vst v63  }
0xca: {  	_ =	swait.ge [sflag:s24], $0x10  }
0xcb: {  	[sflag:s24] =	ssyncset.done $0x0  }
0xcc: {  	s20 =	simm.s32 $0x2700;
	[sflag:s24] =	ssyncadd.s32 $0xFFFFFFF0  }
0xcd: {  	[tilespmem:s16], [sflag:$0x3] =	stream.indirect.gather [hbm4b:s4+s18], $0x80, s20, s18, $0xb8;
	[tilespmem:$0x1E980] =	vst v63  }
0xce: {  	_ =	swait.ge [sflag:s30], $0x800  }
0xcf: {  	[sflag:s30] =	ssyncset.done $0x0  }
0xd0: {  	[sflag:s30] =	ssyncadd.s32 $0xFFFFF800  }
0xd1: {  	[spmem:s2] =	stream.indirect.scatter.add.f32 [tilespmem:s16], [sflag:$0x7], $0x80, s17, s18, $0xb8;
	[tilespmem:$0x1E980] =	vst v63  }
0xd2: {  	_ =	swait.ge [sflag:s24], $0x800  }
0xd3: {  	[sflag:s24] =	ssyncset.done $0x0  }
0xd4: {  	[sflag:s24] =	ssyncadd.s32 $0xFFFFF800  }
0xd5: {  	[bflag:$0x0] =	sbarrier.arrive $0xFFFF  }
0xd6: {  	s22 =	rddreg [dreg:$0xa]  }
0xd7: {  	[hbm:s22], [sflag:s25] =	dma.local [spmem:s23], $0x2700  }
.Ltmp9:
0xd8: {  	_ = 	snop;
	(pc) =	sbr.rel @p2 .LBB2_10-.Ltmp9, $4  }
.Ltmp10:
0xd9: {  	_ = 	snop;
	(pc) =	sbr.rel @!p2 .LBB2_11-.Ltmp10, $4  }
0xda: {  	_ =	swait.ge [sflag:s24], $0x2700  }
0xdb: {  	[sflag:s24] =	ssyncset.done $0x0  }
0xdc: {  	s9 =	rddreg [dreg:$0x3];
	[sflag:s24] =	ssyncadd.s32 $0xFFFFD900  }
0xdd: {  	_ = 	snop  }
.LBB2_12:
0xde: {  	_ =	sfence.sel $0x180000  }
0xdf: {  	[bflag:$0x0] =	sbarrier.arrive $0xFFFF  }
0xe0: {  	_ =	strace $0x9000004A  }
0xe1: {  	s0 =	stileid.u32;
	[bflag:$0x2] =	sbarrier.arrive $0xFFFF  }
0xe2: {  	p0 =	sne.s32 s0, $0x0;
	s0 =	rddreg [dreg:$0x2]  }
0xe3: {  	s0 =	sadd.s32 @!p0 $0x100000, s0  }
0xe4: {  	[sflag:s0] =	ssyncadd.tile.s32 @!p0 $0x1;
	_ =	shalt  }
.Lfunc_end2:
_tile_overlayer_lowered:
.L_overlay_start_2:
0xe5: {  	(tag) =	ssettag $0x2  }
0xe6: {  	s0 =	rddreg [dreg:$0x0];
	s2 =	stileid.u32  }
0xe7: {  	s1 =	rddreg [dreg:$0x1];
	p0 =	sne.s32 s2, $0x0  }
0xe8: {  	s3 =	rddreg [dreg:$0x2];
	[bflag:$0x3] =	sbarrier.arrive $0xFFFF;
	s2 =	simm.s32 @!p0 $0x1C07  }
0xe9: {  	[timem:s3], [sflag:s2] =	dma.local @!p0 [hbm:s0], s1  }
0xea: {  	s0 =	simm.s32 @!p0 $0x7  }
0xeb: {  	_ =	swait.ge @!p0 [sflag:s0], s1  }
0xec: {  	s1 =	ssub.s32 @!p0 $0x0, s1;
	[sflag:s0] =	ssyncset.done @!p0 $0x0  }
0xed: {  	[sflag:s0] =	ssyncadd.s32 @!p0 s1  }
0xee: {  	[bflag:$0x3] =	sbarrier.arrive $0xFFFF  }
0xef: {  	_ =	shalt  }

// kernel: kernel.17.cloned.1.call-start
scs
__scs_entry_jumppad:
0x0: {  	(pc) =	sbr.rel $0x88, $3  }
0x1: {  	(tag) =	ssettag $0x0;
	lr =	simm.s32 $0x1  }
0x2: {  	[smem:$0x3F97] =	sst lr;
	_ =	strace $0xD0000000  }
0x3: {  	_ = 	snop  }
0x4: {  	_ = 	snop  }
0x5: {  	_ = 	snop  }
0x6: {  	_ = 	snop  }
0x7: {  	_ = 	snop  }
__scs_overlays_trampoline_lowered:
0x8: {  	[smem:$0x3FA6] =	sst s0  }
0x9: {  	[smem:$0x3FA7] =	sst s1  }
0xa: {  	[smem:$0x3FA8] =	sst s2  }
0xb: {  	[smem:$0x3FA9] =	sst s3  }
0xc: {  	[smem:$0x3FAA] =	sst s4  }
0xd: {  	[smem:$0x3FAB] =	sst s5  }
0xe: {  	[smem:$0x3FAC] =	sst s6  }
0xf: {  	[smem:$0x3FAD] =	sst s7  }
0x10: {  	[smem:$0x3FAE] =	sst s8  }
0x11: {  	[smem:$0x3FAF] =	sst s9;
	s0 =	simm.s32 @!p0 $0x0  }
0x12: {  	s1 =	sld [smem:$0x3F95];
	s0 =	simm.s32 @p0 $0x1  }
0x13: {  	[smem:$0x3FB0] =	sst s0;
	s0 =	simm.s32 @!p1 $0x0  }
0x14: {  	s2 =	sld [smem:$0x3F94];
	s0 =	simm.s32 @p1 $0x1  }
0x15: {  	[smem:$0x3FB1] =	sst s0;
	s0 =	simm.s32 @!p2 $0x0  }
0x16: {  	s3 =	sld [smem:$0x3FDB];
	s0 =	simm.s32 @p2 $0x1  }
0x17: {  	s4 =	simm.s32 $0x1BF5;
	[smem:$0x3FB3] =	sst s0  }
0x18: {  	s0 =	sld [smem:$0x3F96];
	_ =	swait.ge [sflag:s4], $0x0  }
0x19: {  	s7 =	sld [smem:$0x3F97]  }
0x1a: {  	s8 =	sadd.s32 $0xFFFFE003, lr  }
0x1b: {  	s9 =	sadd.s32 $0xFFFFFEF7, lr;
	s5 =	simm.s32 $0xFFFFFFFF;
	p2 =	slt.u32 s8, $0xFFFFF086  }
0x1c: {  	p1 =	slt.u32 s9, $0xF7A;
	s5 =	simm.s32 @!p2 $0x0  }
0x1d: {  	s5 =	simm.s32 @p1 $0x1;
	p0 =	seq.s32 s7, s2  }
0x1e: {  	s7 =	smul.u32 @!p0 $0xF7A, s2;
	p2 =	seq.s32 @!p0 s5, $0x0  }
0x1f: {  	s9 =	smul.u32 $0xF7A, s1;
	s8 =	simm.s32 @!p0 $0x1BF5;
	p2 =	por !p2, p0  }
0x20: {  	[sflag:s8] =	ssyncset.s32 @!p0 $0xFFFFF086;
	s6 =	sadd.s32 @!p0 s3, s7;
	s7 =	simm.s32 @!p0 $0x108  }
0x21: {  	s3 =	sadd.s32 s3, s9;
	s6 =	sadd.s32 @!p0 $0x88, s6;
	s7 =	simm.s32 @p2 $0x1082  }
0x22: {  	[simem:s7], [sflag:s8] =	dma.local @!p0 [hbm:s6], $0xF7A  }
0x23: {  	s9 =	sor.u32 $0xD0000000, s2;
	s6 =	simm.s32 $0x108;
	_ =	swait.ge @!p0 [sflag:s8], $0x0  }
0x24: {  	s3 =	sadd.s32 $0x88, s3;
	s6 =	simm.s32 @!p1 $0x1082;
	[sflag:s4] =	ssyncset.s32 $0xFFFFF086  }
0x25: {  	[simem:s6], [sflag:s4] =	dma.local [hbm:s3], $0xF7A  }
0x26: {  	[smem:$0x3F97] =	sst s1;
	(tag) =	ssettag s2;
	_ =	strace s9  }
0x27: {  	s1 =	sld [smem:$0x3FA7]  }
0x28: {  	s2 =	sld [smem:$0x3FA8]  }
0x29: {  	s4 =	sld [smem:$0x3FAA]  }
0x2a: {  	p0 =	seq.s32 s5, $0x0;
	s5 =	sld [smem:$0x3FAB]  }
0x2b: {  	s6 =	sld [smem:$0x3FAC]  }
0x2c: {  	s7 =	sld [smem:$0x3FAD]  }
0x2d: {  	s3 =	simm.s32 $0x108;
	s8 =	sld [smem:$0x3FAE]  }
0x2e: {  	s3 =	simm.s32 @!p0 $0x1082;
	s9 =	sld [smem:$0x3FAF]  }
0x2f: {  	lr =	sadd.s32 s0, s3;
	s0 =	sld [smem:$0x3FA6]  }
0x30: {  	s3 =	sld [smem:$0x3FA9]  }
0x31: {  	[smem:$0x3FB2] =	sst s10  }
0x32: {  	s10 =	sld [smem:$0x3FB0];
	_ =	sdelay $0x3  }
0x33: {  	p0 =	seq.s32 s10, $0x1;
	s10 =	sld [smem:$0x3FB2];
	_ =	sdelay $0x3  }
0x34: {  	[smem:$0x3FB2] =	sst s10  }
0x35: {  	s10 =	sld [smem:$0x3FB1];
	_ =	sdelay $0x3  }
0x36: {  	p1 =	seq.s32 s10, $0x1;
	s10 =	sld [smem:$0x3FB2];
	_ =	sdelay $0x3  }
0x37: {  	[smem:$0x3FB2] =	sst s10  }
0x38: {  	s10 =	sld [smem:$0x3FB3]  }
0x39: {  	_ = 	snop;
	(pc) =	sbr.ind lr, $3  }
0x3a: {  	_ = 	snop  }
0x3b: {  	_ = 	snop  }
0x3c: {  	p2 =	seq.s32 s10, $0x1;
	s10 =	sld [smem:$0x3FB2]  }
0x3d: {  	_ =	shalt  }
0x3e: {  	_ =	shalt  }
0x3f: {  	_ =	shalt  }
0x40: {  	_ =	shalt  }
0x41: {  	_ =	shalt  }
0x42: {  	_ =	shalt  }
0x43: {  	_ =	shalt  }
0x44: {  	_ =	shalt  }
0x45: {  	_ =	shalt  }
0x46: {  	_ =	shalt  }
0x47: {  	_ =	shalt  }
0x48: {  	_ =	shalt  }
0x49: {  	_ =	shalt  }
0x4a: {  	_ =	shalt  }
0x4b: {  	_ =	shalt  }
0x4c: {  	_ =	shalt  }
0x4d: {  	_ =	shalt  }
0x4e: {  	_ =	shalt  }
0x4f: {  	_ =	shalt  }
0x50: {  	_ =	shalt  }
0x51: {  	_ =	shalt  }
0x52: {  	_ =	shalt  }
0x53: {  	_ =	shalt  }
0x54: {  	_ =	shalt  }
0x55: {  	_ =	shalt  }
0x56: {  	_ =	shalt  }
0x57: {  	_ =	shalt  }
0x58: {  	_ =	shalt  }
0x59: {  	_ =	shalt  }
0x5a: {  	_ =	shalt  }
0x5b: {  	_ =	shalt  }
0x5c: {  	_ =	shalt  }
0x5d: {  	_ =	shalt  }
0x5e: {  	_ =	shalt  }
0x5f: {  	_ =	shalt  }
0x60: {  	_ =	shalt  }
0x61: {  	_ =	shalt  }
0x62: {  	_ =	shalt  }
0x63: {  	_ =	shalt  }
0x64: {  	_ =	shalt  }
0x65: {  	_ =	shalt  }
0x66: {  	_ =	shalt  }
0x67: {  	_ =	shalt  }
0x68: {  	_ =	shalt  }
0x69: {  	_ =	shalt  }
0x6a: {  	_ =	shalt  }
0x6b: {  	_ =	shalt  }
0x6c: {  	_ =	shalt  }
0x6d: {  	_ =	shalt  }
0x6e: {  	_ =	shalt  }
0x6f: {  	_ =	shalt  }
0x70: {  	_ =	shalt  }
0x71: {  	_ =	shalt  }
0x72: {  	_ =	shalt  }
0x73: {  	_ =	shalt  }
0x74: {  	_ =	shalt  }
0x75: {  	_ =	shalt  }
0x76: {  	_ =	shalt  }
0x77: {  	_ =	shalt  }
0x78: {  	_ =	shalt  }
0x79: {  	_ =	shalt  }
0x7a: {  	_ =	shalt  }
0x7b: {  	_ =	shalt  }
0x7c: {  	_ =	shalt  }
0x7d: {  	_ =	shalt  }
0x7e: {  	_ =	shalt  }
0x7f: {  	_ =	shalt  }
0x80: {  	_ =	shalt  }
0x81: {  	_ =	shalt  }
0x82: {  	_ =	shalt  }
0x83: {  	_ =	shalt  }
0x84: {  	_ =	shalt  }
0x85: {  	_ =	shalt  }
0x86: {  	_ =	shalt  }
0x87: {  	_ =	shalt  }
.Lfunc_end0:
.L_simem_size_0:
called_computation.2_lowered:
.L_overlay_start_0:
0x88: {  	s2 =	sld [smem:$0x3FD9]  }
0x89: {  	s3 =	sld [smem:$0x3FFE];
	_ =	sdelay $0x1  }
0x8a: {  	s1 =	srdreg.scid  }
0x8b: {  	s0 =	sand.u32 $0x1, s1  }
0x8c: {  	s16 =	sshll.u32 s0, $0xA;
	s2 =	sadd.s32 s3, s2  }
0x8d: {  	s2 =	sadd.s32 s2, s16  }
0x8e: {  	[smem:$0x3FBE] =	sst s2  }
0x8f: {  	_ = 	snop  }
0x90: {  	(tm) =	ssettm $0x1  }
0x91: {  	s17 =	sld [smem:$0x3FFB];
	_ =	sdelay $0x3  }
0x92: {  	_ =	strace s17  }
0x93: {  	s2 =	sld [smem:$0x3FFC];
	_ =	sdelay $0x3  }
0x94: {  	_ =	strace s2  }
0x95: {  	s2 =	sld [smem:$0x3FFD];
	_ =	sdelay $0x3  }
0x96: {  	_ =	strace s2  }
0x97: {  	_ =	strace $0x8FFFFFFF  }
0x98: {  	s18 =	sld [smem:$0x3FDB];
	_ =	sdelay $0x1  }
0x99: {  	s19 =	simm.s32 $_scs_section_size  }
0x9a: {  	s4 =	simm.s32 $_size__tile_overlayer_lowered;
	s5 =	simm.s32 $_tile_overlayer_lowered  }
0x9b: {  	s22 =	simm.s32 $0x1BFF;
	s21 =	sshll.u32 s5, $0x1;
	s2 =	sadd.s32 s19, s18  }
0x9c: {  	s6 =	simm.s32 $0x0;
	s20 =	sshll.u32 s4, $0x1;
	s4 =	sadd.s32 s21, s2  }
0x9d: {  	[timem:s6], [sflag:s22] =	dma.local [hbm:s4], s20  }
0x9e: {  	_ =	swait.ge [sflag:s22], s20  }
0x9f: {  	s3 =	ssub.s32 $0x0, s20;
	[sflag:s22] =	ssyncset.done $0x0  }
0xa0: {  	[sflag:s22] =	ssyncadd.s32 s3;
	_ =	sdelay $0x1  }
0xa1: {  	s23 =	simm.s32 $0x1B8B  }
0xa2: {  	_ =	swait.ge [sflag:s23], $0x1  }
0xa3: {  	[sflag:s23] =	ssyncset.done $0x0  }
0xa4: {  	s25 =	simm.s32 $0x1B8E;
	s24 =	sld [smem:$0x3FFE];
	[sflag:s23] =	ssyncadd.s32 $0xFFFFFFFF  }
0xa5: {  	s26 =	simm.s32 $execute0_lowered;
	[smem:$0x3FD2] =	sst s25  }
0xa6: {  	s4 =	sshll.u32 s26, $0x1;
	_ =	strace $0x8000004C;
	[dreg:$0x1] =	wrdreg $0xFFFFFFFF  }
0xa7: {  	s28 =	simm.s32 $_size_execute0_lowered;
	s2 =	sadd.s32 s2, s4;
	[dreg:$0x0] =	wrdreg $0x0  }
0xa8: {  	s4 =	sshll.u32 s28, $0x1;
	[dreg:$0x2] =	wrdreg s2  }
0xa9: {  	[dreg:$0x3] =	wrdreg s4  }
0xaa: {  	[dreg:$0x4] =	wrdreg $0xC0  }
0xab: {  	_ =	task [dreg:s6], $0x5FFFF  }
0xac: {  	[dreg:$0x1] =	wrdreg $0xFFFFFFFF  }
0xad: {  	[dreg:$0x0] =	wrdreg $0x60  }
0xae: {  	[dreg:$0x2] =	wrdreg s24  }
0xaf: {  	[dreg:$0x3] =	wrdreg $0xB1000  }
0xb0: {  	[dreg:$0x4] =	wrdreg $0x9  }
0xb1: {  	_ =	task.clear_ibuf [dreg:s6], $0x5FFFF;
	_ =	strace $0x9000004C  }
0xb2: {  	s29 =	simm.s32 $0x9;
	_ =	strace $0x8000004E  }
0xb3: {  	_ =	swait.ge [sflag:s29], $0x1  }
0xb4: {  	[sflag:s29] =	ssyncadd.s32 $0xFFFFFFFF  }
0xb5: {  	_ =	strace $0x9000004E  }
0xb6: {  	_ =	sfence  }
0xb7: {  	s30 =	sld [smem:$0x0];
	_ =	sdelay $0x2  }
0xb8: {  	s31 =	sshll.u32 s1, $0xD;
	s1 =	sshrl.u32 s1, $0x2  }
0xb9: {  	s3 =	sand.u32 $0x4000, s31;
	s1 =	sadd.s32 s1, s30  }
0xba: {  	s0 =	sor.u32 s3, s0;
	s1 =	sshll.u32 s1, $0x11  }
0xbb: {  	s0 =	sor.u32 s1, s0  }
0xbc: {  	s0 =	sadd.s32 $0x8F2B, s0  }
0xbd: {  	[sflag:s0] =	ssyncadd.remote.s32 $0x1  }
0xbe: {  	_ =	sfence.sel $0xFFFF  }
0xbf: {  	[dreg:$0x0] =	wrdreg $0xFFFFFFFF;
	(pc) =	sbr.abs _section_cstart, $3  }
0xc0: {  	[dreg:$0x1] =	wrdreg $0xFFFFFFFF  }
0xc1: {  	_ =	task.clear_ibuf [dreg:s6], $0x2FFFF;
	_ =	strace $0x9FFFFFFF  }
0xc2: {  	(tm) =	ssettm $0x7FFFFFFF  }
0xc3: {  	_ =	shalt  }
tec
execute0_lowered:
.L_overlay_start_1:
0x0: {  	(tag) =	ssettag $0x1  }
0x1: {  	s0 =	rddreg [dreg:$0x0]  }
0x2: {  	s2 =	rddreg [dreg:$0x1];
	s15 =	stileid.u32  }
0x3: {  	s3 =	simm.s32 $0x0;
	s8 =	srdreg.scid;
	s28 =	simm.s32 $0x2900  }
0x4: {  	s29 =	simm.s32 $0x2780;
	s30 =	simm.s32 $0x3;
	s31 =	simm.s32 $0x1  }
0x5: {  	s1 =	smul.u32 $0x2710, s15;
	[smem:$0x7FF] =	sst s3;
	s7 =	sadd.s32 $0x5800, s0  }
0x6: {  	s4 =	sadd.s32 $0xF800, s0;
	s5 =	sadd.s32 $0x36A00, s0;
	s10 =	smul.u32 $0x4E000, s15  }
0x7: {  	s8 =	sand.u32 $0x1, s8;
	s14 =	sadd.s32 $0x84E00, s0;
	s12 =	smul.u32 $0x2700, s15  }
0x8: {  	s16 =	sadd.s32 $0xAC000, s0;
	s18 =	sadd.s32 $0x36800, s0;
	s20 =	smul.u32 $0x4E2, s15  }
0x9: {  	s26 =	sshll.u32 s15, $0x6;
	_ =	strace $0x8000004D;
	[dreg:$0x8] =	wrdreg s18  }
0xa: {  	p1 =	sne.s32 s15, $0xF;
	p2 =	seq.s32 s15, $0xF;
	[dreg:$0x3] =	wrdreg s14  }
0xb: {  	s15 =	simm.s32 $0x5;
	s9 =	ssub.s32 $0x2, s8;
	[dreg:$0x4] =	wrdreg s16  }
0xc: {  	p0 =	seq.s32 s8, $0x1;
	[dreg:$0x10] =	wrdreg s26;
	s8 =	sor.u32 $0x1C07, s26  }
0xd: {  	s26 =	simm.s32 $0x80;
	s18 =	simm.s32 $0x10;
	s1 =	sshrl.u32 s1, $0x3  }
0xe: {  	s11 =	sshrl.u32 s9, $0x1;
	s17 =	sadd.s32 s4, s12;
	s19 =	sadd.s32 s14, s12  }
0xf: {  	s21 =	sadd.s32 s5, s12;
	s22 =	sadd.s32 s16, s12;
	s25 =	sadd.s32 s20, s7  }
0x10: {  	s12 =	simm.s32 $0x2;
	s16 =	simm.s32 $0xA900;
	[dreg:$0x7] =	wrdreg s17  }
0x11: {  	s6 =	sadd.s32 s1, s0;
	s9 =	ssub.s32 s9, s11;
	[dreg:$0xa] =	wrdreg s19  }
0x12: {  	s11 =	sshrl.u32 s10, $0x2;
	[dreg:$0xb] =	wrdreg s21;
	s0 =	sadd.s32 $0x5DA00, s0  }
0x13: {  	[dreg:$0xd] =	wrdreg s22;
	s14 =	sadd.s32 $0x30, s25;
	s10 =	simm.s32 $0x4  }
0x14: {  	s17 =	simm.s32 $0x2880;
	s6 =	sadd.s32 $0xA800, s6;
	[dreg:$0xc] =	wrdreg s0  }
0x15: {  	s13 =	sadd.s32 s11, s2;
	s11 =	sadd.s32 $0x138000, s2;
	[dreg:$0x5] =	wrdreg s6  }
.Ltmp0:
0x16: {  	s23 =	smax.u32 s9, $0x1;
	[dreg:$0x6] =	wrdreg s13;
	(pc) =	sbr.rel .LBB2_1-.Ltmp0, $4  }
0x17: {  	s0 =	simm.s32 $0x6900;
	s13 =	sadd.s32 s7, s1;
	[dreg:$0xe] =	wrdreg s23  }
0x18: {  	s6 =	simm.s32 $0x6;
	s7 =	simm.s32 $0x0;
	s1 =	sadd.s32 $0x4E0, s13  }
0x19: {  	s24 =	sadd.s32 $0x10, s13;
	s21 =	sadd.s32 $0x20, s13;
	[dreg:$0x9] =	wrdreg s1  }
0x1a: {  	[dreg:$0xf] =	wrdreg s24;
	s24 =	simm.s32 $0x7;
	s1 =	simm.s32 $0x2800  }
.LBB2_10:
0x1b: {  	s9 =	sadd.s32 $0x27000, s9;
	s19 =	sshrl.u32 s11, $0x3  }
0x1c: {  	[hbm:s9], [sflag:s25] =	dma.local [spmem:s19], $0x100  }
0x1d: {  	_ =	swait.ge [sflag:s24], $0x100  }
0x1e: {  	[sflag:s24] =	ssyncset.done $0x0  }
0x1f: {  	[sflag:s24] =	ssyncadd.s32 $0xFFFFFF00  }
.LBB2_11:
0x20: {  	s7 =	sadd.s32 $0x1, s7;
	s9 =	rddreg [dreg:$0xe]  }
0x21: {  	p3 =	sne.s32 s7, s9  }
.Ltmp1:
0x22: {  	_ = 	snop;
	(pc) =	sbr.rel @!p3 .LBB2_12-.Ltmp1, $1  }
0x23: {  	_ =	sdelay $0x3  }
.LBB2_1:
.Ltmp2:
0x24: {  	s9 =	rddreg [dreg:$0x5];
	(pc) =	sbr.rel @!p0 .LBB2_2-.Ltmp2, $4  }
0x25: {  	[tilespmem:s3], [sflag:$0x7] =	stream.linear.gather [hbm4b:s9+s3], $0x2710, $0x38;
	[tilespmem:$0x1E980] =	vst v63  }
0x26: {  	_ =	swait.ge [sflag:s24], $0x2710  }
0x27: {  	[sflag:s24] =	ssyncset.done $0x0;
	s25 =	rddreg [dreg:$0x6]  }
0x28: {  	s9 =	sshrl.u32 @!p1 s11, $0x3;
	[sflag:s24] =	ssyncadd.s32 $0xFFFFD8F0;
	s23 =	sshrl.u32 s25, $0x3  }
0x29: {  	s19 =	rddreg [dreg:$0xb]  }
0x2a: {  	[spmem:s23], [sflag:s8] =	dma.local [hbm:s19], $0x2700  }
0x2b: {  	_ =	swait.ge [sflag:s24], $0x2700  }
0x2c: {  	[sflag:s24] =	ssyncset.done $0x0  }
0x2d: {  	s19 =	rddreg [dreg:$0xc];
	[sflag:s24] =	ssyncadd.s32 $0xFFFFD900  }
0x2e: {  	[spmem:s9], [sflag:s8] =	dma.local @!p1 [hbm:s19], $0x100  }
0x2f: {  	s9 =	simm.s32 @!p1 $0x7  }
0x30: {  	_ =	swait.ge @!p1 [sflag:s9], $0x100  }
0x31: {  	[sflag:s9] =	ssyncset.done @!p1 $0x0  }
0x32: {  	[sflag:s9] =	ssyncadd.s32 @!p1 $0xFFFFFF00  }
0x33: {  	[tilespmem:s28], [sflag:$0x3] =	stream.indirect.gather [hbm4b:s5+s26], $0x80, s3, s26, $0xb8;
	[tilespmem:$0x1E980] =	vst v63  }
0x34: {  	_ = 	snop  }
0x35: {  	[tilespmem:s29], [sflag:$0x1] =	stream.linear.gather [hbm4b:s13+s3], $0x80, $0x38;
	[tilespmem:$0x1E980] =	vst v63  }
0x36: {  	[bflag:$0x0] =	sbarrier.arrive $0xFFFF  }
0x37: {  	_ =	swait.ge [sflag:s30], $0x4000  }
0x38: {  	[sflag:s30] =	ssyncset.done $0x0  }
0x39: {  	[sflag:s30] =	ssyncadd.s32 $0xFFFFC000  }
0x3a: {  	_ =	swait.ge [sflag:s31], $0x80  }
0x3b: {  	[sflag:s31] =	ssyncset.done $0x0  }
0x3c: {  	[sflag:s31] =	ssyncadd.s32 $0xFFFFFF80  }
0x3d: {  	[spmem:s2] =	stream.indirect.scatter.add.f32 [tilespmem:s28], [sflag:$0x5], $0x80, s29, s26, $0xb8;
	[tilespmem:$0x1E980] =	vst v63  }
0x3e: {  	_ = 	snop  }
0x3f: {  	[tilespmem:s0], [sflag:$0x4] =	stream.indirect.gather [hbm4b:s5+s26], $0x80, s26, s26, $0xb8;
	[tilespmem:$0x1E980] =	vst v63  }
0x40: {  	s22 =	rddreg [dreg:$0xf]  }
0x41: {  	[tilespmem:s1], [sflag:$0x2] =	stream.linear.gather [hbm4b:s22+s3], $0x80, $0x38;
	[tilespmem:$0x1E980] =	vst v63  }
0x42: {  	_ =	swait.ge [sflag:s10], $0x4000  }
0x43: {  	[sflag:s10] =	ssyncset.done $0x0  }
0x44: {  	[sflag:s10] =	ssyncadd.s32 $0xFFFFC000  }
0x45: {  	_ =	swait.ge [sflag:s12], $0x80  }
0x46: {  	[sflag:s12] =	ssyncset.done $0x0  }
0x47: {  	[sflag:s12] =	ssyncadd.s32 $0xFFFFFF80  }
0x48: {  	[spmem:s2] =	stream.indirect.scatter.add.f32 [tilespmem:s0], [sflag:$0x6], $0x80, s1, s26, $0xb8;
	[tilespmem:$0x1E980] =	vst v63  }
0x49: {  	_ =	swait.ge [sflag:s15], $0x4000  }
0x4a: {  	[sflag:s15] =	ssyncset.done $0x0  }
0x4b: {  	s25 =	simm.s32 $0x100;
	[sflag:s15] =	ssyncadd.s32 $0xFFFFC000  }
0x4c: {  	[tilespmem:s28], [sflag:$0x3] =	stream.indirect.gather [hbm4b:s5+s26], $0x80, s25, s26, $0xb8;
	[tilespmem:$0x1E980] =	vst v63  }
0x4d: {  	s9 =	simm.s32 $0xFFFF6C00;
	s22 =	smov.u32 s14  }
0x4e: {  	[tilespmem:s29], [sflag:$0x1] =	stream.linear.gather [hbm4b:s21+s3], $0x80, $0x38;
	[tilespmem:$0x1E980] =	vst v63  }
.LBB2_7:
0x4f: {  	_ =	swait.ge [sflag:s30], $0x4000  }
0x50: {  	[sflag:s30] =	ssyncset.done $0x0  }
0x51: {  	[sflag:s30] =	ssyncadd.s32 $0xFFFFC000  }
0x52: {  	_ =	swait.ge [sflag:s31], $0x80  }
0x53: {  	[sflag:s31] =	ssyncset.done $0x0  }
0x54: {  	[sflag:s31] =	ssyncadd.s32 $0xFFFFFF80  }
0x55: {  	[spmem:s2] =	stream.indirect.scatter.add.f32 [tilespmem:s28], [sflag:$0x5], $0x80, s29, s26, $0xb8;
	[tilespmem:$0x1E980] =	vst v63  }
0x56: {  	_ =	swait.ge [sflag:s6], $0x4000  }
0x57: {  	s19 =	sshra.s32 s9, $0x2;
	[sflag:s6] =	ssyncset.done $0x0  }
0x58: {  	s20 =	sadd.s32 $0x2680, s19;
	[sflag:s6] =	ssyncadd.s32 $0xFFFFC000  }
0x59: {  	[tilespmem:s0], [sflag:$0x4] =	stream.indirect.gather [hbm4b:s5+s26], $0x80, s20, s26, $0xb8;
	[tilespmem:$0x1E980] =	vst v63  }
0x5a: {  	_ = 	snop  }
0x5b: {  	[tilespmem:s1], [sflag:$0x2] =	stream.linear.gather [hbm4b:s22+s3], $0x80, $0x38;
	[tilespmem:$0x1E980] =	vst v63  }
0x5c: {  	_ =	swait.ge [sflag:s10], $0x4000  }
0x5d: {  	[sflag:s10] =	ssyncset.done $0x0  }
0x5e: {  	[sflag:s10] =	ssyncadd.s32 $0xFFFFC000  }
0x5f: {  	_ =	swait.ge [sflag:s12], $0x80  }
0x60: {  	p3 =	seq.s32 s9, $0x0;
	[sflag:s12] =	ssyncset.done $0x0  }
.Ltmp3:
0x61: {  	[sflag:s12] =	ssyncadd.s32 $0xFFFFFF80;
	(pc) =	sbr.rel @p3 .LBB2_9-.Ltmp3, $4  }
0x62: {  	[spmem:s2] =	stream.indirect.scatter.add.f32 [tilespmem:s0], [sflag:$0x6], $0x80, s1, s26, $0xb8;
	[tilespmem:$0x1E980] =	vst v63  }
0x63: {  	_ =	swait.ge [sflag:s15], $0x4000  }
0x64: {  	[sflag:s15] =	ssyncset.done $0x0  }
0x65: {  	[sflag:s15] =	ssyncadd.s32 $0xFFFFC000  }
.Ltmp4:
0x66: {  	(pc) =	sbr.rel .LBB2_7-.Ltmp4, $4  }
0x67: {  	s19 =	sadd.s32 $0x2700, s19  }
0x68: {  	[tilespmem:s28], [sflag:$0x3] =	stream.indirect.gather [hbm4b:s5+s26], $0x80, s19, s26, $0xb8;
	[tilespmem:$0x1E980] =	vst v63  }
0x69: {  	s25 =	sadd.s32 $0x10, s22;
	s22 =	sadd.s32 $0x20, s22;
	s9 =	sadd.s32 $0x400, s9  }
0x6a: {  	[tilespmem:s29], [sflag:$0x1] =	stream.linear.gather [hbm4b:s25+s3], $0x80, $0x38;
	[tilespmem:$0x1E980] =	vst v63  }
.LBB2_2:
0x6b: {  	s19 =	rddreg [dreg:$0x10]  }
0x6c: {  	s22 =	rddreg [dreg:$0x7];
	s25 =	sor.u32 $0x1C07, s19  }
0x6d: {  	[spmem:s23], [sflag:s25] =	dma.local [hbm:s22], $0x2700  }
0x6e: {  	_ =	swait.ge [sflag:s24], $0x2700  }
0x6f: {  	[sflag:s24] =	ssyncset.done $0x0  }
0x70: {  	s19 =	rddreg [dreg:$0x8];
	[sflag:s24] =	ssyncadd.s32 $0xFFFFD900  }
0x71: {  	[spmem:s9], [sflag:s25] =	dma.local @!p1 [hbm:s19], $0x100  }
0x72: {  	s9 =	simm.s32 @!p1 $0x7  }
0x73: {  	_ =	swait.ge @!p1 [sflag:s9], $0x100  }
0x74: {  	[sflag:s9] =	ssyncset.done @!p1 $0x0  }
0x75: {  	[sflag:s9] =	ssyncadd.s32 @!p1 $0xFFFFFF00  }
0x76: {  	[tilespmem:s28], [sflag:$0x3] =	stream.indirect.gather [hbm4b:s4+s26], $0x80, s3, s26, $0xb8;
	[tilespmem:$0x1E980] =	vst v63  }
0x77: {  	_ = 	snop  }
0x78: {  	[tilespmem:s29], [sflag:$0x1] =	stream.linear.gather [hbm4b:s13+s3], $0x80, $0x38;
	[tilespmem:$0x1E980] =	vst v63  }
0x79: {  	[bflag:$0x0] =	sbarrier.arrive $0xFFFF  }
0x7a: {  	_ =	swait.ge [sflag:s30], $0x4000  }
0x7b: {  	[sflag:s30] =	ssyncset.done $0x0  }
0x7c: {  	[sflag:s30] =	ssyncadd.s32 $0xFFFFC000  }
0x7d: {  	_ =	swait.ge [sflag:s31], $0x80  }
0x7e: {  	[sflag:s31] =	ssyncset.done $0x0  }
0x7f: {  	[sflag:s31] =	ssyncadd.s32 $0xFFFFFF80  }
0x80: {  	[spmem:s2] =	stream.indirect.scatter.add.f32 [tilespmem:s28], [sflag:$0x5], $0x80, s29, s26, $0xb8;
	[tilespmem:$0x1E980] =	vst v63  }
0x81: {  	_ = 	snop  }
0x82: {  	[tilespmem:s0], [sflag:$0x4] =	stream.indirect.gather [hbm4b:s4+s26], $0x80, s26, s26, $0xb8;
	[tilespmem:$0x1E980] =	vst v63  }
0x83: {  	s20 =	rddreg [dreg:$0xf]  }
0x84: {  	[tilespmem:s1], [sflag:$0x2] =	stream.linear.gather [hbm4b:s20+s3], $0x80, $0x38;
	[tilespmem:$0x1E980] =	vst v63  }
0x85: {  	_ =	swait.ge [sflag:s10], $0x4000  }
0x86: {  	[sflag:s10] =	ssyncset.done $0x0  }
0x87: {  	[sflag:s10] =	ssyncadd.s32 $0xFFFFC000  }
0x88: {  	_ =	swait.ge [sflag:s12], $0x80  }
0x89: {  	[sflag:s12] =	ssyncset.done $0x0  }
0x8a: {  	[sflag:s12] =	ssyncadd.s32 $0xFFFFFF80  }
0x8b: {  	[spmem:s2] =	stream.indirect.scatter.add.f32 [tilespmem:s0], [sflag:$0x6], $0x80, s1, s26, $0xb8;
	[tilespmem:$0x1E980] =	vst v63  }
0x8c: {  	_ =	swait.ge [sflag:s15], $0x4000  }
0x8d: {  	[sflag:s15] =	ssyncset.done $0x0  }
0x8e: {  	s22 =	simm.s32 $0x100;
	[sflag:s15] =	ssyncadd.s32 $0xFFFFC000  }
0x8f: {  	[tilespmem:s28], [sflag:$0x3] =	stream.indirect.gather [hbm4b:s4+s26], $0x80, s22, s26, $0xb8;
	[tilespmem:$0x1E980] =	vst v63  }
0x90: {  	s9 =	simm.s32 $0xFFFF6C00;
	s22 =	smov.u32 s14  }
0x91: {  	[tilespmem:s29], [sflag:$0x1] =	stream.linear.gather [hbm4b:s21+s3], $0x80, $0x38;
	[tilespmem:$0x1E980] =	vst v63  }
.LBB2_3:
0x92: {  	_ =	swait.ge [sflag:s30], $0x4000  }
0x93: {  	[sflag:s30] =	ssyncset.done $0x0  }
0x94: {  	[sflag:s30] =	ssyncadd.s32 $0xFFFFC000  }
0x95: {  	_ =	swait.ge [sflag:s31], $0x80  }
0x96: {  	[sflag:s31] =	ssyncset.done $0x0  }
0x97: {  	[sflag:s31] =	ssyncadd.s32 $0xFFFFFF80  }
0x98: {  	[spmem:s2] =	stream.indirect.scatter.add.f32 [tilespmem:s28], [sflag:$0x5], $0x80, s29, s26, $0xb8;
	[tilespmem:$0x1E980] =	vst v63  }
0x99: {  	_ =	swait.ge [sflag:s6], $0x4000  }
0x9a: {  	s19 =	sshra.s32 s9, $0x2;
	[sflag:s6] =	ssyncset.done $0x0  }
0x9b: {  	s20 =	sadd.s32 $0x2680, s19;
	[sflag:s6] =	ssyncadd.s32 $0xFFFFC000  }
0x9c: {  	[tilespmem:s0], [sflag:$0x4] =	stream.indirect.gather [hbm4b:s4+s26], $0x80, s20, s26, $0xb8;
	[tilespmem:$0x1E980] =	vst v63  }
0x9d: {  	_ = 	snop  }
0x9e: {  	[tilespmem:s1], [sflag:$0x2] =	stream.linear.gather [hbm4b:s22+s3], $0x80, $0x38;
	[tilespmem:$0x1E980] =	vst v63  }
0x9f: {  	_ =	swait.ge [sflag:s10], $0x4000  }
0xa0: {  	[sflag:s10] =	ssyncset.done $0x0  }
0xa1: {  	[sflag:s10] =	ssyncadd.s32 $0xFFFFC000  }
0xa2: {  	_ =	swait.ge [sflag:s12], $0x80  }
0xa3: {  	p3 =	seq.s32 s9, $0x0;
	[sflag:s12] =	ssyncset.done $0x0  }
.Ltmp5:
0xa4: {  	[sflag:s12] =	ssyncadd.s32 $0xFFFFFF80;
	(pc) =	sbr.rel @p3 .LBB2_5-.Ltmp5, $4  }
0xa5: {  	[spmem:s2] =	stream.indirect.scatter.add.f32 [tilespmem:s0], [sflag:$0x6], $0x80, s1, s26, $0xb8;
	[tilespmem:$0x1E980] =	vst v63  }
0xa6: {  	_ =	swait.ge [sflag:s15], $0x4000  }
0xa7: {  	[sflag:s15] =	ssyncset.done $0x0  }
0xa8: {  	[sflag:s15] =	ssyncadd.s32 $0xFFFFC000  }
.Ltmp6:
0xa9: {  	(pc) =	sbr.rel .LBB2_3-.Ltmp6, $4  }
0xaa: {  	s19 =	sadd.s32 $0x2700, s19  }
0xab: {  	[tilespmem:s28], [sflag:$0x3] =	stream.indirect.gather [hbm4b:s4+s26], $0x80, s19, s26, $0xb8;
	[tilespmem:$0x1E980] =	vst v63  }
0xac: {  	s20 =	sadd.s32 $0x10, s22;
	s22 =	sadd.s32 $0x20, s22;
	s9 =	sadd.s32 $0x400, s9  }
0xad: {  	[tilespmem:s29], [sflag:$0x1] =	stream.linear.gather [hbm4b:s20+s3], $0x80, $0x38;
	[tilespmem:$0x1E980] =	vst v63  }
.LBB2_9:
0xae: {  	_ =	swait.ge [sflag:s6], $0x4000  }
0xaf: {  	[sflag:s6] =	ssyncset.done $0x0  }
0xb0: {  	s9 =	rddreg [dreg:$0x9];
	[sflag:s6] =	ssyncadd.s32 $0xFFFFC000  }
0xb1: {  	[tilespmem:s17], [sflag:$0x7] =	stream.linear.gather [hbm4b:s9+s3], $0x10, $0x38;
	[tilespmem:$0x1E980] =	vst v63  }
0xb2: {  	_ =	swait.ge [sflag:s24], $0x10  }
0xb3: {  	[sflag:s24] =	ssyncset.done $0x0  }
0xb4: {  	s22 =	simm.s32 $0x2700;
	[sflag:s24] =	ssyncadd.s32 $0xFFFFFFF0  }
0xb5: {  	[tilespmem:s16], [sflag:$0x3] =	stream.indirect.gather [hbm4b:s5+s18], $0x80, s22, s18, $0xb8;
	[tilespmem:$0x1E980] =	vst v63  }
0xb6: {  	_ =	swait.ge [sflag:s30], $0x800  }
0xb7: {  	[sflag:s30] =	ssyncset.done $0x0  }
0xb8: {  	[sflag:s30] =	ssyncadd.s32 $0xFFFFF800  }
0xb9: {  	[spmem:s2] =	stream.indirect.scatter.add.f32 [tilespmem:s16], [sflag:$0x7], $0x80, s17, s18, $0xb8;
	[tilespmem:$0x1E980] =	vst v63  }
0xba: {  	_ =	swait.ge [sflag:s24], $0x800  }
0xbb: {  	[sflag:s24] =	ssyncset.done $0x0  }
0xbc: {  	[sflag:s24] =	ssyncadd.s32 $0xFFFFF800  }
0xbd: {  	[bflag:$0x0] =	sbarrier.arrive $0xFFFF  }
0xbe: {  	s25 =	rddreg [dreg:$0xd]  }
0xbf: {  	[hbm:s25], [sflag:s8] =	dma.local [spmem:s23], $0x2700  }
.Ltmp7:
0xc0: {  	_ = 	snop;
	(pc) =	sbr.rel @p1 .LBB2_11-.Ltmp7, $4  }
.Ltmp8:
0xc1: {  	_ = 	snop;
	(pc) =	sbr.rel @!p1 .LBB2_10-.Ltmp8, $4  }
0xc2: {  	_ =	swait.ge [sflag:s24], $0x2700  }
0xc3: {  	[sflag:s24] =	ssyncset.done $0x0  }
0xc4: {  	s25 =	smov.u32 s8;
	s9 =	rddreg [dreg:$0x4];
	[sflag:s24] =	ssyncadd.s32 $0xFFFFD900  }
0xc5: {  	_ = 	snop  }
.LBB2_5:
0xc6: {  	_ =	swait.ge [sflag:s6], $0x4000  }
0xc7: {  	[sflag:s6] =	ssyncset.done $0x0  }
0xc8: {  	s9 =	rddreg [dreg:$0x9];
	[sflag:s6] =	ssyncadd.s32 $0xFFFFC000  }
0xc9: {  	[tilespmem:s17], [sflag:$0x7] =	stream.linear.gather [hbm4b:s9+s3], $0x10, $0x38;
	[tilespmem:$0x1E980] =	vst v63  }
0xca: {  	_ =	swait.ge [sflag:s24], $0x10  }
0xcb: {  	[sflag:s24] =	ssyncset.done $0x0  }
0xcc: {  	s20 =	simm.s32 $0x2700;
	[sflag:s24] =	ssyncadd.s32 $0xFFFFFFF0  }
0xcd: {  	[tilespmem:s16], [sflag:$0x3] =	stream.indirect.gather [hbm4b:s4+s18], $0x80, s20, s18, $0xb8;
	[tilespmem:$0x1E980] =	vst v63  }
0xce: {  	_ =	swait.ge [sflag:s30], $0x800  }
0xcf: {  	[sflag:s30] =	ssyncset.done $0x0  }
0xd0: {  	[sflag:s30] =	ssyncadd.s32 $0xFFFFF800  }
0xd1: {  	[spmem:s2] =	stream.indirect.scatter.add.f32 [tilespmem:s16], [sflag:$0x7], $0x80, s17, s18, $0xb8;
	[tilespmem:$0x1E980] =	vst v63  }
0xd2: {  	_ =	swait.ge [sflag:s24], $0x800  }
0xd3: {  	[sflag:s24] =	ssyncset.done $0x0  }
0xd4: {  	[sflag:s24] =	ssyncadd.s32 $0xFFFFF800  }
0xd5: {  	[bflag:$0x0] =	sbarrier.arrive $0xFFFF  }
0xd6: {  	s22 =	rddreg [dreg:$0xa]  }
0xd7: {  	[hbm:s22], [sflag:s25] =	dma.local [spmem:s23], $0x2700  }
.Ltmp9:
0xd8: {  	_ = 	snop;
	(pc) =	sbr.rel @p2 .LBB2_10-.Ltmp9, $4  }
.Ltmp10:
0xd9: {  	_ = 	snop;
	(pc) =	sbr.rel @!p2 .LBB2_11-.Ltmp10, $4  }
0xda: {  	_ =	swait.ge [sflag:s24], $0x2700  }
0xdb: {  	[sflag:s24] =	ssyncset.done $0x0  }
0xdc: {  	s9 =	rddreg [dreg:$0x3];
	[sflag:s24] =	ssyncadd.s32 $0xFFFFD900  }
0xdd: {  	_ = 	snop  }
.LBB2_12:
0xde: {  	_ =	sfence.sel $0x180000  }
0xdf: {  	[bflag:$0x0] =	sbarrier.arrive $0xFFFF  }
0xe0: {  	_ =	strace $0x9000004D  }
0xe1: {  	s0 =	stileid.u32;
	[bflag:$0x2] =	sbarrier.arrive $0xFFFF  }
0xe2: {  	p0 =	sne.s32 s0, $0x0;
	s0 =	rddreg [dreg:$0x2]  }
0xe3: {  	s0 =	sadd.s32 @!p0 $0x100000, s0  }
0xe4: {  	[sflag:s0] =	ssyncadd.tile.s32 @!p0 $0x1;
	_ =	shalt  }
.Lfunc_end2:
_tile_overlayer_lowered:
.L_overlay_start_2:
0xe5: {  	(tag) =	ssettag $0x2  }
0xe6: {  	s0 =	rddreg [dreg:$0x0];
	s2 =	stileid.u32  }
0xe7: {  	s1 =	rddreg [dreg:$0x1];
	p0 =	sne.s32 s2, $0x0  }
0xe8: {  	s3 =	rddreg [dreg:$0x2];
	[bflag:$0x3] =	sbarrier.arrive $0xFFFF;
	s2 =	simm.s32 @!p0 $0x1C07  }
0xe9: {  	[timem:s3], [sflag:s2] =	dma.local @!p0 [hbm:s0], s1  }
0xea: {  	s0 =	simm.s32 @!p0 $0x7  }
0xeb: {  	_ =	swait.ge @!p0 [sflag:s0], s1  }
0xec: {  	s1 =	ssub.s32 @!p0 $0x0, s1;
	[sflag:s0] =	ssyncset.done @!p0 $0x0  }
0xed: {  	[sflag:s0] =	ssyncadd.s32 @!p0 s1  }
0xee: {  	[bflag:$0x3] =	sbarrier.arrive $0xFFFF  }
0xef: {  	_ =	shalt  }

// kernel: kernel.20.cloned.1.call-start
scs
__scs_entry_jumppad:
0x0: {  	(pc) =	sbr.rel $0x88, $3  }
0x1: {  	(tag) =	ssettag $0x0;
	lr =	simm.s32 $0x1  }
0x2: {  	[smem:$0x3F97] =	sst lr;
	_ =	strace $0xD0000000  }
0x3: {  	_ = 	snop  }
0x4: {  	_ = 	snop  }
0x5: {  	_ = 	snop  }
0x6: {  	_ = 	snop  }
0x7: {  	_ = 	snop  }
__scs_overlays_trampoline_lowered:
0x8: {  	[smem:$0x3FA6] =	sst s0  }
0x9: {  	[smem:$0x3FA7] =	sst s1  }
0xa: {  	[smem:$0x3FA8] =	sst s2  }
0xb: {  	[smem:$0x3FA9] =	sst s3  }
0xc: {  	[smem:$0x3FAA] =	sst s4  }
0xd: {  	[smem:$0x3FAB] =	sst s5  }
0xe: {  	[smem:$0x3FAC] =	sst s6  }
0xf: {  	[smem:$0x3FAD] =	sst s7  }
0x10: {  	[smem:$0x3FAE] =	sst s8  }
0x11: {  	[smem:$0x3FAF] =	sst s9;
	s0 =	simm.s32 @!p0 $0x0  }
0x12: {  	s1 =	sld [smem:$0x3F95];
	s0 =	simm.s32 @p0 $0x1  }
0x13: {  	[smem:$0x3FB0] =	sst s0;
	s0 =	simm.s32 @!p1 $0x0  }
0x14: {  	s2 =	sld [smem:$0x3F94];
	s0 =	simm.s32 @p1 $0x1  }
0x15: {  	[smem:$0x3FB1] =	sst s0;
	s0 =	simm.s32 @!p2 $0x0  }
0x16: {  	s3 =	sld [smem:$0x3FDB];
	s0 =	simm.s32 @p2 $0x1  }
0x17: {  	s4 =	simm.s32 $0x1BF5;
	[smem:$0x3FB3] =	sst s0  }
0x18: {  	s0 =	sld [smem:$0x3F96];
	_ =	swait.ge [sflag:s4], $0x0  }
0x19: {  	s7 =	sld [smem:$0x3F97]  }
0x1a: {  	s8 =	sadd.s32 $0xFFFFE003, lr  }
0x1b: {  	s9 =	sadd.s32 $0xFFFFFEF7, lr;
	s5 =	simm.s32 $0xFFFFFFFF;
	p2 =	slt.u32 s8, $0xFFFFF086  }
0x1c: {  	p1 =	slt.u32 s9, $0xF7A;
	s5 =	simm.s32 @!p2 $0x0  }
0x1d: {  	s5 =	simm.s32 @p1 $0x1;
	p0 =	seq.s32 s7, s2  }
0x1e: {  	s7 =	smul.u32 @!p0 $0xF7A, s2;
	p2 =	seq.s32 @!p0 s5, $0x0  }
0x1f: {  	s9 =	smul.u32 $0xF7A, s1;
	s8 =	simm.s32 @!p0 $0x1BF5;
	p2 =	por !p2, p0  }
0x20: {  	[sflag:s8] =	ssyncset.s32 @!p0 $0xFFFFF086;
	s6 =	sadd.s32 @!p0 s3, s7;
	s7 =	simm.s32 @!p0 $0x108  }
0x21: {  	s3 =	sadd.s32 s3, s9;
	s6 =	sadd.s32 @!p0 $0x88, s6;
	s7 =	simm.s32 @p2 $0x1082  }
0x22: {  	[simem:s7], [sflag:s8] =	dma.local @!p0 [hbm:s6], $0xF7A  }
0x23: {  	s9 =	sor.u32 $0xD0000000, s2;
	s6 =	simm.s32 $0x108;
	_ =	swait.ge @!p0 [sflag:s8], $0x0  }
0x24: {  	s3 =	sadd.s32 $0x88, s3;
	s6 =	simm.s32 @!p1 $0x1082;
	[sflag:s4] =	ssyncset.s32 $0xFFFFF086  }
0x25: {  	[simem:s6], [sflag:s4] =	dma.local [hbm:s3], $0xF7A  }
0x26: {  	[smem:$0x3F97] =	sst s1;
	(tag) =	ssettag s2;
	_ =	strace s9  }
0x27: {  	s1 =	sld [smem:$0x3FA7]  }
0x28: {  	s2 =	sld [smem:$0x3FA8]  }
0x29: {  	s4 =	sld [smem:$0x3FAA]  }
0x2a: {  	p0 =	seq.s32 s5, $0x0;
	s5 =	sld [smem:$0x3FAB]  }
0x2b: {  	s6 =	sld [smem:$0x3FAC]  }
0x2c: {  	s7 =	sld [smem:$0x3FAD]  }
0x2d: {  	s3 =	simm.s32 $0x108;
	s8 =	sld [smem:$0x3FAE]  }
0x2e: {  	s3 =	simm.s32 @!p0 $0x1082;
	s9 =	sld [smem:$0x3FAF]  }
0x2f: {  	lr =	sadd.s32 s0, s3;
	s0 =	sld [smem:$0x3FA6]  }
0x30: {  	s3 =	sld [smem:$0x3FA9]  }
0x31: {  	[smem:$0x3FB2] =	sst s10  }
0x32: {  	s10 =	sld [smem:$0x3FB0];
	_ =	sdelay $0x3  }
0x33: {  	p0 =	seq.s32 s10, $0x1;
	s10 =	sld [smem:$0x3FB2];
	_ =	sdelay $0x3  }
0x34: {  	[smem:$0x3FB2] =	sst s10  }
0x35: {  	s10 =	sld [smem:$0x3FB1];
	_ =	sdelay $0x3  }
0x36: {  	p1 =	seq.s32 s10, $0x1;
	s10 =	sld [smem:$0x3FB2];
	_ =	sdelay $0x3  }
0x37: {  	[smem:$0x3FB2] =	sst s10  }
0x38: {  	s10 =	sld [smem:$0x3FB3]  }
0x39: {  	_ = 	snop;
	(pc) =	sbr.ind lr, $3  }
0x3a: {  	_ = 	snop  }
0x3b: {  	_ = 	snop  }
0x3c: {  	p2 =	seq.s32 s10, $0x1;
	s10 =	sld [smem:$0x3FB2]  }
0x3d: {  	_ =	shalt  }
0x3e: {  	_ =	shalt  }
0x3f: {  	_ =	shalt  }
0x40: {  	_ =	shalt  }
0x41: {  	_ =	shalt  }
0x42: {  	_ =	shalt  }
0x43: {  	_ =	shalt  }
0x44: {  	_ =	shalt  }
0x45: {  	_ =	shalt  }
0x46: {  	_ =	shalt  }
0x47: {  	_ =	shalt  }
0x48: {  	_ =	shalt  }
0x49: {  	_ =	shalt  }
0x4a: {  	_ =	shalt  }
0x4b: {  	_ =	shalt  }
0x4c: {  	_ =	shalt  }
0x4d: {  	_ =	shalt  }
0x4e: {  	_ =	shalt  }
0x4f: {  	_ =	shalt  }
0x50: {  	_ =	shalt  }
0x51: {  	_ =	shalt  }
0x52: {  	_ =	shalt  }
0x53: {  	_ =	shalt  }
0x54: {  	_ =	shalt  }
0x55: {  	_ =	shalt  }
0x56: {  	_ =	shalt  }
0x57: {  	_ =	shalt  }
0x58: {  	_ =	shalt  }
0x59: {  	_ =	shalt  }
0x5a: {  	_ =	shalt  }
0x5b: {  	_ =	shalt  }
0x5c: {  	_ =	shalt  }
0x5d: {  	_ =	shalt  }
0x5e: {  	_ =	shalt  }
0x5f: {  	_ =	shalt  }
0x60: {  	_ =	shalt  }
0x61: {  	_ =	shalt  }
0x62: {  	_ =	shalt  }
0x63: {  	_ =	shalt  }
0x64: {  	_ =	shalt  }
0x65: {  	_ =	shalt  }
0x66: {  	_ =	shalt  }
0x67: {  	_ =	shalt  }
0x68: {  	_ =	shalt  }
0x69: {  	_ =	shalt  }
0x6a: {  	_ =	shalt  }
0x6b: {  	_ =	shalt  }
0x6c: {  	_ =	shalt  }
0x6d: {  	_ =	shalt  }
0x6e: {  	_ =	shalt  }
0x6f: {  	_ =	shalt  }
0x70: {  	_ =	shalt  }
0x71: {  	_ =	shalt  }
0x72: {  	_ =	shalt  }
0x73: {  	_ =	shalt  }
0x74: {  	_ =	shalt  }
0x75: {  	_ =	shalt  }
0x76: {  	_ =	shalt  }
0x77: {  	_ =	shalt  }
0x78: {  	_ =	shalt  }
0x79: {  	_ =	shalt  }
0x7a: {  	_ =	shalt  }
0x7b: {  	_ =	shalt  }
0x7c: {  	_ =	shalt  }
0x7d: {  	_ =	shalt  }
0x7e: {  	_ =	shalt  }
0x7f: {  	_ =	shalt  }
0x80: {  	_ =	shalt  }
0x81: {  	_ =	shalt  }
0x82: {  	_ =	shalt  }
0x83: {  	_ =	shalt  }
0x84: {  	_ =	shalt  }
0x85: {  	_ =	shalt  }
0x86: {  	_ =	shalt  }
0x87: {  	_ =	shalt  }
.Lfunc_end0:
.L_simem_size_0:
called_computation.3_lowered:
.L_overlay_start_0:
0x88: {  	s2 =	sld [smem:$0x3FD9]  }
0x89: {  	s3 =	sld [smem:$0x3FFE];
	_ =	sdelay $0x1  }
0x8a: {  	s1 =	srdreg.scid  }
0x8b: {  	s0 =	sand.u32 $0x1, s1  }
0x8c: {  	s16 =	sshll.u32 s0, $0xA;
	s2 =	sadd.s32 s3, s2  }
0x8d: {  	s2 =	sadd.s32 s2, s16  }
0x8e: {  	[smem:$0x3FBE] =	sst s2  }
0x8f: {  	_ = 	snop  }
0x90: {  	(tm) =	ssettm $0x1  }
0x91: {  	s17 =	sld [smem:$0x3FFB];
	_ =	sdelay $0x3  }
0x92: {  	_ =	strace s17  }
0x93: {  	s2 =	sld [smem:$0x3FFC];
	_ =	sdelay $0x3  }
0x94: {  	_ =	strace s2  }
0x95: {  	s2 =	sld [smem:$0x3FFD];
	_ =	sdelay $0x3  }
0x96: {  	_ =	strace s2  }
0x97: {  	_ =	strace $0x8FFFFFFF  }
0x98: {  	s18 =	sld [smem:$0x3FDB];
	_ =	sdelay $0x1  }
0x99: {  	s19 =	simm.s32 $_scs_section_size  }
0x9a: {  	s4 =	simm.s32 $_size__tile_overlayer_lowered;
	s5 =	simm.s32 $_tile_overlayer_lowered  }
0x9b: {  	s22 =	simm.s32 $0x1BFF;
	s21 =	sshll.u32 s5, $0x1;
	s2 =	sadd.s32 s19, s18  }
0x9c: {  	s6 =	simm.s32 $0x0;
	s20 =	sshll.u32 s4, $0x1;
	s4 =	sadd.s32 s21, s2  }
0x9d: {  	[timem:s6], [sflag:s22] =	dma.local [hbm:s4], s20  }
0x9e: {  	_ =	swait.ge [sflag:s22], s20  }
0x9f: {  	s3 =	ssub.s32 $0x0, s20;
	[sflag:s22] =	ssyncset.done $0x0  }
0xa0: {  	[sflag:s22] =	ssyncadd.s32 s3;
	_ =	sdelay $0x1  }
0xa1: {  	s23 =	simm.s32 $0x1B8B  }
0xa2: {  	_ =	swait.ge [sflag:s23], $0x1  }
0xa3: {  	[sflag:s23] =	ssyncset.done $0x0  }
0xa4: {  	s25 =	simm.s32 $0x1B8E;
	s24 =	sld [smem:$0x3FFE];
	[sflag:s23] =	ssyncadd.s32 $0xFFFFFFFF  }
0xa5: {  	s26 =	simm.s32 $execute0_lowered;
	[smem:$0x3FD2] =	sst s25  }
0xa6: {  	s4 =	sshll.u32 s26, $0x1;
	_ =	strace $0x8000004F;
	[dreg:$0x1] =	wrdreg $0xFFFFFFFF  }
0xa7: {  	s28 =	simm.s32 $_size_execute0_lowered;
	s2 =	sadd.s32 s2, s4;
	[dreg:$0x0] =	wrdreg $0x0  }
0xa8: {  	s4 =	sshll.u32 s28, $0x1;
	[dreg:$0x2] =	wrdreg s2  }
0xa9: {  	[dreg:$0x3] =	wrdreg s4  }
0xaa: {  	[dreg:$0x4] =	wrdreg $0xC0  }
0xab: {  	_ =	task [dreg:s6], $0x5FFFF  }
0xac: {  	[dreg:$0x1] =	wrdreg $0xFFFFFFFF  }
0xad: {  	[dreg:$0x0] =	wrdreg $0x60  }
0xae: {  	[dreg:$0x2] =	wrdreg s24  }
0xaf: {  	[dreg:$0x3] =	wrdreg $0xB1000  }
0xb0: {  	[dreg:$0x4] =	wrdreg $0x9  }
0xb1: {  	_ =	task.clear_ibuf [dreg:s6], $0x5FFFF;
	_ =	strace $0x9000004F  }
0xb2: {  	s29 =	simm.s32 $0x9;
	_ =	strace $0x80000051  }
0xb3: {  	_ =	swait.ge [sflag:s29], $0x1  }
0xb4: {  	[sflag:s29] =	ssyncadd.s32 $0xFFFFFFFF  }
0xb5: {  	_ =	strace $0x90000051  }
0xb6: {  	_ =	sfence  }
0xb7: {  	s30 =	sld [smem:$0x0];
	_ =	sdelay $0x2  }
0xb8: {  	s31 =	sshll.u32 s1, $0xD;
	s1 =	sshrl.u32 s1, $0x2  }
0xb9: {  	s3 =	sand.u32 $0x4000, s31;
	s1 =	sadd.s32 s1, s30  }
0xba: {  	s0 =	sor.u32 s3, s0;
	s1 =	sshll.u32 s1, $0x11  }
0xbb: {  	s0 =	sor.u32 s1, s0  }
0xbc: {  	s0 =	sadd.s32 $0x8F2B, s0  }
0xbd: {  	[sflag:s0] =	ssyncadd.remote.s32 $0x1  }
0xbe: {  	_ =	sfence.sel $0xFFFF  }
0xbf: {  	[dreg:$0x0] =	wrdreg $0xFFFFFFFF;
	(pc) =	sbr.abs _section_cstart, $3  }
0xc0: {  	[dreg:$0x1] =	wrdreg $0xFFFFFFFF  }
0xc1: {  	_ =	task.clear_ibuf [dreg:s6], $0x2FFFF;
	_ =	strace $0x9FFFFFFF  }
0xc2: {  	(tm) =	ssettm $0x7FFFFFFF  }
0xc3: {  	_ =	shalt  }
tec
execute0_lowered:
.L_overlay_start_1:
0x0: {  	(tag) =	ssettag $0x1  }
0x1: {  	s0 =	rddreg [dreg:$0x0]  }
0x2: {  	s2 =	rddreg [dreg:$0x1];
	s15 =	stileid.u32  }
0x3: {  	s3 =	simm.s32 $0x0;
	s8 =	srdreg.scid;
	s28 =	simm.s32 $0x2900  }
0x4: {  	s29 =	simm.s32 $0x2780;
	s30 =	simm.s32 $0x3;
	s31 =	simm.s32 $0x1  }
0x5: {  	s1 =	smul.u32 $0x2710, s15;
	[smem:$0x7FF] =	sst s3;
	s7 =	sadd.s32 $0x5800, s0  }
0x6: {  	s4 =	sadd.s32 $0xF800, s0;
	s5 =	sadd.s32 $0x36A00, s0;
	s10 =	smul.u32 $0x4E000, s15  }
0x7: {  	s8 =	sand.u32 $0x1, s8;
	s14 =	sadd.s32 $0x84E00, s0;
	s12 =	smul.u32 $0x2700, s15  }
0x8: {  	s16 =	sadd.s32 $0xAC000, s0;
	s18 =	sadd.s32 $0x36800, s0;
	s20 =	smul.u32 $0x4E2, s15  }
0x9: {  	s26 =	sshll.u32 s15, $0x6;
	_ =	strace $0x80000050;
	[dreg:$0x8] =	wrdreg s18  }
0xa: {  	p1 =	sne.s32 s15, $0xF;
	p2 =	seq.s32 s15, $0xF;
	[dreg:$0x3] =	wrdreg s14  }
0xb: {  	s15 =	simm.s32 $0x5;
	s9 =	ssub.s32 $0x2, s8;
	[dreg:$0x4] =	wrdreg s16  }
0xc: {  	p0 =	seq.s32 s8, $0x1;
	[dreg:$0x10] =	wrdreg s26;
	s8 =	sor.u32 $0x1C07, s26  }
0xd: {  	s26 =	simm.s32 $0x80;
	s18 =	simm.s32 $0x10;
	s1 =	sshrl.u32 s1, $0x3  }
0xe: {  	s11 =	sshrl.u32 s9, $0x1;
	s17 =	sadd.s32 s4, s12;
	s19 =	sadd.s32 s14, s12  }
0xf: {  	s21 =	sadd.s32 s5, s12;
	s22 =	sadd.s32 s16, s12;
	s25 =	sadd.s32 s20, s7  }
0x10: {  	s12 =	simm.s32 $0x2;
	s16 =	simm.s32 $0xA900;
	[dreg:$0x7] =	wrdreg s17  }
0x11: {  	s6 =	sadd.s32 s1, s0;
	s9 =	ssub.s32 s9, s11;
	[dreg:$0xa] =	wrdreg s19  }
0x12: {  	s11 =	sshrl.u32 s10, $0x2;
	[dreg:$0xb] =	wrdreg s21;
	s0 =	sadd.s32 $0x5DA00, s0  }
0x13: {  	[dreg:$0xd] =	wrdreg s22;
	s14 =	sadd.s32 $0x30, s25;
	s10 =	simm.s32 $0x4  }
0x14: {  	s17 =	simm.s32 $0x2880;
	s6 =	sadd.s32 $0xA800, s6;
	[dreg:$0xc] =	wrdreg s0  }
0x15: {  	s13 =	sadd.s32 s11, s2;
	s11 =	sadd.s32 $0x138000, s2;
	[dreg:$0x5] =	wrdreg s6  }
.Ltmp0:
0x16: {  	s23 =	smax.u32 s9, $0x1;
	[dreg:$0x6] =	wrdreg s13;
	(pc) =	sbr.rel .LBB2_1-.Ltmp0, $4  }
0x17: {  	s0 =	simm.s32 $0x6900;
	s13 =	sadd.s32 s7, s1;
	[dreg:$0xe] =	wrdreg s23  }
0x18: {  	s6 =	simm.s32 $0x6;
	s7 =	simm.s32 $0x0;
	s1 =	sadd.s32 $0x4E0, s13  }
0x19: {  	s24 =	sadd.s32 $0x10, s13;
	s21 =	sadd.s32 $0x20, s13;
	[dreg:$0x9] =	wrdreg s1  }
0x1a: {  	[dreg:$0xf] =	wrdreg s24;
	s24 =	simm.s32 $0x7;
	s1 =	simm.s32 $0x2800  }
.LBB2_10:
0x1b: {  	s9 =	sadd.s32 $0x27000, s9;
	s19 =	sshrl.u32 s11, $0x3  }
0x1c: {  	[hbm:s9], [sflag:s25] =	dma.local [spmem:s19], $0x100  }
0x1d: {  	_ =	swait.ge [sflag:s24], $0x100  }
0x1e: {  	[sflag:s24] =	ssyncset.done $0x0  }
0x1f: {  	[sflag:s24] =	ssyncadd.s32 $0xFFFFFF00  }
.LBB2_11:
0x20: {  	s7 =	sadd.s32 $0x1, s7;
	s9 =	rddreg [dreg:$0xe]  }
0x21: {  	p3 =	sne.s32 s7, s9  }
.Ltmp1:
0x22: {  	_ = 	snop;
	(pc) =	sbr.rel @!p3 .LBB2_12-.Ltmp1, $1  }
0x23: {  	_ =	sdelay $0x3  }
.LBB2_1:
.Ltmp2:
0x24: {  	s9 =	rddreg [dreg:$0x5];
	(pc) =	sbr.rel @!p0 .LBB2_2-.Ltmp2, $4  }
0x25: {  	[tilespmem:s3], [sflag:$0x7] =	stream.linear.gather [hbm4b:s9+s3], $0x2710, $0x38;
	[tilespmem:$0x1E980] =	vst v63  }
0x26: {  	_ =	swait.ge [sflag:s24], $0x2710  }
0x27: {  	[sflag:s24] =	ssyncset.done $0x0;
	s25 =	rddreg [dreg:$0x6]  }
0x28: {  	s9 =	sshrl.u32 @!p1 s11, $0x3;
	[sflag:s24] =	ssyncadd.s32 $0xFFFFD8F0;
	s23 =	sshrl.u32 s25, $0x3  }
0x29: {  	s19 =	rddreg [dreg:$0xb]  }
0x2a: {  	[spmem:s23], [sflag:s8] =	dma.local [hbm:s19], $0x2700  }
0x2b: {  	_ =	swait.ge [sflag:s24], $0x2700  }
0x2c: {  	[sflag:s24] =	ssyncset.done $0x0  }
0x2d: {  	s19 =	rddreg [dreg:$0xc];
	[sflag:s24] =	ssyncadd.s32 $0xFFFFD900  }
0x2e: {  	[spmem:s9], [sflag:s8] =	dma.local @!p1 [hbm:s19], $0x100  }
0x2f: {  	s9 =	simm.s32 @!p1 $0x7  }
0x30: {  	_ =	swait.ge @!p1 [sflag:s9], $0x100  }
0x31: {  	[sflag:s9] =	ssyncset.done @!p1 $0x0  }
0x32: {  	[sflag:s9] =	ssyncadd.s32 @!p1 $0xFFFFFF00  }
0x33: {  	[tilespmem:s28], [sflag:$0x3] =	stream.indirect.gather [hbm4b:s5+s26], $0x80, s3, s26, $0xb8;
	[tilespmem:$0x1E980] =	vst v63  }
0x34: {  	_ = 	snop  }
0x35: {  	[tilespmem:s29], [sflag:$0x1] =	stream.linear.gather [hbm4b:s13+s3], $0x80, $0x38;
	[tilespmem:$0x1E980] =	vst v63  }
0x36: {  	[bflag:$0x0] =	sbarrier.arrive $0xFFFF  }
0x37: {  	_ =	swait.ge [sflag:s30], $0x4000  }
0x38: {  	[sflag:s30] =	ssyncset.done $0x0  }
0x39: {  	[sflag:s30] =	ssyncadd.s32 $0xFFFFC000  }
0x3a: {  	_ =	swait.ge [sflag:s31], $0x80  }
0x3b: {  	[sflag:s31] =	ssyncset.done $0x0  }
0x3c: {  	[sflag:s31] =	ssyncadd.s32 $0xFFFFFF80  }
0x3d: {  	[spmem:s2] =	stream.indirect.scatter.add.f32 [tilespmem:s28], [sflag:$0x5], $0x80, s29, s26, $0xb8;
	[tilespmem:$0x1E980] =	vst v63  }
0x3e: {  	_ = 	snop  }
0x3f: {  	[tilespmem:s0], [sflag:$0x4] =	stream.indirect.gather [hbm4b:s5+s26], $0x80, s26, s26, $0xb8;
	[tilespmem:$0x1E980] =	vst v63  }
0x40: {  	s22 =	rddreg [dreg:$0xf]  }
0x41: {  	[tilespmem:s1], [sflag:$0x2] =	stream.linear.gather [hbm4b:s22+s3], $0x80, $0x38;
	[tilespmem:$0x1E980] =	vst v63  }
0x42: {  	_ =	swait.ge [sflag:s10], $0x4000  }
0x43: {  	[sflag:s10] =	ssyncset.done $0x0  }
0x44: {  	[sflag:s10] =	ssyncadd.s32 $0xFFFFC000  }
0x45: {  	_ =	swait.ge [sflag:s12], $0x80  }
0x46: {  	[sflag:s12] =	ssyncset.done $0x0  }
0x47: {  	[sflag:s12] =	ssyncadd.s32 $0xFFFFFF80  }
0x48: {  	[spmem:s2] =	stream.indirect.scatter.add.f32 [tilespmem:s0], [sflag:$0x6], $0x80, s1, s26, $0xb8;
	[tilespmem:$0x1E980] =	vst v63  }
0x49: {  	_ =	swait.ge [sflag:s15], $0x4000  }
0x4a: {  	[sflag:s15] =	ssyncset.done $0x0  }
0x4b: {  	s25 =	simm.s32 $0x100;
	[sflag:s15] =	ssyncadd.s32 $0xFFFFC000  }
0x4c: {  	[tilespmem:s28], [sflag:$0x3] =	stream.indirect.gather [hbm4b:s5+s26], $0x80, s25, s26, $0xb8;
	[tilespmem:$0x1E980] =	vst v63  }
0x4d: {  	s9 =	simm.s32 $0xFFFF6C00;
	s22 =	smov.u32 s14  }
0x4e: {  	[tilespmem:s29], [sflag:$0x1] =	stream.linear.gather [hbm4b:s21+s3], $0x80, $0x38;
	[tilespmem:$0x1E980] =	vst v63  }
.LBB2_7:
0x4f: {  	_ =	swait.ge [sflag:s30], $0x4000  }
0x50: {  	[sflag:s30] =	ssyncset.done $0x0  }
0x51: {  	[sflag:s30] =	ssyncadd.s32 $0xFFFFC000  }
0x52: {  	_ =	swait.ge [sflag:s31], $0x80  }
0x53: {  	[sflag:s31] =	ssyncset.done $0x0  }
0x54: {  	[sflag:s31] =	ssyncadd.s32 $0xFFFFFF80  }
0x55: {  	[spmem:s2] =	stream.indirect.scatter.add.f32 [tilespmem:s28], [sflag:$0x5], $0x80, s29, s26, $0xb8;
	[tilespmem:$0x1E980] =	vst v63  }
0x56: {  	_ =	swait.ge [sflag:s6], $0x4000  }
0x57: {  	s19 =	sshra.s32 s9, $0x2;
	[sflag:s6] =	ssyncset.done $0x0  }
0x58: {  	s20 =	sadd.s32 $0x2680, s19;
	[sflag:s6] =	ssyncadd.s32 $0xFFFFC000  }
0x59: {  	[tilespmem:s0], [sflag:$0x4] =	stream.indirect.gather [hbm4b:s5+s26], $0x80, s20, s26, $0xb8;
	[tilespmem:$0x1E980] =	vst v63  }
0x5a: {  	_ = 	snop  }
0x5b: {  	[tilespmem:s1], [sflag:$0x2] =	stream.linear.gather [hbm4b:s22+s3], $0x80, $0x38;
	[tilespmem:$0x1E980] =	vst v63  }
0x5c: {  	_ =	swait.ge [sflag:s10], $0x4000  }
0x5d: {  	[sflag:s10] =	ssyncset.done $0x0  }
0x5e: {  	[sflag:s10] =	ssyncadd.s32 $0xFFFFC000  }
0x5f: {  	_ =	swait.ge [sflag:s12], $0x80  }
0x60: {  	p3 =	seq.s32 s9, $0x0;
	[sflag:s12] =	ssyncset.done $0x0  }
.Ltmp3:
0x61: {  	[sflag:s12] =	ssyncadd.s32 $0xFFFFFF80;
	(pc) =	sbr.rel @p3 .LBB2_9-.Ltmp3, $4  }
0x62: {  	[spmem:s2] =	stream.indirect.scatter.add.f32 [tilespmem:s0], [sflag:$0x6], $0x80, s1, s26, $0xb8;
	[tilespmem:$0x1E980] =	vst v63  }
0x63: {  	_ =	swait.ge [sflag:s15], $0x4000  }
0x64: {  	[sflag:s15] =	ssyncset.done $0x0  }
0x65: {  	[sflag:s15] =	ssyncadd.s32 $0xFFFFC000  }
.Ltmp4:
0x66: {  	(pc) =	sbr.rel .LBB2_7-.Ltmp4, $4  }
0x67: {  	s19 =	sadd.s32 $0x2700, s19  }
0x68: {  	[tilespmem:s28], [sflag:$0x3] =	stream.indirect.gather [hbm4b:s5+s26], $0x80, s19, s26, $0xb8;
	[tilespmem:$0x1E980] =	vst v63  }
0x69: {  	s25 =	sadd.s32 $0x10, s22;
	s22 =	sadd.s32 $0x20, s22;
	s9 =	sadd.s32 $0x400, s9  }
0x6a: {  	[tilespmem:s29], [sflag:$0x1] =	stream.linear.gather [hbm4b:s25+s3], $0x80, $0x38;
	[tilespmem:$0x1E980] =	vst v63  }
.LBB2_2:
0x6b: {  	s19 =	rddreg [dreg:$0x10]  }
0x6c: {  	s22 =	rddreg [dreg:$0x7];
	s25 =	sor.u32 $0x1C07, s19  }
0x6d: {  	[spmem:s23], [sflag:s25] =	dma.local [hbm:s22], $0x2700  }
0x6e: {  	_ =	swait.ge [sflag:s24], $0x2700  }
0x6f: {  	[sflag:s24] =	ssyncset.done $0x0  }
0x70: {  	s19 =	rddreg [dreg:$0x8];
	[sflag:s24] =	ssyncadd.s32 $0xFFFFD900  }
0x71: {  	[spmem:s9], [sflag:s25] =	dma.local @!p1 [hbm:s19], $0x100  }
0x72: {  	s9 =	simm.s32 @!p1 $0x7  }
0x73: {  	_ =	swait.ge @!p1 [sflag:s9], $0x100  }
0x74: {  	[sflag:s9] =	ssyncset.done @!p1 $0x0  }
0x75: {  	[sflag:s9] =	ssyncadd.s32 @!p1 $0xFFFFFF00  }
0x76: {  	[tilespmem:s28], [sflag:$0x3] =	stream.indirect.gather [hbm4b:s4+s26], $0x80, s3, s26, $0xb8;
	[tilespmem:$0x1E980] =	vst v63  }
0x77: {  	_ = 	snop  }
0x78: {  	[tilespmem:s29], [sflag:$0x1] =	stream.linear.gather [hbm4b:s13+s3], $0x80, $0x38;
	[tilespmem:$0x1E980] =	vst v63  }
0x79: {  	[bflag:$0x0] =	sbarrier.arrive $0xFFFF  }
0x7a: {  	_ =	swait.ge [sflag:s30], $0x4000  }
0x7b: {  	[sflag:s30] =	ssyncset.done $0x0  }
0x7c: {  	[sflag:s30] =	ssyncadd.s32 $0xFFFFC000  }
0x7d: {  	_ =	swait.ge [sflag:s31], $0x80  }
0x7e: {  	[sflag:s31] =	ssyncset.done $0x0  }
0x7f: {  	[sflag:s31] =	ssyncadd.s32 $0xFFFFFF80  }
0x80: {  	[spmem:s2] =	stream.indirect.scatter.add.f32 [tilespmem:s28], [sflag:$0x5], $0x80, s29, s26, $0xb8;
	[tilespmem:$0x1E980] =	vst v63  }
0x81: {  	_ = 	snop  }
0x82: {  	[tilespmem:s0], [sflag:$0x4] =	stream.indirect.gather [hbm4b:s4+s26], $0x80, s26, s26, $0xb8;
	[tilespmem:$0x1E980] =	vst v63  }
0x83: {  	s20 =	rddreg [dreg:$0xf]  }
0x84: {  	[tilespmem:s1], [sflag:$0x2] =	stream.linear.gather [hbm4b:s20+s3], $0x80, $0x38;
	[tilespmem:$0x1E980] =	vst v63  }
0x85: {  	_ =	swait.ge [sflag:s10], $0x4000  }
0x86: {  	[sflag:s10] =	ssyncset.done $0x0  }
0x87: {  	[sflag:s10] =	ssyncadd.s32 $0xFFFFC000  }
0x88: {  	_ =	swait.ge [sflag:s12], $0x80  }
0x89: {  	[sflag:s12] =	ssyncset.done $0x0  }
0x8a: {  	[sflag:s12] =	ssyncadd.s32 $0xFFFFFF80  }
0x8b: {  	[spmem:s2] =	stream.indirect.scatter.add.f32 [tilespmem:s0], [sflag:$0x6], $0x80, s1, s26, $0xb8;
	[tilespmem:$0x1E980] =	vst v63  }
0x8c: {  	_ =	swait.ge [sflag:s15], $0x4000  }
0x8d: {  	[sflag:s15] =	ssyncset.done $0x0  }
0x8e: {  	s22 =	simm.s32 $0x100;
	[sflag:s15] =	ssyncadd.s32 $0xFFFFC000  }
0x8f: {  	[tilespmem:s28], [sflag:$0x3] =	stream.indirect.gather [hbm4b:s4+s26], $0x80, s22, s26, $0xb8;
	[tilespmem:$0x1E980] =	vst v63  }
0x90: {  	s9 =	simm.s32 $0xFFFF6C00;
	s22 =	smov.u32 s14  }
0x91: {  	[tilespmem:s29], [sflag:$0x1] =	stream.linear.gather [hbm4b:s21+s3], $0x80, $0x38;
	[tilespmem:$0x1E980] =	vst v63  }
.LBB2_3:
0x92: {  	_ =	swait.ge [sflag:s30], $0x4000  }
0x93: {  	[sflag:s30] =	ssyncset.done $0x0  }
0x94: {  	[sflag:s30] =	ssyncadd.s32 $0xFFFFC000  }
0x95: {  	_ =	swait.ge [sflag:s31], $0x80  }
0x96: {  	[sflag:s31] =	ssyncset.done $0x0  }
0x97: {  	[sflag:s31] =	ssyncadd.s32 $0xFFFFFF80  }
0x98: {  	[spmem:s2] =	stream.indirect.scatter.add.f32 [tilespmem:s28], [sflag:$0x5], $0x80, s29, s26, $0xb8;
	[tilespmem:$0x1E980] =	vst v63  }
0x99: {  	_ =	swait.ge [sflag:s6], $0x4000  }
0x9a: {  	s19 =	sshra.s32 s9, $0x2;
	[sflag:s6] =	ssyncset.done $0x0  }
0x9b: {  	s20 =	sadd.s32 $0x2680, s19;
	[sflag:s6] =	ssyncadd.s32 $0xFFFFC000  }
0x9c: {  	[tilespmem:s0], [sflag:$0x4] =	stream.indirect.gather [hbm4b:s4+s26], $0x80, s20, s26, $0xb8;
	[tilespmem:$0x1E980] =	vst v63  }
0x9d: {  	_ = 	snop  }
0x9e: {  	[tilespmem:s1], [sflag:$0x2] =	stream.linear.gather [hbm4b:s22+s3], $0x80, $0x38;
	[tilespmem:$0x1E980] =	vst v63  }
0x9f: {  	_ =	swait.ge [sflag:s10], $0x4000  }
0xa0: {  	[sflag:s10] =	ssyncset.done $0x0  }
0xa1: {  	[sflag:s10] =	ssyncadd.s32 $0xFFFFC000  }
0xa2: {  	_ =	swait.ge [sflag:s12], $0x80  }
0xa3: {  	p3 =	seq.s32 s9, $0x0;
	[sflag:s12] =	ssyncset.done $0x0  }
.Ltmp5:
0xa4: {  	[sflag:s12] =	ssyncadd.s32 $0xFFFFFF80;
	(pc) =	sbr.rel @p3 .LBB2_5-.Ltmp5, $4  }
0xa5: {  	[spmem:s2] =	stream.indirect.scatter.add.f32 [tilespmem:s0], [sflag:$0x6], $0x80, s1, s26, $0xb8;
	[tilespmem:$0x1E980] =	vst v63  }
0xa6: {  	_ =	swait.ge [sflag:s15], $0x4000  }
0xa7: {  	[sflag:s15] =	ssyncset.done $0x0  }
0xa8: {  	[sflag:s15] =	ssyncadd.s32 $0xFFFFC000  }
.Ltmp6:
0xa9: {  	(pc) =	sbr.rel .LBB2_3-.Ltmp6, $4  }
0xaa: {  	s19 =	sadd.s32 $0x2700, s19  }
0xab: {  	[tilespmem:s28], [sflag:$0x3] =	stream.indirect.gather [hbm4b:s4+s26], $0x80, s19, s26, $0xb8;
	[tilespmem:$0x1E980] =	vst v63  }
0xac: {  	s20 =	sadd.s32 $0x10, s22;
	s22 =	sadd.s32 $0x20, s22;
	s9 =	sadd.s32 $0x400, s9  }
0xad: {  	[tilespmem:s29], [sflag:$0x1] =	stream.linear.gather [hbm4b:s20+s3], $0x80, $0x38;
	[tilespmem:$0x1E980] =	vst v63  }
.LBB2_9:
0xae: {  	_ =	swait.ge [sflag:s6], $0x4000  }
0xaf: {  	[sflag:s6] =	ssyncset.done $0x0  }
0xb0: {  	s9 =	rddreg [dreg:$0x9];
	[sflag:s6] =	ssyncadd.s32 $0xFFFFC000  }
0xb1: {  	[tilespmem:s17], [sflag:$0x7] =	stream.linear.gather [hbm4b:s9+s3], $0x10, $0x38;
	[tilespmem:$0x1E980] =	vst v63  }
0xb2: {  	_ =	swait.ge [sflag:s24], $0x10  }
0xb3: {  	[sflag:s24] =	ssyncset.done $0x0  }
0xb4: {  	s22 =	simm.s32 $0x2700;
	[sflag:s24] =	ssyncadd.s32 $0xFFFFFFF0  }
0xb5: {  	[tilespmem:s16], [sflag:$0x3] =	stream.indirect.gather [hbm4b:s5+s18], $0x80, s22, s18, $0xb8;
	[tilespmem:$0x1E980] =	vst v63  }
0xb6: {  	_ =	swait.ge [sflag:s30], $0x800  }
0xb7: {  	[sflag:s30] =	ssyncset.done $0x0  }
0xb8: {  	[sflag:s30] =	ssyncadd.s32 $0xFFFFF800  }
0xb9: {  	[spmem:s2] =	stream.indirect.scatter.add.f32 [tilespmem:s16], [sflag:$0x7], $0x80, s17, s18, $0xb8;
	[tilespmem:$0x1E980] =	vst v63  }
0xba: {  	_ =	swait.ge [sflag:s24], $0x800  }
0xbb: {  	[sflag:s24] =	ssyncset.done $0x0  }
0xbc: {  	[sflag:s24] =	ssyncadd.s32 $0xFFFFF800  }
0xbd: {  	[bflag:$0x0] =	sbarrier.arrive $0xFFFF  }
0xbe: {  	s25 =	rddreg [dreg:$0xd]  }
0xbf: {  	[hbm:s25], [sflag:s8] =	dma.local [spmem:s23], $0x2700  }
.Ltmp7:
0xc0: {  	_ = 	snop;
	(pc) =	sbr.rel @p1 .LBB2_11-.Ltmp7, $4  }
.Ltmp8:
0xc1: {  	_ = 	snop;
	(pc) =	sbr.rel @!p1 .LBB2_10-.Ltmp8, $4  }
0xc2: {  	_ =	swait.ge [sflag:s24], $0x2700  }
0xc3: {  	[sflag:s24] =	ssyncset.done $0x0  }
0xc4: {  	s25 =	smov.u32 s8;
	s9 =	rddreg [dreg:$0x4];
	[sflag:s24] =	ssyncadd.s32 $0xFFFFD900  }
0xc5: {  	_ = 	snop  }
.LBB2_5:
0xc6: {  	_ =	swait.ge [sflag:s6], $0x4000  }
0xc7: {  	[sflag:s6] =	ssyncset.done $0x0  }
0xc8: {  	s9 =	rddreg [dreg:$0x9];
	[sflag:s6] =	ssyncadd.s32 $0xFFFFC000  }
0xc9: {  	[tilespmem:s17], [sflag:$0x7] =	stream.linear.gather [hbm4b:s9+s3], $0x10, $0x38;
	[tilespmem:$0x1E980] =	vst v63  }
0xca: {  	_ =	swait.ge [sflag:s24], $0x10  }
0xcb: {  	[sflag:s24] =	ssyncset.done $0x0  }
0xcc: {  	s20 =	simm.s32 $0x2700;
	[sflag:s24] =	ssyncadd.s32 $0xFFFFFFF0  }
0xcd: {  	[tilespmem:s16], [sflag:$0x3] =	stream.indirect.gather [hbm4b:s4+s18], $0x80, s20, s18, $0xb8;
	[tilespmem:$0x1E980] =	vst v63  }
0xce: {  	_ =	swait.ge [sflag:s30], $0x800  }
0xcf: {  	[sflag:s30] =	ssyncset.done $0x0  }
0xd0: {  	[sflag:s30] =	ssyncadd.s32 $0xFFFFF800  }
0xd1: {  	[spmem:s2] =	stream.indirect.scatter.add.f32 [tilespmem:s16], [sflag:$0x7], $0x80, s17, s18, $0xb8;
	[tilespmem:$0x1E980] =	vst v63  }
0xd2: {  	_ =	swait.ge [sflag:s24], $0x800  }
0xd3: {  	[sflag:s24] =	ssyncset.done $0x0  }
0xd4: {  	[sflag:s24] =	ssyncadd.s32 $0xFFFFF800  }
0xd5: {  	[bflag:$0x0] =	sbarrier.arrive $0xFFFF  }
0xd6: {  	s22 =	rddreg [dreg:$0xa]  }
0xd7: {  	[hbm:s22], [sflag:s25] =	dma.local [spmem:s23], $0x2700  }
.Ltmp9:
0xd8: {  	_ = 	snop;
	(pc) =	sbr.rel @p2 .LBB2_10-.Ltmp9, $4  }
.Ltmp10:
0xd9: {  	_ = 	snop;
	(pc) =	sbr.rel @!p2 .LBB2_11-.Ltmp10, $4  }
0xda: {  	_ =	swait.ge [sflag:s24], $0x2700  }
0xdb: {  	[sflag:s24] =	ssyncset.done $0x0  }
0xdc: {  	s9 =	rddreg [dreg:$0x3];
	[sflag:s24] =	ssyncadd.s32 $0xFFFFD900  }
0xdd: {  	_ = 	snop  }
.LBB2_12:
0xde: {  	_ =	sfence.sel $0x180000  }
0xdf: {  	[bflag:$0x0] =	sbarrier.arrive $0xFFFF  }
0xe0: {  	_ =	strace $0x90000050  }
0xe1: {  	s0 =	stileid.u32;
	[bflag:$0x2] =	sbarrier.arrive $0xFFFF  }
0xe2: {  	p0 =	sne.s32 s0, $0x0;
	s0 =	rddreg [dreg:$0x2]  }
0xe3: {  	s0 =	sadd.s32 @!p0 $0x100000, s0  }
0xe4: {  	[sflag:s0] =	ssyncadd.tile.s32 @!p0 $0x1;
	_ =	shalt  }
.Lfunc_end2:
_tile_overlayer_lowered:
.L_overlay_start_2:
0xe5: {  	(tag) =	ssettag $0x2  }
0xe6: {  	s0 =	rddreg [dreg:$0x0];
	s2 =	stileid.u32  }
0xe7: {  	s1 =	rddreg [dreg:$0x1];
	p0 =	sne.s32 s2, $0x0  }
0xe8: {  	s3 =	rddreg [dreg:$0x2];
	[bflag:$0x3] =	sbarrier.arrive $0xFFFF;
	s2 =	simm.s32 @!p0 $0x1C07  }
0xe9: {  	[timem:s3], [sflag:s2] =	dma.local @!p0 [hbm:s0], s1  }
0xea: {  	s0 =	simm.s32 @!p0 $0x7  }
0xeb: {  	_ =	swait.ge @!p0 [sflag:s0], s1  }
0xec: {  	s1 =	ssub.s32 @!p0 $0x0, s1;
	[sflag:s0] =	ssyncset.done @!p0 $0x0  }
0xed: {  	[sflag:s0] =	ssyncadd.s32 @!p0 s1  }
0xee: {  	[bflag:$0x3] =	sbarrier.arrive $0xFFFF  }
0xef: {  	_ =	shalt  }

</sc_bundles>
